<compile_context>
chip_gen: v7x
topology: tpu7x:2x2x1
jax: 0.10.2.dev20260603
libtpu: 0.0.44.dev20260713+nightly
codegen_flags: <defaults>
</compile_context>

<pallas_src>
import functools

import jax
import jax.numpy as jnp
from jax import lax
from jax.experimental import pallas as pl
from jax.experimental.pallas import tpu as pltpu
from jax.experimental.pallas import tpu_sc as plsc

B = 8
C = 64
N = 2048
K = 20
KP = 24
TN = 256
NT = N // TN
E = B * N * K
F32 = jnp.float32
EPS = 1e-5
BIG = 1e30
PREC = lax.Precision.DEFAULT


def _uv_body(x_ref, w1_ref, u_ref, v_ref):
    xb = x_ref[0]
    w1a = w1_ref[:, :C]
    w1d = w1_ref[:, C:] - w1a
    dn = (((0,), (1,)), ((), ()))
    u = lax.dot_general(xb, w1a, dn, precision=PREC,
                        preferred_element_type=F32)
    u_ref[:, :C] = u
    u_ref[:, C:] = u * u
    v_ref[...] = lax.dot_general(xb, w1d, dn, precision=PREC,
                                 preferred_element_type=F32)


def _run_uv(x, w1):
    return pl.pallas_call(
        _uv_body,
        grid=(B,),
        in_specs=[
            pl.BlockSpec((1, C, N), lambda b: (b, 0, 0)),
            pl.BlockSpec((C, 2 * C), lambda b: (0, 0)),
        ],
        out_specs=[
            pl.BlockSpec((N, 2 * C), lambda b: (b, 0)),
            pl.BlockSpec((N, C), lambda b: (b, 0)),
        ],
        out_shape=[
            jax.ShapeDtypeStruct((B * N, 2 * C), F32),
            jax.ShapeDtypeStruct((B * N, C), F32),
        ],
    )(x, w1)


SPLIT = 4
GB = B // SPLIT
TNK = 256


def _make_knn_body(b0):
    def _knn_body(x_ref, idx_ref):
        b = pl.program_id(0)
        nt = pl.program_id(1)
        xb = x_ref[0]
        xt = x_ref[0, :, pl.ds(nt * TNK, TNK)]
        xx = jnp.sum(xb * xb, axis=0, keepdims=True)
        ip = lax.dot_general(xt, xb, (((0,), (0,)), ((), ())),
                             precision=PREC, preferred_element_type=F32)
        pd = 2.0 * ip - xx
        base = (b + b0) * N
        iota = lax.broadcasted_iota(jnp.int32, (TNK, N), 1)
        am = None
        for t in range(K):
            am = jnp.argmax(pd, axis=1)
            idx_ref[0, t, :] = am + base
            pd = jnp.where(iota == am[:, None], -BIG, pd)
        pad = am + base
        for t in range(K, KP):
            idx_ref[0, t, :] = pad
    return _knn_body


def _run_knn(xg, b0):
    return pl.pallas_call(
        _make_knn_body(b0),
        grid=(GB, N // TNK),
        in_specs=[pl.BlockSpec((1, C, N), lambda b, nt: (b, 0, 0))],
        out_specs=pl.BlockSpec((1, KP, TNK), lambda b, nt: (b, 0, nt)),
        out_shape=jax.ShapeDtypeStruct((GB, KP, N), jnp.int32),
    )(xg)


EG = GB * N * K
NWIN = EG // 128
NWORK = 32
WPW = NWIN // NWORK


def _gather_body(table, idxw, out, idx0, idx1, rows0, rows1, sem0, sem1):
    wid = lax.axis_index("s") * 2 + lax.axis_index("c")
    base = wid * WPW
    idx_v = (idx0, idx1)
    rows_v = (rows0, rows1)
    sems = (sem0, sem1)

    for s in range(2):
        pltpu.sync_copy(idxw.at[base + s], idx_v[s])
        pltpu.async_copy(table.at[idx_v[s]], rows_v[s], sems[s])

    def outer(o, _):
        for s in range(2):
            i = o * 2 + s
            g = base + i
            pltpu.make_async_copy(table.at[idx_v[s]], rows_v[s], sems[s]).wait()
            pltpu.sync_copy(rows_v[s], out.at[pl.ds(g * 128, 128)])

            @pl.when(i + 2 < WPW)
            def _():
                pltpu.sync_copy(idxw.at[g + 2], idx_v[s])
                pltpu.async_copy(table.at[idx_v[s]], rows_v[s], sems[s])
        return _

    lax.fori_loop(0, WPW // 2, outer, None)


def _run_gather(u_table, idxw):
    mesh = plsc.VectorSubcoreMesh(core_axis_name="c", subcore_axis_name="s")
    f = functools.partial(
        pl.kernel,
        out_type=jax.ShapeDtypeStruct((EG, 2 * C), F32),
        mesh=mesh,
        scratch_types=[
            pltpu.VMEM((128,), jnp.int32),
            pltpu.VMEM((128,), jnp.int32),
            pltpu.VMEM((128, 2 * C), F32),
            pltpu.VMEM((128, 2 * C), F32),
            pltpu.SemaphoreType.DMA,
            pltpu.SemaphoreType.DMA,
        ],
    )(_gather_body)
    return f(u_table, idxw)


def _stats1_body(e_ref, v_ref, stats_ref, acc):
    step = pl.program_id(0) * NT + pl.program_id(1)

    @pl.when(step == 0)
    def _():
        acc[...] = jnp.zeros_like(acc)

    e = e_ref[0]
    vt = v_ref[...]
    s1 = jnp.sum(e[:, :, :C], axis=0)
    acc[0:1, :] += jnp.sum(s1, axis=0, keepdims=True)
    acc[1:2, :] += jnp.sum(jnp.sum(e[:, :, C:], axis=0), axis=0, keepdims=True)
    acc[2:3, :] += jnp.sum(vt * s1, axis=0, keepdims=True)
    acc[3:4, :] += jnp.sum(vt, axis=0, keepdims=True)
    acc[4:5, :] += jnp.sum(vt * vt, axis=0, keepdims=True)

    @pl.when(step == GB * NT - 1)
    def _():
        stats_ref[...] = acc[...]


def _run_stats1(e1, v_table):
    return pl.pallas_call(
        _stats1_body,
        grid=(GB, NT),
        in_specs=[
            pl.BlockSpec((1, K, TN, 2 * C), lambda b, nt: (b, 0, nt, 0)),
            pl.BlockSpec((TN, C), lambda b, nt: (b * NT + nt, 0)),
        ],
        out_specs=pl.BlockSpec((8, C), lambda b, nt: (0, 0)),
        out_shape=jax.ShapeDtypeStruct((8, C), F32),
        scratch_shapes=[pltpu.VMEM((8, C), F32)],
    )(e1, v_table)


def _conv2_body(e_ref, v_ref, s1_ref, w2_ref, g1_ref, b1_ref,
                mx_ref, mn_ref, stats2_ref, acc):
    step = pl.program_id(0) * NT + pl.program_id(1)

    @pl.when(step == 0)
    def _():
        acc[...] = jnp.zeros_like(acc)

    st = s1_ref[...]
    ecnt = F32(E)
    mean1 = (st[0:1] + F32(K) * st[3:4]) / ecnt
    ey2 = (st[1:2] + 2.0 * st[2:3] + F32(K) * st[4:5]) / ecnt
    var1 = ey2 - mean1 * mean1
    a1 = g1_ref[...] * lax.rsqrt(var1 + EPS)
    c1 = b1_ref[...] - mean1 * a1

    e = e_ref[0, :, :, :C]
    vt = v_ref[...]
    z = a1[None] * (e + vt[None]) + c1[None]
    z = jnp.where(z >= 0, z, 0.2 * z)
    zf = z.reshape(K * TN, C)
    y2 = lax.dot_general(zf, w2_ref[...], (((1,), (1,)), ((), ())),
                         precision=PREC, preferred_element_type=F32)
    y23 = y2.reshape(K, TN, 2 * C)
    mx_ref[0] = jnp.max(y23, axis=0)
    mn_ref[0] = jnp.min(y23, axis=0)
    acc[0:1, :] += jnp.sum(y2, axis=0, keepdims=True)
    acc[1:2, :] += jnp.sum(y2 * y2, axis=0, keepdims=True)

    @pl.when(step == GB * NT - 1)
    def _():
        stats2_ref[...] = acc[...]


def _run_conv2(e1, v_table, stats1, w2, g1r, b1r):
    return pl.pallas_call(
        _conv2_body,
        grid=(GB, NT),
        in_specs=[
            pl.BlockSpec((1, K, TN, 2 * C), lambda b, nt: (b, 0, nt, 0)),
            pl.BlockSpec((TN, C), lambda b, nt: (b * NT + nt, 0)),
            pl.BlockSpec((8, C), lambda b, nt: (0, 0)),
            pl.BlockSpec((2 * C, C), lambda b, nt: (0, 0)),
            pl.BlockSpec((1, C), lambda b, nt: (0, 0)),
            pl.BlockSpec((1, C), lambda b, nt: (0, 0)),
        ],
        out_specs=[
            pl.BlockSpec((1, TN, 2 * C), lambda b, nt: (b, nt, 0)),
            pl.BlockSpec((1, TN, 2 * C), lambda b, nt: (b, nt, 0)),
            pl.BlockSpec((8, 2 * C), lambda b, nt: (0, 0)),
        ],
        out_shape=[
            jax.ShapeDtypeStruct((GB, N, 2 * C), F32),
            jax.ShapeDtypeStruct((GB, N, 2 * C), F32),
            jax.ShapeDtypeStruct((8, 2 * C), F32),
        ],
        scratch_shapes=[pltpu.VMEM((8, 2 * C), F32)],
    )(e1, v_table, stats1, w2, g1r, b1r)


def _final_body(mx_ref, mn_ref, s2_ref, g2_ref, b2_ref, out_ref):
    st = s2_ref[...]
    ecnt = F32(E)
    mean2 = st[0:1] / ecnt
    var2 = st[1:2] / ecnt - mean2 * mean2
    a2 = g2_ref[...] * lax.rsqrt(var2 + EPS)
    c2 = b2_ref[...] - mean2 * a2
    m = jnp.where(a2 >= 0, mx_ref[0], mn_ref[0])
    y = a2 * m + c2
    out_ref[0] = jnp.where(y >= 0, y, 0.2 * y)


def _run_final(mx, mn, stats2, g2r, b2r):
    return pl.pallas_call(
        _final_body,
        grid=(GB, NT),
        in_specs=[
            pl.BlockSpec((1, TN, 2 * C), lambda b, nt: (b, nt, 0)),
            pl.BlockSpec((1, TN, 2 * C), lambda b, nt: (b, nt, 0)),
            pl.BlockSpec((8, 2 * C), lambda b, nt: (0, 0)),
            pl.BlockSpec((1, 2 * C), lambda b, nt: (0, 0)),
            pl.BlockSpec((1, 2 * C), lambda b, nt: (0, 0)),
        ],
        out_specs=pl.BlockSpec((1, TN, 2 * C), lambda b, nt: (b, nt, 0)),
        out_shape=jax.ShapeDtypeStruct((GB, N, 2 * C), F32),
    )(mx, mn, stats2, g2r, b2r)


def kernel(x, W1, W2, g1, b1, g2, b2):
    u_table, v_table = _run_uv(x, W1)
    e1_parts, v_parts = [], []
    for gi in range(SPLIT):
        xg = x[gi * GB:(gi + 1) * GB]
        idxp = _run_knn(xg, gi * GB)
        idxw = idxp[:, :K, :].reshape(NWIN, 128)
        e1_parts.append(_run_gather(u_table, idxw).reshape(GB, K, N, 2 * C))
        v_parts.append(v_table[gi * GB * N:(gi + 1) * GB * N])
    stats1 = _run_stats1(e1_parts[0], v_parts[0])
    for gi in range(1, SPLIT):
        stats1 = stats1 + _run_stats1(e1_parts[gi], v_parts[gi])
    g1r, b1r = g1.reshape(1, C), b1.reshape(1, C)
    outs, stats2 = [], None
    parts2 = []
    for gi in range(SPLIT):
        mx, mn, s2 = _run_conv2(e1_parts[gi], v_parts[gi], stats1, W2,
                                g1r, b1r)
        parts2.append((mx, mn))
        stats2 = s2 if stats2 is None else stats2 + s2
    g2r, b2r = g2.reshape(1, 2 * C), b2.reshape(1, 2 * C)
    for gi in range(SPLIT):
        mx, mn = parts2[gi]
        outs.append(_run_final(mx, mn, stats2, g2r, b2r))
    out_t = jnp.concatenate(outs, axis=0)
    return jnp.transpose(out_t, (0, 2, 1))

# --- scband reference (transcript-rebuilt; emitter-appended) ---
"""Pipeline reference for scband-edge-conv-18949395709979 (READ-ONLY COPY).

The authoritative reference and input builder live on the scoring server;
editing this copy changes nothing except your own understanding.
"""

import jax, jax.numpy as jnp
import numpy as np

K = 20

def _knn(x, k):
    # x: [B, C, N]
    inner = -2.0 * jnp.einsum('bcn,bcm->bnm', x, x)
    xx = jnp.sum(x * x, axis=1, keepdims=True)  # [B,1,N]
    pd = -xx - inner - jnp.transpose(xx, (0, 2, 1))
    _, idx = jax.lax.top_k(pd, k)  # [B, N, k]
    return idx

def _graph_feature(x, k):
    B, C, N = x.shape
    idx = _knn(x, k)
    idx_base = jnp.arange(B)[:, None, None] * N
    idxf = (idx + idx_base).reshape(-1)
    xt = jnp.transpose(x, (0, 2, 1)).reshape(B * N, C)
    feat = jnp.take(xt, idxf, axis=0).reshape(B, N, k, C)
    xc = jnp.transpose(x, (0, 2, 1)).reshape(B, N, 1, C)
    xc = jnp.broadcast_to(xc, (B, N, k, C))
    feat = jnp.concatenate([feat - xc, xc], axis=3)  # [B, N, k, 2C]
    return jnp.transpose(feat, (0, 3, 1, 2))  # [B, 2C, N, k]

def _bn(y, g, b, eps=1e-5):
    mean = jnp.mean(y, axis=(0, 2, 3), keepdims=True)
    var = jnp.var(y, axis=(0, 2, 3), keepdims=True)
    yhat = (y - mean) / jnp.sqrt(var + eps)
    return yhat * g[None, :, None, None] + b[None, :, None, None]

def _lrelu(y):
    return jnp.where(y >= 0, y, 0.2 * y)

def setup_inputs(seed: int = 0):
    key = jax.random.key(seed)
    ks = jax.random.split(key, 3)
    x = jax.random.normal(ks[0], (8, 64, 2048), dtype=jnp.float32)
    W1 = jax.random.normal(ks[1], (64, 128), dtype=jnp.float32) * (1.0 / np.sqrt(128.0))
    W2 = jax.random.normal(ks[2], (128, 64), dtype=jnp.float32) * (1.0 / np.sqrt(64.0))
    g1 = jnp.ones((64,), dtype=jnp.float32)
    b1 = jnp.zeros((64,), dtype=jnp.float32)
    g2 = jnp.ones((128,), dtype=jnp.float32)
    b2 = jnp.zeros((128,), dtype=jnp.float32)
    return {"x": x, "W1": W1, "W2": W2, "g1": g1, "b1": b1, "g2": g2, "b2": b2}

def reference(x, W1, W2, g1, b1, g2, b2):
    f = _graph_feature(x, K)                       # [B, 128, N, k]
    y = jnp.einsum('oc,bcnk->bonk', W1, f)         # conv1 1x1, bias=False
    y = _lrelu(_bn(y, g1, b1))
    y = jnp.einsum('oc,bcnk->bonk', W2, y)         # conv2 1x1, bias=False
    y = _lrelu(_bn(y, g2, b2))
    return jnp.max(y, axis=-1)                     # [B, out_channels, N]

if __name__ == "__main__":
    import jax
    _d = setup_inputs()
    print(jax.jit(kernel)(*tuple(_d.values())))

</pallas_src>

<mosaic_0001>
#map = affine_map<(d0, d1) -> (0, 0)>
module attributes {stable_mosaic.version = 14 : i64} {
  func.func @_gather_body(%arg0: i32, %arg1: i32, %arg2: memref<16384x128xf32, #tpu.memory_space<hbm>>, %arg3: memref<640x128xi32, #tpu.memory_space<hbm>>, %arg4: memref<81920x128xf32, #tpu.memory_space<hbm>>, %arg5: memref<128xi32, #tpu.memory_space<vmem>>, %arg6: memref<128xi32, #tpu.memory_space<vmem>>, %arg7: memref<128x128xf32, #tpu.memory_space<vmem>>, %arg8: memref<128x128xf32, #tpu.memory_space<vmem>>, %arg9: memref<!tpu.dma_semaphore, #tpu.memory_space<semaphore_mem>>, %arg10: memref<!tpu.dma_semaphore, #tpu.memory_space<semaphore_mem>>) attributes {dimension_semantics = [#tpu.dimension_semantics<core_parallel>, #tpu.dimension_semantics<subcore_parallel>], iteration_bounds = array<i64: 2, 16>, scalar_prefetch = 0 : i64, scratch_operands = 6 : i64, tpu.core_type = #tpu.core_type<sc_vector_subcore>, window_params = [{transform_indices = #map}, {transform_indices = #map}, {transform_indices = #map}]} {
    %mul3A = arith.constant 2 : i32
    %mul3A_0 = arith.muli %arg1, %mul3A : i32
    %add3A = arith.addi %mul3A_0, %arg0 : i32
    %mul3A_1 = arith.constant 20 : i32
    %mul3A_2 = arith.muli %add3A, %mul3A_1 : i32
    %add3A_3 = arith.constant 0 : i32
    %add3A_4 = arith.addi %mul3A_2, %add3A_3 : i32
    "tpu.region"() ({
      %run_scoped3A = tpu.sem_alloc : memref<!tpu.dma_semaphore, #tpu.memory_space<semaphore_mem>>
      %dma_start3A_16 = arith.constant 0 : i32
      %dma_start3A_17 = tpu.memref_slice %arg3[%add3A_4, %dma_start3A_16] : memref<640x128xi32, #tpu.memory_space<hbm>> -> memref<1x128xi32, #tpu.memory_space<hbm>>
      %dma_start3A_18 = tpu.memref_squeeze %dma_start3A_17 : memref<1x128xi32, #tpu.memory_space<hbm>> -> memref<128xi32, #tpu.memory_space<hbm>>
      %dma_start3A_19 = arith.constant 0 : i32
      %dma_start3A_20 = tpu.memref_slice %arg3[%add3A_4, %dma_start3A_19] : memref<640x128xi32, #tpu.memory_space<hbm>> -> memref<1x128xi32, #tpu.memory_space<hbm>>
      %dma_start3A_21 = tpu.memref_squeeze %dma_start3A_20 : memref<1x128xi32, #tpu.memory_space<hbm>> -> memref<128xi32, #tpu.memory_space<hbm>>
      tpu.enqueue_dma source(%dma_start3A_21 : memref<128xi32, #tpu.memory_space<hbm>>) target(%arg5 : memref<128xi32, #tpu.memory_space<vmem>>) target_semaphore(%run_scoped3A : memref<!tpu.dma_semaphore, #tpu.memory_space<semaphore_mem>>)
      %dma_wait3A = arith.constant 0 : i32
      %dma_wait3A_22 = tpu.memref_slice %arg3[%add3A_4, %dma_wait3A] : memref<640x128xi32, #tpu.memory_space<hbm>> -> memref<1x128xi32, #tpu.memory_space<hbm>>
      %dma_wait3A_23 = tpu.memref_squeeze %dma_wait3A_22 : memref<1x128xi32, #tpu.memory_space<hbm>> -> memref<128xi32, #tpu.memory_space<hbm>>
      %dma_wait3A_24 = arith.constant 0 : i32
      %dma_wait3A_25 = tpu.memref_slice %arg3[%add3A_4, %dma_wait3A_24] : memref<640x128xi32, #tpu.memory_space<hbm>> -> memref<1x128xi32, #tpu.memory_space<hbm>>
      %dma_wait3A_26 = tpu.memref_squeeze %dma_wait3A_25 : memref<1x128xi32, #tpu.memory_space<hbm>> -> memref<128xi32, #tpu.memory_space<hbm>>
      tpu.wait_dma2 semaphore(%run_scoped3A : memref<!tpu.dma_semaphore, #tpu.memory_space<semaphore_mem>>) src(%dma_wait3A_26 : memref<128xi32, #tpu.memory_space<hbm>>) dst(%arg5 : memref<128xi32, #tpu.memory_space<vmem>>)
      tpu.yield
    }) : () -> ()
    %dma_start3A = arith.constant 0 : i32
    %dma_start3A_5 = arith.constant 0 : i32
    %dma_start3A_6 = tpu.memref_slice %arg2[%dma_start3A, %dma_start3A_5] : memref<16384x128xf32, #tpu.memory_space<hbm>> -> memref<16384x128xf32, #tpu.memory_space<hbm>>
    tpu.enqueue_indirect_dma source(%dma_start3A_6 : memref<16384x128xf32, #tpu.memory_space<hbm>>) target(%arg7 : memref<128x128xf32, #tpu.memory_space<vmem>>) offsets(%arg5 : memref<128xi32, #tpu.memory_space<vmem>>) semaphore(%arg9 : memref<!tpu.dma_semaphore, #tpu.memory_space<semaphore_mem>>)
    %add3A_7 = arith.constant 1 : i32
    %add3A_8 = arith.addi %mul3A_2, %add3A_7 : i32
    "tpu.region"() ({
      %run_scoped3A = tpu.sem_alloc : memref<!tpu.dma_semaphore, #tpu.memory_space<semaphore_mem>>
      %dma_start3A_16 = arith.constant 0 : i32
      %dma_start3A_17 = tpu.memref_slice %arg3[%add3A_8, %dma_start3A_16] : memref<640x128xi32, #tpu.memory_space<hbm>> -> memref<1x128xi32, #tpu.memory_space<hbm>>
      %dma_start3A_18 = tpu.memref_squeeze %dma_start3A_17 : memref<1x128xi32, #tpu.memory_space<hbm>> -> memref<128xi32, #tpu.memory_space<hbm>>
      %dma_start3A_19 = arith.constant 0 : i32
      %dma_start3A_20 = tpu.memref_slice %arg3[%add3A_8, %dma_start3A_19] : memref<640x128xi32, #tpu.memory_space<hbm>> -> memref<1x128xi32, #tpu.memory_space<hbm>>
      %dma_start3A_21 = tpu.memref_squeeze %dma_start3A_20 : memref<1x128xi32, #tpu.memory_space<hbm>> -> memref<128xi32, #tpu.memory_space<hbm>>
      tpu.enqueue_dma source(%dma_start3A_21 : memref<128xi32, #tpu.memory_space<hbm>>) target(%arg6 : memref<128xi32, #tpu.memory_space<vmem>>) target_semaphore(%run_scoped3A : memref<!tpu.dma_semaphore, #tpu.memory_space<semaphore_mem>>)
      %dma_wait3A = arith.constant 0 : i32
      %dma_wait3A_22 = tpu.memref_slice %arg3[%add3A_8, %dma_wait3A] : memref<640x128xi32, #tpu.memory_space<hbm>> -> memref<1x128xi32, #tpu.memory_space<hbm>>
      %dma_wait3A_23 = tpu.memref_squeeze %dma_wait3A_22 : memref<1x128xi32, #tpu.memory_space<hbm>> -> memref<128xi32, #tpu.memory_space<hbm>>
      %dma_wait3A_24 = arith.constant 0 : i32
      %dma_wait3A_25 = tpu.memref_slice %arg3[%add3A_8, %dma_wait3A_24] : memref<640x128xi32, #tpu.memory_space<hbm>> -> memref<1x128xi32, #tpu.memory_space<hbm>>
      %dma_wait3A_26 = tpu.memref_squeeze %dma_wait3A_25 : memref<1x128xi32, #tpu.memory_space<hbm>> -> memref<128xi32, #tpu.memory_space<hbm>>
      tpu.wait_dma2 semaphore(%run_scoped3A : memref<!tpu.dma_semaphore, #tpu.memory_space<semaphore_mem>>) src(%dma_wait3A_26 : memref<128xi32, #tpu.memory_space<hbm>>) dst(%arg6 : memref<128xi32, #tpu.memory_space<vmem>>)
      tpu.yield
    }) : () -> ()
    %dma_start3A_9 = arith.constant 0 : i32
    %dma_start3A_10 = arith.constant 0 : i32
    %dma_start3A_11 = tpu.memref_slice %arg2[%dma_start3A_9, %dma_start3A_10] : memref<16384x128xf32, #tpu.memory_space<hbm>> -> memref<16384x128xf32, #tpu.memory_space<hbm>>
    tpu.enqueue_indirect_dma source(%dma_start3A_11 : memref<16384x128xf32, #tpu.memory_space<hbm>>) target(%arg8 : memref<128x128xf32, #tpu.memory_space<vmem>>) offsets(%arg6 : memref<128xi32, #tpu.memory_space<vmem>>) semaphore(%arg10 : memref<!tpu.dma_semaphore, #tpu.memory_space<semaphore_mem>>)
    %scan3A = arith.constant 0 : i32
    %scan3A_12 = arith.constant 10 : i32
    %scan3A_13 = arith.addi %scan3A, %scan3A_12 : i32
    %scan3A_14 = arith.constant 1 : i32
    scf.for %scan3A_16 = %scan3A to %scan3A_13 step %scan3A_14  : i32 {
      %mul3A_17 = arith.constant 2 : i32
      %mul3A_18 = arith.muli %scan3A_16, %mul3A_17 : i32
      %add3A_19 = arith.constant 0 : i32
      %add3A_20 = arith.addi %mul3A_18, %add3A_19 : i32
      %add3A_21 = arith.addi %mul3A_2, %add3A_20 : i32
      %dma_wait3A = arith.constant 0 : i32
      %dma_wait3A_22 = arith.constant 0 : i32
      %dma_wait3A_23 = tpu.memref_slice %arg2[%dma_wait3A, %dma_wait3A_22] : memref<16384x128xf32, #tpu.memory_space<hbm>> -> memref<16384x128xf32, #tpu.memory_space<hbm>>
      tpu.wait_indirect_dma semaphore(%arg9 : memref<!tpu.dma_semaphore, #tpu.memory_space<semaphore_mem>>) src(%dma_wait3A_23 : memref<16384x128xf32, #tpu.memory_space<hbm>>) dst(%arg7 : memref<128x128xf32, #tpu.memory_space<vmem>>)
      %mul3A_24 = arith.constant 128 : i32
      %mul3A_25 = arith.muli %add3A_21, %mul3A_24 : i32
      "tpu.region"() ({
        %run_scoped3A = tpu.sem_alloc : memref<!tpu.dma_semaphore, #tpu.memory_space<semaphore_mem>>
        %dma_start3A_47 = arith.constant 0 : i32
        %dma_start3A_48 = tpu.memref_slice %arg4[%mul3A_25, %dma_start3A_47] : memref<81920x128xf32, #tpu.memory_space<hbm>> -> memref<128x128xf32, #tpu.memory_space<hbm>>
        %dma_start3A_49 = arith.constant 0 : i32
        %dma_start3A_50 = tpu.memref_slice %arg4[%mul3A_25, %dma_start3A_49] : memref<81920x128xf32, #tpu.memory_space<hbm>> -> memref<128x128xf32, #tpu.memory_space<hbm>>
        tpu.enqueue_dma source(%arg7 : memref<128x128xf32, #tpu.memory_space<vmem>>) target(%dma_start3A_50 : memref<128x128xf32, #tpu.memory_space<hbm>>) target_semaphore(%run_scoped3A : memref<!tpu.dma_semaphore, #tpu.memory_space<semaphore_mem>>)
        %dma_wait3A_51 = arith.constant 0 : i32
        %dma_wait3A_52 = tpu.memref_slice %arg4[%mul3A_25, %dma_wait3A_51] : memref<81920x128xf32, #tpu.memory_space<hbm>> -> memref<128x128xf32, #tpu.memory_space<hbm>>
        %dma_wait3A_53 = arith.constant 0 : i32
        %dma_wait3A_54 = tpu.memref_slice %arg4[%mul3A_25, %dma_wait3A_53] : memref<81920x128xf32, #tpu.memory_space<hbm>> -> memref<128x128xf32, #tpu.memory_space<hbm>>
        tpu.wait_dma2 semaphore(%run_scoped3A : memref<!tpu.dma_semaphore, #tpu.memory_space<semaphore_mem>>) src(%arg7 : memref<128x128xf32, #tpu.memory_space<vmem>>) dst(%dma_wait3A_54 : memref<128x128xf32, #tpu.memory_space<hbm>>)
        tpu.yield
      }) : () -> ()
      %add3A_26 = arith.constant 2 : i32
      %add3A_27 = arith.addi %add3A_20, %add3A_26 : i32
      %lt3A = arith.constant 20 : i32
      %lt3A_28 = arith.cmpi slt, %add3A_27, %lt3A : i32
      %convert_element_type3A = arith.extui %lt3A_28 : i1 to i32
      %cond3A = arith.constant 0 : i32
      %cond3A_29 = arith.cmpi ne, %convert_element_type3A, %cond3A : i32
      scf.if %cond3A_29 {
        %add3A_47 = arith.constant 2 : i32
        %add3A_48 = arith.addi %add3A_21, %add3A_47 : i32
        "tpu.region"() ({
          %run_scoped3A = tpu.sem_alloc : memref<!tpu.dma_semaphore, #tpu.memory_space<semaphore_mem>>
          %dma_start3A_52 = arith.constant 0 : i32
          %dma_start3A_53 = tpu.memref_slice %arg3[%add3A_48, %dma_start3A_52] : memref<640x128xi32, #tpu.memory_space<hbm>> -> memref<1x128xi32, #tpu.memory_space<hbm>>
          %dma_start3A_54 = tpu.memref_squeeze %dma_start3A_53 : memref<1x128xi32, #tpu.memory_space<hbm>> -> memref<128xi32, #tpu.memory_space<hbm>>
          %dma_start3A_55 = arith.constant 0 : i32
          %dma_start3A_56 = tpu.memref_slice %arg3[%add3A_48, %dma_start3A_55] : memref<640x128xi32, #tpu.memory_space<hbm>> -> memref<1x128xi32, #tpu.memory_space<hbm>>
          %dma_start3A_57 = tpu.memref_squeeze %dma_start3A_56 : memref<1x128xi32, #tpu.memory_space<hbm>> -> memref<128xi32, #tpu.memory_space<hbm>>
          tpu.enqueue_dma source(%dma_start3A_57 : memref<128xi32, #tpu.memory_space<hbm>>) target(%arg5 : memref<128xi32, #tpu.memory_space<vmem>>) target_semaphore(%run_scoped3A : memref<!tpu.dma_semaphore, #tpu.memory_space<semaphore_mem>>)
          %dma_wait3A_58 = arith.constant 0 : i32
          %dma_wait3A_59 = tpu.memref_slice %arg3[%add3A_48, %dma_wait3A_58] : memref<640x128xi32, #tpu.memory_space<hbm>> -> memref<1x128xi32, #tpu.memory_space<hbm>>
          %dma_wait3A_60 = tpu.memref_squeeze %dma_wait3A_59 : memref<1x128xi32, #tpu.memory_space<hbm>> -> memref<128xi32, #tpu.memory_space<hbm>>
          %dma_wait3A_61 = arith.constant 0 : i32
          %dma_wait3A_62 = tpu.memref_slice %arg3[%add3A_48, %dma_wait3A_61] : memref<640x128xi32, #tpu.memory_space<hbm>> -> memref<1x128xi32, #tpu.memory_space<hbm>>
          %dma_wait3A_63 = tpu.memref_squeeze %dma_wait3A_62 : memref<1x128xi32, #tpu.memory_space<hbm>> -> memref<128xi32, #tpu.memory_space<hbm>>
          tpu.wait_dma2 semaphore(%run_scoped3A : memref<!tpu.dma_semaphore, #tpu.memory_space<semaphore_mem>>) src(%dma_wait3A_63 : memref<128xi32, #tpu.memory_space<hbm>>) dst(%arg5 : memref<128xi32, #tpu.memory_space<vmem>>)
          tpu.yield
        }) : () -> ()
        %dma_start3A_49 = arith.constant 0 : i32
        %dma_start3A_50 = arith.constant 0 : i32
        %dma_start3A_51 = tpu.memref_slice %arg2[%dma_start3A_49, %dma_start3A_50] : memref<16384x128xf32, #tpu.memory_space<hbm>> -> memref<16384x128xf32, #tpu.memory_space<hbm>>
        tpu.enqueue_indirect_dma source(%dma_start3A_51 : memref<16384x128xf32, #tpu.memory_space<hbm>>) target(%arg7 : memref<128x128xf32, #tpu.memory_space<vmem>>) offsets(%arg5 : memref<128xi32, #tpu.memory_space<vmem>>) semaphore(%arg9 : memref<!tpu.dma_semaphore, #tpu.memory_space<semaphore_mem>>)
      } else {
      }
      %mul3A_30 = arith.constant 2 : i32
      %mul3A_31 = arith.muli %scan3A_16, %mul3A_30 : i32
      %add3A_32 = arith.constant 1 : i32
      %add3A_33 = arith.addi %mul3A_31, %add3A_32 : i32
      %add3A_34 = arith.addi %mul3A_2, %add3A_33 : i32
      %dma_wait3A_35 = arith.constant 0 : i32
      %dma_wait3A_36 = arith.constant 0 : i32
      %dma_wait3A_37 = tpu.memref_slice %arg2[%dma_wait3A_35, %dma_wait3A_36] : memref<16384x128xf32, #tpu.memory_space<hbm>> -> memref<16384x128xf32, #tpu.memory_space<hbm>>
      tpu.wait_indirect_dma semaphore(%arg10 : memref<!tpu.dma_semaphore, #tpu.memory_space<semaphore_mem>>) src(%dma_wait3A_37 : memref<16384x128xf32, #tpu.memory_space<hbm>>) dst(%arg8 : memref<128x128xf32, #tpu.memory_space<vmem>>)
      %mul3A_38 = arith.constant 128 : i32
      %mul3A_39 = arith.muli %add3A_34, %mul3A_38 : i32
      "tpu.region"() ({
        %run_scoped3A = tpu.sem_alloc : memref<!tpu.dma_semaphore, #tpu.memory_space<semaphore_mem>>
        %dma_start3A_47 = arith.constant 0 : i32
        %dma_start3A_48 = tpu.memref_slice %arg4[%mul3A_39, %dma_start3A_47] : memref<81920x128xf32, #tpu.memory_space<hbm>> -> memref<128x128xf32, #tpu.memory_space<hbm>>
        %dma_start3A_49 = arith.constant 0 : i32
        %dma_start3A_50 = tpu.memref_slice %arg4[%mul3A_39, %dma_start3A_49] : memref<81920x128xf32, #tpu.memory_space<hbm>> -> memref<128x128xf32, #tpu.memory_space<hbm>>
        tpu.enqueue_dma source(%arg8 : memref<128x128xf32, #tpu.memory_space<vmem>>) target(%dma_start3A_50 : memref<128x128xf32, #tpu.memory_space<hbm>>) target_semaphore(%run_scoped3A : memref<!tpu.dma_semaphore, #tpu.memory_space<semaphore_mem>>)
        %dma_wait3A_51 = arith.constant 0 : i32
        %dma_wait3A_52 = tpu.memref_slice %arg4[%mul3A_39, %dma_wait3A_51] : memref<81920x128xf32, #tpu.memory_space<hbm>> -> memref<128x128xf32, #tpu.memory_space<hbm>>
        %dma_wait3A_53 = arith.constant 0 : i32
        %dma_wait3A_54 = tpu.memref_slice %arg4[%mul3A_39, %dma_wait3A_53] : memref<81920x128xf32, #tpu.memory_space<hbm>> -> memref<128x128xf32, #tpu.memory_space<hbm>>
        tpu.wait_dma2 semaphore(%run_scoped3A : memref<!tpu.dma_semaphore, #tpu.memory_space<semaphore_mem>>) src(%arg8 : memref<128x128xf32, #tpu.memory_space<vmem>>) dst(%dma_wait3A_54 : memref<128x128xf32, #tpu.memory_space<hbm>>)
        tpu.yield
      }) : () -> ()
      %add3A_40 = arith.constant 2 : i32
      %add3A_41 = arith.addi %add3A_33, %add3A_40 : i32
      %lt3A_42 = arith.constant 20 : i32
      %lt3A_43 = arith.cmpi slt, %add3A_41, %lt3A_42 : i32
      %convert_element_type3A_44 = arith.extui %lt3A_43 : i1 to i32
      %cond3A_45 = arith.constant 0 : i32
      %cond3A_46 = arith.cmpi ne, %convert_element_type3A_44, %cond3A_45 : i32
      scf.if %cond3A_46 {
        %add3A_47 = arith.constant 2 : i32
        %add3A_48 = arith.addi %add3A_34, %add3A_47 : i32
        "tpu.region"() ({
          %run_scoped3A = tpu.sem_alloc : memref<!tpu.dma_semaphore, #tpu.memory_space<semaphore_mem>>
          %dma_start3A_52 = arith.constant 0 : i32
          %dma_start3A_53 = tpu.memref_slice %arg3[%add3A_48, %dma_start3A_52] : memref<640x128xi32, #tpu.memory_space<hbm>> -> memref<1x128xi32, #tpu.memory_space<hbm>>
          %dma_start3A_54 = tpu.memref_squeeze %dma_start3A_53 : memref<1x128xi32, #tpu.memory_space<hbm>> -> memref<128xi32, #tpu.memory_space<hbm>>
          %dma_start3A_55 = arith.constant 0 : i32
          %dma_start3A_56 = tpu.memref_slice %arg3[%add3A_48, %dma_start3A_55] : memref<640x128xi32, #tpu.memory_space<hbm>> -> memref<1x128xi32, #tpu.memory_space<hbm>>
          %dma_start3A_57 = tpu.memref_squeeze %dma_start3A_56 : memref<1x128xi32, #tpu.memory_space<hbm>> -> memref<128xi32, #tpu.memory_space<hbm>>
          tpu.enqueue_dma source(%dma_start3A_57 : memref<128xi32, #tpu.memory_space<hbm>>) target(%arg6 : memref<128xi32, #tpu.memory_space<vmem>>) target_semaphore(%run_scoped3A : memref<!tpu.dma_semaphore, #tpu.memory_space<semaphore_mem>>)
          %dma_wait3A_58 = arith.constant 0 : i32
          %dma_wait3A_59 = tpu.memref_slice %arg3[%add3A_48, %dma_wait3A_58] : memref<640x128xi32, #tpu.memory_space<hbm>> -> memref<1x128xi32, #tpu.memory_space<hbm>>
          %dma_wait3A_60 = tpu.memref_squeeze %dma_wait3A_59 : memref<1x128xi32, #tpu.memory_space<hbm>> -> memref<128xi32, #tpu.memory_space<hbm>>
          %dma_wait3A_61 = arith.constant 0 : i32
          %dma_wait3A_62 = tpu.memref_slice %arg3[%add3A_48, %dma_wait3A_61] : memref<640x128xi32, #tpu.memory_space<hbm>> -> memref<1x128xi32, #tpu.memory_space<hbm>>
          %dma_wait3A_63 = tpu.memref_squeeze %dma_wait3A_62 : memref<1x128xi32, #tpu.memory_space<hbm>> -> memref<128xi32, #tpu.memory_space<hbm>>
          tpu.wait_dma2 semaphore(%run_scoped3A : memref<!tpu.dma_semaphore, #tpu.memory_space<semaphore_mem>>) src(%dma_wait3A_63 : memref<128xi32, #tpu.memory_space<hbm>>) dst(%arg6 : memref<128xi32, #tpu.memory_space<vmem>>)
          tpu.yield
        }) : () -> ()
        %dma_start3A_49 = arith.constant 0 : i32
        %dma_start3A_50 = arith.constant 0 : i32
        %dma_start3A_51 = tpu.memref_slice %arg2[%dma_start3A_49, %dma_start3A_50] : memref<16384x128xf32, #tpu.memory_space<hbm>> -> memref<16384x128xf32, #tpu.memory_space<hbm>>
        tpu.enqueue_indirect_dma source(%dma_start3A_51 : memref<16384x128xf32, #tpu.memory_space<hbm>>) target(%arg8 : memref<128x128xf32, #tpu.memory_space<vmem>>) offsets(%arg6 : memref<128xi32, #tpu.memory_space<vmem>>) semaphore(%arg10 : memref<!tpu.dma_semaphore, #tpu.memory_space<semaphore_mem>>)
      } else {
      }
    }
    %scan3A_15 = arith.constant 10 : i32
    return
  }
}

#map = affine_map<(d0, d1) -> (0, 0)>
module attributes {stable_mosaic.version = 14 : i64} {
  func.func @_gather_body(%arg0: i32, %arg1: i32, %arg2: memref<16384x128xf32, #tpu.memory_space<hbm>>, %arg3: memref<640x128xi32, #tpu.memory_space<hbm>>, %arg4: memref<81920x128xf32, #tpu.memory_space<hbm>>, %arg5: memref<128xi32, #tpu.memory_space<vmem>>, %arg6: memref<128xi32, #tpu.memory_space<vmem>>, %arg7: memref<128x128xf32, #tpu.memory_space<vmem>>, %arg8: memref<128x128xf32, #tpu.memory_space<vmem>>, %arg9: memref<!tpu.dma_semaphore, #tpu.memory_space<semaphore_mem>>, %arg10: memref<!tpu.dma_semaphore, #tpu.memory_space<semaphore_mem>>) attributes {dimension_semantics = [#tpu.dimension_semantics<core_parallel>, #tpu.dimension_semantics<subcore_parallel>], iteration_bounds = array<i64: 2, 16>, scalar_prefetch = 0 : i64, scratch_operands = 6 : i64, tpu.core_type = #tpu.core_type<sc_vector_subcore>, window_params = [{transform_indices = #map}, {transform_indices = #map}, {transform_indices = #map}]} {
    %mul3A = arith.constant 2 : i32
    %mul3A_0 = arith.muli %arg1, %mul3A : i32
    %add3A = arith.addi %mul3A_0, %arg0 : i32
    %mul3A_1 = arith.constant 20 : i32
    %mul3A_2 = arith.muli %add3A, %mul3A_1 : i32
    %add3A_3 = arith.constant 0 : i32
    %add3A_4 = arith.addi %mul3A_2, %add3A_3 : i32
    "tpu.region"() ({
      %run_scoped3A = tpu.sem_alloc : memref<!tpu.dma_semaphore, #tpu.memory_space<semaphore_mem>>
      %dma_start3A_16 = arith.constant 0 : i32
      %dma_start3A_17 = tpu.memref_slice %arg3[%add3A_4, %dma_start3A_16] : memref<640x128xi32, #tpu.memory_space<hbm>> -> memref<1x128xi32, #tpu.memory_space<hbm>>
      %dma_start3A_18 = tpu.memref_squeeze %dma_start3A_17 : memref<1x128xi32, #tpu.memory_space<hbm>> -> memref<128xi32, #tpu.memory_space<hbm>>
      %dma_start3A_19 = arith.constant 0 : i32
      %dma_start3A_20 = tpu.memref_slice %arg3[%add3A_4, %dma_start3A_19] : memref<640x128xi32, #tpu.memory_space<hbm>> -> memref<1x128xi32, #tpu.memory_space<hbm>>
      %dma_start3A_21 = tpu.memref_squeeze %dma_start3A_20 : memref<1x128xi32, #tpu.memory_space<hbm>> -> memref<128xi32, #tpu.memory_space<hbm>>
      tpu.enqueue_dma source(%dma_start3A_21 : memref<128xi32, #tpu.memory_space<hbm>>) target(%arg5 : memref<128xi32, #tpu.memory_space<vmem>>) target_semaphore(%run_scoped3A : memref<!tpu.dma_semaphore, #tpu.memory_space<semaphore_mem>>)
      %dma_wait3A = arith.constant 0 : i32
      %dma_wait3A_22 = tpu.memref_slice %arg3[%add3A_4, %dma_wait3A] : memref<640x128xi32, #tpu.memory_space<hbm>> -> memref<1x128xi32, #tpu.memory_space<hbm>>
      %dma_wait3A_23 = tpu.memref_squeeze %dma_wait3A_22 : memref<1x128xi32, #tpu.memory_space<hbm>> -> memref<128xi32, #tpu.memory_space<hbm>>
      %dma_wait3A_24 = arith.constant 0 : i32
      %dma_wait3A_25 = tpu.memref_slice %arg3[%add3A_4, %dma_wait3A_24] : memref<640x128xi32, #tpu.memory_space<hbm>> -> memref<1x128xi32, #tpu.memory_space<hbm>>
      %dma_wait3A_26 = tpu.memref_squeeze %dma_wait3A_25 : memref<1x128xi32, #tpu.memory_space<hbm>> -> memref<128xi32, #tpu.memory_space<hbm>>
      tpu.wait_dma2 semaphore(%run_scoped3A : memref<!tpu.dma_semaphore, #tpu.memory_space<semaphore_mem>>) src(%dma_wait3A_26 : memref<128xi32, #tpu.memory_space<hbm>>) dst(%arg5 : memref<128xi32, #tpu.memory_space<vmem>>)
      tpu.yield
    }) : () -> ()
    %dma_start3A = arith.constant 0 : i32
    %dma_start3A_5 = arith.constant 0 : i32
    %dma_start3A_6 = tpu.memref_slice %arg2[%dma_start3A, %dma_start3A_5] : memref<16384x128xf32, #tpu.memory_space<hbm>> -> memref<16384x128xf32, #tpu.memory_space<hbm>>
    tpu.enqueue_indirect_dma source(%dma_start3A_6 : memref<16384x128xf32, #tpu.memory_space<hbm>>) target(%arg7 : memref<128x128xf32, #tpu.memory_space<vmem>>) offsets(%arg5 : memref<128xi32, #tpu.memory_space<vmem>>) semaphore(%arg9 : memref<!tpu.dma_semaphore, #tpu.memory_space<semaphore_mem>>)
    %add3A_7 = arith.constant 1 : i32
    %add3A_8 = arith.addi %mul3A_2, %add3A_7 : i32
    "tpu.region"() ({
      %run_scoped3A = tpu.sem_alloc : memref<!tpu.dma_semaphore, #tpu.memory_space<semaphore_mem>>
      %dma_start3A_16 = arith.constant 0 : i32
      %dma_start3A_17 = tpu.memref_slice %arg3[%add3A_8, %dma_start3A_16] : memref<640x128xi32, #tpu.memory_space<hbm>> -> memref<1x128xi32, #tpu.memory_space<hbm>>
      %dma_start3A_18 = tpu.memref_squeeze %dma_start3A_17 : memref<1x128xi32, #tpu.memory_space<hbm>> -> memref<128xi32, #tpu.memory_space<hbm>>
      %dma_start3A_19 = arith.constant 0 : i32
      %dma_start3A_20 = tpu.memref_slice %arg3[%add3A_8, %dma_start3A_19] : memref<640x128xi32, #tpu.memory_space<hbm>> -> memref<1x128xi32, #tpu.memory_space<hbm>>
      %dma_start3A_21 = tpu.memref_squeeze %dma_start3A_20 : memref<1x128xi32, #tpu.memory_space<hbm>> -> memref<128xi32, #tpu.memory_space<hbm>>
      tpu.enqueue_dma source(%dma_start3A_21 : memref<128xi32, #tpu.memory_space<hbm>>) target(%arg6 : memref<128xi32, #tpu.memory_space<vmem>>) target_semaphore(%run_scoped3A : memref<!tpu.dma_semaphore, #tpu.memory_space<semaphore_mem>>)
      %dma_wait3A = arith.constant 0 : i32
      %dma_wait3A_22 = tpu.memref_slice %arg3[%add3A_8, %dma_wait3A] : memref<640x128xi32, #tpu.memory_space<hbm>> -> memref<1x128xi32, #tpu.memory_space<hbm>>
      %dma_wait3A_23 = tpu.memref_squeeze %dma_wait3A_22 : memref<1x128xi32, #tpu.memory_space<hbm>> -> memref<128xi32, #tpu.memory_space<hbm>>
      %dma_wait3A_24 = arith.constant 0 : i32
      %dma_wait3A_25 = tpu.memref_slice %arg3[%add3A_8, %dma_wait3A_24] : memref<640x128xi32, #tpu.memory_space<hbm>> -> memref<1x128xi32, #tpu.memory_space<hbm>>
      %dma_wait3A_26 = tpu.memref_squeeze %dma_wait3A_25 : memref<1x128xi32, #tpu.memory_space<hbm>> -> memref<128xi32, #tpu.memory_space<hbm>>
      tpu.wait_dma2 semaphore(%run_scoped3A : memref<!tpu.dma_semaphore, #tpu.memory_space<semaphore_mem>>) src(%dma_wait3A_26 : memref<128xi32, #tpu.memory_space<hbm>>) dst(%arg6 : memref<128xi32, #tpu.memory_space<vmem>>)
      tpu.yield
    }) : () -> ()
    %dma_start3A_9 = arith.constant 0 : i32
    %dma_start3A_10 = arith.constant 0 : i32
    %dma_start3A_11 = tpu.memref_slice %arg2[%dma_start3A_9, %dma_start3A_10] : memref<16384x128xf32, #tpu.memory_space<hbm>> -> memref<16384x128xf32, #tpu.memory_space<hbm>>
    tpu.enqueue_indirect_dma source(%dma_start3A_11 : memref<16384x128xf32, #tpu.memory_space<hbm>>) target(%arg8 : memref<128x128xf32, #tpu.memory_space<vmem>>) offsets(%arg6 : memref<128xi32, #tpu.memory_space<vmem>>) semaphore(%arg10 : memref<!tpu.dma_semaphore, #tpu.memory_space<semaphore_mem>>)
    %scan3A = arith.constant 0 : i32
    %scan3A_12 = arith.constant 10 : i32
    %scan3A_13 = arith.addi %scan3A, %scan3A_12 : i32
    %scan3A_14 = arith.constant 1 : i32
    scf.for %scan3A_16 = %scan3A to %scan3A_13 step %scan3A_14  : i32 {
      %mul3A_17 = arith.constant 2 : i32
      %mul3A_18 = arith.muli %scan3A_16, %mul3A_17 : i32
      %add3A_19 = arith.constant 0 : i32
      %add3A_20 = arith.addi %mul3A_18, %add3A_19 : i32
      %add3A_21 = arith.addi %mul3A_2, %add3A_20 : i32
      %dma_wait3A = arith.constant 0 : i32
      %dma_wait3A_22 = arith.constant 0 : i32
      %dma_wait3A_23 = tpu.memref_slice %arg2[%dma_wait3A, %dma_wait3A_22] : memref<16384x128xf32, #tpu.memory_space<hbm>> -> memref<16384x128xf32, #tpu.memory_space<hbm>>
      tpu.wait_indirect_dma semaphore(%arg9 : memref<!tpu.dma_semaphore, #tpu.memory_space<semaphore_mem>>) src(%dma_wait3A_23 : memref<16384x128xf32, #tpu.memory_space<hbm>>) dst(%arg7 : memref<128x128xf32, #tpu.memory_space<vmem>>)
      %mul3A_24 = arith.constant 128 : i32
      %mul3A_25 = arith.muli %add3A_21, %mul3A_24 : i32
      "tpu.region"() ({
        %run_scoped3A = tpu.sem_alloc : memref<!tpu.dma_semaphore, #tpu.memory_space<semaphore_mem>>
        %dma_start3A_47 = arith.constant 0 : i32
        %dma_start3A_48 = tpu.memref_slice %arg4[%mul3A_25, %dma_start3A_47] : memref<81920x128xf32, #tpu.memory_space<hbm>> -> memref<128x128xf32, #tpu.memory_space<hbm>>
        %dma_start3A_49 = arith.constant 0 : i32
        %dma_start3A_50 = tpu.memref_slice %arg4[%mul3A_25, %dma_start3A_49] : memref<81920x128xf32, #tpu.memory_space<hbm>> -> memref<128x128xf32, #tpu.memory_space<hbm>>
        tpu.enqueue_dma source(%arg7 : memref<128x128xf32, #tpu.memory_space<vmem>>) target(%dma_start3A_50 : memref<128x128xf32, #tpu.memory_space<hbm>>) target_semaphore(%run_scoped3A : memref<!tpu.dma_semaphore, #tpu.memory_space<semaphore_mem>>)
        %dma_wait3A_51 = arith.constant 0 : i32
        %dma_wait3A_52 = tpu.memref_slice %arg4[%mul3A_25, %dma_wait3A_51] : memref<81920x128xf32, #tpu.memory_space<hbm>> -> memref<128x128xf32, #tpu.memory_space<hbm>>
        %dma_wait3A_53 = arith.constant 0 : i32
        %dma_wait3A_54 = tpu.memref_slice %arg4[%mul3A_25, %dma_wait3A_53] : memref<81920x128xf32, #tpu.memory_space<hbm>> -> memref<128x128xf32, #tpu.memory_space<hbm>>
        tpu.wait_dma2 semaphore(%run_scoped3A : memref<!tpu.dma_semaphore, #tpu.memory_space<semaphore_mem>>) src(%arg7 : memref<128x128xf32, #tpu.memory_space<vmem>>) dst(%dma_wait3A_54 : memref<128x128xf32, #tpu.memory_space<hbm>>)
        tpu.yield
      }) : () -> ()
      %add3A_26 = arith.constant 2 : i32
      %add3A_27 = arith.addi %add3A_20, %add3A_26 : i32
      %lt3A = arith.constant 20 : i32
      %lt3A_28 = arith.cmpi slt, %add3A_27, %lt3A : i32
      %convert_element_type3A = arith.extui %lt3A_28 : i1 to i32
      %cond3A = arith.constant 0 : i32
      %cond3A_29 = arith.cmpi ne, %convert_element_type3A, %cond3A : i32
      scf.if %cond3A_29 {
        %add3A_47 = arith.constant 2 : i32
        %add3A_48 = arith.addi %add3A_21, %add3A_47 : i32
        "tpu.region"() ({
          %run_scoped3A = tpu.sem_alloc : memref<!tpu.dma_semaphore, #tpu.memory_space<semaphore_mem>>
          %dma_start3A_52 = arith.constant 0 : i32
          %dma_start3A_53 = tpu.memref_slice %arg3[%add3A_48, %dma_start3A_52] : memref<640x128xi32, #tpu.memory_space<hbm>> -> memref<1x128xi32, #tpu.memory_space<hbm>>
          %dma_start3A_54 = tpu.memref_squeeze %dma_start3A_53 : memref<1x128xi32, #tpu.memory_space<hbm>> -> memref<128xi32, #tpu.memory_space<hbm>>
          %dma_start3A_55 = arith.constant 0 : i32
          %dma_start3A_56 = tpu.memref_slice %arg3[%add3A_48, %dma_start3A_55] : memref<640x128xi32, #tpu.memory_space<hbm>> -> memref<1x128xi32, #tpu.memory_space<hbm>>
          %dma_start3A_57 = tpu.memref_squeeze %dma_start3A_56 : memref<1x128xi32, #tpu.memory_space<hbm>> -> memref<128xi32, #tpu.memory_space<hbm>>
          tpu.enqueue_dma source(%dma_start3A_57 : memref<128xi32, #tpu.memory_space<hbm>>) target(%arg5 : memref<128xi32, #tpu.memory_space<vmem>>) target_semaphore(%run_scoped3A : memref<!tpu.dma_semaphore, #tpu.memory_space<semaphore_mem>>)
          %dma_wait3A_58 = arith.constant 0 : i32
          %dma_wait3A_59 = tpu.memref_slice %arg3[%add3A_48, %dma_wait3A_58] : memref<640x128xi32, #tpu.memory_space<hbm>> -> memref<1x128xi32, #tpu.memory_space<hbm>>
          %dma_wait3A_60 = tpu.memref_squeeze %dma_wait3A_59 : memref<1x128xi32, #tpu.memory_space<hbm>> -> memref<128xi32, #tpu.memory_space<hbm>>
          %dma_wait3A_61 = arith.constant 0 : i32
          %dma_wait3A_62 = tpu.memref_slice %arg3[%add3A_48, %dma_wait3A_61] : memref<640x128xi32, #tpu.memory_space<hbm>> -> memref<1x128xi32, #tpu.memory_space<hbm>>
          %dma_wait3A_63 = tpu.memref_squeeze %dma_wait3A_62 : memref<1x128xi32, #tpu.memory_space<hbm>> -> memref<128xi32, #tpu.memory_space<hbm>>
          tpu.wait_dma2 semaphore(%run_scoped3A : memref<!tpu.dma_semaphore, #tpu.memory_space<semaphore_mem>>) src(%dma_wait3A_63 : memref<128xi32, #tpu.memory_space<hbm>>) dst(%arg5 : memref<128xi32, #tpu.memory_space<vmem>>)
          tpu.yield
        }) : () -> ()
        %dma_start3A_49 = arith.constant 0 : i32
        %dma_start3A_50 = arith.constant 0 : i32
        %dma_start3A_51 = tpu.memref_slice %arg2[%dma_start3A_49, %dma_start3A_50] : memref<16384x128xf32, #tpu.memory_space<hbm>> -> memref<16384x128xf32, #tpu.memory_space<hbm>>
        tpu.enqueue_indirect_dma source(%dma_start3A_51 : memref<16384x128xf32, #tpu.memory_space<hbm>>) target(%arg7 : memref<128x128xf32, #tpu.memory_space<vmem>>) offsets(%arg5 : memref<128xi32, #tpu.memory_space<vmem>>) semaphore(%arg9 : memref<!tpu.dma_semaphore, #tpu.memory_space<semaphore_mem>>)
      } else {
      }
      %mul3A_30 = arith.constant 2 : i32
      %mul3A_31 = arith.muli %scan3A_16, %mul3A_30 : i32
      %add3A_32 = arith.constant 1 : i32
      %add3A_33 = arith.addi %mul3A_31, %add3A_32 : i32
      %add3A_34 = arith.addi %mul3A_2, %add3A_33 : i32
      %dma_wait3A_35 = arith.constant 0 : i32
      %dma_wait3A_36 = arith.constant 0 : i32
      %dma_wait3A_37 = tpu.memref_slice %arg2[%dma_wait3A_35, %dma_wait3A_36] : memref<16384x128xf32, #tpu.memory_space<hbm>> -> memref<16384x128xf32, #tpu.memory_space<hbm>>
      tpu.wait_indirect_dma semaphore(%arg10 : memref<!tpu.dma_semaphore, #tpu.memory_space<semaphore_mem>>) src(%dma_wait3A_37 : memref<16384x128xf32, #tpu.memory_space<hbm>>) dst(%arg8 : memref<128x128xf32, #tpu.memory_space<vmem>>)
      %mul3A_38 = arith.constant 128 : i32
      %mul3A_39 = arith.muli %add3A_34, %mul3A_38 : i32
      "tpu.region"() ({
        %run_scoped3A = tpu.sem_alloc : memref<!tpu.dma_semaphore, #tpu.memory_space<semaphore_mem>>
        %dma_start3A_47 = arith.constant 0 : i32
        %dma_start3A_48 = tpu.memref_slice %arg4[%mul3A_39, %dma_start3A_47] : memref<81920x128xf32, #tpu.memory_space<hbm>> -> memref<128x128xf32, #tpu.memory_space<hbm>>
        %dma_start3A_49 = arith.constant 0 : i32
        %dma_start3A_50 = tpu.memref_slice %arg4[%mul3A_39, %dma_start3A_49] : memref<81920x128xf32, #tpu.memory_space<hbm>> -> memref<128x128xf32, #tpu.memory_space<hbm>>
        tpu.enqueue_dma source(%arg8 : memref<128x128xf32, #tpu.memory_space<vmem>>) target(%dma_start3A_50 : memref<128x128xf32, #tpu.memory_space<hbm>>) target_semaphore(%run_scoped3A : memref<!tpu.dma_semaphore, #tpu.memory_space<semaphore_mem>>)
        %dma_wait3A_51 = arith.constant 0 : i32
        %dma_wait3A_52 = tpu.memref_slice %arg4[%mul3A_39, %dma_wait3A_51] : memref<81920x128xf32, #tpu.memory_space<hbm>> -> memref<128x128xf32, #tpu.memory_space<hbm>>
        %dma_wait3A_53 = arith.constant 0 : i32
        %dma_wait3A_54 = tpu.memref_slice %arg4[%mul3A_39, %dma_wait3A_53] : memref<81920x128xf32, #tpu.memory_space<hbm>> -> memref<128x128xf32, #tpu.memory_space<hbm>>
        tpu.wait_dma2 semaphore(%run_scoped3A : memref<!tpu.dma_semaphore, #tpu.memory_space<semaphore_mem>>) src(%arg8 : memref<128x128xf32, #tpu.memory_space<vmem>>) dst(%dma_wait3A_54 : memref<128x128xf32, #tpu.memory_space<hbm>>)
        tpu.yield
      }) : () -> ()
      %add3A_40 = arith.constant 2 : i32
      %add3A_41 = arith.addi %add3A_33, %add3A_40 : i32
      %lt3A_42 = arith.constant 20 : i32
      %lt3A_43 = arith.cmpi slt, %add3A_41, %lt3A_42 : i32
      %convert_element_type3A_44 = arith.extui %lt3A_43 : i1 to i32
      %cond3A_45 = arith.constant 0 : i32
      %cond3A_46 = arith.cmpi ne, %convert_element_type3A_44, %cond3A_45 : i32
      scf.if %cond3A_46 {
        %add3A_47 = arith.constant 2 : i32
        %add3A_48 = arith.addi %add3A_34, %add3A_47 : i32
        "tpu.region"() ({
          %run_scoped3A = tpu.sem_alloc : memref<!tpu.dma_semaphore, #tpu.memory_space<semaphore_mem>>
          %dma_start3A_52 = arith.constant 0 : i32
          %dma_start3A_53 = tpu.memref_slice %arg3[%add3A_48, %dma_start3A_52] : memref<640x128xi32, #tpu.memory_space<hbm>> -> memref<1x128xi32, #tpu.memory_space<hbm>>
          %dma_start3A_54 = tpu.memref_squeeze %dma_start3A_53 : memref<1x128xi32, #tpu.memory_space<hbm>> -> memref<128xi32, #tpu.memory_space<hbm>>
          %dma_start3A_55 = arith.constant 0 : i32
          %dma_start3A_56 = tpu.memref_slice %arg3[%add3A_48, %dma_start3A_55] : memref<640x128xi32, #tpu.memory_space<hbm>> -> memref<1x128xi32, #tpu.memory_space<hbm>>
          %dma_start3A_57 = tpu.memref_squeeze %dma_start3A_56 : memref<1x128xi32, #tpu.memory_space<hbm>> -> memref<128xi32, #tpu.memory_space<hbm>>
          tpu.enqueue_dma source(%dma_start3A_57 : memref<128xi32, #tpu.memory_space<hbm>>) target(%arg6 : memref<128xi32, #tpu.memory_space<vmem>>) target_semaphore(%run_scoped3A : memref<!tpu.dma_semaphore, #tpu.memory_space<semaphore_mem>>)
          %dma_wait3A_58 = arith.constant 0 : i32
          %dma_wait3A_59 = tpu.memref_slice %arg3[%add3A_48, %dma_wait3A_58] : memref<640x128xi32, #tpu.memory_space<hbm>> -> memref<1x128xi32, #tpu.memory_space<hbm>>
          %dma_wait3A_60 = tpu.memref_squeeze %dma_wait3A_59 : memref<1x128xi32, #tpu.memory_space<hbm>> -> memref<128xi32, #tpu.memory_space<hbm>>
          %dma_wait3A_61 = arith.constant 0 : i32
          %dma_wait3A_62 = tpu.memref_slice %arg3[%add3A_48, %dma_wait3A_61] : memref<640x128xi32, #tpu.memory_space<hbm>> -> memref<1x128xi32, #tpu.memory_space<hbm>>
          %dma_wait3A_63 = tpu.memref_squeeze %dma_wait3A_62 : memref<1x128xi32, #tpu.memory_space<hbm>> -> memref<128xi32, #tpu.memory_space<hbm>>
          tpu.wait_dma2 semaphore(%run_scoped3A : memref<!tpu.dma_semaphore, #tpu.memory_space<semaphore_mem>>) src(%dma_wait3A_63 : memref<128xi32, #tpu.memory_space<hbm>>) dst(%arg6 : memref<128xi32, #tpu.memory_space<vmem>>)
          tpu.yield
        }) : () -> ()
        %dma_start3A_49 = arith.constant 0 : i32
        %dma_start3A_50 = arith.constant 0 : i32
        %dma_start3A_51 = tpu.memref_slice %arg2[%dma_start3A_49, %dma_start3A_50] : memref<16384x128xf32, #tpu.memory_space<hbm>> -> memref<16384x128xf32, #tpu.memory_space<hbm>>
        tpu.enqueue_indirect_dma source(%dma_start3A_51 : memref<16384x128xf32, #tpu.memory_space<hbm>>) target(%arg8 : memref<128x128xf32, #tpu.memory_space<vmem>>) offsets(%arg6 : memref<128xi32, #tpu.memory_space<vmem>>) semaphore(%arg10 : memref<!tpu.dma_semaphore, #tpu.memory_space<semaphore_mem>>)
      } else {
      }
    }
    %scan3A_15 = arith.constant 10 : i32
    return
  }
}

#map = affine_map<(d0, d1) -> (0, 0)>
module attributes {stable_mosaic.version = 14 : i64} {
  func.func @_gather_body(%arg0: i32, %arg1: i32, %arg2: memref<16384x128xf32, #tpu.memory_space<hbm>>, %arg3: memref<640x128xi32, #tpu.memory_space<hbm>>, %arg4: memref<81920x128xf32, #tpu.memory_space<hbm>>, %arg5: memref<128xi32, #tpu.memory_space<vmem>>, %arg6: memref<128xi32, #tpu.memory_space<vmem>>, %arg7: memref<128x128xf32, #tpu.memory_space<vmem>>, %arg8: memref<128x128xf32, #tpu.memory_space<vmem>>, %arg9: memref<!tpu.dma_semaphore, #tpu.memory_space<semaphore_mem>>, %arg10: memref<!tpu.dma_semaphore, #tpu.memory_space<semaphore_mem>>) attributes {dimension_semantics = [#tpu.dimension_semantics<core_parallel>, #tpu.dimension_semantics<subcore_parallel>], iteration_bounds = array<i64: 2, 16>, scalar_prefetch = 0 : i64, scratch_operands = 6 : i64, tpu.core_type = #tpu.core_type<sc_vector_subcore>, window_params = [{transform_indices = #map}, {transform_indices = #map}, {transform_indices = #map}]} {
    %mul3A = arith.constant 2 : i32
    %mul3A_0 = arith.muli %arg1, %mul3A : i32
    %add3A = arith.addi %mul3A_0, %arg0 : i32
    %mul3A_1 = arith.constant 20 : i32
    %mul3A_2 = arith.muli %add3A, %mul3A_1 : i32
    %add3A_3 = arith.constant 0 : i32
    %add3A_4 = arith.addi %mul3A_2, %add3A_3 : i32
    "tpu.region"() ({
      %run_scoped3A = tpu.sem_alloc : memref<!tpu.dma_semaphore, #tpu.memory_space<semaphore_mem>>
      %dma_start3A_16 = arith.constant 0 : i32
      %dma_start3A_17 = tpu.memref_slice %arg3[%add3A_4, %dma_start3A_16] : memref<640x128xi32, #tpu.memory_space<hbm>> -> memref<1x128xi32, #tpu.memory_space<hbm>>
      %dma_start3A_18 = tpu.memref_squeeze %dma_start3A_17 : memref<1x128xi32, #tpu.memory_space<hbm>> -> memref<128xi32, #tpu.memory_space<hbm>>
      %dma_start3A_19 = arith.constant 0 : i32
      %dma_start3A_20 = tpu.memref_slice %arg3[%add3A_4, %dma_start3A_19] : memref<640x128xi32, #tpu.memory_space<hbm>> -> memref<1x128xi32, #tpu.memory_space<hbm>>
      %dma_start3A_21 = tpu.memref_squeeze %dma_start3A_20 : memref<1x128xi32, #tpu.memory_space<hbm>> -> memref<128xi32, #tpu.memory_space<hbm>>
      tpu.enqueue_dma source(%dma_start3A_21 : memref<128xi32, #tpu.memory_space<hbm>>) target(%arg5 : memref<128xi32, #tpu.memory_space<vmem>>) target_semaphore(%run_scoped3A : memref<!tpu.dma_semaphore, #tpu.memory_space<semaphore_mem>>)
      %dma_wait3A = arith.constant 0 : i32
      %dma_wait3A_22 = tpu.memref_slice %arg3[%add3A_4, %dma_wait3A] : memref<640x128xi32, #tpu.memory_space<hbm>> -> memref<1x128xi32, #tpu.memory_space<hbm>>
      %dma_wait3A_23 = tpu.memref_squeeze %dma_wait3A_22 : memref<1x128xi32, #tpu.memory_space<hbm>> -> memref<128xi32, #tpu.memory_space<hbm>>
      %dma_wait3A_24 = arith.constant 0 : i32
      %dma_wait3A_25 = tpu.memref_slice %arg3[%add3A_4, %dma_wait3A_24] : memref<640x128xi32, #tpu.memory_space<hbm>> -> memref<1x128xi32, #tpu.memory_space<hbm>>
      %dma_wait3A_26 = tpu.memref_squeeze %dma_wait3A_25 : memref<1x128xi32, #tpu.memory_space<hbm>> -> memref<128xi32, #tpu.memory_space<hbm>>
      tpu.wait_dma2 semaphore(%run_scoped3A : memref<!tpu.dma_semaphore, #tpu.memory_space<semaphore_mem>>) src(%dma_wait3A_26 : memref<128xi32, #tpu.memory_space<hbm>>) dst(%arg5 : memref<128xi32, #tpu.memory_space<vmem>>)
      tpu.yield
    }) : () -> ()
    %dma_start3A = arith.constant 0 : i32
    %dma_start3A_5 = arith.constant 0 : i32
    %dma_start3A_6 = tpu.memref_slice %arg2[%dma_start3A, %dma_start3A_5] : memref<16384x128xf32, #tpu.memory_space<hbm>> -> memref<16384x128xf32, #tpu.memory_space<hbm>>
    tpu.enqueue_indirect_dma source(%dma_start3A_6 : memref<16384x128xf32, #tpu.memory_space<hbm>>) target(%arg7 : memref<128x128xf32, #tpu.memory_space<vmem>>) offsets(%arg5 : memref<128xi32, #tpu.memory_space<vmem>>) semaphore(%arg9 : memref<!tpu.dma_semaphore, #tpu.memory_space<semaphore_mem>>)
    %add3A_7 = arith.constant 1 : i32
    %add3A_8 = arith.addi %mul3A_2, %add3A_7 : i32
    "tpu.region"() ({
      %run_scoped3A = tpu.sem_alloc : memref<!tpu.dma_semaphore, #tpu.memory_space<semaphore_mem>>
      %dma_start3A_16 = arith.constant 0 : i32
      %dma_start3A_17 = tpu.memref_slice %arg3[%add3A_8, %dma_start3A_16] : memref<640x128xi32, #tpu.memory_space<hbm>> -> memref<1x128xi32, #tpu.memory_space<hbm>>
      %dma_start3A_18 = tpu.memref_squeeze %dma_start3A_17 : memref<1x128xi32, #tpu.memory_space<hbm>> -> memref<128xi32, #tpu.memory_space<hbm>>
      %dma_start3A_19 = arith.constant 0 : i32
      %dma_start3A_20 = tpu.memref_slice %arg3[%add3A_8, %dma_start3A_19] : memref<640x128xi32, #tpu.memory_space<hbm>> -> memref<1x128xi32, #tpu.memory_space<hbm>>
      %dma_start3A_21 = tpu.memref_squeeze %dma_start3A_20 : memref<1x128xi32, #tpu.memory_space<hbm>> -> memref<128xi32, #tpu.memory_space<hbm>>
      tpu.enqueue_dma source(%dma_start3A_21 : memref<128xi32, #tpu.memory_space<hbm>>) target(%arg6 : memref<128xi32, #tpu.memory_space<vmem>>) target_semaphore(%run_scoped3A : memref<!tpu.dma_semaphore, #tpu.memory_space<semaphore_mem>>)
      %dma_wait3A = arith.constant 0 : i32
      %dma_wait3A_22 = tpu.memref_slice %arg3[%add3A_8, %dma_wait3A] : memref<640x128xi32, #tpu.memory_space<hbm>> -> memref<1x128xi32, #tpu.memory_space<hbm>>
      %dma_wait3A_23 = tpu.memref_squeeze %dma_wait3A_22 : memref<1x128xi32, #tpu.memory_space<hbm>> -> memref<128xi32, #tpu.memory_space<hbm>>
      %dma_wait3A_24 = arith.constant 0 : i32
      %dma_wait3A_25 = tpu.memref_slice %arg3[%add3A_8, %dma_wait3A_24] : memref<640x128xi32, #tpu.memory_space<hbm>> -> memref<1x128xi32, #tpu.memory_space<hbm>>
      %dma_wait3A_26 = tpu.memref_squeeze %dma_wait3A_25 : memref<1x128xi32, #tpu.memory_space<hbm>> -> memref<128xi32, #tpu.memory_space<hbm>>
      tpu.wait_dma2 semaphore(%run_scoped3A : memref<!tpu.dma_semaphore, #tpu.memory_space<semaphore_mem>>) src(%dma_wait3A_26 : memref<128xi32, #tpu.memory_space<hbm>>) dst(%arg6 : memref<128xi32, #tpu.memory_space<vmem>>)
      tpu.yield
    }) : () -> ()
    %dma_start3A_9 = arith.constant 0 : i32
    %dma_start3A_10 = arith.constant 0 : i32
    %dma_start3A_11 = tpu.memref_slice %arg2[%dma_start3A_9, %dma_start3A_10] : memref<16384x128xf32, #tpu.memory_space<hbm>> -> memref<16384x128xf32, #tpu.memory_space<hbm>>
    tpu.enqueue_indirect_dma source(%dma_start3A_11 : memref<16384x128xf32, #tpu.memory_space<hbm>>) target(%arg8 : memref<128x128xf32, #tpu.memory_space<vmem>>) offsets(%arg6 : memref<128xi32, #tpu.memory_space<vmem>>) semaphore(%arg10 : memref<!tpu.dma_semaphore, #tpu.memory_space<semaphore_mem>>)
    %scan3A = arith.constant 0 : i32
    %scan3A_12 = arith.constant 10 : i32
    %scan3A_13 = arith.addi %scan3A, %scan3A_12 : i32
    %scan3A_14 = arith.constant 1 : i32
    scf.for %scan3A_16 = %scan3A to %scan3A_13 step %scan3A_14  : i32 {
      %mul3A_17 = arith.constant 2 : i32
      %mul3A_18 = arith.muli %scan3A_16, %mul3A_17 : i32
      %add3A_19 = arith.constant 0 : i32
      %add3A_20 = arith.addi %mul3A_18, %add3A_19 : i32
      %add3A_21 = arith.addi %mul3A_2, %add3A_20 : i32
      %dma_wait3A = arith.constant 0 : i32
      %dma_wait3A_22 = arith.constant 0 : i32
      %dma_wait3A_23 = tpu.memref_slice %arg2[%dma_wait3A, %dma_wait3A_22] : memref<16384x128xf32, #tpu.memory_space<hbm>> -> memref<16384x128xf32, #tpu.memory_space<hbm>>
      tpu.wait_indirect_dma semaphore(%arg9 : memref<!tpu.dma_semaphore, #tpu.memory_space<semaphore_mem>>) src(%dma_wait3A_23 : memref<16384x128xf32, #tpu.memory_space<hbm>>) dst(%arg7 : memref<128x128xf32, #tpu.memory_space<vmem>>)
      %mul3A_24 = arith.constant 128 : i32
      %mul3A_25 = arith.muli %add3A_21, %mul3A_24 : i32
      "tpu.region"() ({
        %run_scoped3A = tpu.sem_alloc : memref<!tpu.dma_semaphore, #tpu.memory_space<semaphore_mem>>
        %dma_start3A_47 = arith.constant 0 : i32
        %dma_start3A_48 = tpu.memref_slice %arg4[%mul3A_25, %dma_start3A_47] : memref<81920x128xf32, #tpu.memory_space<hbm>> -> memref<128x128xf32, #tpu.memory_space<hbm>>
        %dma_start3A_49 = arith.constant 0 : i32
        %dma_start3A_50 = tpu.memref_slice %arg4[%mul3A_25, %dma_start3A_49] : memref<81920x128xf32, #tpu.memory_space<hbm>> -> memref<128x128xf32, #tpu.memory_space<hbm>>
        tpu.enqueue_dma source(%arg7 : memref<128x128xf32, #tpu.memory_space<vmem>>) target(%dma_start3A_50 : memref<128x128xf32, #tpu.memory_space<hbm>>) target_semaphore(%run_scoped3A : memref<!tpu.dma_semaphore, #tpu.memory_space<semaphore_mem>>)
        %dma_wait3A_51 = arith.constant 0 : i32
        %dma_wait3A_52 = tpu.memref_slice %arg4[%mul3A_25, %dma_wait3A_51] : memref<81920x128xf32, #tpu.memory_space<hbm>> -> memref<128x128xf32, #tpu.memory_space<hbm>>
        %dma_wait3A_53 = arith.constant 0 : i32
        %dma_wait3A_54 = tpu.memref_slice %arg4[%mul3A_25, %dma_wait3A_53] : memref<81920x128xf32, #tpu.memory_space<hbm>> -> memref<128x128xf32, #tpu.memory_space<hbm>>
        tpu.wait_dma2 semaphore(%run_scoped3A : memref<!tpu.dma_semaphore, #tpu.memory_space<semaphore_mem>>) src(%arg7 : memref<128x128xf32, #tpu.memory_space<vmem>>) dst(%dma_wait3A_54 : memref<128x128xf32, #tpu.memory_space<hbm>>)
        tpu.yield
      }) : () -> ()
      %add3A_26 = arith.constant 2 : i32
      %add3A_27 = arith.addi %add3A_20, %add3A_26 : i32
      %lt3A = arith.constant 20 : i32
      %lt3A_28 = arith.cmpi slt, %add3A_27, %lt3A : i32
      %convert_element_type3A = arith.extui %lt3A_28 : i1 to i32
      %cond3A = arith.constant 0 : i32
      %cond3A_29 = arith.cmpi ne, %convert_element_type3A, %cond3A : i32
      scf.if %cond3A_29 {
        %add3A_47 = arith.constant 2 : i32
        %add3A_48 = arith.addi %add3A_21, %add3A_47 : i32
        "tpu.region"() ({
          %run_scoped3A = tpu.sem_alloc : memref<!tpu.dma_semaphore, #tpu.memory_space<semaphore_mem>>
          %dma_start3A_52 = arith.constant 0 : i32
          %dma_start3A_53 = tpu.memref_slice %arg3[%add3A_48, %dma_start3A_52] : memref<640x128xi32, #tpu.memory_space<hbm>> -> memref<1x128xi32, #tpu.memory_space<hbm>>
          %dma_start3A_54 = tpu.memref_squeeze %dma_start3A_53 : memref<1x128xi32, #tpu.memory_space<hbm>> -> memref<128xi32, #tpu.memory_space<hbm>>
          %dma_start3A_55 = arith.constant 0 : i32
          %dma_start3A_56 = tpu.memref_slice %arg3[%add3A_48, %dma_start3A_55] : memref<640x128xi32, #tpu.memory_space<hbm>> -> memref<1x128xi32, #tpu.memory_space<hbm>>
          %dma_start3A_57 = tpu.memref_squeeze %dma_start3A_56 : memref<1x128xi32, #tpu.memory_space<hbm>> -> memref<128xi32, #tpu.memory_space<hbm>>
          tpu.enqueue_dma source(%dma_start3A_57 : memref<128xi32, #tpu.memory_space<hbm>>) target(%arg5 : memref<128xi32, #tpu.memory_space<vmem>>) target_semaphore(%run_scoped3A : memref<!tpu.dma_semaphore, #tpu.memory_space<semaphore_mem>>)
          %dma_wait3A_58 = arith.constant 0 : i32
          %dma_wait3A_59 = tpu.memref_slice %arg3[%add3A_48, %dma_wait3A_58] : memref<640x128xi32, #tpu.memory_space<hbm>> -> memref<1x128xi32, #tpu.memory_space<hbm>>
          %dma_wait3A_60 = tpu.memref_squeeze %dma_wait3A_59 : memref<1x128xi32, #tpu.memory_space<hbm>> -> memref<128xi32, #tpu.memory_space<hbm>>
          %dma_wait3A_61 = arith.constant 0 : i32
          %dma_wait3A_62 = tpu.memref_slice %arg3[%add3A_48, %dma_wait3A_61] : memref<640x128xi32, #tpu.memory_space<hbm>> -> memref<1x128xi32, #tpu.memory_space<hbm>>
          %dma_wait3A_63 = tpu.memref_squeeze %dma_wait3A_62 : memref<1x128xi32, #tpu.memory_space<hbm>> -> memref<128xi32, #tpu.memory_space<hbm>>
          tpu.wait_dma2 semaphore(%run_scoped3A : memref<!tpu.dma_semaphore, #tpu.memory_space<semaphore_mem>>) src(%dma_wait3A_63 : memref<128xi32, #tpu.memory_space<hbm>>) dst(%arg5 : memref<128xi32, #tpu.memory_space<vmem>>)
          tpu.yield
        }) : () -> ()
        %dma_start3A_49 = arith.constant 0 : i32
        %dma_start3A_50 = arith.constant 0 : i32
        %dma_start3A_51 = tpu.memref_slice %arg2[%dma_start3A_49, %dma_start3A_50] : memref<16384x128xf32, #tpu.memory_space<hbm>> -> memref<16384x128xf32, #tpu.memory_space<hbm>>
        tpu.enqueue_indirect_dma source(%dma_start3A_51 : memref<16384x128xf32, #tpu.memory_space<hbm>>) target(%arg7 : memref<128x128xf32, #tpu.memory_space<vmem>>) offsets(%arg5 : memref<128xi32, #tpu.memory_space<vmem>>) semaphore(%arg9 : memref<!tpu.dma_semaphore, #tpu.memory_space<semaphore_mem>>)
      } else {
      }
      %mul3A_30 = arith.constant 2 : i32
      %mul3A_31 = arith.muli %scan3A_16, %mul3A_30 : i32
      %add3A_32 = arith.constant 1 : i32
      %add3A_33 = arith.addi %mul3A_31, %add3A_32 : i32
      %add3A_34 = arith.addi %mul3A_2, %add3A_33 : i32
      %dma_wait3A_35 = arith.constant 0 : i32
      %dma_wait3A_36 = arith.constant 0 : i32
      %dma_wait3A_37 = tpu.memref_slice %arg2[%dma_wait3A_35, %dma_wait3A_36] : memref<16384x128xf32, #tpu.memory_space<hbm>> -> memref<16384x128xf32, #tpu.memory_space<hbm>>
      tpu.wait_indirect_dma semaphore(%arg10 : memref<!tpu.dma_semaphore, #tpu.memory_space<semaphore_mem>>) src(%dma_wait3A_37 : memref<16384x128xf32, #tpu.memory_space<hbm>>) dst(%arg8 : memref<128x128xf32, #tpu.memory_space<vmem>>)
      %mul3A_38 = arith.constant 128 : i32
      %mul3A_39 = arith.muli %add3A_34, %mul3A_38 : i32
      "tpu.region"() ({
        %run_scoped3A = tpu.sem_alloc : memref<!tpu.dma_semaphore, #tpu.memory_space<semaphore_mem>>
        %dma_start3A_47 = arith.constant 0 : i32
        %dma_start3A_48 = tpu.memref_slice %arg4[%mul3A_39, %dma_start3A_47] : memref<81920x128xf32, #tpu.memory_space<hbm>> -> memref<128x128xf32, #tpu.memory_space<hbm>>
        %dma_start3A_49 = arith.constant 0 : i32
        %dma_start3A_50 = tpu.memref_slice %arg4[%mul3A_39, %dma_start3A_49] : memref<81920x128xf32, #tpu.memory_space<hbm>> -> memref<128x128xf32, #tpu.memory_space<hbm>>
        tpu.enqueue_dma source(%arg8 : memref<128x128xf32, #tpu.memory_space<vmem>>) target(%dma_start3A_50 : memref<128x128xf32, #tpu.memory_space<hbm>>) target_semaphore(%run_scoped3A : memref<!tpu.dma_semaphore, #tpu.memory_space<semaphore_mem>>)
        %dma_wait3A_51 = arith.constant 0 : i32
        %dma_wait3A_52 = tpu.memref_slice %arg4[%mul3A_39, %dma_wait3A_51] : memref<81920x128xf32, #tpu.memory_space<hbm>> -> memref<128x128xf32, #tpu.memory_space<hbm>>
        %dma_wait3A_53 = arith.constant 0 : i32
        %dma_wait3A_54 = tpu.memref_slice %arg4[%mul3A_39, %dma_wait3A_53] : memref<81920x128xf32, #tpu.memory_space<hbm>> -> memref<128x128xf32, #tpu.memory_space<hbm>>
        tpu.wait_dma2 semaphore(%run_scoped3A : memref<!tpu.dma_semaphore, #tpu.memory_space<semaphore_mem>>) src(%arg8 : memref<128x128xf32, #tpu.memory_space<vmem>>) dst(%dma_wait3A_54 : memref<128x128xf32, #tpu.memory_space<hbm>>)
        tpu.yield
      }) : () -> ()
      %add3A_40 = arith.constant 2 : i32
      %add3A_41 = arith.addi %add3A_33, %add3A_40 : i32
      %lt3A_42 = arith.constant 20 : i32
      %lt3A_43 = arith.cmpi slt, %add3A_41, %lt3A_42 : i32
      %convert_element_type3A_44 = arith.extui %lt3A_43 : i1 to i32
      %cond3A_45 = arith.constant 0 : i32
      %cond3A_46 = arith.cmpi ne, %convert_element_type3A_44, %cond3A_45 : i32
      scf.if %cond3A_46 {
        %add3A_47 = arith.constant 2 : i32
        %add3A_48 = arith.addi %add3A_34, %add3A_47 : i32
        "tpu.region"() ({
          %run_scoped3A = tpu.sem_alloc : memref<!tpu.dma_semaphore, #tpu.memory_space<semaphore_mem>>
          %dma_start3A_52 = arith.constant 0 : i32
          %dma_start3A_53 = tpu.memref_slice %arg3[%add3A_48, %dma_start3A_52] : memref<640x128xi32, #tpu.memory_space<hbm>> -> memref<1x128xi32, #tpu.memory_space<hbm>>
          %dma_start3A_54 = tpu.memref_squeeze %dma_start3A_53 : memref<1x128xi32, #tpu.memory_space<hbm>> -> memref<128xi32, #tpu.memory_space<hbm>>
          %dma_start3A_55 = arith.constant 0 : i32
          %dma_start3A_56 = tpu.memref_slice %arg3[%add3A_48, %dma_start3A_55] : memref<640x128xi32, #tpu.memory_space<hbm>> -> memref<1x128xi32, #tpu.memory_space<hbm>>
          %dma_start3A_57 = tpu.memref_squeeze %dma_start3A_56 : memref<1x128xi32, #tpu.memory_space<hbm>> -> memref<128xi32, #tpu.memory_space<hbm>>
          tpu.enqueue_dma source(%dma_start3A_57 : memref<128xi32, #tpu.memory_space<hbm>>) target(%arg6 : memref<128xi32, #tpu.memory_space<vmem>>) target_semaphore(%run_scoped3A : memref<!tpu.dma_semaphore, #tpu.memory_space<semaphore_mem>>)
          %dma_wait3A_58 = arith.constant 0 : i32
          %dma_wait3A_59 = tpu.memref_slice %arg3[%add3A_48, %dma_wait3A_58] : memref<640x128xi32, #tpu.memory_space<hbm>> -> memref<1x128xi32, #tpu.memory_space<hbm>>
          %dma_wait3A_60 = tpu.memref_squeeze %dma_wait3A_59 : memref<1x128xi32, #tpu.memory_space<hbm>> -> memref<128xi32, #tpu.memory_space<hbm>>
          %dma_wait3A_61 = arith.constant 0 : i32
          %dma_wait3A_62 = tpu.memref_slice %arg3[%add3A_48, %dma_wait3A_61] : memref<640x128xi32, #tpu.memory_space<hbm>> -> memref<1x128xi32, #tpu.memory_space<hbm>>
          %dma_wait3A_63 = tpu.memref_squeeze %dma_wait3A_62 : memref<1x128xi32, #tpu.memory_space<hbm>> -> memref<128xi32, #tpu.memory_space<hbm>>
          tpu.wait_dma2 semaphore(%run_scoped3A : memref<!tpu.dma_semaphore, #tpu.memory_space<semaphore_mem>>) src(%dma_wait3A_63 : memref<128xi32, #tpu.memory_space<hbm>>) dst(%arg6 : memref<128xi32, #tpu.memory_space<vmem>>)
          tpu.yield
        }) : () -> ()
        %dma_start3A_49 = arith.constant 0 : i32
        %dma_start3A_50 = arith.constant 0 : i32
        %dma_start3A_51 = tpu.memref_slice %arg2[%dma_start3A_49, %dma_start3A_50] : memref<16384x128xf32, #tpu.memory_space<hbm>> -> memref<16384x128xf32, #tpu.memory_space<hbm>>
        tpu.enqueue_indirect_dma source(%dma_start3A_51 : memref<16384x128xf32, #tpu.memory_space<hbm>>) target(%arg8 : memref<128x128xf32, #tpu.memory_space<vmem>>) offsets(%arg6 : memref<128xi32, #tpu.memory_space<vmem>>) semaphore(%arg10 : memref<!tpu.dma_semaphore, #tpu.memory_space<semaphore_mem>>)
      } else {
      }
    }
    %scan3A_15 = arith.constant 10 : i32
    return
  }
}

#map = affine_map<(d0, d1) -> (0, 0)>
module attributes {stable_mosaic.version = 14 : i64} {
  func.func @_gather_body(%arg0: i32, %arg1: i32, %arg2: memref<16384x128xf32, #tpu.memory_space<hbm>>, %arg3: memref<640x128xi32, #tpu.memory_space<hbm>>, %arg4: memref<81920x128xf32, #tpu.memory_space<hbm>>, %arg5: memref<128xi32, #tpu.memory_space<vmem>>, %arg6: memref<128xi32, #tpu.memory_space<vmem>>, %arg7: memref<128x128xf32, #tpu.memory_space<vmem>>, %arg8: memref<128x128xf32, #tpu.memory_space<vmem>>, %arg9: memref<!tpu.dma_semaphore, #tpu.memory_space<semaphore_mem>>, %arg10: memref<!tpu.dma_semaphore, #tpu.memory_space<semaphore_mem>>) attributes {dimension_semantics = [#tpu.dimension_semantics<core_parallel>, #tpu.dimension_semantics<subcore_parallel>], iteration_bounds = array<i64: 2, 16>, scalar_prefetch = 0 : i64, scratch_operands = 6 : i64, tpu.core_type = #tpu.core_type<sc_vector_subcore>, window_params = [{transform_indices = #map}, {transform_indices = #map}, {transform_indices = #map}]} {
    %mul3A = arith.constant 2 : i32
    %mul3A_0 = arith.muli %arg1, %mul3A : i32
    %add3A = arith.addi %mul3A_0, %arg0 : i32
    %mul3A_1 = arith.constant 20 : i32
    %mul3A_2 = arith.muli %add3A, %mul3A_1 : i32
    %add3A_3 = arith.constant 0 : i32
    %add3A_4 = arith.addi %mul3A_2, %add3A_3 : i32
    "tpu.region"() ({
      %run_scoped3A = tpu.sem_alloc : memref<!tpu.dma_semaphore, #tpu.memory_space<semaphore_mem>>
      %dma_start3A_16 = arith.constant 0 : i32
      %dma_start3A_17 = tpu.memref_slice %arg3[%add3A_4, %dma_start3A_16] : memref<640x128xi32, #tpu.memory_space<hbm>> -> memref<1x128xi32, #tpu.memory_space<hbm>>
      %dma_start3A_18 = tpu.memref_squeeze %dma_start3A_17 : memref<1x128xi32, #tpu.memory_space<hbm>> -> memref<128xi32, #tpu.memory_space<hbm>>
      %dma_start3A_19 = arith.constant 0 : i32
      %dma_start3A_20 = tpu.memref_slice %arg3[%add3A_4, %dma_start3A_19] : memref<640x128xi32, #tpu.memory_space<hbm>> -> memref<1x128xi32, #tpu.memory_space<hbm>>
      %dma_start3A_21 = tpu.memref_squeeze %dma_start3A_20 : memref<1x128xi32, #tpu.memory_space<hbm>> -> memref<128xi32, #tpu.memory_space<hbm>>
      tpu.enqueue_dma source(%dma_start3A_21 : memref<128xi32, #tpu.memory_space<hbm>>) target(%arg5 : memref<128xi32, #tpu.memory_space<vmem>>) target_semaphore(%run_scoped3A : memref<!tpu.dma_semaphore, #tpu.memory_space<semaphore_mem>>)
      %dma_wait3A = arith.constant 0 : i32
      %dma_wait3A_22 = tpu.memref_slice %arg3[%add3A_4, %dma_wait3A] : memref<640x128xi32, #tpu.memory_space<hbm>> -> memref<1x128xi32, #tpu.memory_space<hbm>>
      %dma_wait3A_23 = tpu.memref_squeeze %dma_wait3A_22 : memref<1x128xi32, #tpu.memory_space<hbm>> -> memref<128xi32, #tpu.memory_space<hbm>>
      %dma_wait3A_24 = arith.constant 0 : i32
      %dma_wait3A_25 = tpu.memref_slice %arg3[%add3A_4, %dma_wait3A_24] : memref<640x128xi32, #tpu.memory_space<hbm>> -> memref<1x128xi32, #tpu.memory_space<hbm>>
      %dma_wait3A_26 = tpu.memref_squeeze %dma_wait3A_25 : memref<1x128xi32, #tpu.memory_space<hbm>> -> memref<128xi32, #tpu.memory_space<hbm>>
      tpu.wait_dma2 semaphore(%run_scoped3A : memref<!tpu.dma_semaphore, #tpu.memory_space<semaphore_mem>>) src(%dma_wait3A_26 : memref<128xi32, #tpu.memory_space<hbm>>) dst(%arg5 : memref<128xi32, #tpu.memory_space<vmem>>)
      tpu.yield
    }) : () -> ()
    %dma_start3A = arith.constant 0 : i32
    %dma_start3A_5 = arith.constant 0 : i32
    %dma_start3A_6 = tpu.memref_slice %arg2[%dma_start3A, %dma_start3A_5] : memref<16384x128xf32, #tpu.memory_space<hbm>> -> memref<16384x128xf32, #tpu.memory_space<hbm>>
    tpu.enqueue_indirect_dma source(%dma_start3A_6 : memref<16384x128xf32, #tpu.memory_space<hbm>>) target(%arg7 : memref<128x128xf32, #tpu.memory_space<vmem>>) offsets(%arg5 : memref<128xi32, #tpu.memory_space<vmem>>) semaphore(%arg9 : memref<!tpu.dma_semaphore, #tpu.memory_space<semaphore_mem>>)
    %add3A_7 = arith.constant 1 : i32
    %add3A_8 = arith.addi %mul3A_2, %add3A_7 : i32
    "tpu.region"() ({
      %run_scoped3A = tpu.sem_alloc : memref<!tpu.dma_semaphore, #tpu.memory_space<semaphore_mem>>
      %dma_start3A_16 = arith.constant 0 : i32
      %dma_start3A_17 = tpu.memref_slice %arg3[%add3A_8, %dma_start3A_16] : memref<640x128xi32, #tpu.memory_space<hbm>> -> memref<1x128xi32, #tpu.memory_space<hbm>>
      %dma_start3A_18 = tpu.memref_squeeze %dma_start3A_17 : memref<1x128xi32, #tpu.memory_space<hbm>> -> memref<128xi32, #tpu.memory_space<hbm>>
      %dma_start3A_19 = arith.constant 0 : i32
      %dma_start3A_20 = tpu.memref_slice %arg3[%add3A_8, %dma_start3A_19] : memref<640x128xi32, #tpu.memory_space<hbm>> -> memref<1x128xi32, #tpu.memory_space<hbm>>
      %dma_start3A_21 = tpu.memref_squeeze %dma_start3A_20 : memref<1x128xi32, #tpu.memory_space<hbm>> -> memref<128xi32, #tpu.memory_space<hbm>>
      tpu.enqueue_dma source(%dma_start3A_21 : memref<128xi32, #tpu.memory_space<hbm>>) target(%arg6 : memref<128xi32, #tpu.memory_space<vmem>>) target_semaphore(%run_scoped3A : memref<!tpu.dma_semaphore, #tpu.memory_space<semaphore_mem>>)
      %dma_wait3A = arith.constant 0 : i32
      %dma_wait3A_22 = tpu.memref_slice %arg3[%add3A_8, %dma_wait3A] : memref<640x128xi32, #tpu.memory_space<hbm>> -> memref<1x128xi32, #tpu.memory_space<hbm>>
      %dma_wait3A_23 = tpu.memref_squeeze %dma_wait3A_22 : memref<1x128xi32, #tpu.memory_space<hbm>> -> memref<128xi32, #tpu.memory_space<hbm>>
      %dma_wait3A_24 = arith.constant 0 : i32
      %dma_wait3A_25 = tpu.memref_slice %arg3[%add3A_8, %dma_wait3A_24] : memref<640x128xi32, #tpu.memory_space<hbm>> -> memref<1x128xi32, #tpu.memory_space<hbm>>
      %dma_wait3A_26 = tpu.memref_squeeze %dma_wait3A_25 : memref<1x128xi32, #tpu.memory_space<hbm>> -> memref<128xi32, #tpu.memory_space<hbm>>
      tpu.wait_dma2 semaphore(%run_scoped3A : memref<!tpu.dma_semaphore, #tpu.memory_space<semaphore_mem>>) src(%dma_wait3A_26 : memref<128xi32, #tpu.memory_space<hbm>>) dst(%arg6 : memref<128xi32, #tpu.memory_space<vmem>>)
      tpu.yield
    }) : () -> ()
    %dma_start3A_9 = arith.constant 0 : i32
    %dma_start3A_10 = arith.constant 0 : i32
    %dma_start3A_11 = tpu.memref_slice %arg2[%dma_start3A_9, %dma_start3A_10] : memref<16384x128xf32, #tpu.memory_space<hbm>> -> memref<16384x128xf32, #tpu.memory_space<hbm>>
    tpu.enqueue_indirect_dma source(%dma_start3A_11 : memref<16384x128xf32, #tpu.memory_space<hbm>>) target(%arg8 : memref<128x128xf32, #tpu.memory_space<vmem>>) offsets(%arg6 : memref<128xi32, #tpu.memory_space<vmem>>) semaphore(%arg10 : memref<!tpu.dma_semaphore, #tpu.memory_space<semaphore_mem>>)
    %scan3A = arith.constant 0 : i32
    %scan3A_12 = arith.constant 10 : i32
    %scan3A_13 = arith.addi %scan3A, %scan3A_12 : i32
    %scan3A_14 = arith.constant 1 : i32
    scf.for %scan3A_16 = %scan3A to %scan3A_13 step %scan3A_14  : i32 {
      %mul3A_17 = arith.constant 2 : i32
      %mul3A_18 = arith.muli %scan3A_16, %mul3A_17 : i32
      %add3A_19 = arith.constant 0 : i32
      %add3A_20 = arith.addi %mul3A_18, %add3A_19 : i32
      %add3A_21 = arith.addi %mul3A_2, %add3A_20 : i32
      %dma_wait3A = arith.constant 0 : i32
      %dma_wait3A_22 = arith.constant 0 : i32
      %dma_wait3A_23 = tpu.memref_slice %arg2[%dma_wait3A, %dma_wait3A_22] : memref<16384x128xf32, #tpu.memory_space<hbm>> -> memref<16384x128xf32, #tpu.memory_space<hbm>>
      tpu.wait_indirect_dma semaphore(%arg9 : memref<!tpu.dma_semaphore, #tpu.memory_space<semaphore_mem>>) src(%dma_wait3A_23 : memref<16384x128xf32, #tpu.memory_space<hbm>>) dst(%arg7 : memref<128x128xf32, #tpu.memory_space<vmem>>)
      %mul3A_24 = arith.constant 128 : i32
      %mul3A_25 = arith.muli %add3A_21, %mul3A_24 : i32
      "tpu.region"() ({
        %run_scoped3A = tpu.sem_alloc : memref<!tpu.dma_semaphore, #tpu.memory_space<semaphore_mem>>
        %dma_start3A_47 = arith.constant 0 : i32
        %dma_start3A_48 = tpu.memref_slice %arg4[%mul3A_25, %dma_start3A_47] : memref<81920x128xf32, #tpu.memory_space<hbm>> -> memref<128x128xf32, #tpu.memory_space<hbm>>
        %dma_start3A_49 = arith.constant 0 : i32
        %dma_start3A_50 = tpu.memref_slice %arg4[%mul3A_25, %dma_start3A_49] : memref<81920x128xf32, #tpu.memory_space<hbm>> -> memref<128x128xf32, #tpu.memory_space<hbm>>
        tpu.enqueue_dma source(%arg7 : memref<128x128xf32, #tpu.memory_space<vmem>>) target(%dma_start3A_50 : memref<128x128xf32, #tpu.memory_space<hbm>>) target_semaphore(%run_scoped3A : memref<!tpu.dma_semaphore, #tpu.memory_space<semaphore_mem>>)
        %dma_wait3A_51 = arith.constant 0 : i32
        %dma_wait3A_52 = tpu.memref_slice %arg4[%mul3A_25, %dma_wait3A_51] : memref<81920x128xf32, #tpu.memory_space<hbm>> -> memref<128x128xf32, #tpu.memory_space<hbm>>
        %dma_wait3A_53 = arith.constant 0 : i32
        %dma_wait3A_54 = tpu.memref_slice %arg4[%mul3A_25, %dma_wait3A_53] : memref<81920x128xf32, #tpu.memory_space<hbm>> -> memref<128x128xf32, #tpu.memory_space<hbm>>
        tpu.wait_dma2 semaphore(%run_scoped3A : memref<!tpu.dma_semaphore, #tpu.memory_space<semaphore_mem>>) src(%arg7 : memref<128x128xf32, #tpu.memory_space<vmem>>) dst(%dma_wait3A_54 : memref<128x128xf32, #tpu.memory_space<hbm>>)
        tpu.yield
      }) : () -> ()
      %add3A_26 = arith.constant 2 : i32
      %add3A_27 = arith.addi %add3A_20, %add3A_26 : i32
      %lt3A = arith.constant 20 : i32
      %lt3A_28 = arith.cmpi slt, %add3A_27, %lt3A : i32
      %convert_element_type3A = arith.extui %lt3A_28 : i1 to i32
      %cond3A = arith.constant 0 : i32
      %cond3A_29 = arith.cmpi ne, %convert_element_type3A, %cond3A : i32
      scf.if %cond3A_29 {
        %add3A_47 = arith.constant 2 : i32
        %add3A_48 = arith.addi %add3A_21, %add3A_47 : i32
        "tpu.region"() ({
          %run_scoped3A = tpu.sem_alloc : memref<!tpu.dma_semaphore, #tpu.memory_space<semaphore_mem>>
          %dma_start3A_52 = arith.constant 0 : i32
          %dma_start3A_53 = tpu.memref_slice %arg3[%add3A_48, %dma_start3A_52] : memref<640x128xi32, #tpu.memory_space<hbm>> -> memref<1x128xi32, #tpu.memory_space<hbm>>
          %dma_start3A_54 = tpu.memref_squeeze %dma_start3A_53 : memref<1x128xi32, #tpu.memory_space<hbm>> -> memref<128xi32, #tpu.memory_space<hbm>>
          %dma_start3A_55 = arith.constant 0 : i32
          %dma_start3A_56 = tpu.memref_slice %arg3[%add3A_48, %dma_start3A_55] : memref<640x128xi32, #tpu.memory_space<hbm>> -> memref<1x128xi32, #tpu.memory_space<hbm>>
          %dma_start3A_57 = tpu.memref_squeeze %dma_start3A_56 : memref<1x128xi32, #tpu.memory_space<hbm>> -> memref<128xi32, #tpu.memory_space<hbm>>
          tpu.enqueue_dma source(%dma_start3A_57 : memref<128xi32, #tpu.memory_space<hbm>>) target(%arg5 : memref<128xi32, #tpu.memory_space<vmem>>) target_semaphore(%run_scoped3A : memref<!tpu.dma_semaphore, #tpu.memory_space<semaphore_mem>>)
          %dma_wait3A_58 = arith.constant 0 : i32
          %dma_wait3A_59 = tpu.memref_slice %arg3[%add3A_48, %dma_wait3A_58] : memref<640x128xi32, #tpu.memory_space<hbm>> -> memref<1x128xi32, #tpu.memory_space<hbm>>
          %dma_wait3A_60 = tpu.memref_squeeze %dma_wait3A_59 : memref<1x128xi32, #tpu.memory_space<hbm>> -> memref<128xi32, #tpu.memory_space<hbm>>
          %dma_wait3A_61 = arith.constant 0 : i32
          %dma_wait3A_62 = tpu.memref_slice %arg3[%add3A_48, %dma_wait3A_61] : memref<640x128xi32, #tpu.memory_space<hbm>> -> memref<1x128xi32, #tpu.memory_space<hbm>>
          %dma_wait3A_63 = tpu.memref_squeeze %dma_wait3A_62 : memref<1x128xi32, #tpu.memory_space<hbm>> -> memref<128xi32, #tpu.memory_space<hbm>>
          tpu.wait_dma2 semaphore(%run_scoped3A : memref<!tpu.dma_semaphore, #tpu.memory_space<semaphore_mem>>) src(%dma_wait3A_63 : memref<128xi32, #tpu.memory_space<hbm>>) dst(%arg5 : memref<128xi32, #tpu.memory_space<vmem>>)
          tpu.yield
        }) : () -> ()
        %dma_start3A_49 = arith.constant 0 : i32
        %dma_start3A_50 = arith.constant 0 : i32
        %dma_start3A_51 = tpu.memref_slice %arg2[%dma_start3A_49, %dma_start3A_50] : memref<16384x128xf32, #tpu.memory_space<hbm>> -> memref<16384x128xf32, #tpu.memory_space<hbm>>
        tpu.enqueue_indirect_dma source(%dma_start3A_51 : memref<16384x128xf32, #tpu.memory_space<hbm>>) target(%arg7 : memref<128x128xf32, #tpu.memory_space<vmem>>) offsets(%arg5 : memref<128xi32, #tpu.memory_space<vmem>>) semaphore(%arg9 : memref<!tpu.dma_semaphore, #tpu.memory_space<semaphore_mem>>)
      } else {
      }
      %mul3A_30 = arith.constant 2 : i32
      %mul3A_31 = arith.muli %scan3A_16, %mul3A_30 : i32
      %add3A_32 = arith.constant 1 : i32
      %add3A_33 = arith.addi %mul3A_31, %add3A_32 : i32
      %add3A_34 = arith.addi %mul3A_2, %add3A_33 : i32
      %dma_wait3A_35 = arith.constant 0 : i32
      %dma_wait3A_36 = arith.constant 0 : i32
      %dma_wait3A_37 = tpu.memref_slice %arg2[%dma_wait3A_35, %dma_wait3A_36] : memref<16384x128xf32, #tpu.memory_space<hbm>> -> memref<16384x128xf32, #tpu.memory_space<hbm>>
      tpu.wait_indirect_dma semaphore(%arg10 : memref<!tpu.dma_semaphore, #tpu.memory_space<semaphore_mem>>) src(%dma_wait3A_37 : memref<16384x128xf32, #tpu.memory_space<hbm>>) dst(%arg8 : memref<128x128xf32, #tpu.memory_space<vmem>>)
      %mul3A_38 = arith.constant 128 : i32
      %mul3A_39 = arith.muli %add3A_34, %mul3A_38 : i32
      "tpu.region"() ({
        %run_scoped3A = tpu.sem_alloc : memref<!tpu.dma_semaphore, #tpu.memory_space<semaphore_mem>>
        %dma_start3A_47 = arith.constant 0 : i32
        %dma_start3A_48 = tpu.memref_slice %arg4[%mul3A_39, %dma_start3A_47] : memref<81920x128xf32, #tpu.memory_space<hbm>> -> memref<128x128xf32, #tpu.memory_space<hbm>>
        %dma_start3A_49 = arith.constant 0 : i32
        %dma_start3A_50 = tpu.memref_slice %arg4[%mul3A_39, %dma_start3A_49] : memref<81920x128xf32, #tpu.memory_space<hbm>> -> memref<128x128xf32, #tpu.memory_space<hbm>>
        tpu.enqueue_dma source(%arg8 : memref<128x128xf32, #tpu.memory_space<vmem>>) target(%dma_start3A_50 : memref<128x128xf32, #tpu.memory_space<hbm>>) target_semaphore(%run_scoped3A : memref<!tpu.dma_semaphore, #tpu.memory_space<semaphore_mem>>)
        %dma_wait3A_51 = arith.constant 0 : i32
        %dma_wait3A_52 = tpu.memref_slice %arg4[%mul3A_39, %dma_wait3A_51] : memref<81920x128xf32, #tpu.memory_space<hbm>> -> memref<128x128xf32, #tpu.memory_space<hbm>>
        %dma_wait3A_53 = arith.constant 0 : i32
        %dma_wait3A_54 = tpu.memref_slice %arg4[%mul3A_39, %dma_wait3A_53] : memref<81920x128xf32, #tpu.memory_space<hbm>> -> memref<128x128xf32, #tpu.memory_space<hbm>>
        tpu.wait_dma2 semaphore(%run_scoped3A : memref<!tpu.dma_semaphore, #tpu.memory_space<semaphore_mem>>) src(%arg8 : memref<128x128xf32, #tpu.memory_space<vmem>>) dst(%dma_wait3A_54 : memref<128x128xf32, #tpu.memory_space<hbm>>)
        tpu.yield
      }) : () -> ()
      %add3A_40 = arith.constant 2 : i32
      %add3A_41 = arith.addi %add3A_33, %add3A_40 : i32
      %lt3A_42 = arith.constant 20 : i32
      %lt3A_43 = arith.cmpi slt, %add3A_41, %lt3A_42 : i32
      %convert_element_type3A_44 = arith.extui %lt3A_43 : i1 to i32
      %cond3A_45 = arith.constant 0 : i32
      %cond3A_46 = arith.cmpi ne, %convert_element_type3A_44, %cond3A_45 : i32
      scf.if %cond3A_46 {
        %add3A_47 = arith.constant 2 : i32
        %add3A_48 = arith.addi %add3A_34, %add3A_47 : i32
        "tpu.region"() ({
          %run_scoped3A = tpu.sem_alloc : memref<!tpu.dma_semaphore, #tpu.memory_space<semaphore_mem>>
          %dma_start3A_52 = arith.constant 0 : i32
          %dma_start3A_53 = tpu.memref_slice %arg3[%add3A_48, %dma_start3A_52] : memref<640x128xi32, #tpu.memory_space<hbm>> -> memref<1x128xi32, #tpu.memory_space<hbm>>
          %dma_start3A_54 = tpu.memref_squeeze %dma_start3A_53 : memref<1x128xi32, #tpu.memory_space<hbm>> -> memref<128xi32, #tpu.memory_space<hbm>>
          %dma_start3A_55 = arith.constant 0 : i32
          %dma_start3A_56 = tpu.memref_slice %arg3[%add3A_48, %dma_start3A_55] : memref<640x128xi32, #tpu.memory_space<hbm>> -> memref<1x128xi32, #tpu.memory_space<hbm>>
          %dma_start3A_57 = tpu.memref_squeeze %dma_start3A_56 : memref<1x128xi32, #tpu.memory_space<hbm>> -> memref<128xi32, #tpu.memory_space<hbm>>
          tpu.enqueue_dma source(%dma_start3A_57 : memref<128xi32, #tpu.memory_space<hbm>>) target(%arg6 : memref<128xi32, #tpu.memory_space<vmem>>) target_semaphore(%run_scoped3A : memref<!tpu.dma_semaphore, #tpu.memory_space<semaphore_mem>>)
          %dma_wait3A_58 = arith.constant 0 : i32
          %dma_wait3A_59 = tpu.memref_slice %arg3[%add3A_48, %dma_wait3A_58] : memref<640x128xi32, #tpu.memory_space<hbm>> -> memref<1x128xi32, #tpu.memory_space<hbm>>
          %dma_wait3A_60 = tpu.memref_squeeze %dma_wait3A_59 : memref<1x128xi32, #tpu.memory_space<hbm>> -> memref<128xi32, #tpu.memory_space<hbm>>
          %dma_wait3A_61 = arith.constant 0 : i32
          %dma_wait3A_62 = tpu.memref_slice %arg3[%add3A_48, %dma_wait3A_61] : memref<640x128xi32, #tpu.memory_space<hbm>> -> memref<1x128xi32, #tpu.memory_space<hbm>>
          %dma_wait3A_63 = tpu.memref_squeeze %dma_wait3A_62 : memref<1x128xi32, #tpu.memory_space<hbm>> -> memref<128xi32, #tpu.memory_space<hbm>>
          tpu.wait_dma2 semaphore(%run_scoped3A : memref<!tpu.dma_semaphore, #tpu.memory_space<semaphore_mem>>) src(%dma_wait3A_63 : memref<128xi32, #tpu.memory_space<hbm>>) dst(%arg6 : memref<128xi32, #tpu.memory_space<vmem>>)
          tpu.yield
        }) : () -> ()
        %dma_start3A_49 = arith.constant 0 : i32
        %dma_start3A_50 = arith.constant 0 : i32
        %dma_start3A_51 = tpu.memref_slice %arg2[%dma_start3A_49, %dma_start3A_50] : memref<16384x128xf32, #tpu.memory_space<hbm>> -> memref<16384x128xf32, #tpu.memory_space<hbm>>
        tpu.enqueue_indirect_dma source(%dma_start3A_51 : memref<16384x128xf32, #tpu.memory_space<hbm>>) target(%arg8 : memref<128x128xf32, #tpu.memory_space<vmem>>) offsets(%arg6 : memref<128xi32, #tpu.memory_space<vmem>>) semaphore(%arg10 : memref<!tpu.dma_semaphore, #tpu.memory_space<semaphore_mem>>)
      } else {
      }
    }
    %scan3A_15 = arith.constant 10 : i32
    return
  }
}

module attributes {stable_mosaic.version = 14 : i64} {
  func.func @_uv_body(%arg0: i32, %arg1: memref<1x64x2048xf32, #tpu.memory_space<vmem>>, %arg2: memref<64x128xf32, #tpu.memory_space<vmem>>, %arg3: memref<2048x128xf32, #tpu.memory_space<vmem>>, %arg4: memref<2048x64xf32, #tpu.memory_space<vmem>>) attributes {dimension_semantics = [#tpu.dimension_semantics<arbitrary>], iteration_bounds = array<i64: 8>, scalar_prefetch = 0 : i64, scratch_operands = 0 : i64, tpu.core_type = #tpu.core_type<tc>, window_params = [{transform_indices = @transform_0, window_bounds = array<i64: 1, 64, 2048>}, {pipeline_mode = #tpu.pipeline_mode<synchronous>, transform_indices = @transform_1, window_bounds = array<i64: 64, 128>}, {transform_indices = @transform_2, window_bounds = array<i64: 2048, 128>}, {transform_indices = @transform_3, window_bounds = array<i64: 2048, 64>}]} {
    %get3A = arith.constant 0 : index
    %get3A_0 = arith.constant 0 : index
    %get3A_1 = arith.constant 0 : index
    %get3A_2 = vector.load %arg1[%get3A, %get3A_0, %get3A_1] : memref<1x64x2048xf32, #tpu.memory_space<vmem>>, vector<1x64x2048xf32>
    %get3A_3 = vector.shape_cast %get3A_2 : vector<1x64x2048xf32> to vector<64x2048xf32>
    %get3A_4 = arith.constant 0 : index
    %get3A_5 = arith.constant 0 : index
    %get3A_6 = vector.load %arg2[%get3A_4, %get3A_5] : memref<64x128xf32, #tpu.memory_space<vmem>>, vector<64x64xf32>
    %get3A_7 = arith.constant 0 : index
    %get3A_8 = arith.constant 64 : index
    %get3A_9 = vector.load %arg2[%get3A_7, %get3A_8] : memref<64x128xf32, #tpu.memory_space<vmem>>, vector<64x64xf32>
    %sub3A = arith.subf %get3A_9, %get3A_6 : vector<64x64xf32>
    %dot_general3A = arith.constant dense<0.000000e+00> : vector<2048x64xf32>
    %dot_general3A_10 = tpu.matmul %get3A_3, %get3A_6, %dot_general3A {dimension_numbers = #tpu.dot_dimension_numbers<[0], [1], [1], [0], [0, 1, 1, 0], [], []>, transpose_lhs_hint = false} : vector<64x2048xf32>, vector<64x64xf32>, vector<2048x64xf32> -> vector<2048x64xf32>
    %swap3A = arith.constant 0 : index
    %swap3A_11 = arith.constant 0 : index
    %swap3A_12 = vector.load %arg3[%swap3A, %swap3A_11] : memref<2048x128xf32, #tpu.memory_space<vmem>>, vector<2048x64xf32>
    tpu.vector_store %arg3[%swap3A, %swap3A_11], %dot_general3A_10 {strides = array<i32>} : memref<2048x128xf32, #tpu.memory_space<vmem>>, vector<2048x64xf32>,
    %mul3A = arith.mulf %dot_general3A_10, %dot_general3A_10 : vector<2048x64xf32>
    %swap3A_13 = arith.constant 0 : index
    %swap3A_14 = arith.constant 64 : index
    %swap3A_15 = vector.load %arg3[%swap3A_13, %swap3A_14] : memref<2048x128xf32, #tpu.memory_space<vmem>>, vector<2048x64xf32>
    tpu.vector_store %arg3[%swap3A_13, %swap3A_14], %mul3A {strides = array<i32>} : memref<2048x128xf32, #tpu.memory_space<vmem>>, vector<2048x64xf32>,
    %dot_general3A_16 = arith.constant dense<0.000000e+00> : vector<2048x64xf32>
    %dot_general3A_17 = tpu.matmul %get3A_3, %sub3A, %dot_general3A_16 {dimension_numbers = #tpu.dot_dimension_numbers<[0], [1], [1], [0], [0, 1, 1, 0], [], []>, transpose_lhs_hint = false} : vector<64x2048xf32>, vector<64x64xf32>, vector<2048x64xf32> -> vector<2048x64xf32>
    %swap3A_18 = arith.constant 0 : index
    %swap3A_19 = arith.constant 0 : index
    %swap3A_20 = vector.load %arg4[%swap3A_18, %swap3A_19] : memref<2048x64xf32, #tpu.memory_space<vmem>>, vector<2048x64xf32>
    tpu.vector_store %arg4[%swap3A_18, %swap3A_19], %dot_general3A_17 {strides = array<i32>} : memref<2048x64xf32, #tpu.memory_space<vmem>>, vector<2048x64xf32>,
    return
  }
  func.func @transform_0(%arg0: i32) -> (i32, i32, i32) {
    %c0_i32 = arith.constant 0 : i32
    %c0_i32_0 = arith.constant 0 : i32
    %c0_i32_1 = arith.constant 0 : i32
    return %arg0, %c0_i32, %c0_i32_0 : i32, i32, i32
  }
  func.func @transform_1(%arg0: i32) -> (i32, i32) {
    %c0_i32 = arith.constant 0 : i32
    %c0_i32_0 = arith.constant 0 : i32
    %c0_i32_1 = arith.constant 0 : i32
    return %c0_i32, %c0_i32_0 : i32, i32
  }
  func.func @transform_2(%arg0: i32) -> (i32, i32) {
    %c0_i32 = arith.constant 0 : i32
    %c0_i32_0 = arith.constant 0 : i32
    return %arg0, %c0_i32 : i32, i32
  }
  func.func @transform_3(%arg0: i32) -> (i32, i32) {
    %c0_i32 = arith.constant 0 : i32
    %c0_i32_0 = arith.constant 0 : i32
    return %arg0, %c0_i32 : i32, i32
  }
}

module attributes {stable_mosaic.version = 14 : i64} {
  func.func @_knn_body(%arg0: i32, %arg1: i32, %arg2: memref<1x64x2048xf32, #tpu.memory_space<vmem>>, %arg3: memref<1x24x256xi32, #tpu.memory_space<vmem>>) attributes {dimension_semantics = [#tpu.dimension_semantics<arbitrary>, #tpu.dimension_semantics<arbitrary>], iteration_bounds = array<i64: 2, 8>, scalar_prefetch = 0 : i64, scratch_operands = 0 : i64, tpu.core_type = #tpu.core_type<tc>, window_params = [{transform_indices = @transform_0, window_bounds = array<i64: 1, 64, 2048>}, {transform_indices = @transform_1, window_bounds = array<i64: 1, 24, 256>}]} {
    %get3A = arith.constant 0 : index
    %get3A_0 = arith.constant 0 : index
    %get3A_1 = arith.constant 0 : index
    %get3A_2 = vector.load %arg2[%get3A, %get3A_0, %get3A_1] : memref<1x64x2048xf32, #tpu.memory_space<vmem>>, vector<1x64x2048xf32>
    %get3A_3 = vector.shape_cast %get3A_2 : vector<1x64x2048xf32> to vector<64x2048xf32>
    %mul3A = arith.constant 256 : i32
    %mul3A_4 = arith.muli %arg1, %mul3A : i32
    %get3A_5 = arith.constant 0 : index
    %get3A_6 = arith.constant 0 : index
    %get3A_7 = arith.index_cast %mul3A_4 : i32 to index
    %get3A_8 = vector.load %arg2[%get3A_5, %get3A_6, %get3A_7] : memref<1x64x2048xf32, #tpu.memory_space<vmem>>, vector<1x64x256xf32>
    %get3A_9 = vector.shape_cast %get3A_8 : vector<1x64x256xf32> to vector<64x256xf32>
    %mul3A_10 = arith.mulf %get3A_3, %get3A_3 : vector<64x2048xf32>
    %reduce_sum3A = arith.constant dense<0.000000e+00> : vector<2048xf32>
    %reduce_sum3A_11 = vector.multi_reduction <add>, %mul3A_10, %reduce_sum3A [0] : vector<64x2048xf32> to vector<2048xf32>
    %broadcast_in_dim3A = vector.shape_cast %reduce_sum3A_11 : vector<2048xf32> to vector<1x2048xf32>
    %dot_general3A = arith.constant dense<0.000000e+00> : vector<256x2048xf32>
    %dot_general3A_12 = tpu.matmul %get3A_9, %get3A_3, %dot_general3A {dimension_numbers = #tpu.dot_dimension_numbers<[0], [0], [1], [1], [0, 1, 1, 1], [], []>, transpose_lhs_hint = false} : vector<64x256xf32>, vector<64x2048xf32>, vector<256x2048xf32> -> vector<256x2048xf32>
    %mul3A_13 = arith.constant 2.000000e+00 : f32
    %mul3A_14 = vector.broadcast %mul3A_13 : f32 to vector<256x2048xf32>
    %mul3A_15 = arith.mulf %mul3A_14, %dot_general3A_12 : vector<256x2048xf32>
    %sub3A = vector.broadcast %broadcast_in_dim3A : vector<1x2048xf32> to vector<256x2048xf32>
    %sub3A_16 = arith.subf %mul3A_15, %sub3A : vector<256x2048xf32>
    %add3A = arith.constant 0 : i32
    %add3A_17 = arith.addi %arg0, %add3A : i32
    %mul3A_18 = arith.constant 2048 : i32
    %mul3A_19 = arith.muli %add3A_17, %mul3A_18 : i32
    %iota3A = tpu.iota {dimensions = array<i32: 1>} : vector<256x2048xi32>
    %argmax3A = tpu.reduce_index %sub3A_16 {axis = 1 : i32, kind = #tpu.reduction_kind<arg_max>} : vector<256x2048xf32> -> vector<256xi32>
    %add3A_20 = vector.broadcast %mul3A_19 : i32 to vector<256xi32>
    %add3A_21 = arith.addi %argmax3A, %add3A_20 : vector<256xi32>
    %swap3A = arith.constant 0 : index
    %swap3A_22 = arith.constant 0 : index
    %swap3A_23 = arith.constant 0 : index
    %swap3A_24 = vector.load %arg3[%swap3A, %swap3A_22, %swap3A_23] : memref<1x24x256xi32, #tpu.memory_space<vmem>>, vector<1x1x256xi32>
    %swap3A_25 = vector.shape_cast %swap3A_24 : vector<1x1x256xi32> to vector<256xi32>
    %swap3A_26 = vector.shape_cast %add3A_21 : vector<256xi32> to vector<1x1x256xi32>
    tpu.vector_store %arg3[%swap3A, %swap3A_22, %swap3A_23], %swap3A_26 {strides = array<i32>} : memref<1x24x256xi32, #tpu.memory_space<vmem>>, vector<1x1x256xi32>,
    %broadcast_in_dim3A_27 = vector.shape_cast %argmax3A : vector<256xi32> to vector<256x1xi32>
    %eq3A = vector.broadcast %broadcast_in_dim3A_27 : vector<256x1xi32> to vector<256x2048xi32>
    %eq3A_28 = arith.cmpi eq, %iota3A, %eq3A : vector<256x2048xi32>
    %jit3A = arith.constant -1.000000e+30 : f32
    %broadcast_in_dim3A_29 = vector.broadcast %jit3A : f32 to vector<256x2048xf32>
    %select_n3A = arith.select %eq3A_28, %broadcast_in_dim3A_29, %sub3A_16 : vector<256x2048xi1>, vector<256x2048xf32>
    %argmax3A_30 = tpu.reduce_index %select_n3A {axis = 1 : i32, kind = #tpu.reduction_kind<arg_max>} : vector<256x2048xf32> -> vector<256xi32>
    %add3A_31 = vector.broadcast %mul3A_19 : i32 to vector<256xi32>
    %add3A_32 = arith.addi %argmax3A_30, %add3A_31 : vector<256xi32>
    %swap3A_33 = arith.constant 0 : index
    %swap3A_34 = arith.constant 1 : index
    %swap3A_35 = arith.constant 0 : index
    %swap3A_36 = vector.load %arg3[%swap3A_33, %swap3A_34, %swap3A_35] : memref<1x24x256xi32, #tpu.memory_space<vmem>>, vector<1x1x256xi32>
    %swap3A_37 = vector.shape_cast %swap3A_36 : vector<1x1x256xi32> to vector<256xi32>
    %swap3A_38 = vector.shape_cast %add3A_32 : vector<256xi32> to vector<1x1x256xi32>
    tpu.vector_store %arg3[%swap3A_33, %swap3A_34, %swap3A_35], %swap3A_38 {strides = array<i32>} : memref<1x24x256xi32, #tpu.memory_space<vmem>>, vector<1x1x256xi32>,
    %broadcast_in_dim3A_39 = vector.shape_cast %argmax3A_30 : vector<256xi32> to vector<256x1xi32>
    %eq3A_40 = vector.broadcast %broadcast_in_dim3A_39 : vector<256x1xi32> to vector<256x2048xi32>
    %eq3A_41 = arith.cmpi eq, %iota3A, %eq3A_40 : vector<256x2048xi32>
    %jit3A_42 = arith.constant -1.000000e+30 : f32
    %broadcast_in_dim3A_43 = vector.broadcast %jit3A_42 : f32 to vector<256x2048xf32>
    %select_n3A_44 = arith.select %eq3A_41, %broadcast_in_dim3A_43, %select_n3A : vector<256x2048xi1>, vector<256x2048xf32>
    %argmax3A_45 = tpu.reduce_index %select_n3A_44 {axis = 1 : i32, kind = #tpu.reduction_kind<arg_max>} : vector<256x2048xf32> -> vector<256xi32>
    %add3A_46 = vector.broadcast %mul3A_19 : i32 to vector<256xi32>
    %add3A_47 = arith.addi %argmax3A_45, %add3A_46 : vector<256xi32>
    %swap3A_48 = arith.constant 0 : index
    %swap3A_49 = arith.constant 2 : index
    %swap3A_50 = arith.constant 0 : index
    %swap3A_51 = vector.load %arg3[%swap3A_48, %swap3A_49, %swap3A_50] : memref<1x24x256xi32, #tpu.memory_space<vmem>>, vector<1x1x256xi32>
    %swap3A_52 = vector.shape_cast %swap3A_51 : vector<1x1x256xi32> to vector<256xi32>
    %swap3A_53 = vector.shape_cast %add3A_47 : vector<256xi32> to vector<1x1x256xi32>
    tpu.vector_store %arg3[%swap3A_48, %swap3A_49, %swap3A_50], %swap3A_53 {strides = array<i32>} : memref<1x24x256xi32, #tpu.memory_space<vmem>>, vector<1x1x256xi32>,
    %broadcast_in_dim3A_54 = vector.shape_cast %argmax3A_45 : vector<256xi32> to vector<256x1xi32>
    %eq3A_55 = vector.broadcast %broadcast_in_dim3A_54 : vector<256x1xi32> to vector<256x2048xi32>
    %eq3A_56 = arith.cmpi eq, %iota3A, %eq3A_55 : vector<256x2048xi32>
    %jit3A_57 = arith.constant -1.000000e+30 : f32
    %broadcast_in_dim3A_58 = vector.broadcast %jit3A_57 : f32 to vector<256x2048xf32>
    %select_n3A_59 = arith.select %eq3A_56, %broadcast_in_dim3A_58, %select_n3A_44 : vector<256x2048xi1>, vector<256x2048xf32>
    %argmax3A_60 = tpu.reduce_index %select_n3A_59 {axis = 1 : i32, kind = #tpu.reduction_kind<arg_max>} : vector<256x2048xf32> -> vector<256xi32>
    %add3A_61 = vector.broadcast %mul3A_19 : i32 to vector<256xi32>
    %add3A_62 = arith.addi %argmax3A_60, %add3A_61 : vector<256xi32>
    %swap3A_63 = arith.constant 0 : index
    %swap3A_64 = arith.constant 3 : index
    %swap3A_65 = arith.constant 0 : index
    %swap3A_66 = vector.load %arg3[%swap3A_63, %swap3A_64, %swap3A_65] : memref<1x24x256xi32, #tpu.memory_space<vmem>>, vector<1x1x256xi32>
    %swap3A_67 = vector.shape_cast %swap3A_66 : vector<1x1x256xi32> to vector<256xi32>
    %swap3A_68 = vector.shape_cast %add3A_62 : vector<256xi32> to vector<1x1x256xi32>
    tpu.vector_store %arg3[%swap3A_63, %swap3A_64, %swap3A_65], %swap3A_68 {strides = array<i32>} : memref<1x24x256xi32, #tpu.memory_space<vmem>>, vector<1x1x256xi32>,
    %broadcast_in_dim3A_69 = vector.shape_cast %argmax3A_60 : vector<256xi32> to vector<256x1xi32>
    %eq3A_70 = vector.broadcast %broadcast_in_dim3A_69 : vector<256x1xi32> to vector<256x2048xi32>
    %eq3A_71 = arith.cmpi eq, %iota3A, %eq3A_70 : vector<256x2048xi32>
    %jit3A_72 = arith.constant -1.000000e+30 : f32
    %broadcast_in_dim3A_73 = vector.broadcast %jit3A_72 : f32 to vector<256x2048xf32>
    %select_n3A_74 = arith.select %eq3A_71, %broadcast_in_dim3A_73, %select_n3A_59 : vector<256x2048xi1>, vector<256x2048xf32>
    %argmax3A_75 = tpu.reduce_index %select_n3A_74 {axis = 1 : i32, kind = #tpu.reduction_kind<arg_max>} : vector<256x2048xf32> -> vector<256xi32>
    %add3A_76 = vector.broadcast %mul3A_19 : i32 to vector<256xi32>
    %add3A_77 = arith.addi %argmax3A_75, %add3A_76 : vector<256xi32>
    %swap3A_78 = arith.constant 0 : index
    %swap3A_79 = arith.constant 4 : index
    %swap3A_80 = arith.constant 0 : index
    %swap3A_81 = vector.load %arg3[%swap3A_78, %swap3A_79, %swap3A_80] : memref<1x24x256xi32, #tpu.memory_space<vmem>>, vector<1x1x256xi32>
    %swap3A_82 = vector.shape_cast %swap3A_81 : vector<1x1x256xi32> to vector<256xi32>
    %swap3A_83 = vector.shape_cast %add3A_77 : vector<256xi32> to vector<1x1x256xi32>
    tpu.vector_store %arg3[%swap3A_78, %swap3A_79, %swap3A_80], %swap3A_83 {strides = array<i32>} : memref<1x24x256xi32, #tpu.memory_space<vmem>>, vector<1x1x256xi32>,
    %broadcast_in_dim3A_84 = vector.shape_cast %argmax3A_75 : vector<256xi32> to vector<256x1xi32>
    %eq3A_85 = vector.broadcast %broadcast_in_dim3A_84 : vector<256x1xi32> to vector<256x2048xi32>
    %eq3A_86 = arith.cmpi eq, %iota3A, %eq3A_85 : vector<256x2048xi32>
    %jit3A_87 = arith.constant -1.000000e+30 : f32
    %broadcast_in_dim3A_88 = vector.broadcast %jit3A_87 : f32 to vector<256x2048xf32>
    %select_n3A_89 = arith.select %eq3A_86, %broadcast_in_dim3A_88, %select_n3A_74 : vector<256x2048xi1>, vector<256x2048xf32>
    %argmax3A_90 = tpu.reduce_index %select_n3A_89 {axis = 1 : i32, kind = #tpu.reduction_kind<arg_max>} : vector<256x2048xf32> -> vector<256xi32>
    %add3A_91 = vector.broadcast %mul3A_19 : i32 to vector<256xi32>
    %add3A_92 = arith.addi %argmax3A_90, %add3A_91 : vector<256xi32>
    %swap3A_93 = arith.constant 0 : index
    %swap3A_94 = arith.constant 5 : index
    %swap3A_95 = arith.constant 0 : index
    %swap3A_96 = vector.load %arg3[%swap3A_93, %swap3A_94, %swap3A_95] : memref<1x24x256xi32, #tpu.memory_space<vmem>>, vector<1x1x256xi32>
    %swap3A_97 = vector.shape_cast %swap3A_96 : vector<1x1x256xi32> to vector<256xi32>
    %swap3A_98 = vector.shape_cast %add3A_92 : vector<256xi32> to vector<1x1x256xi32>
    tpu.vector_store %arg3[%swap3A_93, %swap3A_94, %swap3A_95], %swap3A_98 {strides = array<i32>} : memref<1x24x256xi32, #tpu.memory_space<vmem>>, vector<1x1x256xi32>,
    %broadcast_in_dim3A_99 = vector.shape_cast %argmax3A_90 : vector<256xi32> to vector<256x1xi32>
    %eq3A_100 = vector.broadcast %broadcast_in_dim3A_99 : vector<256x1xi32> to vector<256x2048xi32>
    %eq3A_101 = arith.cmpi eq, %iota3A, %eq3A_100 : vector<256x2048xi32>
    %jit3A_102 = arith.constant -1.000000e+30 : f32
    %broadcast_in_dim3A_103 = vector.broadcast %jit3A_102 : f32 to vector<256x2048xf32>
    %select_n3A_104 = arith.select %eq3A_101, %broadcast_in_dim3A_103, %select_n3A_89 : vector<256x2048xi1>, vector<256x2048xf32>
    %argmax3A_105 = tpu.reduce_index %select_n3A_104 {axis = 1 : i32, kind = #tpu.reduction_kind<arg_max>} : vector<256x2048xf32> -> vector<256xi32>
    %add3A_106 = vector.broadcast %mul3A_19 : i32 to vector<256xi32>
    %add3A_107 = arith.addi %argmax3A_105, %add3A_106 : vector<256xi32>
    %swap3A_108 = arith.constant 0 : index
    %swap3A_109 = arith.constant 6 : index
    %swap3A_110 = arith.constant 0 : index
    %swap3A_111 = vector.load %arg3[%swap3A_108, %swap3A_109, %swap3A_110] : memref<1x24x256xi32, #tpu.memory_space<vmem>>, vector<1x1x256xi32>
    %swap3A_112 = vector.shape_cast %swap3A_111 : vector<1x1x256xi32> to vector<256xi32>
    %swap3A_113 = vector.shape_cast %add3A_107 : vector<256xi32> to vector<1x1x256xi32>
    tpu.vector_store %arg3[%swap3A_108, %swap3A_109, %swap3A_110], %swap3A_113 {strides = array<i32>} : memref<1x24x256xi32, #tpu.memory_space<vmem>>, vector<1x1x256xi32>,
    %broadcast_in_dim3A_114 = vector.shape_cast %argmax3A_105 : vector<256xi32> to vector<256x1xi32>
    %eq3A_115 = vector.broadcast %broadcast_in_dim3A_114 : vector<256x1xi32> to vector<256x2048xi32>
    %eq3A_116 = arith.cmpi eq, %iota3A, %eq3A_115 : vector<256x2048xi32>
    %jit3A_117 = arith.constant -1.000000e+30 : f32
    %broadcast_in_dim3A_118 = vector.broadcast %jit3A_117 : f32 to vector<256x2048xf32>
    %select_n3A_119 = arith.select %eq3A_116, %broadcast_in_dim3A_118, %select_n3A_104 : vector<256x2048xi1>, vector<256x2048xf32>
    %argmax3A_120 = tpu.reduce_index %select_n3A_119 {axis = 1 : i32, kind = #tpu.reduction_kind<arg_max>} : vector<256x2048xf32> -> vector<256xi32>
    %add3A_121 = vector.broadcast %mul3A_19 : i32 to vector<256xi32>
    %add3A_122 = arith.addi %argmax3A_120, %add3A_121 : vector<256xi32>
    %swap3A_123 = arith.constant 0 : index
    %swap3A_124 = arith.constant 7 : index
    %swap3A_125 = arith.constant 0 : index
    %swap3A_126 = vector.load %arg3[%swap3A_123, %swap3A_124, %swap3A_125] : memref<1x24x256xi32, #tpu.memory_space<vmem>>, vector<1x1x256xi32>
    %swap3A_127 = vector.shape_cast %swap3A_126 : vector<1x1x256xi32> to vector<256xi32>
    %swap3A_128 = vector.shape_cast %add3A_122 : vector<256xi32> to vector<1x1x256xi32>
    tpu.vector_store %arg3[%swap3A_123, %swap3A_124, %swap3A_125], %swap3A_128 {strides = array<i32>} : memref<1x24x256xi32, #tpu.memory_space<vmem>>, vector<1x1x256xi32>,
    %broadcast_in_dim3A_129 = vector.shape_cast %argmax3A_120 : vector<256xi32> to vector<256x1xi32>
    %eq3A_130 = vector.broadcast %broadcast_in_dim3A_129 : vector<256x1xi32> to vector<256x2048xi32>
    %eq3A_131 = arith.cmpi eq, %iota3A, %eq3A_130 : vector<256x2048xi32>
    %jit3A_132 = arith.constant -1.000000e+30 : f32
    %broadcast_in_dim3A_133 = vector.broadcast %jit3A_132 : f32 to vector<256x2048xf32>
    %select_n3A_134 = arith.select %eq3A_131, %broadcast_in_dim3A_133, %select_n3A_119 : vector<256x2048xi1>, vector<256x2048xf32>
    %argmax3A_135 = tpu.reduce_index %select_n3A_134 {axis = 1 : i32, kind = #tpu.reduction_kind<arg_max>} : vector<256x2048xf32> -> vector<256xi32>
    %add3A_136 = vector.broadcast %mul3A_19 : i32 to vector<256xi32>
    %add3A_137 = arith.addi %argmax3A_135, %add3A_136 : vector<256xi32>
    %swap3A_138 = arith.constant 0 : index
    %swap3A_139 = arith.constant 8 : index
    %swap3A_140 = arith.constant 0 : index
    %swap3A_141 = vector.load %arg3[%swap3A_138, %swap3A_139, %swap3A_140] : memref<1x24x256xi32, #tpu.memory_space<vmem>>, vector<1x1x256xi32>
    %swap3A_142 = vector.shape_cast %swap3A_141 : vector<1x1x256xi32> to vector<256xi32>
    %swap3A_143 = vector.shape_cast %add3A_137 : vector<256xi32> to vector<1x1x256xi32>
    tpu.vector_store %arg3[%swap3A_138, %swap3A_139, %swap3A_140], %swap3A_143 {strides = array<i32>} : memref<1x24x256xi32, #tpu.memory_space<vmem>>, vector<1x1x256xi32>,
    %broadcast_in_dim3A_144 = vector.shape_cast %argmax3A_135 : vector<256xi32> to vector<256x1xi32>
    %eq3A_145 = vector.broadcast %broadcast_in_dim3A_144 : vector<256x1xi32> to vector<256x2048xi32>
    %eq3A_146 = arith.cmpi eq, %iota3A, %eq3A_145 : vector<256x2048xi32>
    %jit3A_147 = arith.constant -1.000000e+30 : f32
    %broadcast_in_dim3A_148 = vector.broadcast %jit3A_147 : f32 to vector<256x2048xf32>
    %select_n3A_149 = arith.select %eq3A_146, %broadcast_in_dim3A_148, %select_n3A_134 : vector<256x2048xi1>, vector<256x2048xf32>
    %argmax3A_150 = tpu.reduce_index %select_n3A_149 {axis = 1 : i32, kind = #tpu.reduction_kind<arg_max>} : vector<256x2048xf32> -> vector<256xi32>
    %add3A_151 = vector.broadcast %mul3A_19 : i32 to vector<256xi32>
    %add3A_152 = arith.addi %argmax3A_150, %add3A_151 : vector<256xi32>
    %swap3A_153 = arith.constant 0 : index
    %swap3A_154 = arith.constant 9 : index
    %swap3A_155 = arith.constant 0 : index
    %swap3A_156 = vector.load %arg3[%swap3A_153, %swap3A_154, %swap3A_155] : memref<1x24x256xi32, #tpu.memory_space<vmem>>, vector<1x1x256xi32>
    %swap3A_157 = vector.shape_cast %swap3A_156 : vector<1x1x256xi32> to vector<256xi32>
    %swap3A_158 = vector.shape_cast %add3A_152 : vector<256xi32> to vector<1x1x256xi32>
    tpu.vector_store %arg3[%swap3A_153, %swap3A_154, %swap3A_155], %swap3A_158 {strides = array<i32>} : memref<1x24x256xi32, #tpu.memory_space<vmem>>, vector<1x1x256xi32>,
    %broadcast_in_dim3A_159 = vector.shape_cast %argmax3A_150 : vector<256xi32> to vector<256x1xi32>
    %eq3A_160 = vector.broadcast %broadcast_in_dim3A_159 : vector<256x1xi32> to vector<256x2048xi32>
    %eq3A_161 = arith.cmpi eq, %iota3A, %eq3A_160 : vector<256x2048xi32>
    %jit3A_162 = arith.constant -1.000000e+30 : f32
    %broadcast_in_dim3A_163 = vector.broadcast %jit3A_162 : f32 to vector<256x2048xf32>
    %select_n3A_164 = arith.select %eq3A_161, %broadcast_in_dim3A_163, %select_n3A_149 : vector<256x2048xi1>, vector<256x2048xf32>
    %argmax3A_165 = tpu.reduce_index %select_n3A_164 {axis = 1 : i32, kind = #tpu.reduction_kind<arg_max>} : vector<256x2048xf32> -> vector<256xi32>
    %add3A_166 = vector.broadcast %mul3A_19 : i32 to vector<256xi32>
    %add3A_167 = arith.addi %argmax3A_165, %add3A_166 : vector<256xi32>
    %swap3A_168 = arith.constant 0 : index
    %swap3A_169 = arith.constant 10 : index
    %swap3A_170 = arith.constant 0 : index
    %swap3A_171 = vector.load %arg3[%swap3A_168, %swap3A_169, %swap3A_170] : memref<1x24x256xi32, #tpu.memory_space<vmem>>, vector<1x1x256xi32>
    %swap3A_172 = vector.shape_cast %swap3A_171 : vector<1x1x256xi32> to vector<256xi32>
    %swap3A_173 = vector.shape_cast %add3A_167 : vector<256xi32> to vector<1x1x256xi32>
    tpu.vector_store %arg3[%swap3A_168, %swap3A_169, %swap3A_170], %swap3A_173 {strides = array<i32>} : memref<1x24x256xi32, #tpu.memory_space<vmem>>, vector<1x1x256xi32>,
    %broadcast_in_dim3A_174 = vector.shape_cast %argmax3A_165 : vector<256xi32> to vector<256x1xi32>
    %eq3A_175 = vector.broadcast %broadcast_in_dim3A_174 : vector<256x1xi32> to vector<256x2048xi32>
    %eq3A_176 = arith.cmpi eq, %iota3A, %eq3A_175 : vector<256x2048xi32>
    %jit3A_177 = arith.constant -1.000000e+30 : f32
    %broadcast_in_dim3A_178 = vector.broadcast %jit3A_177 : f32 to vector<256x2048xf32>
    %select_n3A_179 = arith.select %eq3A_176, %broadcast_in_dim3A_178, %select_n3A_164 : vector<256x2048xi1>, vector<256x2048xf32>
    %argmax3A_180 = tpu.reduce_index %select_n3A_179 {axis = 1 : i32, kind = #tpu.reduction_kind<arg_max>} : vector<256x2048xf32> -> vector<256xi32>
    %add3A_181 = vector.broadcast %mul3A_19 : i32 to vector<256xi32>
    %add3A_182 = arith.addi %argmax3A_180, %add3A_181 : vector<256xi32>
    %swap3A_183 = arith.constant 0 : index
    %swap3A_184 = arith.constant 11 : index
    %swap3A_185 = arith.constant 0 : index
    %swap3A_186 = vector.load %arg3[%swap3A_183, %swap3A_184, %swap3A_185] : memref<1x24x256xi32, #tpu.memory_space<vmem>>, vector<1x1x256xi32>
    %swap3A_187 = vector.shape_cast %swap3A_186 : vector<1x1x256xi32> to vector<256xi32>
    %swap3A_188 = vector.shape_cast %add3A_182 : vector<256xi32> to vector<1x1x256xi32>
    tpu.vector_store %arg3[%swap3A_183, %swap3A_184, %swap3A_185], %swap3A_188 {strides = array<i32>} : memref<1x24x256xi32, #tpu.memory_space<vmem>>, vector<1x1x256xi32>,
    %broadcast_in_dim3A_189 = vector.shape_cast %argmax3A_180 : vector<256xi32> to vector<256x1xi32>
    %eq3A_190 = vector.broadcast %broadcast_in_dim3A_189 : vector<256x1xi32> to vector<256x2048xi32>
    %eq3A_191 = arith.cmpi eq, %iota3A, %eq3A_190 : vector<256x2048xi32>
    %jit3A_192 = arith.constant -1.000000e+30 : f32
    %broadcast_in_dim3A_193 = vector.broadcast %jit3A_192 : f32 to vector<256x2048xf32>
    %select_n3A_194 = arith.select %eq3A_191, %broadcast_in_dim3A_193, %select_n3A_179 : vector<256x2048xi1>, vector<256x2048xf32>
    %argmax3A_195 = tpu.reduce_index %select_n3A_194 {axis = 1 : i32, kind = #tpu.reduction_kind<arg_max>} : vector<256x2048xf32> -> vector<256xi32>
    %add3A_196 = vector.broadcast %mul3A_19 : i32 to vector<256xi32>
    %add3A_197 = arith.addi %argmax3A_195, %add3A_196 : vector<256xi32>
    %swap3A_198 = arith.constant 0 : index
    %swap3A_199 = arith.constant 12 : index
    %swap3A_200 = arith.constant 0 : index
    %swap3A_201 = vector.load %arg3[%swap3A_198, %swap3A_199, %swap3A_200] : memref<1x24x256xi32, #tpu.memory_space<vmem>>, vector<1x1x256xi32>
    %swap3A_202 = vector.shape_cast %swap3A_201 : vector<1x1x256xi32> to vector<256xi32>
    %swap3A_203 = vector.shape_cast %add3A_197 : vector<256xi32> to vector<1x1x256xi32>
    tpu.vector_store %arg3[%swap3A_198, %swap3A_199, %swap3A_200], %swap3A_203 {strides = array<i32>} : memref<1x24x256xi32, #tpu.memory_space<vmem>>, vector<1x1x256xi32>,
    %broadcast_in_dim3A_204 = vector.shape_cast %argmax3A_195 : vector<256xi32> to vector<256x1xi32>
    %eq3A_205 = vector.broadcast %broadcast_in_dim3A_204 : vector<256x1xi32> to vector<256x2048xi32>
    %eq3A_206 = arith.cmpi eq, %iota3A, %eq3A_205 : vector<256x2048xi32>
    %jit3A_207 = arith.constant -1.000000e+30 : f32
    %broadcast_in_dim3A_208 = vector.broadcast %jit3A_207 : f32 to vector<256x2048xf32>
    %select_n3A_209 = arith.select %eq3A_206, %broadcast_in_dim3A_208, %select_n3A_194 : vector<256x2048xi1>, vector<256x2048xf32>
    %argmax3A_210 = tpu.reduce_index %select_n3A_209 {axis = 1 : i32, kind = #tpu.reduction_kind<arg_max>} : vector<256x2048xf32> -> vector<256xi32>
    %add3A_211 = vector.broadcast %mul3A_19 : i32 to vector<256xi32>
    %add3A_212 = arith.addi %argmax3A_210, %add3A_211 : vector<256xi32>
    %swap3A_213 = arith.constant 0 : index
    %swap3A_214 = arith.constant 13 : index
    %swap3A_215 = arith.constant 0 : index
    %swap3A_216 = vector.load %arg3[%swap3A_213, %swap3A_214, %swap3A_215] : memref<1x24x256xi32, #tpu.memory_space<vmem>>, vector<1x1x256xi32>
    %swap3A_217 = vector.shape_cast %swap3A_216 : vector<1x1x256xi32> to vector<256xi32>
    %swap3A_218 = vector.shape_cast %add3A_212 : vector<256xi32> to vector<1x1x256xi32>
    tpu.vector_store %arg3[%swap3A_213, %swap3A_214, %swap3A_215], %swap3A_218 {strides = array<i32>} : memref<1x24x256xi32, #tpu.memory_space<vmem>>, vector<1x1x256xi32>,
    %broadcast_in_dim3A_219 = vector.shape_cast %argmax3A_210 : vector<256xi32> to vector<256x1xi32>
    %eq3A_220 = vector.broadcast %broadcast_in_dim3A_219 : vector<256x1xi32> to vector<256x2048xi32>
    %eq3A_221 = arith.cmpi eq, %iota3A, %eq3A_220 : vector<256x2048xi32>
    %jit3A_222 = arith.constant -1.000000e+30 : f32
    %broadcast_in_dim3A_223 = vector.broadcast %jit3A_222 : f32 to vector<256x2048xf32>
    %select_n3A_224 = arith.select %eq3A_221, %broadcast_in_dim3A_223, %select_n3A_209 : vector<256x2048xi1>, vector<256x2048xf32>
    %argmax3A_225 = tpu.reduce_index %select_n3A_224 {axis = 1 : i32, kind = #tpu.reduction_kind<arg_max>} : vector<256x2048xf32> -> vector<256xi32>
    %add3A_226 = vector.broadcast %mul3A_19 : i32 to vector<256xi32>
    %add3A_227 = arith.addi %argmax3A_225, %add3A_226 : vector<256xi32>
    %swap3A_228 = arith.constant 0 : index
    %swap3A_229 = arith.constant 14 : index
    %swap3A_230 = arith.constant 0 : index
    %swap3A_231 = vector.load %arg3[%swap3A_228, %swap3A_229, %swap3A_230] : memref<1x24x256xi32, #tpu.memory_space<vmem>>, vector<1x1x256xi32>
    %swap3A_232 = vector.shape_cast %swap3A_231 : vector<1x1x256xi32> to vector<256xi32>
    %swap3A_233 = vector.shape_cast %add3A_227 : vector<256xi32> to vector<1x1x256xi32>
    tpu.vector_store %arg3[%swap3A_228, %swap3A_229, %swap3A_230], %swap3A_233 {strides = array<i32>} : memref<1x24x256xi32, #tpu.memory_space<vmem>>, vector<1x1x256xi32>,
    %broadcast_in_dim3A_234 = vector.shape_cast %argmax3A_225 : vector<256xi32> to vector<256x1xi32>
    %eq3A_235 = vector.broadcast %broadcast_in_dim3A_234 : vector<256x1xi32> to vector<256x2048xi32>
    %eq3A_236 = arith.cmpi eq, %iota3A, %eq3A_235 : vector<256x2048xi32>
    %jit3A_237 = arith.constant -1.000000e+30 : f32
    %broadcast_in_dim3A_238 = vector.broadcast %jit3A_237 : f32 to vector<256x2048xf32>
    %select_n3A_239 = arith.select %eq3A_236, %broadcast_in_dim3A_238, %select_n3A_224 : vector<256x2048xi1>, vector<256x2048xf32>
    %argmax3A_240 = tpu.reduce_index %select_n3A_239 {axis = 1 : i32, kind = #tpu.reduction_kind<arg_max>} : vector<256x2048xf32> -> vector<256xi32>
    %add3A_241 = vector.broadcast %mul3A_19 : i32 to vector<256xi32>
    %add3A_242 = arith.addi %argmax3A_240, %add3A_241 : vector<256xi32>
    %swap3A_243 = arith.constant 0 : index
    %swap3A_244 = arith.constant 15 : index
    %swap3A_245 = arith.constant 0 : index
    %swap3A_246 = vector.load %arg3[%swap3A_243, %swap3A_244, %swap3A_245] : memref<1x24x256xi32, #tpu.memory_space<vmem>>, vector<1x1x256xi32>
    %swap3A_247 = vector.shape_cast %swap3A_246 : vector<1x1x256xi32> to vector<256xi32>
    %swap3A_248 = vector.shape_cast %add3A_242 : vector<256xi32> to vector<1x1x256xi32>
    tpu.vector_store %arg3[%swap3A_243, %swap3A_244, %swap3A_245], %swap3A_248 {strides = array<i32>} : memref<1x24x256xi32, #tpu.memory_space<vmem>>, vector<1x1x256xi32>,
    %broadcast_in_dim3A_249 = vector.shape_cast %argmax3A_240 : vector<256xi32> to vector<256x1xi32>
    %eq3A_250 = vector.broadcast %broadcast_in_dim3A_249 : vector<256x1xi32> to vector<256x2048xi32>
    %eq3A_251 = arith.cmpi eq, %iota3A, %eq3A_250 : vector<256x2048xi32>
    %jit3A_252 = arith.constant -1.000000e+30 : f32
    %broadcast_in_dim3A_253 = vector.broadcast %jit3A_252 : f32 to vector<256x2048xf32>
    %select_n3A_254 = arith.select %eq3A_251, %broadcast_in_dim3A_253, %select_n3A_239 : vector<256x2048xi1>, vector<256x2048xf32>
    %argmax3A_255 = tpu.reduce_index %select_n3A_254 {axis = 1 : i32, kind = #tpu.reduction_kind<arg_max>} : vector<256x2048xf32> -> vector<256xi32>
    %add3A_256 = vector.broadcast %mul3A_19 : i32 to vector<256xi32>
    %add3A_257 = arith.addi %argmax3A_255, %add3A_256 : vector<256xi32>
    %swap3A_258 = arith.constant 0 : index
    %swap3A_259 = arith.constant 16 : index
    %swap3A_260 = arith.constant 0 : index
    %swap3A_261 = vector.load %arg3[%swap3A_258, %swap3A_259, %swap3A_260] : memref<1x24x256xi32, #tpu.memory_space<vmem>>, vector<1x1x256xi32>
    %swap3A_262 = vector.shape_cast %swap3A_261 : vector<1x1x256xi32> to vector<256xi32>
    %swap3A_263 = vector.shape_cast %add3A_257 : vector<256xi32> to vector<1x1x256xi32>
    tpu.vector_store %arg3[%swap3A_258, %swap3A_259, %swap3A_260], %swap3A_263 {strides = array<i32>} : memref<1x24x256xi32, #tpu.memory_space<vmem>>, vector<1x1x256xi32>,
    %broadcast_in_dim3A_264 = vector.shape_cast %argmax3A_255 : vector<256xi32> to vector<256x1xi32>
    %eq3A_265 = vector.broadcast %broadcast_in_dim3A_264 : vector<256x1xi32> to vector<256x2048xi32>
    %eq3A_266 = arith.cmpi eq, %iota3A, %eq3A_265 : vector<256x2048xi32>
    %jit3A_267 = arith.constant -1.000000e+30 : f32
    %broadcast_in_dim3A_268 = vector.broadcast %jit3A_267 : f32 to vector<256x2048xf32>
    %select_n3A_269 = arith.select %eq3A_266, %broadcast_in_dim3A_268, %select_n3A_254 : vector<256x2048xi1>, vector<256x2048xf32>
    %argmax3A_270 = tpu.reduce_index %select_n3A_269 {axis = 1 : i32, kind = #tpu.reduction_kind<arg_max>} : vector<256x2048xf32> -> vector<256xi32>
    %add3A_271 = vector.broadcast %mul3A_19 : i32 to vector<256xi32>
    %add3A_272 = arith.addi %argmax3A_270, %add3A_271 : vector<256xi32>
    %swap3A_273 = arith.constant 0 : index
    %swap3A_274 = arith.constant 17 : index
    %swap3A_275 = arith.constant 0 : index
    %swap3A_276 = vector.load %arg3[%swap3A_273, %swap3A_274, %swap3A_275] : memref<1x24x256xi32, #tpu.memory_space<vmem>>, vector<1x1x256xi32>
    %swap3A_277 = vector.shape_cast %swap3A_276 : vector<1x1x256xi32> to vector<256xi32>
    %swap3A_278 = vector.shape_cast %add3A_272 : vector<256xi32> to vector<1x1x256xi32>
    tpu.vector_store %arg3[%swap3A_273, %swap3A_274, %swap3A_275], %swap3A_278 {strides = array<i32>} : memref<1x24x256xi32, #tpu.memory_space<vmem>>, vector<1x1x256xi32>,
    %broadcast_in_dim3A_279 = vector.shape_cast %argmax3A_270 : vector<256xi32> to vector<256x1xi32>
    %eq3A_280 = vector.broadcast %broadcast_in_dim3A_279 : vector<256x1xi32> to vector<256x2048xi32>
    %eq3A_281 = arith.cmpi eq, %iota3A, %eq3A_280 : vector<256x2048xi32>
    %jit3A_282 = arith.constant -1.000000e+30 : f32
    %broadcast_in_dim3A_283 = vector.broadcast %jit3A_282 : f32 to vector<256x2048xf32>
    %select_n3A_284 = arith.select %eq3A_281, %broadcast_in_dim3A_283, %select_n3A_269 : vector<256x2048xi1>, vector<256x2048xf32>
    %argmax3A_285 = tpu.reduce_index %select_n3A_284 {axis = 1 : i32, kind = #tpu.reduction_kind<arg_max>} : vector<256x2048xf32> -> vector<256xi32>
    %add3A_286 = vector.broadcast %mul3A_19 : i32 to vector<256xi32>
    %add3A_287 = arith.addi %argmax3A_285, %add3A_286 : vector<256xi32>
    %swap3A_288 = arith.constant 0 : index
    %swap3A_289 = arith.constant 18 : index
    %swap3A_290 = arith.constant 0 : index
    %swap3A_291 = vector.load %arg3[%swap3A_288, %swap3A_289, %swap3A_290] : memref<1x24x256xi32, #tpu.memory_space<vmem>>, vector<1x1x256xi32>
    %swap3A_292 = vector.shape_cast %swap3A_291 : vector<1x1x256xi32> to vector<256xi32>
    %swap3A_293 = vector.shape_cast %add3A_287 : vector<256xi32> to vector<1x1x256xi32>
    tpu.vector_store %arg3[%swap3A_288, %swap3A_289, %swap3A_290], %swap3A_293 {strides = array<i32>} : memref<1x24x256xi32, #tpu.memory_space<vmem>>, vector<1x1x256xi32>,
    %broadcast_in_dim3A_294 = vector.shape_cast %argmax3A_285 : vector<256xi32> to vector<256x1xi32>
    %eq3A_295 = vector.broadcast %broadcast_in_dim3A_294 : vector<256x1xi32> to vector<256x2048xi32>
    %eq3A_296 = arith.cmpi eq, %iota3A, %eq3A_295 : vector<256x2048xi32>
    %jit3A_297 = arith.constant -1.000000e+30 : f32
    %broadcast_in_dim3A_298 = vector.broadcast %jit3A_297 : f32 to vector<256x2048xf32>
    %select_n3A_299 = arith.select %eq3A_296, %broadcast_in_dim3A_298, %select_n3A_284 : vector<256x2048xi1>, vector<256x2048xf32>
    %argmax3A_300 = tpu.reduce_index %select_n3A_299 {axis = 1 : i32, kind = #tpu.reduction_kind<arg_max>} : vector<256x2048xf32> -> vector<256xi32>
    %add3A_301 = vector.broadcast %mul3A_19 : i32 to vector<256xi32>
    %add3A_302 = arith.addi %argmax3A_300, %add3A_301 : vector<256xi32>
    %swap3A_303 = arith.constant 0 : index
    %swap3A_304 = arith.constant 19 : index
    %swap3A_305 = arith.constant 0 : index
    %swap3A_306 = vector.load %arg3[%swap3A_303, %swap3A_304, %swap3A_305] : memref<1x24x256xi32, #tpu.memory_space<vmem>>, vector<1x1x256xi32>
    %swap3A_307 = vector.shape_cast %swap3A_306 : vector<1x1x256xi32> to vector<256xi32>
    %swap3A_308 = vector.shape_cast %add3A_302 : vector<256xi32> to vector<1x1x256xi32>
    tpu.vector_store %arg3[%swap3A_303, %swap3A_304, %swap3A_305], %swap3A_308 {strides = array<i32>} : memref<1x24x256xi32, #tpu.memory_space<vmem>>, vector<1x1x256xi32>,
    %add3A_309 = vector.broadcast %mul3A_19 : i32 to vector<256xi32>
    %add3A_310 = arith.addi %argmax3A_300, %add3A_309 : vector<256xi32>
    %swap3A_311 = arith.constant 0 : index
    %swap3A_312 = arith.constant 20 : index
    %swap3A_313 = arith.constant 0 : index
    %swap3A_314 = vector.load %arg3[%swap3A_311, %swap3A_312, %swap3A_313] : memref<1x24x256xi32, #tpu.memory_space<vmem>>, vector<1x1x256xi32>
    %swap3A_315 = vector.shape_cast %swap3A_314 : vector<1x1x256xi32> to vector<256xi32>
    %swap3A_316 = vector.shape_cast %add3A_310 : vector<256xi32> to vector<1x1x256xi32>
    tpu.vector_store %arg3[%swap3A_311, %swap3A_312, %swap3A_313], %swap3A_316 {strides = array<i32>} : memref<1x24x256xi32, #tpu.memory_space<vmem>>, vector<1x1x256xi32>,
    %swap3A_317 = arith.constant 0 : index
    %swap3A_318 = arith.constant 21 : index
    %swap3A_319 = arith.constant 0 : index
    %swap3A_320 = vector.load %arg3[%swap3A_317, %swap3A_318, %swap3A_319] : memref<1x24x256xi32, #tpu.memory_space<vmem>>, vector<1x1x256xi32>
    %swap3A_321 = vector.shape_cast %swap3A_320 : vector<1x1x256xi32> to vector<256xi32>
    %swap3A_322 = vector.shape_cast %add3A_310 : vector<256xi32> to vector<1x1x256xi32>
    tpu.vector_store %arg3[%swap3A_317, %swap3A_318, %swap3A_319], %swap3A_322 {strides = array<i32>} : memref<1x24x256xi32, #tpu.memory_space<vmem>>, vector<1x1x256xi32>,
    %swap3A_323 = arith.constant 0 : index
    %swap3A_324 = arith.constant 22 : index
    %swap3A_325 = arith.constant 0 : index
    %swap3A_326 = vector.load %arg3[%swap3A_323, %swap3A_324, %swap3A_325] : memref<1x24x256xi32, #tpu.memory_space<vmem>>, vector<1x1x256xi32>
    %swap3A_327 = vector.shape_cast %swap3A_326 : vector<1x1x256xi32> to vector<256xi32>
    %swap3A_328 = vector.shape_cast %add3A_310 : vector<256xi32> to vector<1x1x256xi32>
    tpu.vector_store %arg3[%swap3A_323, %swap3A_324, %swap3A_325], %swap3A_328 {strides = array<i32>} : memref<1x24x256xi32, #tpu.memory_space<vmem>>, vector<1x1x256xi32>,
    %swap3A_329 = arith.constant 0 : index
    %swap3A_330 = arith.constant 23 : index
    %swap3A_331 = arith.constant 0 : index
    %swap3A_332 = vector.load %arg3[%swap3A_329, %swap3A_330, %swap3A_331] : memref<1x24x256xi32, #tpu.memory_space<vmem>>, vector<1x1x256xi32>
    %swap3A_333 = vector.shape_cast %swap3A_332 : vector<1x1x256xi32> to vector<256xi32>
    %swap3A_334 = vector.shape_cast %add3A_310 : vector<256xi32> to vector<1x1x256xi32>
    tpu.vector_store %arg3[%swap3A_329, %swap3A_330, %swap3A_331], %swap3A_334 {strides = array<i32>} : memref<1x24x256xi32, #tpu.memory_space<vmem>>, vector<1x1x256xi32>,
    return
  }
  func.func @transform_0(%arg0: i32, %arg1: i32) -> (i32, i32, i32) {
    %c0_i32 = arith.constant 0 : i32
    %c0_i32_0 = arith.constant 0 : i32
    %c0_i32_1 = arith.constant 0 : i32
    return %arg0, %c0_i32, %c0_i32_0 : i32, i32, i32
  }
  func.func @transform_1(%arg0: i32, %arg1: i32) -> (i32, i32, i32) {
    %c0_i32 = arith.constant 0 : i32
    %c0_i32_0 = arith.constant 0 : i32
    return %arg0, %c0_i32, %arg1 : i32, i32, i32
  }
}

module attributes {stable_mosaic.version = 14 : i64} {
  func.func @_knn_body(%arg0: i32, %arg1: i32, %arg2: memref<1x64x2048xf32, #tpu.memory_space<vmem>>, %arg3: memref<1x24x256xi32, #tpu.memory_space<vmem>>) attributes {dimension_semantics = [#tpu.dimension_semantics<arbitrary>, #tpu.dimension_semantics<arbitrary>], iteration_bounds = array<i64: 2, 8>, scalar_prefetch = 0 : i64, scratch_operands = 0 : i64, tpu.core_type = #tpu.core_type<tc>, window_params = [{transform_indices = @transform_0, window_bounds = array<i64: 1, 64, 2048>}, {transform_indices = @transform_1, window_bounds = array<i64: 1, 24, 256>}]} {
    %get3A = arith.constant 0 : index
    %get3A_0 = arith.constant 0 : index
    %get3A_1 = arith.constant 0 : index
    %get3A_2 = vector.load %arg2[%get3A, %get3A_0, %get3A_1] : memref<1x64x2048xf32, #tpu.memory_space<vmem>>, vector<1x64x2048xf32>
    %get3A_3 = vector.shape_cast %get3A_2 : vector<1x64x2048xf32> to vector<64x2048xf32>
    %mul3A = arith.constant 256 : i32
    %mul3A_4 = arith.muli %arg1, %mul3A : i32
    %get3A_5 = arith.constant 0 : index
    %get3A_6 = arith.constant 0 : index
    %get3A_7 = arith.index_cast %mul3A_4 : i32 to index
    %get3A_8 = vector.load %arg2[%get3A_5, %get3A_6, %get3A_7] : memref<1x64x2048xf32, #tpu.memory_space<vmem>>, vector<1x64x256xf32>
    %get3A_9 = vector.shape_cast %get3A_8 : vector<1x64x256xf32> to vector<64x256xf32>
    %mul3A_10 = arith.mulf %get3A_3, %get3A_3 : vector<64x2048xf32>
    %reduce_sum3A = arith.constant dense<0.000000e+00> : vector<2048xf32>
    %reduce_sum3A_11 = vector.multi_reduction <add>, %mul3A_10, %reduce_sum3A [0] : vector<64x2048xf32> to vector<2048xf32>
    %broadcast_in_dim3A = vector.shape_cast %reduce_sum3A_11 : vector<2048xf32> to vector<1x2048xf32>
    %dot_general3A = arith.constant dense<0.000000e+00> : vector<256x2048xf32>
    %dot_general3A_12 = tpu.matmul %get3A_9, %get3A_3, %dot_general3A {dimension_numbers = #tpu.dot_dimension_numbers<[0], [0], [1], [1], [0, 1, 1, 1], [], []>, transpose_lhs_hint = false} : vector<64x256xf32>, vector<64x2048xf32>, vector<256x2048xf32> -> vector<256x2048xf32>
    %mul3A_13 = arith.constant 2.000000e+00 : f32
    %mul3A_14 = vector.broadcast %mul3A_13 : f32 to vector<256x2048xf32>
    %mul3A_15 = arith.mulf %mul3A_14, %dot_general3A_12 : vector<256x2048xf32>
    %sub3A = vector.broadcast %broadcast_in_dim3A : vector<1x2048xf32> to vector<256x2048xf32>
    %sub3A_16 = arith.subf %mul3A_15, %sub3A : vector<256x2048xf32>
    %add3A = arith.constant 2 : i32
    %add3A_17 = arith.addi %arg0, %add3A : i32
    %mul3A_18 = arith.constant 2048 : i32
    %mul3A_19 = arith.muli %add3A_17, %mul3A_18 : i32
    %iota3A = tpu.iota {dimensions = array<i32: 1>} : vector<256x2048xi32>
    %argmax3A = tpu.reduce_index %sub3A_16 {axis = 1 : i32, kind = #tpu.reduction_kind<arg_max>} : vector<256x2048xf32> -> vector<256xi32>
    %add3A_20 = vector.broadcast %mul3A_19 : i32 to vector<256xi32>
    %add3A_21 = arith.addi %argmax3A, %add3A_20 : vector<256xi32>
    %swap3A = arith.constant 0 : index
    %swap3A_22 = arith.constant 0 : index
    %swap3A_23 = arith.constant 0 : index
    %swap3A_24 = vector.load %arg3[%swap3A, %swap3A_22, %swap3A_23] : memref<1x24x256xi32, #tpu.memory_space<vmem>>, vector<1x1x256xi32>
    %swap3A_25 = vector.shape_cast %swap3A_24 : vector<1x1x256xi32> to vector<256xi32>
    %swap3A_26 = vector.shape_cast %add3A_21 : vector<256xi32> to vector<1x1x256xi32>
    tpu.vector_store %arg3[%swap3A, %swap3A_22, %swap3A_23], %swap3A_26 {strides = array<i32>} : memref<1x24x256xi32, #tpu.memory_space<vmem>>, vector<1x1x256xi32>,
    %broadcast_in_dim3A_27 = vector.shape_cast %argmax3A : vector<256xi32> to vector<256x1xi32>
    %eq3A = vector.broadcast %broadcast_in_dim3A_27 : vector<256x1xi32> to vector<256x2048xi32>
    %eq3A_28 = arith.cmpi eq, %iota3A, %eq3A : vector<256x2048xi32>
    %jit3A = arith.constant -1.000000e+30 : f32
    %broadcast_in_dim3A_29 = vector.broadcast %jit3A : f32 to vector<256x2048xf32>
    %select_n3A = arith.select %eq3A_28, %broadcast_in_dim3A_29, %sub3A_16 : vector<256x2048xi1>, vector<256x2048xf32>
    %argmax3A_30 = tpu.reduce_index %select_n3A {axis = 1 : i32, kind = #tpu.reduction_kind<arg_max>} : vector<256x2048xf32> -> vector<256xi32>
    %add3A_31 = vector.broadcast %mul3A_19 : i32 to vector<256xi32>
    %add3A_32 = arith.addi %argmax3A_30, %add3A_31 : vector<256xi32>
    %swap3A_33 = arith.constant 0 : index
    %swap3A_34 = arith.constant 1 : index
    %swap3A_35 = arith.constant 0 : index
    %swap3A_36 = vector.load %arg3[%swap3A_33, %swap3A_34, %swap3A_35] : memref<1x24x256xi32, #tpu.memory_space<vmem>>, vector<1x1x256xi32>
    %swap3A_37 = vector.shape_cast %swap3A_36 : vector<1x1x256xi32> to vector<256xi32>
    %swap3A_38 = vector.shape_cast %add3A_32 : vector<256xi32> to vector<1x1x256xi32>
    tpu.vector_store %arg3[%swap3A_33, %swap3A_34, %swap3A_35], %swap3A_38 {strides = array<i32>} : memref<1x24x256xi32, #tpu.memory_space<vmem>>, vector<1x1x256xi32>,
    %broadcast_in_dim3A_39 = vector.shape_cast %argmax3A_30 : vector<256xi32> to vector<256x1xi32>
    %eq3A_40 = vector.broadcast %broadcast_in_dim3A_39 : vector<256x1xi32> to vector<256x2048xi32>
    %eq3A_41 = arith.cmpi eq, %iota3A, %eq3A_40 : vector<256x2048xi32>
    %jit3A_42 = arith.constant -1.000000e+30 : f32
    %broadcast_in_dim3A_43 = vector.broadcast %jit3A_42 : f32 to vector<256x2048xf32>
    %select_n3A_44 = arith.select %eq3A_41, %broadcast_in_dim3A_43, %select_n3A : vector<256x2048xi1>, vector<256x2048xf32>
    %argmax3A_45 = tpu.reduce_index %select_n3A_44 {axis = 1 : i32, kind = #tpu.reduction_kind<arg_max>} : vector<256x2048xf32> -> vector<256xi32>
    %add3A_46 = vector.broadcast %mul3A_19 : i32 to vector<256xi32>
    %add3A_47 = arith.addi %argmax3A_45, %add3A_46 : vector<256xi32>
    %swap3A_48 = arith.constant 0 : index
    %swap3A_49 = arith.constant 2 : index
    %swap3A_50 = arith.constant 0 : index
    %swap3A_51 = vector.load %arg3[%swap3A_48, %swap3A_49, %swap3A_50] : memref<1x24x256xi32, #tpu.memory_space<vmem>>, vector<1x1x256xi32>
    %swap3A_52 = vector.shape_cast %swap3A_51 : vector<1x1x256xi32> to vector<256xi32>
    %swap3A_53 = vector.shape_cast %add3A_47 : vector<256xi32> to vector<1x1x256xi32>
    tpu.vector_store %arg3[%swap3A_48, %swap3A_49, %swap3A_50], %swap3A_53 {strides = array<i32>} : memref<1x24x256xi32, #tpu.memory_space<vmem>>, vector<1x1x256xi32>,
    %broadcast_in_dim3A_54 = vector.shape_cast %argmax3A_45 : vector<256xi32> to vector<256x1xi32>
    %eq3A_55 = vector.broadcast %broadcast_in_dim3A_54 : vector<256x1xi32> to vector<256x2048xi32>
    %eq3A_56 = arith.cmpi eq, %iota3A, %eq3A_55 : vector<256x2048xi32>
    %jit3A_57 = arith.constant -1.000000e+30 : f32
    %broadcast_in_dim3A_58 = vector.broadcast %jit3A_57 : f32 to vector<256x2048xf32>
    %select_n3A_59 = arith.select %eq3A_56, %broadcast_in_dim3A_58, %select_n3A_44 : vector<256x2048xi1>, vector<256x2048xf32>
    %argmax3A_60 = tpu.reduce_index %select_n3A_59 {axis = 1 : i32, kind = #tpu.reduction_kind<arg_max>} : vector<256x2048xf32> -> vector<256xi32>
    %add3A_61 = vector.broadcast %mul3A_19 : i32 to vector<256xi32>
    %add3A_62 = arith.addi %argmax3A_60, %add3A_61 : vector<256xi32>
    %swap3A_63 = arith.constant 0 : index
    %swap3A_64 = arith.constant 3 : index
    %swap3A_65 = arith.constant 0 : index
    %swap3A_66 = vector.load %arg3[%swap3A_63, %swap3A_64, %swap3A_65] : memref<1x24x256xi32, #tpu.memory_space<vmem>>, vector<1x1x256xi32>
    %swap3A_67 = vector.shape_cast %swap3A_66 : vector<1x1x256xi32> to vector<256xi32>
    %swap3A_68 = vector.shape_cast %add3A_62 : vector<256xi32> to vector<1x1x256xi32>
    tpu.vector_store %arg3[%swap3A_63, %swap3A_64, %swap3A_65], %swap3A_68 {strides = array<i32>} : memref<1x24x256xi32, #tpu.memory_space<vmem>>, vector<1x1x256xi32>,
    %broadcast_in_dim3A_69 = vector.shape_cast %argmax3A_60 : vector<256xi32> to vector<256x1xi32>
    %eq3A_70 = vector.broadcast %broadcast_in_dim3A_69 : vector<256x1xi32> to vector<256x2048xi32>
    %eq3A_71 = arith.cmpi eq, %iota3A, %eq3A_70 : vector<256x2048xi32>
    %jit3A_72 = arith.constant -1.000000e+30 : f32
    %broadcast_in_dim3A_73 = vector.broadcast %jit3A_72 : f32 to vector<256x2048xf32>
    %select_n3A_74 = arith.select %eq3A_71, %broadcast_in_dim3A_73, %select_n3A_59 : vector<256x2048xi1>, vector<256x2048xf32>
    %argmax3A_75 = tpu.reduce_index %select_n3A_74 {axis = 1 : i32, kind = #tpu.reduction_kind<arg_max>} : vector<256x2048xf32> -> vector<256xi32>
    %add3A_76 = vector.broadcast %mul3A_19 : i32 to vector<256xi32>
    %add3A_77 = arith.addi %argmax3A_75, %add3A_76 : vector<256xi32>
    %swap3A_78 = arith.constant 0 : index
    %swap3A_79 = arith.constant 4 : index
    %swap3A_80 = arith.constant 0 : index
    %swap3A_81 = vector.load %arg3[%swap3A_78, %swap3A_79, %swap3A_80] : memref<1x24x256xi32, #tpu.memory_space<vmem>>, vector<1x1x256xi32>
    %swap3A_82 = vector.shape_cast %swap3A_81 : vector<1x1x256xi32> to vector<256xi32>
    %swap3A_83 = vector.shape_cast %add3A_77 : vector<256xi32> to vector<1x1x256xi32>
    tpu.vector_store %arg3[%swap3A_78, %swap3A_79, %swap3A_80], %swap3A_83 {strides = array<i32>} : memref<1x24x256xi32, #tpu.memory_space<vmem>>, vector<1x1x256xi32>,
    %broadcast_in_dim3A_84 = vector.shape_cast %argmax3A_75 : vector<256xi32> to vector<256x1xi32>
    %eq3A_85 = vector.broadcast %broadcast_in_dim3A_84 : vector<256x1xi32> to vector<256x2048xi32>
    %eq3A_86 = arith.cmpi eq, %iota3A, %eq3A_85 : vector<256x2048xi32>
    %jit3A_87 = arith.constant -1.000000e+30 : f32
    %broadcast_in_dim3A_88 = vector.broadcast %jit3A_87 : f32 to vector<256x2048xf32>
    %select_n3A_89 = arith.select %eq3A_86, %broadcast_in_dim3A_88, %select_n3A_74 : vector<256x2048xi1>, vector<256x2048xf32>
    %argmax3A_90 = tpu.reduce_index %select_n3A_89 {axis = 1 : i32, kind = #tpu.reduction_kind<arg_max>} : vector<256x2048xf32> -> vector<256xi32>
    %add3A_91 = vector.broadcast %mul3A_19 : i32 to vector<256xi32>
    %add3A_92 = arith.addi %argmax3A_90, %add3A_91 : vector<256xi32>
    %swap3A_93 = arith.constant 0 : index
    %swap3A_94 = arith.constant 5 : index
    %swap3A_95 = arith.constant 0 : index
    %swap3A_96 = vector.load %arg3[%swap3A_93, %swap3A_94, %swap3A_95] : memref<1x24x256xi32, #tpu.memory_space<vmem>>, vector<1x1x256xi32>
    %swap3A_97 = vector.shape_cast %swap3A_96 : vector<1x1x256xi32> to vector<256xi32>
    %swap3A_98 = vector.shape_cast %add3A_92 : vector<256xi32> to vector<1x1x256xi32>
    tpu.vector_store %arg3[%swap3A_93, %swap3A_94, %swap3A_95], %swap3A_98 {strides = array<i32>} : memref<1x24x256xi32, #tpu.memory_space<vmem>>, vector<1x1x256xi32>,
    %broadcast_in_dim3A_99 = vector.shape_cast %argmax3A_90 : vector<256xi32> to vector<256x1xi32>
    %eq3A_100 = vector.broadcast %broadcast_in_dim3A_99 : vector<256x1xi32> to vector<256x2048xi32>
    %eq3A_101 = arith.cmpi eq, %iota3A, %eq3A_100 : vector<256x2048xi32>
    %jit3A_102 = arith.constant -1.000000e+30 : f32
    %broadcast_in_dim3A_103 = vector.broadcast %jit3A_102 : f32 to vector<256x2048xf32>
    %select_n3A_104 = arith.select %eq3A_101, %broadcast_in_dim3A_103, %select_n3A_89 : vector<256x2048xi1>, vector<256x2048xf32>
    %argmax3A_105 = tpu.reduce_index %select_n3A_104 {axis = 1 : i32, kind = #tpu.reduction_kind<arg_max>} : vector<256x2048xf32> -> vector<256xi32>
    %add3A_106 = vector.broadcast %mul3A_19 : i32 to vector<256xi32>
    %add3A_107 = arith.addi %argmax3A_105, %add3A_106 : vector<256xi32>
    %swap3A_108 = arith.constant 0 : index
    %swap3A_109 = arith.constant 6 : index
    %swap3A_110 = arith.constant 0 : index
    %swap3A_111 = vector.load %arg3[%swap3A_108, %swap3A_109, %swap3A_110] : memref<1x24x256xi32, #tpu.memory_space<vmem>>, vector<1x1x256xi32>
    %swap3A_112 = vector.shape_cast %swap3A_111 : vector<1x1x256xi32> to vector<256xi32>
    %swap3A_113 = vector.shape_cast %add3A_107 : vector<256xi32> to vector<1x1x256xi32>
    tpu.vector_store %arg3[%swap3A_108, %swap3A_109, %swap3A_110], %swap3A_113 {strides = array<i32>} : memref<1x24x256xi32, #tpu.memory_space<vmem>>, vector<1x1x256xi32>,
    %broadcast_in_dim3A_114 = vector.shape_cast %argmax3A_105 : vector<256xi32> to vector<256x1xi32>
    %eq3A_115 = vector.broadcast %broadcast_in_dim3A_114 : vector<256x1xi32> to vector<256x2048xi32>
    %eq3A_116 = arith.cmpi eq, %iota3A, %eq3A_115 : vector<256x2048xi32>
    %jit3A_117 = arith.constant -1.000000e+30 : f32
    %broadcast_in_dim3A_118 = vector.broadcast %jit3A_117 : f32 to vector<256x2048xf32>
    %select_n3A_119 = arith.select %eq3A_116, %broadcast_in_dim3A_118, %select_n3A_104 : vector<256x2048xi1>, vector<256x2048xf32>
    %argmax3A_120 = tpu.reduce_index %select_n3A_119 {axis = 1 : i32, kind = #tpu.reduction_kind<arg_max>} : vector<256x2048xf32> -> vector<256xi32>
    %add3A_121 = vector.broadcast %mul3A_19 : i32 to vector<256xi32>
    %add3A_122 = arith.addi %argmax3A_120, %add3A_121 : vector<256xi32>
    %swap3A_123 = arith.constant 0 : index
    %swap3A_124 = arith.constant 7 : index
    %swap3A_125 = arith.constant 0 : index
    %swap3A_126 = vector.load %arg3[%swap3A_123, %swap3A_124, %swap3A_125] : memref<1x24x256xi32, #tpu.memory_space<vmem>>, vector<1x1x256xi32>
    %swap3A_127 = vector.shape_cast %swap3A_126 : vector<1x1x256xi32> to vector<256xi32>
    %swap3A_128 = vector.shape_cast %add3A_122 : vector<256xi32> to vector<1x1x256xi32>
    tpu.vector_store %arg3[%swap3A_123, %swap3A_124, %swap3A_125], %swap3A_128 {strides = array<i32>} : memref<1x24x256xi32, #tpu.memory_space<vmem>>, vector<1x1x256xi32>,
    %broadcast_in_dim3A_129 = vector.shape_cast %argmax3A_120 : vector<256xi32> to vector<256x1xi32>
    %eq3A_130 = vector.broadcast %broadcast_in_dim3A_129 : vector<256x1xi32> to vector<256x2048xi32>
    %eq3A_131 = arith.cmpi eq, %iota3A, %eq3A_130 : vector<256x2048xi32>
    %jit3A_132 = arith.constant -1.000000e+30 : f32
    %broadcast_in_dim3A_133 = vector.broadcast %jit3A_132 : f32 to vector<256x2048xf32>
    %select_n3A_134 = arith.select %eq3A_131, %broadcast_in_dim3A_133, %select_n3A_119 : vector<256x2048xi1>, vector<256x2048xf32>
    %argmax3A_135 = tpu.reduce_index %select_n3A_134 {axis = 1 : i32, kind = #tpu.reduction_kind<arg_max>} : vector<256x2048xf32> -> vector<256xi32>
    %add3A_136 = vector.broadcast %mul3A_19 : i32 to vector<256xi32>
    %add3A_137 = arith.addi %argmax3A_135, %add3A_136 : vector<256xi32>
    %swap3A_138 = arith.constant 0 : index
    %swap3A_139 = arith.constant 8 : index
    %swap3A_140 = arith.constant 0 : index
    %swap3A_141 = vector.load %arg3[%swap3A_138, %swap3A_139, %swap3A_140] : memref<1x24x256xi32, #tpu.memory_space<vmem>>, vector<1x1x256xi32>
    %swap3A_142 = vector.shape_cast %swap3A_141 : vector<1x1x256xi32> to vector<256xi32>
    %swap3A_143 = vector.shape_cast %add3A_137 : vector<256xi32> to vector<1x1x256xi32>
    tpu.vector_store %arg3[%swap3A_138, %swap3A_139, %swap3A_140], %swap3A_143 {strides = array<i32>} : memref<1x24x256xi32, #tpu.memory_space<vmem>>, vector<1x1x256xi32>,
    %broadcast_in_dim3A_144 = vector.shape_cast %argmax3A_135 : vector<256xi32> to vector<256x1xi32>
    %eq3A_145 = vector.broadcast %broadcast_in_dim3A_144 : vector<256x1xi32> to vector<256x2048xi32>
    %eq3A_146 = arith.cmpi eq, %iota3A, %eq3A_145 : vector<256x2048xi32>
    %jit3A_147 = arith.constant -1.000000e+30 : f32
    %broadcast_in_dim3A_148 = vector.broadcast %jit3A_147 : f32 to vector<256x2048xf32>
    %select_n3A_149 = arith.select %eq3A_146, %broadcast_in_dim3A_148, %select_n3A_134 : vector<256x2048xi1>, vector<256x2048xf32>
    %argmax3A_150 = tpu.reduce_index %select_n3A_149 {axis = 1 : i32, kind = #tpu.reduction_kind<arg_max>} : vector<256x2048xf32> -> vector<256xi32>
    %add3A_151 = vector.broadcast %mul3A_19 : i32 to vector<256xi32>
    %add3A_152 = arith.addi %argmax3A_150, %add3A_151 : vector<256xi32>
    %swap3A_153 = arith.constant 0 : index
    %swap3A_154 = arith.constant 9 : index
    %swap3A_155 = arith.constant 0 : index
    %swap3A_156 = vector.load %arg3[%swap3A_153, %swap3A_154, %swap3A_155] : memref<1x24x256xi32, #tpu.memory_space<vmem>>, vector<1x1x256xi32>
    %swap3A_157 = vector.shape_cast %swap3A_156 : vector<1x1x256xi32> to vector<256xi32>
    %swap3A_158 = vector.shape_cast %add3A_152 : vector<256xi32> to vector<1x1x256xi32>
    tpu.vector_store %arg3[%swap3A_153, %swap3A_154, %swap3A_155], %swap3A_158 {strides = array<i32>} : memref<1x24x256xi32, #tpu.memory_space<vmem>>, vector<1x1x256xi32>,
    %broadcast_in_dim3A_159 = vector.shape_cast %argmax3A_150 : vector<256xi32> to vector<256x1xi32>
    %eq3A_160 = vector.broadcast %broadcast_in_dim3A_159 : vector<256x1xi32> to vector<256x2048xi32>
    %eq3A_161 = arith.cmpi eq, %iota3A, %eq3A_160 : vector<256x2048xi32>
    %jit3A_162 = arith.constant -1.000000e+30 : f32
    %broadcast_in_dim3A_163 = vector.broadcast %jit3A_162 : f32 to vector<256x2048xf32>
    %select_n3A_164 = arith.select %eq3A_161, %broadcast_in_dim3A_163, %select_n3A_149 : vector<256x2048xi1>, vector<256x2048xf32>
    %argmax3A_165 = tpu.reduce_index %select_n3A_164 {axis = 1 : i32, kind = #tpu.reduction_kind<arg_max>} : vector<256x2048xf32> -> vector<256xi32>
    %add3A_166 = vector.broadcast %mul3A_19 : i32 to vector<256xi32>
    %add3A_167 = arith.addi %argmax3A_165, %add3A_166 : vector<256xi32>
    %swap3A_168 = arith.constant 0 : index
    %swap3A_169 = arith.constant 10 : index
    %swap3A_170 = arith.constant 0 : index
    %swap3A_171 = vector.load %arg3[%swap3A_168, %swap3A_169, %swap3A_170] : memref<1x24x256xi32, #tpu.memory_space<vmem>>, vector<1x1x256xi32>
    %swap3A_172 = vector.shape_cast %swap3A_171 : vector<1x1x256xi32> to vector<256xi32>
    %swap3A_173 = vector.shape_cast %add3A_167 : vector<256xi32> to vector<1x1x256xi32>
    tpu.vector_store %arg3[%swap3A_168, %swap3A_169, %swap3A_170], %swap3A_173 {strides = array<i32>} : memref<1x24x256xi32, #tpu.memory_space<vmem>>, vector<1x1x256xi32>,
    %broadcast_in_dim3A_174 = vector.shape_cast %argmax3A_165 : vector<256xi32> to vector<256x1xi32>
    %eq3A_175 = vector.broadcast %broadcast_in_dim3A_174 : vector<256x1xi32> to vector<256x2048xi32>
    %eq3A_176 = arith.cmpi eq, %iota3A, %eq3A_175 : vector<256x2048xi32>
    %jit3A_177 = arith.constant -1.000000e+30 : f32
    %broadcast_in_dim3A_178 = vector.broadcast %jit3A_177 : f32 to vector<256x2048xf32>
    %select_n3A_179 = arith.select %eq3A_176, %broadcast_in_dim3A_178, %select_n3A_164 : vector<256x2048xi1>, vector<256x2048xf32>
    %argmax3A_180 = tpu.reduce_index %select_n3A_179 {axis = 1 : i32, kind = #tpu.reduction_kind<arg_max>} : vector<256x2048xf32> -> vector<256xi32>
    %add3A_181 = vector.broadcast %mul3A_19 : i32 to vector<256xi32>
    %add3A_182 = arith.addi %argmax3A_180, %add3A_181 : vector<256xi32>
    %swap3A_183 = arith.constant 0 : index
    %swap3A_184 = arith.constant 11 : index
    %swap3A_185 = arith.constant 0 : index
    %swap3A_186 = vector.load %arg3[%swap3A_183, %swap3A_184, %swap3A_185] : memref<1x24x256xi32, #tpu.memory_space<vmem>>, vector<1x1x256xi32>
    %swap3A_187 = vector.shape_cast %swap3A_186 : vector<1x1x256xi32> to vector<256xi32>
    %swap3A_188 = vector.shape_cast %add3A_182 : vector<256xi32> to vector<1x1x256xi32>
    tpu.vector_store %arg3[%swap3A_183, %swap3A_184, %swap3A_185], %swap3A_188 {strides = array<i32>} : memref<1x24x256xi32, #tpu.memory_space<vmem>>, vector<1x1x256xi32>,
    %broadcast_in_dim3A_189 = vector.shape_cast %argmax3A_180 : vector<256xi32> to vector<256x1xi32>
    %eq3A_190 = vector.broadcast %broadcast_in_dim3A_189 : vector<256x1xi32> to vector<256x2048xi32>
    %eq3A_191 = arith.cmpi eq, %iota3A, %eq3A_190 : vector<256x2048xi32>
    %jit3A_192 = arith.constant -1.000000e+30 : f32
    %broadcast_in_dim3A_193 = vector.broadcast %jit3A_192 : f32 to vector<256x2048xf32>
    %select_n3A_194 = arith.select %eq3A_191, %broadcast_in_dim3A_193, %select_n3A_179 : vector<256x2048xi1>, vector<256x2048xf32>
    %argmax3A_195 = tpu.reduce_index %select_n3A_194 {axis = 1 : i32, kind = #tpu.reduction_kind<arg_max>} : vector<256x2048xf32> -> vector<256xi32>
    %add3A_196 = vector.broadcast %mul3A_19 : i32 to vector<256xi32>
    %add3A_197 = arith.addi %argmax3A_195, %add3A_196 : vector<256xi32>
    %swap3A_198 = arith.constant 0 : index
    %swap3A_199 = arith.constant 12 : index
    %swap3A_200 = arith.constant 0 : index
    %swap3A_201 = vector.load %arg3[%swap3A_198, %swap3A_199, %swap3A_200] : memref<1x24x256xi32, #tpu.memory_space<vmem>>, vector<1x1x256xi32>
    %swap3A_202 = vector.shape_cast %swap3A_201 : vector<1x1x256xi32> to vector<256xi32>
    %swap3A_203 = vector.shape_cast %add3A_197 : vector<256xi32> to vector<1x1x256xi32>
    tpu.vector_store %arg3[%swap3A_198, %swap3A_199, %swap3A_200], %swap3A_203 {strides = array<i32>} : memref<1x24x256xi32, #tpu.memory_space<vmem>>, vector<1x1x256xi32>,
    %broadcast_in_dim3A_204 = vector.shape_cast %argmax3A_195 : vector<256xi32> to vector<256x1xi32>
    %eq3A_205 = vector.broadcast %broadcast_in_dim3A_204 : vector<256x1xi32> to vector<256x2048xi32>
    %eq3A_206 = arith.cmpi eq, %iota3A, %eq3A_205 : vector<256x2048xi32>
    %jit3A_207 = arith.constant -1.000000e+30 : f32
    %broadcast_in_dim3A_208 = vector.broadcast %jit3A_207 : f32 to vector<256x2048xf32>
    %select_n3A_209 = arith.select %eq3A_206, %broadcast_in_dim3A_208, %select_n3A_194 : vector<256x2048xi1>, vector<256x2048xf32>
    %argmax3A_210 = tpu.reduce_index %select_n3A_209 {axis = 1 : i32, kind = #tpu.reduction_kind<arg_max>} : vector<256x2048xf32> -> vector<256xi32>
    %add3A_211 = vector.broadcast %mul3A_19 : i32 to vector<256xi32>
    %add3A_212 = arith.addi %argmax3A_210, %add3A_211 : vector<256xi32>
    %swap3A_213 = arith.constant 0 : index
    %swap3A_214 = arith.constant 13 : index
    %swap3A_215 = arith.constant 0 : index
    %swap3A_216 = vector.load %arg3[%swap3A_213, %swap3A_214, %swap3A_215] : memref<1x24x256xi32, #tpu.memory_space<vmem>>, vector<1x1x256xi32>
    %swap3A_217 = vector.shape_cast %swap3A_216 : vector<1x1x256xi32> to vector<256xi32>
    %swap3A_218 = vector.shape_cast %add3A_212 : vector<256xi32> to vector<1x1x256xi32>
    tpu.vector_store %arg3[%swap3A_213, %swap3A_214, %swap3A_215], %swap3A_218 {strides = array<i32>} : memref<1x24x256xi32, #tpu.memory_space<vmem>>, vector<1x1x256xi32>,
    %broadcast_in_dim3A_219 = vector.shape_cast %argmax3A_210 : vector<256xi32> to vector<256x1xi32>
    %eq3A_220 = vector.broadcast %broadcast_in_dim3A_219 : vector<256x1xi32> to vector<256x2048xi32>
    %eq3A_221 = arith.cmpi eq, %iota3A, %eq3A_220 : vector<256x2048xi32>
    %jit3A_222 = arith.constant -1.000000e+30 : f32
    %broadcast_in_dim3A_223 = vector.broadcast %jit3A_222 : f32 to vector<256x2048xf32>
    %select_n3A_224 = arith.select %eq3A_221, %broadcast_in_dim3A_223, %select_n3A_209 : vector<256x2048xi1>, vector<256x2048xf32>
    %argmax3A_225 = tpu.reduce_index %select_n3A_224 {axis = 1 : i32, kind = #tpu.reduction_kind<arg_max>} : vector<256x2048xf32> -> vector<256xi32>
    %add3A_226 = vector.broadcast %mul3A_19 : i32 to vector<256xi32>
    %add3A_227 = arith.addi %argmax3A_225, %add3A_226 : vector<256xi32>
    %swap3A_228 = arith.constant 0 : index
    %swap3A_229 = arith.constant 14 : index
    %swap3A_230 = arith.constant 0 : index
    %swap3A_231 = vector.load %arg3[%swap3A_228, %swap3A_229, %swap3A_230] : memref<1x24x256xi32, #tpu.memory_space<vmem>>, vector<1x1x256xi32>
    %swap3A_232 = vector.shape_cast %swap3A_231 : vector<1x1x256xi32> to vector<256xi32>
    %swap3A_233 = vector.shape_cast %add3A_227 : vector<256xi32> to vector<1x1x256xi32>
    tpu.vector_store %arg3[%swap3A_228, %swap3A_229, %swap3A_230], %swap3A_233 {strides = array<i32>} : memref<1x24x256xi32, #tpu.memory_space<vmem>>, vector<1x1x256xi32>,
    %broadcast_in_dim3A_234 = vector.shape_cast %argmax3A_225 : vector<256xi32> to vector<256x1xi32>
    %eq3A_235 = vector.broadcast %broadcast_in_dim3A_234 : vector<256x1xi32> to vector<256x2048xi32>
    %eq3A_236 = arith.cmpi eq, %iota3A, %eq3A_235 : vector<256x2048xi32>
    %jit3A_237 = arith.constant -1.000000e+30 : f32
    %broadcast_in_dim3A_238 = vector.broadcast %jit3A_237 : f32 to vector<256x2048xf32>
    %select_n3A_239 = arith.select %eq3A_236, %broadcast_in_dim3A_238, %select_n3A_224 : vector<256x2048xi1>, vector<256x2048xf32>
    %argmax3A_240 = tpu.reduce_index %select_n3A_239 {axis = 1 : i32, kind = #tpu.reduction_kind<arg_max>} : vector<256x2048xf32> -> vector<256xi32>
    %add3A_241 = vector.broadcast %mul3A_19 : i32 to vector<256xi32>
    %add3A_242 = arith.addi %argmax3A_240, %add3A_241 : vector<256xi32>
    %swap3A_243 = arith.constant 0 : index
    %swap3A_244 = arith.constant 15 : index
    %swap3A_245 = arith.constant 0 : index
    %swap3A_246 = vector.load %arg3[%swap3A_243, %swap3A_244, %swap3A_245] : memref<1x24x256xi32, #tpu.memory_space<vmem>>, vector<1x1x256xi32>
    %swap3A_247 = vector.shape_cast %swap3A_246 : vector<1x1x256xi32> to vector<256xi32>
    %swap3A_248 = vector.shape_cast %add3A_242 : vector<256xi32> to vector<1x1x256xi32>
    tpu.vector_store %arg3[%swap3A_243, %swap3A_244, %swap3A_245], %swap3A_248 {strides = array<i32>} : memref<1x24x256xi32, #tpu.memory_space<vmem>>, vector<1x1x256xi32>,
    %broadcast_in_dim3A_249 = vector.shape_cast %argmax3A_240 : vector<256xi32> to vector<256x1xi32>
    %eq3A_250 = vector.broadcast %broadcast_in_dim3A_249 : vector<256x1xi32> to vector<256x2048xi32>
    %eq3A_251 = arith.cmpi eq, %iota3A, %eq3A_250 : vector<256x2048xi32>
    %jit3A_252 = arith.constant -1.000000e+30 : f32
    %broadcast_in_dim3A_253 = vector.broadcast %jit3A_252 : f32 to vector<256x2048xf32>
    %select_n3A_254 = arith.select %eq3A_251, %broadcast_in_dim3A_253, %select_n3A_239 : vector<256x2048xi1>, vector<256x2048xf32>
    %argmax3A_255 = tpu.reduce_index %select_n3A_254 {axis = 1 : i32, kind = #tpu.reduction_kind<arg_max>} : vector<256x2048xf32> -> vector<256xi32>
    %add3A_256 = vector.broadcast %mul3A_19 : i32 to vector<256xi32>
    %add3A_257 = arith.addi %argmax3A_255, %add3A_256 : vector<256xi32>
    %swap3A_258 = arith.constant 0 : index
    %swap3A_259 = arith.constant 16 : index
    %swap3A_260 = arith.constant 0 : index
    %swap3A_261 = vector.load %arg3[%swap3A_258, %swap3A_259, %swap3A_260] : memref<1x24x256xi32, #tpu.memory_space<vmem>>, vector<1x1x256xi32>
    %swap3A_262 = vector.shape_cast %swap3A_261 : vector<1x1x256xi32> to vector<256xi32>
    %swap3A_263 = vector.shape_cast %add3A_257 : vector<256xi32> to vector<1x1x256xi32>
    tpu.vector_store %arg3[%swap3A_258, %swap3A_259, %swap3A_260], %swap3A_263 {strides = array<i32>} : memref<1x24x256xi32, #tpu.memory_space<vmem>>, vector<1x1x256xi32>,
    %broadcast_in_dim3A_264 = vector.shape_cast %argmax3A_255 : vector<256xi32> to vector<256x1xi32>
    %eq3A_265 = vector.broadcast %broadcast_in_dim3A_264 : vector<256x1xi32> to vector<256x2048xi32>
    %eq3A_266 = arith.cmpi eq, %iota3A, %eq3A_265 : vector<256x2048xi32>
    %jit3A_267 = arith.constant -1.000000e+30 : f32
    %broadcast_in_dim3A_268 = vector.broadcast %jit3A_267 : f32 to vector<256x2048xf32>
    %select_n3A_269 = arith.select %eq3A_266, %broadcast_in_dim3A_268, %select_n3A_254 : vector<256x2048xi1>, vector<256x2048xf32>
    %argmax3A_270 = tpu.reduce_index %select_n3A_269 {axis = 1 : i32, kind = #tpu.reduction_kind<arg_max>} : vector<256x2048xf32> -> vector<256xi32>
    %add3A_271 = vector.broadcast %mul3A_19 : i32 to vector<256xi32>
    %add3A_272 = arith.addi %argmax3A_270, %add3A_271 : vector<256xi32>
    %swap3A_273 = arith.constant 0 : index
    %swap3A_274 = arith.constant 17 : index
    %swap3A_275 = arith.constant 0 : index
    %swap3A_276 = vector.load %arg3[%swap3A_273, %swap3A_274, %swap3A_275] : memref<1x24x256xi32, #tpu.memory_space<vmem>>, vector<1x1x256xi32>
    %swap3A_277 = vector.shape_cast %swap3A_276 : vector<1x1x256xi32> to vector<256xi32>
    %swap3A_278 = vector.shape_cast %add3A_272 : vector<256xi32> to vector<1x1x256xi32>
    tpu.vector_store %arg3[%swap3A_273, %swap3A_274, %swap3A_275], %swap3A_278 {strides = array<i32>} : memref<1x24x256xi32, #tpu.memory_space<vmem>>, vector<1x1x256xi32>,
    %broadcast_in_dim3A_279 = vector.shape_cast %argmax3A_270 : vector<256xi32> to vector<256x1xi32>
    %eq3A_280 = vector.broadcast %broadcast_in_dim3A_279 : vector<256x1xi32> to vector<256x2048xi32>
    %eq3A_281 = arith.cmpi eq, %iota3A, %eq3A_280 : vector<256x2048xi32>
    %jit3A_282 = arith.constant -1.000000e+30 : f32
    %broadcast_in_dim3A_283 = vector.broadcast %jit3A_282 : f32 to vector<256x2048xf32>
    %select_n3A_284 = arith.select %eq3A_281, %broadcast_in_dim3A_283, %select_n3A_269 : vector<256x2048xi1>, vector<256x2048xf32>
    %argmax3A_285 = tpu.reduce_index %select_n3A_284 {axis = 1 : i32, kind = #tpu.reduction_kind<arg_max>} : vector<256x2048xf32> -> vector<256xi32>
    %add3A_286 = vector.broadcast %mul3A_19 : i32 to vector<256xi32>
    %add3A_287 = arith.addi %argmax3A_285, %add3A_286 : vector<256xi32>
    %swap3A_288 = arith.constant 0 : index
    %swap3A_289 = arith.constant 18 : index
    %swap3A_290 = arith.constant 0 : index
    %swap3A_291 = vector.load %arg3[%swap3A_288, %swap3A_289, %swap3A_290] : memref<1x24x256xi32, #tpu.memory_space<vmem>>, vector<1x1x256xi32>
    %swap3A_292 = vector.shape_cast %swap3A_291 : vector<1x1x256xi32> to vector<256xi32>
    %swap3A_293 = vector.shape_cast %add3A_287 : vector<256xi32> to vector<1x1x256xi32>
    tpu.vector_store %arg3[%swap3A_288, %swap3A_289, %swap3A_290], %swap3A_293 {strides = array<i32>} : memref<1x24x256xi32, #tpu.memory_space<vmem>>, vector<1x1x256xi32>,
    %broadcast_in_dim3A_294 = vector.shape_cast %argmax3A_285 : vector<256xi32> to vector<256x1xi32>
    %eq3A_295 = vector.broadcast %broadcast_in_dim3A_294 : vector<256x1xi32> to vector<256x2048xi32>
    %eq3A_296 = arith.cmpi eq, %iota3A, %eq3A_295 : vector<256x2048xi32>
    %jit3A_297 = arith.constant -1.000000e+30 : f32
    %broadcast_in_dim3A_298 = vector.broadcast %jit3A_297 : f32 to vector<256x2048xf32>
    %select_n3A_299 = arith.select %eq3A_296, %broadcast_in_dim3A_298, %select_n3A_284 : vector<256x2048xi1>, vector<256x2048xf32>
    %argmax3A_300 = tpu.reduce_index %select_n3A_299 {axis = 1 : i32, kind = #tpu.reduction_kind<arg_max>} : vector<256x2048xf32> -> vector<256xi32>
    %add3A_301 = vector.broadcast %mul3A_19 : i32 to vector<256xi32>
    %add3A_302 = arith.addi %argmax3A_300, %add3A_301 : vector<256xi32>
    %swap3A_303 = arith.constant 0 : index
    %swap3A_304 = arith.constant 19 : index
    %swap3A_305 = arith.constant 0 : index
    %swap3A_306 = vector.load %arg3[%swap3A_303, %swap3A_304, %swap3A_305] : memref<1x24x256xi32, #tpu.memory_space<vmem>>, vector<1x1x256xi32>
    %swap3A_307 = vector.shape_cast %swap3A_306 : vector<1x1x256xi32> to vector<256xi32>
    %swap3A_308 = vector.shape_cast %add3A_302 : vector<256xi32> to vector<1x1x256xi32>
    tpu.vector_store %arg3[%swap3A_303, %swap3A_304, %swap3A_305], %swap3A_308 {strides = array<i32>} : memref<1x24x256xi32, #tpu.memory_space<vmem>>, vector<1x1x256xi32>,
    %add3A_309 = vector.broadcast %mul3A_19 : i32 to vector<256xi32>
    %add3A_310 = arith.addi %argmax3A_300, %add3A_309 : vector<256xi32>
    %swap3A_311 = arith.constant 0 : index
    %swap3A_312 = arith.constant 20 : index
    %swap3A_313 = arith.constant 0 : index
    %swap3A_314 = vector.load %arg3[%swap3A_311, %swap3A_312, %swap3A_313] : memref<1x24x256xi32, #tpu.memory_space<vmem>>, vector<1x1x256xi32>
    %swap3A_315 = vector.shape_cast %swap3A_314 : vector<1x1x256xi32> to vector<256xi32>
    %swap3A_316 = vector.shape_cast %add3A_310 : vector<256xi32> to vector<1x1x256xi32>
    tpu.vector_store %arg3[%swap3A_311, %swap3A_312, %swap3A_313], %swap3A_316 {strides = array<i32>} : memref<1x24x256xi32, #tpu.memory_space<vmem>>, vector<1x1x256xi32>,
    %swap3A_317 = arith.constant 0 : index
    %swap3A_318 = arith.constant 21 : index
    %swap3A_319 = arith.constant 0 : index
    %swap3A_320 = vector.load %arg3[%swap3A_317, %swap3A_318, %swap3A_319] : memref<1x24x256xi32, #tpu.memory_space<vmem>>, vector<1x1x256xi32>
    %swap3A_321 = vector.shape_cast %swap3A_320 : vector<1x1x256xi32> to vector<256xi32>
    %swap3A_322 = vector.shape_cast %add3A_310 : vector<256xi32> to vector<1x1x256xi32>
    tpu.vector_store %arg3[%swap3A_317, %swap3A_318, %swap3A_319], %swap3A_322 {strides = array<i32>} : memref<1x24x256xi32, #tpu.memory_space<vmem>>, vector<1x1x256xi32>,
    %swap3A_323 = arith.constant 0 : index
    %swap3A_324 = arith.constant 22 : index
    %swap3A_325 = arith.constant 0 : index
    %swap3A_326 = vector.load %arg3[%swap3A_323, %swap3A_324, %swap3A_325] : memref<1x24x256xi32, #tpu.memory_space<vmem>>, vector<1x1x256xi32>
    %swap3A_327 = vector.shape_cast %swap3A_326 : vector<1x1x256xi32> to vector<256xi32>
    %swap3A_328 = vector.shape_cast %add3A_310 : vector<256xi32> to vector<1x1x256xi32>
    tpu.vector_store %arg3[%swap3A_323, %swap3A_324, %swap3A_325], %swap3A_328 {strides = array<i32>} : memref<1x24x256xi32, #tpu.memory_space<vmem>>, vector<1x1x256xi32>,
    %swap3A_329 = arith.constant 0 : index
    %swap3A_330 = arith.constant 23 : index
    %swap3A_331 = arith.constant 0 : index
    %swap3A_332 = vector.load %arg3[%swap3A_329, %swap3A_330, %swap3A_331] : memref<1x24x256xi32, #tpu.memory_space<vmem>>, vector<1x1x256xi32>
    %swap3A_333 = vector.shape_cast %swap3A_332 : vector<1x1x256xi32> to vector<256xi32>
    %swap3A_334 = vector.shape_cast %add3A_310 : vector<256xi32> to vector<1x1x256xi32>
    tpu.vector_store %arg3[%swap3A_329, %swap3A_330, %swap3A_331], %swap3A_334 {strides = array<i32>} : memref<1x24x256xi32, #tpu.memory_space<vmem>>, vector<1x1x256xi32>,
    return
  }
  func.func @transform_0(%arg0: i32, %arg1: i32) -> (i32, i32, i32) {
    %c0_i32 = arith.constant 0 : i32
    %c0_i32_0 = arith.constant 0 : i32
    %c0_i32_1 = arith.constant 0 : i32
    return %arg0, %c0_i32, %c0_i32_0 : i32, i32, i32
  }
  func.func @transform_1(%arg0: i32, %arg1: i32) -> (i32, i32, i32) {
    %c0_i32 = arith.constant 0 : i32
    %c0_i32_0 = arith.constant 0 : i32
    return %arg0, %c0_i32, %arg1 : i32, i32, i32
  }
}

module attributes {stable_mosaic.version = 14 : i64} {
  func.func @_knn_body(%arg0: i32, %arg1: i32, %arg2: memref<1x64x2048xf32, #tpu.memory_space<vmem>>, %arg3: memref<1x24x256xi32, #tpu.memory_space<vmem>>) attributes {dimension_semantics = [#tpu.dimension_semantics<arbitrary>, #tpu.dimension_semantics<arbitrary>], iteration_bounds = array<i64: 2, 8>, scalar_prefetch = 0 : i64, scratch_operands = 0 : i64, tpu.core_type = #tpu.core_type<tc>, window_params = [{transform_indices = @transform_0, window_bounds = array<i64: 1, 64, 2048>}, {transform_indices = @transform_1, window_bounds = array<i64: 1, 24, 256>}]} {
    %get3A = arith.constant 0 : index
    %get3A_0 = arith.constant 0 : index
    %get3A_1 = arith.constant 0 : index
    %get3A_2 = vector.load %arg2[%get3A, %get3A_0, %get3A_1] : memref<1x64x2048xf32, #tpu.memory_space<vmem>>, vector<1x64x2048xf32>
    %get3A_3 = vector.shape_cast %get3A_2 : vector<1x64x2048xf32> to vector<64x2048xf32>
    %mul3A = arith.constant 256 : i32
    %mul3A_4 = arith.muli %arg1, %mul3A : i32
    %get3A_5 = arith.constant 0 : index
    %get3A_6 = arith.constant 0 : index
    %get3A_7 = arith.index_cast %mul3A_4 : i32 to index
    %get3A_8 = vector.load %arg2[%get3A_5, %get3A_6, %get3A_7] : memref<1x64x2048xf32, #tpu.memory_space<vmem>>, vector<1x64x256xf32>
    %get3A_9 = vector.shape_cast %get3A_8 : vector<1x64x256xf32> to vector<64x256xf32>
    %mul3A_10 = arith.mulf %get3A_3, %get3A_3 : vector<64x2048xf32>
    %reduce_sum3A = arith.constant dense<0.000000e+00> : vector<2048xf32>
    %reduce_sum3A_11 = vector.multi_reduction <add>, %mul3A_10, %reduce_sum3A [0] : vector<64x2048xf32> to vector<2048xf32>
    %broadcast_in_dim3A = vector.shape_cast %reduce_sum3A_11 : vector<2048xf32> to vector<1x2048xf32>
    %dot_general3A = arith.constant dense<0.000000e+00> : vector<256x2048xf32>
    %dot_general3A_12 = tpu.matmul %get3A_9, %get3A_3, %dot_general3A {dimension_numbers = #tpu.dot_dimension_numbers<[0], [0], [1], [1], [0, 1, 1, 1], [], []>, transpose_lhs_hint = false} : vector<64x256xf32>, vector<64x2048xf32>, vector<256x2048xf32> -> vector<256x2048xf32>
    %mul3A_13 = arith.constant 2.000000e+00 : f32
    %mul3A_14 = vector.broadcast %mul3A_13 : f32 to vector<256x2048xf32>
    %mul3A_15 = arith.mulf %mul3A_14, %dot_general3A_12 : vector<256x2048xf32>
    %sub3A = vector.broadcast %broadcast_in_dim3A : vector<1x2048xf32> to vector<256x2048xf32>
    %sub3A_16 = arith.subf %mul3A_15, %sub3A : vector<256x2048xf32>
    %add3A = arith.constant 4 : i32
    %add3A_17 = arith.addi %arg0, %add3A : i32
    %mul3A_18 = arith.constant 2048 : i32
    %mul3A_19 = arith.muli %add3A_17, %mul3A_18 : i32
    %iota3A = tpu.iota {dimensions = array<i32: 1>} : vector<256x2048xi32>
    %argmax3A = tpu.reduce_index %sub3A_16 {axis = 1 : i32, kind = #tpu.reduction_kind<arg_max>} : vector<256x2048xf32> -> vector<256xi32>
    %add3A_20 = vector.broadcast %mul3A_19 : i32 to vector<256xi32>
    %add3A_21 = arith.addi %argmax3A, %add3A_20 : vector<256xi32>
    %swap3A = arith.constant 0 : index
    %swap3A_22 = arith.constant 0 : index
    %swap3A_23 = arith.constant 0 : index
    %swap3A_24 = vector.load %arg3[%swap3A, %swap3A_22, %swap3A_23] : memref<1x24x256xi32, #tpu.memory_space<vmem>>, vector<1x1x256xi32>
    %swap3A_25 = vector.shape_cast %swap3A_24 : vector<1x1x256xi32> to vector<256xi32>
    %swap3A_26 = vector.shape_cast %add3A_21 : vector<256xi32> to vector<1x1x256xi32>
    tpu.vector_store %arg3[%swap3A, %swap3A_22, %swap3A_23], %swap3A_26 {strides = array<i32>} : memref<1x24x256xi32, #tpu.memory_space<vmem>>, vector<1x1x256xi32>,
    %broadcast_in_dim3A_27 = vector.shape_cast %argmax3A : vector<256xi32> to vector<256x1xi32>
    %eq3A = vector.broadcast %broadcast_in_dim3A_27 : vector<256x1xi32> to vector<256x2048xi32>
    %eq3A_28 = arith.cmpi eq, %iota3A, %eq3A : vector<256x2048xi32>
    %jit3A = arith.constant -1.000000e+30 : f32
    %broadcast_in_dim3A_29 = vector.broadcast %jit3A : f32 to vector<256x2048xf32>
    %select_n3A = arith.select %eq3A_28, %broadcast_in_dim3A_29, %sub3A_16 : vector<256x2048xi1>, vector<256x2048xf32>
    %argmax3A_30 = tpu.reduce_index %select_n3A {axis = 1 : i32, kind = #tpu.reduction_kind<arg_max>} : vector<256x2048xf32> -> vector<256xi32>
    %add3A_31 = vector.broadcast %mul3A_19 : i32 to vector<256xi32>
    %add3A_32 = arith.addi %argmax3A_30, %add3A_31 : vector<256xi32>
    %swap3A_33 = arith.constant 0 : index
    %swap3A_34 = arith.constant 1 : index
    %swap3A_35 = arith.constant 0 : index
    %swap3A_36 = vector.load %arg3[%swap3A_33, %swap3A_34, %swap3A_35] : memref<1x24x256xi32, #tpu.memory_space<vmem>>, vector<1x1x256xi32>
    %swap3A_37 = vector.shape_cast %swap3A_36 : vector<1x1x256xi32> to vector<256xi32>
    %swap3A_38 = vector.shape_cast %add3A_32 : vector<256xi32> to vector<1x1x256xi32>
    tpu.vector_store %arg3[%swap3A_33, %swap3A_34, %swap3A_35], %swap3A_38 {strides = array<i32>} : memref<1x24x256xi32, #tpu.memory_space<vmem>>, vector<1x1x256xi32>,
    %broadcast_in_dim3A_39 = vector.shape_cast %argmax3A_30 : vector<256xi32> to vector<256x1xi32>
    %eq3A_40 = vector.broadcast %broadcast_in_dim3A_39 : vector<256x1xi32> to vector<256x2048xi32>
    %eq3A_41 = arith.cmpi eq, %iota3A, %eq3A_40 : vector<256x2048xi32>
    %jit3A_42 = arith.constant -1.000000e+30 : f32
    %broadcast_in_dim3A_43 = vector.broadcast %jit3A_42 : f32 to vector<256x2048xf32>
    %select_n3A_44 = arith.select %eq3A_41, %broadcast_in_dim3A_43, %select_n3A : vector<256x2048xi1>, vector<256x2048xf32>
    %argmax3A_45 = tpu.reduce_index %select_n3A_44 {axis = 1 : i32, kind = #tpu.reduction_kind<arg_max>} : vector<256x2048xf32> -> vector<256xi32>
    %add3A_46 = vector.broadcast %mul3A_19 : i32 to vector<256xi32>
    %add3A_47 = arith.addi %argmax3A_45, %add3A_46 : vector<256xi32>
    %swap3A_48 = arith.constant 0 : index
    %swap3A_49 = arith.constant 2 : index
    %swap3A_50 = arith.constant 0 : index
    %swap3A_51 = vector.load %arg3[%swap3A_48, %swap3A_49, %swap3A_50] : memref<1x24x256xi32, #tpu.memory_space<vmem>>, vector<1x1x256xi32>
    %swap3A_52 = vector.shape_cast %swap3A_51 : vector<1x1x256xi32> to vector<256xi32>
    %swap3A_53 = vector.shape_cast %add3A_47 : vector<256xi32> to vector<1x1x256xi32>
    tpu.vector_store %arg3[%swap3A_48, %swap3A_49, %swap3A_50], %swap3A_53 {strides = array<i32>} : memref<1x24x256xi32, #tpu.memory_space<vmem>>, vector<1x1x256xi32>,
    %broadcast_in_dim3A_54 = vector.shape_cast %argmax3A_45 : vector<256xi32> to vector<256x1xi32>
    %eq3A_55 = vector.broadcast %broadcast_in_dim3A_54 : vector<256x1xi32> to vector<256x2048xi32>
    %eq3A_56 = arith.cmpi eq, %iota3A, %eq3A_55 : vector<256x2048xi32>
    %jit3A_57 = arith.constant -1.000000e+30 : f32
    %broadcast_in_dim3A_58 = vector.broadcast %jit3A_57 : f32 to vector<256x2048xf32>
    %select_n3A_59 = arith.select %eq3A_56, %broadcast_in_dim3A_58, %select_n3A_44 : vector<256x2048xi1>, vector<256x2048xf32>
    %argmax3A_60 = tpu.reduce_index %select_n3A_59 {axis = 1 : i32, kind = #tpu.reduction_kind<arg_max>} : vector<256x2048xf32> -> vector<256xi32>
    %add3A_61 = vector.broadcast %mul3A_19 : i32 to vector<256xi32>
    %add3A_62 = arith.addi %argmax3A_60, %add3A_61 : vector<256xi32>
    %swap3A_63 = arith.constant 0 : index
    %swap3A_64 = arith.constant 3 : index
    %swap3A_65 = arith.constant 0 : index
    %swap3A_66 = vector.load %arg3[%swap3A_63, %swap3A_64, %swap3A_65] : memref<1x24x256xi32, #tpu.memory_space<vmem>>, vector<1x1x256xi32>
    %swap3A_67 = vector.shape_cast %swap3A_66 : vector<1x1x256xi32> to vector<256xi32>
    %swap3A_68 = vector.shape_cast %add3A_62 : vector<256xi32> to vector<1x1x256xi32>
    tpu.vector_store %arg3[%swap3A_63, %swap3A_64, %swap3A_65], %swap3A_68 {strides = array<i32>} : memref<1x24x256xi32, #tpu.memory_space<vmem>>, vector<1x1x256xi32>,
    %broadcast_in_dim3A_69 = vector.shape_cast %argmax3A_60 : vector<256xi32> to vector<256x1xi32>
    %eq3A_70 = vector.broadcast %broadcast_in_dim3A_69 : vector<256x1xi32> to vector<256x2048xi32>
    %eq3A_71 = arith.cmpi eq, %iota3A, %eq3A_70 : vector<256x2048xi32>
    %jit3A_72 = arith.constant -1.000000e+30 : f32
    %broadcast_in_dim3A_73 = vector.broadcast %jit3A_72 : f32 to vector<256x2048xf32>
    %select_n3A_74 = arith.select %eq3A_71, %broadcast_in_dim3A_73, %select_n3A_59 : vector<256x2048xi1>, vector<256x2048xf32>
    %argmax3A_75 = tpu.reduce_index %select_n3A_74 {axis = 1 : i32, kind = #tpu.reduction_kind<arg_max>} : vector<256x2048xf32> -> vector<256xi32>
    %add3A_76 = vector.broadcast %mul3A_19 : i32 to vector<256xi32>
    %add3A_77 = arith.addi %argmax3A_75, %add3A_76 : vector<256xi32>
    %swap3A_78 = arith.constant 0 : index
    %swap3A_79 = arith.constant 4 : index
    %swap3A_80 = arith.constant 0 : index
    %swap3A_81 = vector.load %arg3[%swap3A_78, %swap3A_79, %swap3A_80] : memref<1x24x256xi32, #tpu.memory_space<vmem>>, vector<1x1x256xi32>
    %swap3A_82 = vector.shape_cast %swap3A_81 : vector<1x1x256xi32> to vector<256xi32>
    %swap3A_83 = vector.shape_cast %add3A_77 : vector<256xi32> to vector<1x1x256xi32>
    tpu.vector_store %arg3[%swap3A_78, %swap3A_79, %swap3A_80], %swap3A_83 {strides = array<i32>} : memref<1x24x256xi32, #tpu.memory_space<vmem>>, vector<1x1x256xi32>,
    %broadcast_in_dim3A_84 = vector.shape_cast %argmax3A_75 : vector<256xi32> to vector<256x1xi32>
    %eq3A_85 = vector.broadcast %broadcast_in_dim3A_84 : vector<256x1xi32> to vector<256x2048xi32>
    %eq3A_86 = arith.cmpi eq, %iota3A, %eq3A_85 : vector<256x2048xi32>
    %jit3A_87 = arith.constant -1.000000e+30 : f32
    %broadcast_in_dim3A_88 = vector.broadcast %jit3A_87 : f32 to vector<256x2048xf32>
    %select_n3A_89 = arith.select %eq3A_86, %broadcast_in_dim3A_88, %select_n3A_74 : vector<256x2048xi1>, vector<256x2048xf32>
    %argmax3A_90 = tpu.reduce_index %select_n3A_89 {axis = 1 : i32, kind = #tpu.reduction_kind<arg_max>} : vector<256x2048xf32> -> vector<256xi32>
    %add3A_91 = vector.broadcast %mul3A_19 : i32 to vector<256xi32>
    %add3A_92 = arith.addi %argmax3A_90, %add3A_91 : vector<256xi32>
    %swap3A_93 = arith.constant 0 : index
    %swap3A_94 = arith.constant 5 : index
    %swap3A_95 = arith.constant 0 : index
    %swap3A_96 = vector.load %arg3[%swap3A_93, %swap3A_94, %swap3A_95] : memref<1x24x256xi32, #tpu.memory_space<vmem>>, vector<1x1x256xi32>
    %swap3A_97 = vector.shape_cast %swap3A_96 : vector<1x1x256xi32> to vector<256xi32>
    %swap3A_98 = vector.shape_cast %add3A_92 : vector<256xi32> to vector<1x1x256xi32>
    tpu.vector_store %arg3[%swap3A_93, %swap3A_94, %swap3A_95], %swap3A_98 {strides = array<i32>} : memref<1x24x256xi32, #tpu.memory_space<vmem>>, vector<1x1x256xi32>,
    %broadcast_in_dim3A_99 = vector.shape_cast %argmax3A_90 : vector<256xi32> to vector<256x1xi32>
    %eq3A_100 = vector.broadcast %broadcast_in_dim3A_99 : vector<256x1xi32> to vector<256x2048xi32>
    %eq3A_101 = arith.cmpi eq, %iota3A, %eq3A_100 : vector<256x2048xi32>
    %jit3A_102 = arith.constant -1.000000e+30 : f32
    %broadcast_in_dim3A_103 = vector.broadcast %jit3A_102 : f32 to vector<256x2048xf32>
    %select_n3A_104 = arith.select %eq3A_101, %broadcast_in_dim3A_103, %select_n3A_89 : vector<256x2048xi1>, vector<256x2048xf32>
    %argmax3A_105 = tpu.reduce_index %select_n3A_104 {axis = 1 : i32, kind = #tpu.reduction_kind<arg_max>} : vector<256x2048xf32> -> vector<256xi32>
    %add3A_106 = vector.broadcast %mul3A_19 : i32 to vector<256xi32>
    %add3A_107 = arith.addi %argmax3A_105, %add3A_106 : vector<256xi32>
    %swap3A_108 = arith.constant 0 : index
    %swap3A_109 = arith.constant 6 : index
    %swap3A_110 = arith.constant 0 : index
    %swap3A_111 = vector.load %arg3[%swap3A_108, %swap3A_109, %swap3A_110] : memref<1x24x256xi32, #tpu.memory_space<vmem>>, vector<1x1x256xi32>
    %swap3A_112 = vector.shape_cast %swap3A_111 : vector<1x1x256xi32> to vector<256xi32>
    %swap3A_113 = vector.shape_cast %add3A_107 : vector<256xi32> to vector<1x1x256xi32>
    tpu.vector_store %arg3[%swap3A_108, %swap3A_109, %swap3A_110], %swap3A_113 {strides = array<i32>} : memref<1x24x256xi32, #tpu.memory_space<vmem>>, vector<1x1x256xi32>,
    %broadcast_in_dim3A_114 = vector.shape_cast %argmax3A_105 : vector<256xi32> to vector<256x1xi32>
    %eq3A_115 = vector.broadcast %broadcast_in_dim3A_114 : vector<256x1xi32> to vector<256x2048xi32>
    %eq3A_116 = arith.cmpi eq, %iota3A, %eq3A_115 : vector<256x2048xi32>
    %jit3A_117 = arith.constant -1.000000e+30 : f32
    %broadcast_in_dim3A_118 = vector.broadcast %jit3A_117 : f32 to vector<256x2048xf32>
    %select_n3A_119 = arith.select %eq3A_116, %broadcast_in_dim3A_118, %select_n3A_104 : vector<256x2048xi1>, vector<256x2048xf32>
    %argmax3A_120 = tpu.reduce_index %select_n3A_119 {axis = 1 : i32, kind = #tpu.reduction_kind<arg_max>} : vector<256x2048xf32> -> vector<256xi32>
    %add3A_121 = vector.broadcast %mul3A_19 : i32 to vector<256xi32>
    %add3A_122 = arith.addi %argmax3A_120, %add3A_121 : vector<256xi32>
    %swap3A_123 = arith.constant 0 : index
    %swap3A_124 = arith.constant 7 : index
    %swap3A_125 = arith.constant 0 : index
    %swap3A_126 = vector.load %arg3[%swap3A_123, %swap3A_124, %swap3A_125] : memref<1x24x256xi32, #tpu.memory_space<vmem>>, vector<1x1x256xi32>
    %swap3A_127 = vector.shape_cast %swap3A_126 : vector<1x1x256xi32> to vector<256xi32>
    %swap3A_128 = vector.shape_cast %add3A_122 : vector<256xi32> to vector<1x1x256xi32>
    tpu.vector_store %arg3[%swap3A_123, %swap3A_124, %swap3A_125], %swap3A_128 {strides = array<i32>} : memref<1x24x256xi32, #tpu.memory_space<vmem>>, vector<1x1x256xi32>,
    %broadcast_in_dim3A_129 = vector.shape_cast %argmax3A_120 : vector<256xi32> to vector<256x1xi32>
    %eq3A_130 = vector.broadcast %broadcast_in_dim3A_129 : vector<256x1xi32> to vector<256x2048xi32>
    %eq3A_131 = arith.cmpi eq, %iota3A, %eq3A_130 : vector<256x2048xi32>
    %jit3A_132 = arith.constant -1.000000e+30 : f32
    %broadcast_in_dim3A_133 = vector.broadcast %jit3A_132 : f32 to vector<256x2048xf32>
    %select_n3A_134 = arith.select %eq3A_131, %broadcast_in_dim3A_133, %select_n3A_119 : vector<256x2048xi1>, vector<256x2048xf32>
    %argmax3A_135 = tpu.reduce_index %select_n3A_134 {axis = 1 : i32, kind = #tpu.reduction_kind<arg_max>} : vector<256x2048xf32> -> vector<256xi32>
    %add3A_136 = vector.broadcast %mul3A_19 : i32 to vector<256xi32>
    %add3A_137 = arith.addi %argmax3A_135, %add3A_136 : vector<256xi32>
    %swap3A_138 = arith.constant 0 : index
    %swap3A_139 = arith.constant 8 : index
    %swap3A_140 = arith.constant 0 : index
    %swap3A_141 = vector.load %arg3[%swap3A_138, %swap3A_139, %swap3A_140] : memref<1x24x256xi32, #tpu.memory_space<vmem>>, vector<1x1x256xi32>
    %swap3A_142 = vector.shape_cast %swap3A_141 : vector<1x1x256xi32> to vector<256xi32>
    %swap3A_143 = vector.shape_cast %add3A_137 : vector<256xi32> to vector<1x1x256xi32>
    tpu.vector_store %arg3[%swap3A_138, %swap3A_139, %swap3A_140], %swap3A_143 {strides = array<i32>} : memref<1x24x256xi32, #tpu.memory_space<vmem>>, vector<1x1x256xi32>,
    %broadcast_in_dim3A_144 = vector.shape_cast %argmax3A_135 : vector<256xi32> to vector<256x1xi32>
    %eq3A_145 = vector.broadcast %broadcast_in_dim3A_144 : vector<256x1xi32> to vector<256x2048xi32>
    %eq3A_146 = arith.cmpi eq, %iota3A, %eq3A_145 : vector<256x2048xi32>
    %jit3A_147 = arith.constant -1.000000e+30 : f32
    %broadcast_in_dim3A_148 = vector.broadcast %jit3A_147 : f32 to vector<256x2048xf32>
    %select_n3A_149 = arith.select %eq3A_146, %broadcast_in_dim3A_148, %select_n3A_134 : vector<256x2048xi1>, vector<256x2048xf32>
    %argmax3A_150 = tpu.reduce_index %select_n3A_149 {axis = 1 : i32, kind = #tpu.reduction_kind<arg_max>} : vector<256x2048xf32> -> vector<256xi32>
    %add3A_151 = vector.broadcast %mul3A_19 : i32 to vector<256xi32>
    %add3A_152 = arith.addi %argmax3A_150, %add3A_151 : vector<256xi32>
    %swap3A_153 = arith.constant 0 : index
    %swap3A_154 = arith.constant 9 : index
    %swap3A_155 = arith.constant 0 : index
    %swap3A_156 = vector.load %arg3[%swap3A_153, %swap3A_154, %swap3A_155] : memref<1x24x256xi32, #tpu.memory_space<vmem>>, vector<1x1x256xi32>
    %swap3A_157 = vector.shape_cast %swap3A_156 : vector<1x1x256xi32> to vector<256xi32>
    %swap3A_158 = vector.shape_cast %add3A_152 : vector<256xi32> to vector<1x1x256xi32>
    tpu.vector_store %arg3[%swap3A_153, %swap3A_154, %swap3A_155], %swap3A_158 {strides = array<i32>} : memref<1x24x256xi32, #tpu.memory_space<vmem>>, vector<1x1x256xi32>,
    %broadcast_in_dim3A_159 = vector.shape_cast %argmax3A_150 : vector<256xi32> to vector<256x1xi32>
    %eq3A_160 = vector.broadcast %broadcast_in_dim3A_159 : vector<256x1xi32> to vector<256x2048xi32>
    %eq3A_161 = arith.cmpi eq, %iota3A, %eq3A_160 : vector<256x2048xi32>
    %jit3A_162 = arith.constant -1.000000e+30 : f32
    %broadcast_in_dim3A_163 = vector.broadcast %jit3A_162 : f32 to vector<256x2048xf32>
    %select_n3A_164 = arith.select %eq3A_161, %broadcast_in_dim3A_163, %select_n3A_149 : vector<256x2048xi1>, vector<256x2048xf32>
    %argmax3A_165 = tpu.reduce_index %select_n3A_164 {axis = 1 : i32, kind = #tpu.reduction_kind<arg_max>} : vector<256x2048xf32> -> vector<256xi32>
    %add3A_166 = vector.broadcast %mul3A_19 : i32 to vector<256xi32>
    %add3A_167 = arith.addi %argmax3A_165, %add3A_166 : vector<256xi32>
    %swap3A_168 = arith.constant 0 : index
    %swap3A_169 = arith.constant 10 : index
    %swap3A_170 = arith.constant 0 : index
    %swap3A_171 = vector.load %arg3[%swap3A_168, %swap3A_169, %swap3A_170] : memref<1x24x256xi32, #tpu.memory_space<vmem>>, vector<1x1x256xi32>
    %swap3A_172 = vector.shape_cast %swap3A_171 : vector<1x1x256xi32> to vector<256xi32>
    %swap3A_173 = vector.shape_cast %add3A_167 : vector<256xi32> to vector<1x1x256xi32>
    tpu.vector_store %arg3[%swap3A_168, %swap3A_169, %swap3A_170], %swap3A_173 {strides = array<i32>} : memref<1x24x256xi32, #tpu.memory_space<vmem>>, vector<1x1x256xi32>,
    %broadcast_in_dim3A_174 = vector.shape_cast %argmax3A_165 : vector<256xi32> to vector<256x1xi32>
    %eq3A_175 = vector.broadcast %broadcast_in_dim3A_174 : vector<256x1xi32> to vector<256x2048xi32>
    %eq3A_176 = arith.cmpi eq, %iota3A, %eq3A_175 : vector<256x2048xi32>
    %jit3A_177 = arith.constant -1.000000e+30 : f32
    %broadcast_in_dim3A_178 = vector.broadcast %jit3A_177 : f32 to vector<256x2048xf32>
    %select_n3A_179 = arith.select %eq3A_176, %broadcast_in_dim3A_178, %select_n3A_164 : vector<256x2048xi1>, vector<256x2048xf32>
    %argmax3A_180 = tpu.reduce_index %select_n3A_179 {axis = 1 : i32, kind = #tpu.reduction_kind<arg_max>} : vector<256x2048xf32> -> vector<256xi32>
    %add3A_181 = vector.broadcast %mul3A_19 : i32 to vector<256xi32>
    %add3A_182 = arith.addi %argmax3A_180, %add3A_181 : vector<256xi32>
    %swap3A_183 = arith.constant 0 : index
    %swap3A_184 = arith.constant 11 : index
    %swap3A_185 = arith.constant 0 : index
    %swap3A_186 = vector.load %arg3[%swap3A_183, %swap3A_184, %swap3A_185] : memref<1x24x256xi32, #tpu.memory_space<vmem>>, vector<1x1x256xi32>
    %swap3A_187 = vector.shape_cast %swap3A_186 : vector<1x1x256xi32> to vector<256xi32>
    %swap3A_188 = vector.shape_cast %add3A_182 : vector<256xi32> to vector<1x1x256xi32>
    tpu.vector_store %arg3[%swap3A_183, %swap3A_184, %swap3A_185], %swap3A_188 {strides = array<i32>} : memref<1x24x256xi32, #tpu.memory_space<vmem>>, vector<1x1x256xi32>,
    %broadcast_in_dim3A_189 = vector.shape_cast %argmax3A_180 : vector<256xi32> to vector<256x1xi32>
    %eq3A_190 = vector.broadcast %broadcast_in_dim3A_189 : vector<256x1xi32> to vector<256x2048xi32>
    %eq3A_191 = arith.cmpi eq, %iota3A, %eq3A_190 : vector<256x2048xi32>
    %jit3A_192 = arith.constant -1.000000e+30 : f32
    %broadcast_in_dim3A_193 = vector.broadcast %jit3A_192 : f32 to vector<256x2048xf32>
    %select_n3A_194 = arith.select %eq3A_191, %broadcast_in_dim3A_193, %select_n3A_179 : vector<256x2048xi1>, vector<256x2048xf32>
    %argmax3A_195 = tpu.reduce_index %select_n3A_194 {axis = 1 : i32, kind = #tpu.reduction_kind<arg_max>} : vector<256x2048xf32> -> vector<256xi32>
    %add3A_196 = vector.broadcast %mul3A_19 : i32 to vector<256xi32>
    %add3A_197 = arith.addi %argmax3A_195, %add3A_196 : vector<256xi32>
    %swap3A_198 = arith.constant 0 : index
    %swap3A_199 = arith.constant 12 : index
    %swap3A_200 = arith.constant 0 : index
    %swap3A_201 = vector.load %arg3[%swap3A_198, %swap3A_199, %swap3A_200] : memref<1x24x256xi32, #tpu.memory_space<vmem>>, vector<1x1x256xi32>
    %swap3A_202 = vector.shape_cast %swap3A_201 : vector<1x1x256xi32> to vector<256xi32>
    %swap3A_203 = vector.shape_cast %add3A_197 : vector<256xi32> to vector<1x1x256xi32>
    tpu.vector_store %arg3[%swap3A_198, %swap3A_199, %swap3A_200], %swap3A_203 {strides = array<i32>} : memref<1x24x256xi32, #tpu.memory_space<vmem>>, vector<1x1x256xi32>,
    %broadcast_in_dim3A_204 = vector.shape_cast %argmax3A_195 : vector<256xi32> to vector<256x1xi32>
    %eq3A_205 = vector.broadcast %broadcast_in_dim3A_204 : vector<256x1xi32> to vector<256x2048xi32>
    %eq3A_206 = arith.cmpi eq, %iota3A, %eq3A_205 : vector<256x2048xi32>
    %jit3A_207 = arith.constant -1.000000e+30 : f32
    %broadcast_in_dim3A_208 = vector.broadcast %jit3A_207 : f32 to vector<256x2048xf32>
    %select_n3A_209 = arith.select %eq3A_206, %broadcast_in_dim3A_208, %select_n3A_194 : vector<256x2048xi1>, vector<256x2048xf32>
    %argmax3A_210 = tpu.reduce_index %select_n3A_209 {axis = 1 : i32, kind = #tpu.reduction_kind<arg_max>} : vector<256x2048xf32> -> vector<256xi32>
    %add3A_211 = vector.broadcast %mul3A_19 : i32 to vector<256xi32>
    %add3A_212 = arith.addi %argmax3A_210, %add3A_211 : vector<256xi32>
    %swap3A_213 = arith.constant 0 : index
    %swap3A_214 = arith.constant 13 : index
    %swap3A_215 = arith.constant 0 : index
    %swap3A_216 = vector.load %arg3[%swap3A_213, %swap3A_214, %swap3A_215] : memref<1x24x256xi32, #tpu.memory_space<vmem>>, vector<1x1x256xi32>
    %swap3A_217 = vector.shape_cast %swap3A_216 : vector<1x1x256xi32> to vector<256xi32>
    %swap3A_218 = vector.shape_cast %add3A_212 : vector<256xi32> to vector<1x1x256xi32>
    tpu.vector_store %arg3[%swap3A_213, %swap3A_214, %swap3A_215], %swap3A_218 {strides = array<i32>} : memref<1x24x256xi32, #tpu.memory_space<vmem>>, vector<1x1x256xi32>,
    %broadcast_in_dim3A_219 = vector.shape_cast %argmax3A_210 : vector<256xi32> to vector<256x1xi32>
    %eq3A_220 = vector.broadcast %broadcast_in_dim3A_219 : vector<256x1xi32> to vector<256x2048xi32>
    %eq3A_221 = arith.cmpi eq, %iota3A, %eq3A_220 : vector<256x2048xi32>
    %jit3A_222 = arith.constant -1.000000e+30 : f32
    %broadcast_in_dim3A_223 = vector.broadcast %jit3A_222 : f32 to vector<256x2048xf32>
    %select_n3A_224 = arith.select %eq3A_221, %broadcast_in_dim3A_223, %select_n3A_209 : vector<256x2048xi1>, vector<256x2048xf32>
    %argmax3A_225 = tpu.reduce_index %select_n3A_224 {axis = 1 : i32, kind = #tpu.reduction_kind<arg_max>} : vector<256x2048xf32> -> vector<256xi32>
    %add3A_226 = vector.broadcast %mul3A_19 : i32 to vector<256xi32>
    %add3A_227 = arith.addi %argmax3A_225, %add3A_226 : vector<256xi32>
    %swap3A_228 = arith.constant 0 : index
    %swap3A_229 = arith.constant 14 : index
    %swap3A_230 = arith.constant 0 : index
    %swap3A_231 = vector.load %arg3[%swap3A_228, %swap3A_229, %swap3A_230] : memref<1x24x256xi32, #tpu.memory_space<vmem>>, vector<1x1x256xi32>
    %swap3A_232 = vector.shape_cast %swap3A_231 : vector<1x1x256xi32> to vector<256xi32>
    %swap3A_233 = vector.shape_cast %add3A_227 : vector<256xi32> to vector<1x1x256xi32>
    tpu.vector_store %arg3[%swap3A_228, %swap3A_229, %swap3A_230], %swap3A_233 {strides = array<i32>} : memref<1x24x256xi32, #tpu.memory_space<vmem>>, vector<1x1x256xi32>,
    %broadcast_in_dim3A_234 = vector.shape_cast %argmax3A_225 : vector<256xi32> to vector<256x1xi32>
    %eq3A_235 = vector.broadcast %broadcast_in_dim3A_234 : vector<256x1xi32> to vector<256x2048xi32>
    %eq3A_236 = arith.cmpi eq, %iota3A, %eq3A_235 : vector<256x2048xi32>
    %jit3A_237 = arith.constant -1.000000e+30 : f32
    %broadcast_in_dim3A_238 = vector.broadcast %jit3A_237 : f32 to vector<256x2048xf32>
    %select_n3A_239 = arith.select %eq3A_236, %broadcast_in_dim3A_238, %select_n3A_224 : vector<256x2048xi1>, vector<256x2048xf32>
    %argmax3A_240 = tpu.reduce_index %select_n3A_239 {axis = 1 : i32, kind = #tpu.reduction_kind<arg_max>} : vector<256x2048xf32> -> vector<256xi32>
    %add3A_241 = vector.broadcast %mul3A_19 : i32 to vector<256xi32>
    %add3A_242 = arith.addi %argmax3A_240, %add3A_241 : vector<256xi32>
    %swap3A_243 = arith.constant 0 : index
    %swap3A_244 = arith.constant 15 : index
    %swap3A_245 = arith.constant 0 : index
    %swap3A_246 = vector.load %arg3[%swap3A_243, %swap3A_244, %swap3A_245] : memref<1x24x256xi32, #tpu.memory_space<vmem>>, vector<1x1x256xi32>
    %swap3A_247 = vector.shape_cast %swap3A_246 : vector<1x1x256xi32> to vector<256xi32>
    %swap3A_248 = vector.shape_cast %add3A_242 : vector<256xi32> to vector<1x1x256xi32>
    tpu.vector_store %arg3[%swap3A_243, %swap3A_244, %swap3A_245], %swap3A_248 {strides = array<i32>} : memref<1x24x256xi32, #tpu.memory_space<vmem>>, vector<1x1x256xi32>,
    %broadcast_in_dim3A_249 = vector.shape_cast %argmax3A_240 : vector<256xi32> to vector<256x1xi32>
    %eq3A_250 = vector.broadcast %broadcast_in_dim3A_249 : vector<256x1xi32> to vector<256x2048xi32>
    %eq3A_251 = arith.cmpi eq, %iota3A, %eq3A_250 : vector<256x2048xi32>
    %jit3A_252 = arith.constant -1.000000e+30 : f32
    %broadcast_in_dim3A_253 = vector.broadcast %jit3A_252 : f32 to vector<256x2048xf32>
    %select_n3A_254 = arith.select %eq3A_251, %broadcast_in_dim3A_253, %select_n3A_239 : vector<256x2048xi1>, vector<256x2048xf32>
    %argmax3A_255 = tpu.reduce_index %select_n3A_254 {axis = 1 : i32, kind = #tpu.reduction_kind<arg_max>} : vector<256x2048xf32> -> vector<256xi32>
    %add3A_256 = vector.broadcast %mul3A_19 : i32 to vector<256xi32>
    %add3A_257 = arith.addi %argmax3A_255, %add3A_256 : vector<256xi32>
    %swap3A_258 = arith.constant 0 : index
    %swap3A_259 = arith.constant 16 : index
    %swap3A_260 = arith.constant 0 : index
    %swap3A_261 = vector.load %arg3[%swap3A_258, %swap3A_259, %swap3A_260] : memref<1x24x256xi32, #tpu.memory_space<vmem>>, vector<1x1x256xi32>
    %swap3A_262 = vector.shape_cast %swap3A_261 : vector<1x1x256xi32> to vector<256xi32>
    %swap3A_263 = vector.shape_cast %add3A_257 : vector<256xi32> to vector<1x1x256xi32>
    tpu.vector_store %arg3[%swap3A_258, %swap3A_259, %swap3A_260], %swap3A_263 {strides = array<i32>} : memref<1x24x256xi32, #tpu.memory_space<vmem>>, vector<1x1x256xi32>,
    %broadcast_in_dim3A_264 = vector.shape_cast %argmax3A_255 : vector<256xi32> to vector<256x1xi32>
    %eq3A_265 = vector.broadcast %broadcast_in_dim3A_264 : vector<256x1xi32> to vector<256x2048xi32>
    %eq3A_266 = arith.cmpi eq, %iota3A, %eq3A_265 : vector<256x2048xi32>
    %jit3A_267 = arith.constant -1.000000e+30 : f32
    %broadcast_in_dim3A_268 = vector.broadcast %jit3A_267 : f32 to vector<256x2048xf32>
    %select_n3A_269 = arith.select %eq3A_266, %broadcast_in_dim3A_268, %select_n3A_254 : vector<256x2048xi1>, vector<256x2048xf32>
    %argmax3A_270 = tpu.reduce_index %select_n3A_269 {axis = 1 : i32, kind = #tpu.reduction_kind<arg_max>} : vector<256x2048xf32> -> vector<256xi32>
    %add3A_271 = vector.broadcast %mul3A_19 : i32 to vector<256xi32>
    %add3A_272 = arith.addi %argmax3A_270, %add3A_271 : vector<256xi32>
    %swap3A_273 = arith.constant 0 : index
    %swap3A_274 = arith.constant 17 : index
    %swap3A_275 = arith.constant 0 : index
    %swap3A_276 = vector.load %arg3[%swap3A_273, %swap3A_274, %swap3A_275] : memref<1x24x256xi32, #tpu.memory_space<vmem>>, vector<1x1x256xi32>
    %swap3A_277 = vector.shape_cast %swap3A_276 : vector<1x1x256xi32> to vector<256xi32>
    %swap3A_278 = vector.shape_cast %add3A_272 : vector<256xi32> to vector<1x1x256xi32>
    tpu.vector_store %arg3[%swap3A_273, %swap3A_274, %swap3A_275], %swap3A_278 {strides = array<i32>} : memref<1x24x256xi32, #tpu.memory_space<vmem>>, vector<1x1x256xi32>,
    %broadcast_in_dim3A_279 = vector.shape_cast %argmax3A_270 : vector<256xi32> to vector<256x1xi32>
    %eq3A_280 = vector.broadcast %broadcast_in_dim3A_279 : vector<256x1xi32> to vector<256x2048xi32>
    %eq3A_281 = arith.cmpi eq, %iota3A, %eq3A_280 : vector<256x2048xi32>
    %jit3A_282 = arith.constant -1.000000e+30 : f32
    %broadcast_in_dim3A_283 = vector.broadcast %jit3A_282 : f32 to vector<256x2048xf32>
    %select_n3A_284 = arith.select %eq3A_281, %broadcast_in_dim3A_283, %select_n3A_269 : vector<256x2048xi1>, vector<256x2048xf32>
    %argmax3A_285 = tpu.reduce_index %select_n3A_284 {axis = 1 : i32, kind = #tpu.reduction_kind<arg_max>} : vector<256x2048xf32> -> vector<256xi32>
    %add3A_286 = vector.broadcast %mul3A_19 : i32 to vector<256xi32>
    %add3A_287 = arith.addi %argmax3A_285, %add3A_286 : vector<256xi32>
    %swap3A_288 = arith.constant 0 : index
    %swap3A_289 = arith.constant 18 : index
    %swap3A_290 = arith.constant 0 : index
    %swap3A_291 = vector.load %arg3[%swap3A_288, %swap3A_289, %swap3A_290] : memref<1x24x256xi32, #tpu.memory_space<vmem>>, vector<1x1x256xi32>
    %swap3A_292 = vector.shape_cast %swap3A_291 : vector<1x1x256xi32> to vector<256xi32>
    %swap3A_293 = vector.shape_cast %add3A_287 : vector<256xi32> to vector<1x1x256xi32>
    tpu.vector_store %arg3[%swap3A_288, %swap3A_289, %swap3A_290], %swap3A_293 {strides = array<i32>} : memref<1x24x256xi32, #tpu.memory_space<vmem>>, vector<1x1x256xi32>,
    %broadcast_in_dim3A_294 = vector.shape_cast %argmax3A_285 : vector<256xi32> to vector<256x1xi32>
    %eq3A_295 = vector.broadcast %broadcast_in_dim3A_294 : vector<256x1xi32> to vector<256x2048xi32>
    %eq3A_296 = arith.cmpi eq, %iota3A, %eq3A_295 : vector<256x2048xi32>
    %jit3A_297 = arith.constant -1.000000e+30 : f32
    %broadcast_in_dim3A_298 = vector.broadcast %jit3A_297 : f32 to vector<256x2048xf32>
    %select_n3A_299 = arith.select %eq3A_296, %broadcast_in_dim3A_298, %select_n3A_284 : vector<256x2048xi1>, vector<256x2048xf32>
    %argmax3A_300 = tpu.reduce_index %select_n3A_299 {axis = 1 : i32, kind = #tpu.reduction_kind<arg_max>} : vector<256x2048xf32> -> vector<256xi32>
    %add3A_301 = vector.broadcast %mul3A_19 : i32 to vector<256xi32>
    %add3A_302 = arith.addi %argmax3A_300, %add3A_301 : vector<256xi32>
    %swap3A_303 = arith.constant 0 : index
    %swap3A_304 = arith.constant 19 : index
    %swap3A_305 = arith.constant 0 : index
    %swap3A_306 = vector.load %arg3[%swap3A_303, %swap3A_304, %swap3A_305] : memref<1x24x256xi32, #tpu.memory_space<vmem>>, vector<1x1x256xi32>
    %swap3A_307 = vector.shape_cast %swap3A_306 : vector<1x1x256xi32> to vector<256xi32>
    %swap3A_308 = vector.shape_cast %add3A_302 : vector<256xi32> to vector<1x1x256xi32>
    tpu.vector_store %arg3[%swap3A_303, %swap3A_304, %swap3A_305], %swap3A_308 {strides = array<i32>} : memref<1x24x256xi32, #tpu.memory_space<vmem>>, vector<1x1x256xi32>,
    %add3A_309 = vector.broadcast %mul3A_19 : i32 to vector<256xi32>
    %add3A_310 = arith.addi %argmax3A_300, %add3A_309 : vector<256xi32>
    %swap3A_311 = arith.constant 0 : index
    %swap3A_312 = arith.constant 20 : index
    %swap3A_313 = arith.constant 0 : index
    %swap3A_314 = vector.load %arg3[%swap3A_311, %swap3A_312, %swap3A_313] : memref<1x24x256xi32, #tpu.memory_space<vmem>>, vector<1x1x256xi32>
    %swap3A_315 = vector.shape_cast %swap3A_314 : vector<1x1x256xi32> to vector<256xi32>
    %swap3A_316 = vector.shape_cast %add3A_310 : vector<256xi32> to vector<1x1x256xi32>
    tpu.vector_store %arg3[%swap3A_311, %swap3A_312, %swap3A_313], %swap3A_316 {strides = array<i32>} : memref<1x24x256xi32, #tpu.memory_space<vmem>>, vector<1x1x256xi32>,
    %swap3A_317 = arith.constant 0 : index
    %swap3A_318 = arith.constant 21 : index
    %swap3A_319 = arith.constant 0 : index
    %swap3A_320 = vector.load %arg3[%swap3A_317, %swap3A_318, %swap3A_319] : memref<1x24x256xi32, #tpu.memory_space<vmem>>, vector<1x1x256xi32>
    %swap3A_321 = vector.shape_cast %swap3A_320 : vector<1x1x256xi32> to vector<256xi32>
    %swap3A_322 = vector.shape_cast %add3A_310 : vector<256xi32> to vector<1x1x256xi32>
    tpu.vector_store %arg3[%swap3A_317, %swap3A_318, %swap3A_319], %swap3A_322 {strides = array<i32>} : memref<1x24x256xi32, #tpu.memory_space<vmem>>, vector<1x1x256xi32>,
    %swap3A_323 = arith.constant 0 : index
    %swap3A_324 = arith.constant 22 : index
    %swap3A_325 = arith.constant 0 : index
    %swap3A_326 = vector.load %arg3[%swap3A_323, %swap3A_324, %swap3A_325] : memref<1x24x256xi32, #tpu.memory_space<vmem>>, vector<1x1x256xi32>
    %swap3A_327 = vector.shape_cast %swap3A_326 : vector<1x1x256xi32> to vector<256xi32>
    %swap3A_328 = vector.shape_cast %add3A_310 : vector<256xi32> to vector<1x1x256xi32>
    tpu.vector_store %arg3[%swap3A_323, %swap3A_324, %swap3A_325], %swap3A_328 {strides = array<i32>} : memref<1x24x256xi32, #tpu.memory_space<vmem>>, vector<1x1x256xi32>,
    %swap3A_329 = arith.constant 0 : index
    %swap3A_330 = arith.constant 23 : index
    %swap3A_331 = arith.constant 0 : index
    %swap3A_332 = vector.load %arg3[%swap3A_329, %swap3A_330, %swap3A_331] : memref<1x24x256xi32, #tpu.memory_space<vmem>>, vector<1x1x256xi32>
    %swap3A_333 = vector.shape_cast %swap3A_332 : vector<1x1x256xi32> to vector<256xi32>
    %swap3A_334 = vector.shape_cast %add3A_310 : vector<256xi32> to vector<1x1x256xi32>
    tpu.vector_store %arg3[%swap3A_329, %swap3A_330, %swap3A_331], %swap3A_334 {strides = array<i32>} : memref<1x24x256xi32, #tpu.memory_space<vmem>>, vector<1x1x256xi32>,
    return
  }
  func.func @transform_0(%arg0: i32, %arg1: i32) -> (i32, i32, i32) {
    %c0_i32 = arith.constant 0 : i32
    %c0_i32_0 = arith.constant 0 : i32
    %c0_i32_1 = arith.constant 0 : i32
    return %arg0, %c0_i32, %c0_i32_0 : i32, i32, i32
  }
  func.func @transform_1(%arg0: i32, %arg1: i32) -> (i32, i32, i32) {
    %c0_i32 = arith.constant 0 : i32
    %c0_i32_0 = arith.constant 0 : i32
    return %arg0, %c0_i32, %arg1 : i32, i32, i32
  }
}

module attributes {stable_mosaic.version = 14 : i64} {
  func.func @_knn_body(%arg0: i32, %arg1: i32, %arg2: memref<1x64x2048xf32, #tpu.memory_space<vmem>>, %arg3: memref<1x24x256xi32, #tpu.memory_space<vmem>>) attributes {dimension_semantics = [#tpu.dimension_semantics<arbitrary>, #tpu.dimension_semantics<arbitrary>], iteration_bounds = array<i64: 2, 8>, scalar_prefetch = 0 : i64, scratch_operands = 0 : i64, tpu.core_type = #tpu.core_type<tc>, window_params = [{transform_indices = @transform_0, window_bounds = array<i64: 1, 64, 2048>}, {transform_indices = @transform_1, window_bounds = array<i64: 1, 24, 256>}]} {
    %get3A = arith.constant 0 : index
    %get3A_0 = arith.constant 0 : index
    %get3A_1 = arith.constant 0 : index
    %get3A_2 = vector.load %arg2[%get3A, %get3A_0, %get3A_1] : memref<1x64x2048xf32, #tpu.memory_space<vmem>>, vector<1x64x2048xf32>
    %get3A_3 = vector.shape_cast %get3A_2 : vector<1x64x2048xf32> to vector<64x2048xf32>
    %mul3A = arith.constant 256 : i32
    %mul3A_4 = arith.muli %arg1, %mul3A : i32
    %get3A_5 = arith.constant 0 : index
    %get3A_6 = arith.constant 0 : index
    %get3A_7 = arith.index_cast %mul3A_4 : i32 to index
    %get3A_8 = vector.load %arg2[%get3A_5, %get3A_6, %get3A_7] : memref<1x64x2048xf32, #tpu.memory_space<vmem>>, vector<1x64x256xf32>
    %get3A_9 = vector.shape_cast %get3A_8 : vector<1x64x256xf32> to vector<64x256xf32>
    %mul3A_10 = arith.mulf %get3A_3, %get3A_3 : vector<64x2048xf32>
    %reduce_sum3A = arith.constant dense<0.000000e+00> : vector<2048xf32>
    %reduce_sum3A_11 = vector.multi_reduction <add>, %mul3A_10, %reduce_sum3A [0] : vector<64x2048xf32> to vector<2048xf32>
    %broadcast_in_dim3A = vector.shape_cast %reduce_sum3A_11 : vector<2048xf32> to vector<1x2048xf32>
    %dot_general3A = arith.constant dense<0.000000e+00> : vector<256x2048xf32>
    %dot_general3A_12 = tpu.matmul %get3A_9, %get3A_3, %dot_general3A {dimension_numbers = #tpu.dot_dimension_numbers<[0], [0], [1], [1], [0, 1, 1, 1], [], []>, transpose_lhs_hint = false} : vector<64x256xf32>, vector<64x2048xf32>, vector<256x2048xf32> -> vector<256x2048xf32>
    %mul3A_13 = arith.constant 2.000000e+00 : f32
    %mul3A_14 = vector.broadcast %mul3A_13 : f32 to vector<256x2048xf32>
    %mul3A_15 = arith.mulf %mul3A_14, %dot_general3A_12 : vector<256x2048xf32>
    %sub3A = vector.broadcast %broadcast_in_dim3A : vector<1x2048xf32> to vector<256x2048xf32>
    %sub3A_16 = arith.subf %mul3A_15, %sub3A : vector<256x2048xf32>
    %add3A = arith.constant 6 : i32
    %add3A_17 = arith.addi %arg0, %add3A : i32
    %mul3A_18 = arith.constant 2048 : i32
    %mul3A_19 = arith.muli %add3A_17, %mul3A_18 : i32
    %iota3A = tpu.iota {dimensions = array<i32: 1>} : vector<256x2048xi32>
    %argmax3A = tpu.reduce_index %sub3A_16 {axis = 1 : i32, kind = #tpu.reduction_kind<arg_max>} : vector<256x2048xf32> -> vector<256xi32>
    %add3A_20 = vector.broadcast %mul3A_19 : i32 to vector<256xi32>
    %add3A_21 = arith.addi %argmax3A, %add3A_20 : vector<256xi32>
    %swap3A = arith.constant 0 : index
    %swap3A_22 = arith.constant 0 : index
    %swap3A_23 = arith.constant 0 : index
    %swap3A_24 = vector.load %arg3[%swap3A, %swap3A_22, %swap3A_23] : memref<1x24x256xi32, #tpu.memory_space<vmem>>, vector<1x1x256xi32>
    %swap3A_25 = vector.shape_cast %swap3A_24 : vector<1x1x256xi32> to vector<256xi32>
    %swap3A_26 = vector.shape_cast %add3A_21 : vector<256xi32> to vector<1x1x256xi32>
    tpu.vector_store %arg3[%swap3A, %swap3A_22, %swap3A_23], %swap3A_26 {strides = array<i32>} : memref<1x24x256xi32, #tpu.memory_space<vmem>>, vector<1x1x256xi32>,
    %broadcast_in_dim3A_27 = vector.shape_cast %argmax3A : vector<256xi32> to vector<256x1xi32>
    %eq3A = vector.broadcast %broadcast_in_dim3A_27 : vector<256x1xi32> to vector<256x2048xi32>
    %eq3A_28 = arith.cmpi eq, %iota3A, %eq3A : vector<256x2048xi32>
    %jit3A = arith.constant -1.000000e+30 : f32
    %broadcast_in_dim3A_29 = vector.broadcast %jit3A : f32 to vector<256x2048xf32>
    %select_n3A = arith.select %eq3A_28, %broadcast_in_dim3A_29, %sub3A_16 : vector<256x2048xi1>, vector<256x2048xf32>
    %argmax3A_30 = tpu.reduce_index %select_n3A {axis = 1 : i32, kind = #tpu.reduction_kind<arg_max>} : vector<256x2048xf32> -> vector<256xi32>
    %add3A_31 = vector.broadcast %mul3A_19 : i32 to vector<256xi32>
    %add3A_32 = arith.addi %argmax3A_30, %add3A_31 : vector<256xi32>
    %swap3A_33 = arith.constant 0 : index
    %swap3A_34 = arith.constant 1 : index
    %swap3A_35 = arith.constant 0 : index
    %swap3A_36 = vector.load %arg3[%swap3A_33, %swap3A_34, %swap3A_35] : memref<1x24x256xi32, #tpu.memory_space<vmem>>, vector<1x1x256xi32>
    %swap3A_37 = vector.shape_cast %swap3A_36 : vector<1x1x256xi32> to vector<256xi32>
    %swap3A_38 = vector.shape_cast %add3A_32 : vector<256xi32> to vector<1x1x256xi32>
    tpu.vector_store %arg3[%swap3A_33, %swap3A_34, %swap3A_35], %swap3A_38 {strides = array<i32>} : memref<1x24x256xi32, #tpu.memory_space<vmem>>, vector<1x1x256xi32>,
    %broadcast_in_dim3A_39 = vector.shape_cast %argmax3A_30 : vector<256xi32> to vector<256x1xi32>
    %eq3A_40 = vector.broadcast %broadcast_in_dim3A_39 : vector<256x1xi32> to vector<256x2048xi32>
    %eq3A_41 = arith.cmpi eq, %iota3A, %eq3A_40 : vector<256x2048xi32>
    %jit3A_42 = arith.constant -1.000000e+30 : f32
    %broadcast_in_dim3A_43 = vector.broadcast %jit3A_42 : f32 to vector<256x2048xf32>
    %select_n3A_44 = arith.select %eq3A_41, %broadcast_in_dim3A_43, %select_n3A : vector<256x2048xi1>, vector<256x2048xf32>
    %argmax3A_45 = tpu.reduce_index %select_n3A_44 {axis = 1 : i32, kind = #tpu.reduction_kind<arg_max>} : vector<256x2048xf32> -> vector<256xi32>
    %add3A_46 = vector.broadcast %mul3A_19 : i32 to vector<256xi32>
    %add3A_47 = arith.addi %argmax3A_45, %add3A_46 : vector<256xi32>
    %swap3A_48 = arith.constant 0 : index
    %swap3A_49 = arith.constant 2 : index
    %swap3A_50 = arith.constant 0 : index
    %swap3A_51 = vector.load %arg3[%swap3A_48, %swap3A_49, %swap3A_50] : memref<1x24x256xi32, #tpu.memory_space<vmem>>, vector<1x1x256xi32>
    %swap3A_52 = vector.shape_cast %swap3A_51 : vector<1x1x256xi32> to vector<256xi32>
    %swap3A_53 = vector.shape_cast %add3A_47 : vector<256xi32> to vector<1x1x256xi32>
    tpu.vector_store %arg3[%swap3A_48, %swap3A_49, %swap3A_50], %swap3A_53 {strides = array<i32>} : memref<1x24x256xi32, #tpu.memory_space<vmem>>, vector<1x1x256xi32>,
    %broadcast_in_dim3A_54 = vector.shape_cast %argmax3A_45 : vector<256xi32> to vector<256x1xi32>
    %eq3A_55 = vector.broadcast %broadcast_in_dim3A_54 : vector<256x1xi32> to vector<256x2048xi32>
    %eq3A_56 = arith.cmpi eq, %iota3A, %eq3A_55 : vector<256x2048xi32>
    %jit3A_57 = arith.constant -1.000000e+30 : f32
    %broadcast_in_dim3A_58 = vector.broadcast %jit3A_57 : f32 to vector<256x2048xf32>
    %select_n3A_59 = arith.select %eq3A_56, %broadcast_in_dim3A_58, %select_n3A_44 : vector<256x2048xi1>, vector<256x2048xf32>
    %argmax3A_60 = tpu.reduce_index %select_n3A_59 {axis = 1 : i32, kind = #tpu.reduction_kind<arg_max>} : vector<256x2048xf32> -> vector<256xi32>
    %add3A_61 = vector.broadcast %mul3A_19 : i32 to vector<256xi32>
    %add3A_62 = arith.addi %argmax3A_60, %add3A_61 : vector<256xi32>
    %swap3A_63 = arith.constant 0 : index
    %swap3A_64 = arith.constant 3 : index
    %swap3A_65 = arith.constant 0 : index
    %swap3A_66 = vector.load %arg3[%swap3A_63, %swap3A_64, %swap3A_65] : memref<1x24x256xi32, #tpu.memory_space<vmem>>, vector<1x1x256xi32>
    %swap3A_67 = vector.shape_cast %swap3A_66 : vector<1x1x256xi32> to vector<256xi32>
    %swap3A_68 = vector.shape_cast %add3A_62 : vector<256xi32> to vector<1x1x256xi32>
    tpu.vector_store %arg3[%swap3A_63, %swap3A_64, %swap3A_65], %swap3A_68 {strides = array<i32>} : memref<1x24x256xi32, #tpu.memory_space<vmem>>, vector<1x1x256xi32>,
    %broadcast_in_dim3A_69 = vector.shape_cast %argmax3A_60 : vector<256xi32> to vector<256x1xi32>
    %eq3A_70 = vector.broadcast %broadcast_in_dim3A_69 : vector<256x1xi32> to vector<256x2048xi32>
    %eq3A_71 = arith.cmpi eq, %iota3A, %eq3A_70 : vector<256x2048xi32>
    %jit3A_72 = arith.constant -1.000000e+30 : f32
    %broadcast_in_dim3A_73 = vector.broadcast %jit3A_72 : f32 to vector<256x2048xf32>
    %select_n3A_74 = arith.select %eq3A_71, %broadcast_in_dim3A_73, %select_n3A_59 : vector<256x2048xi1>, vector<256x2048xf32>
    %argmax3A_75 = tpu.reduce_index %select_n3A_74 {axis = 1 : i32, kind = #tpu.reduction_kind<arg_max>} : vector<256x2048xf32> -> vector<256xi32>
    %add3A_76 = vector.broadcast %mul3A_19 : i32 to vector<256xi32>
    %add3A_77 = arith.addi %argmax3A_75, %add3A_76 : vector<256xi32>
    %swap3A_78 = arith.constant 0 : index
    %swap3A_79 = arith.constant 4 : index
    %swap3A_80 = arith.constant 0 : index
    %swap3A_81 = vector.load %arg3[%swap3A_78, %swap3A_79, %swap3A_80] : memref<1x24x256xi32, #tpu.memory_space<vmem>>, vector<1x1x256xi32>
    %swap3A_82 = vector.shape_cast %swap3A_81 : vector<1x1x256xi32> to vector<256xi32>
    %swap3A_83 = vector.shape_cast %add3A_77 : vector<256xi32> to vector<1x1x256xi32>
    tpu.vector_store %arg3[%swap3A_78, %swap3A_79, %swap3A_80], %swap3A_83 {strides = array<i32>} : memref<1x24x256xi32, #tpu.memory_space<vmem>>, vector<1x1x256xi32>,
    %broadcast_in_dim3A_84 = vector.shape_cast %argmax3A_75 : vector<256xi32> to vector<256x1xi32>
    %eq3A_85 = vector.broadcast %broadcast_in_dim3A_84 : vector<256x1xi32> to vector<256x2048xi32>
    %eq3A_86 = arith.cmpi eq, %iota3A, %eq3A_85 : vector<256x2048xi32>
    %jit3A_87 = arith.constant -1.000000e+30 : f32
    %broadcast_in_dim3A_88 = vector.broadcast %jit3A_87 : f32 to vector<256x2048xf32>
    %select_n3A_89 = arith.select %eq3A_86, %broadcast_in_dim3A_88, %select_n3A_74 : vector<256x2048xi1>, vector<256x2048xf32>
    %argmax3A_90 = tpu.reduce_index %select_n3A_89 {axis = 1 : i32, kind = #tpu.reduction_kind<arg_max>} : vector<256x2048xf32> -> vector<256xi32>
    %add3A_91 = vector.broadcast %mul3A_19 : i32 to vector<256xi32>
    %add3A_92 = arith.addi %argmax3A_90, %add3A_91 : vector<256xi32>
    %swap3A_93 = arith.constant 0 : index
    %swap3A_94 = arith.constant 5 : index
    %swap3A_95 = arith.constant 0 : index
    %swap3A_96 = vector.load %arg3[%swap3A_93, %swap3A_94, %swap3A_95] : memref<1x24x256xi32, #tpu.memory_space<vmem>>, vector<1x1x256xi32>
    %swap3A_97 = vector.shape_cast %swap3A_96 : vector<1x1x256xi32> to vector<256xi32>
    %swap3A_98 = vector.shape_cast %add3A_92 : vector<256xi32> to vector<1x1x256xi32>
    tpu.vector_store %arg3[%swap3A_93, %swap3A_94, %swap3A_95], %swap3A_98 {strides = array<i32>} : memref<1x24x256xi32, #tpu.memory_space<vmem>>, vector<1x1x256xi32>,
    %broadcast_in_dim3A_99 = vector.shape_cast %argmax3A_90 : vector<256xi32> to vector<256x1xi32>
    %eq3A_100 = vector.broadcast %broadcast_in_dim3A_99 : vector<256x1xi32> to vector<256x2048xi32>
    %eq3A_101 = arith.cmpi eq, %iota3A, %eq3A_100 : vector<256x2048xi32>
    %jit3A_102 = arith.constant -1.000000e+30 : f32
    %broadcast_in_dim3A_103 = vector.broadcast %jit3A_102 : f32 to vector<256x2048xf32>
    %select_n3A_104 = arith.select %eq3A_101, %broadcast_in_dim3A_103, %select_n3A_89 : vector<256x2048xi1>, vector<256x2048xf32>
    %argmax3A_105 = tpu.reduce_index %select_n3A_104 {axis = 1 : i32, kind = #tpu.reduction_kind<arg_max>} : vector<256x2048xf32> -> vector<256xi32>
    %add3A_106 = vector.broadcast %mul3A_19 : i32 to vector<256xi32>
    %add3A_107 = arith.addi %argmax3A_105, %add3A_106 : vector<256xi32>
    %swap3A_108 = arith.constant 0 : index
    %swap3A_109 = arith.constant 6 : index
    %swap3A_110 = arith.constant 0 : index
    %swap3A_111 = vector.load %arg3[%swap3A_108, %swap3A_109, %swap3A_110] : memref<1x24x256xi32, #tpu.memory_space<vmem>>, vector<1x1x256xi32>
    %swap3A_112 = vector.shape_cast %swap3A_111 : vector<1x1x256xi32> to vector<256xi32>
    %swap3A_113 = vector.shape_cast %add3A_107 : vector<256xi32> to vector<1x1x256xi32>
    tpu.vector_store %arg3[%swap3A_108, %swap3A_109, %swap3A_110], %swap3A_113 {strides = array<i32>} : memref<1x24x256xi32, #tpu.memory_space<vmem>>, vector<1x1x256xi32>,
    %broadcast_in_dim3A_114 = vector.shape_cast %argmax3A_105 : vector<256xi32> to vector<256x1xi32>
    %eq3A_115 = vector.broadcast %broadcast_in_dim3A_114 : vector<256x1xi32> to vector<256x2048xi32>
    %eq3A_116 = arith.cmpi eq, %iota3A, %eq3A_115 : vector<256x2048xi32>
    %jit3A_117 = arith.constant -1.000000e+30 : f32
    %broadcast_in_dim3A_118 = vector.broadcast %jit3A_117 : f32 to vector<256x2048xf32>
    %select_n3A_119 = arith.select %eq3A_116, %broadcast_in_dim3A_118, %select_n3A_104 : vector<256x2048xi1>, vector<256x2048xf32>
    %argmax3A_120 = tpu.reduce_index %select_n3A_119 {axis = 1 : i32, kind = #tpu.reduction_kind<arg_max>} : vector<256x2048xf32> -> vector<256xi32>
    %add3A_121 = vector.broadcast %mul3A_19 : i32 to vector<256xi32>
    %add3A_122 = arith.addi %argmax3A_120, %add3A_121 : vector<256xi32>
    %swap3A_123 = arith.constant 0 : index
    %swap3A_124 = arith.constant 7 : index
    %swap3A_125 = arith.constant 0 : index
    %swap3A_126 = vector.load %arg3[%swap3A_123, %swap3A_124, %swap3A_125] : memref<1x24x256xi32, #tpu.memory_space<vmem>>, vector<1x1x256xi32>
    %swap3A_127 = vector.shape_cast %swap3A_126 : vector<1x1x256xi32> to vector<256xi32>
    %swap3A_128 = vector.shape_cast %add3A_122 : vector<256xi32> to vector<1x1x256xi32>
    tpu.vector_store %arg3[%swap3A_123, %swap3A_124, %swap3A_125], %swap3A_128 {strides = array<i32>} : memref<1x24x256xi32, #tpu.memory_space<vmem>>, vector<1x1x256xi32>,
    %broadcast_in_dim3A_129 = vector.shape_cast %argmax3A_120 : vector<256xi32> to vector<256x1xi32>
    %eq3A_130 = vector.broadcast %broadcast_in_dim3A_129 : vector<256x1xi32> to vector<256x2048xi32>
    %eq3A_131 = arith.cmpi eq, %iota3A, %eq3A_130 : vector<256x2048xi32>
    %jit3A_132 = arith.constant -1.000000e+30 : f32
    %broadcast_in_dim3A_133 = vector.broadcast %jit3A_132 : f32 to vector<256x2048xf32>
    %select_n3A_134 = arith.select %eq3A_131, %broadcast_in_dim3A_133, %select_n3A_119 : vector<256x2048xi1>, vector<256x2048xf32>
    %argmax3A_135 = tpu.reduce_index %select_n3A_134 {axis = 1 : i32, kind = #tpu.reduction_kind<arg_max>} : vector<256x2048xf32> -> vector<256xi32>
    %add3A_136 = vector.broadcast %mul3A_19 : i32 to vector<256xi32>
    %add3A_137 = arith.addi %argmax3A_135, %add3A_136 : vector<256xi32>
    %swap3A_138 = arith.constant 0 : index
    %swap3A_139 = arith.constant 8 : index
    %swap3A_140 = arith.constant 0 : index
    %swap3A_141 = vector.load %arg3[%swap3A_138, %swap3A_139, %swap3A_140] : memref<1x24x256xi32, #tpu.memory_space<vmem>>, vector<1x1x256xi32>
    %swap3A_142 = vector.shape_cast %swap3A_141 : vector<1x1x256xi32> to vector<256xi32>
    %swap3A_143 = vector.shape_cast %add3A_137 : vector<256xi32> to vector<1x1x256xi32>
    tpu.vector_store %arg3[%swap3A_138, %swap3A_139, %swap3A_140], %swap3A_143 {strides = array<i32>} : memref<1x24x256xi32, #tpu.memory_space<vmem>>, vector<1x1x256xi32>,
    %broadcast_in_dim3A_144 = vector.shape_cast %argmax3A_135 : vector<256xi32> to vector<256x1xi32>
    %eq3A_145 = vector.broadcast %broadcast_in_dim3A_144 : vector<256x1xi32> to vector<256x2048xi32>
    %eq3A_146 = arith.cmpi eq, %iota3A, %eq3A_145 : vector<256x2048xi32>
    %jit3A_147 = arith.constant -1.000000e+30 : f32
    %broadcast_in_dim3A_148 = vector.broadcast %jit3A_147 : f32 to vector<256x2048xf32>
    %select_n3A_149 = arith.select %eq3A_146, %broadcast_in_dim3A_148, %select_n3A_134 : vector<256x2048xi1>, vector<256x2048xf32>
    %argmax3A_150 = tpu.reduce_index %select_n3A_149 {axis = 1 : i32, kind = #tpu.reduction_kind<arg_max>} : vector<256x2048xf32> -> vector<256xi32>
    %add3A_151 = vector.broadcast %mul3A_19 : i32 to vector<256xi32>
    %add3A_152 = arith.addi %argmax3A_150, %add3A_151 : vector<256xi32>
    %swap3A_153 = arith.constant 0 : index
    %swap3A_154 = arith.constant 9 : index
    %swap3A_155 = arith.constant 0 : index
    %swap3A_156 = vector.load %arg3[%swap3A_153, %swap3A_154, %swap3A_155] : memref<1x24x256xi32, #tpu.memory_space<vmem>>, vector<1x1x256xi32>
    %swap3A_157 = vector.shape_cast %swap3A_156 : vector<1x1x256xi32> to vector<256xi32>
    %swap3A_158 = vector.shape_cast %add3A_152 : vector<256xi32> to vector<1x1x256xi32>
    tpu.vector_store %arg3[%swap3A_153, %swap3A_154, %swap3A_155], %swap3A_158 {strides = array<i32>} : memref<1x24x256xi32, #tpu.memory_space<vmem>>, vector<1x1x256xi32>,
    %broadcast_in_dim3A_159 = vector.shape_cast %argmax3A_150 : vector<256xi32> to vector<256x1xi32>
    %eq3A_160 = vector.broadcast %broadcast_in_dim3A_159 : vector<256x1xi32> to vector<256x2048xi32>
    %eq3A_161 = arith.cmpi eq, %iota3A, %eq3A_160 : vector<256x2048xi32>
    %jit3A_162 = arith.constant -1.000000e+30 : f32
    %broadcast_in_dim3A_163 = vector.broadcast %jit3A_162 : f32 to vector<256x2048xf32>
    %select_n3A_164 = arith.select %eq3A_161, %broadcast_in_dim3A_163, %select_n3A_149 : vector<256x2048xi1>, vector<256x2048xf32>
    %argmax3A_165 = tpu.reduce_index %select_n3A_164 {axis = 1 : i32, kind = #tpu.reduction_kind<arg_max>} : vector<256x2048xf32> -> vector<256xi32>
    %add3A_166 = vector.broadcast %mul3A_19 : i32 to vector<256xi32>
    %add3A_167 = arith.addi %argmax3A_165, %add3A_166 : vector<256xi32>
    %swap3A_168 = arith.constant 0 : index
    %swap3A_169 = arith.constant 10 : index
    %swap3A_170 = arith.constant 0 : index
    %swap3A_171 = vector.load %arg3[%swap3A_168, %swap3A_169, %swap3A_170] : memref<1x24x256xi32, #tpu.memory_space<vmem>>, vector<1x1x256xi32>
    %swap3A_172 = vector.shape_cast %swap3A_171 : vector<1x1x256xi32> to vector<256xi32>
    %swap3A_173 = vector.shape_cast %add3A_167 : vector<256xi32> to vector<1x1x256xi32>
    tpu.vector_store %arg3[%swap3A_168, %swap3A_169, %swap3A_170], %swap3A_173 {strides = array<i32>} : memref<1x24x256xi32, #tpu.memory_space<vmem>>, vector<1x1x256xi32>,
    %broadcast_in_dim3A_174 = vector.shape_cast %argmax3A_165 : vector<256xi32> to vector<256x1xi32>
    %eq3A_175 = vector.broadcast %broadcast_in_dim3A_174 : vector<256x1xi32> to vector<256x2048xi32>
    %eq3A_176 = arith.cmpi eq, %iota3A, %eq3A_175 : vector<256x2048xi32>
    %jit3A_177 = arith.constant -1.000000e+30 : f32
    %broadcast_in_dim3A_178 = vector.broadcast %jit3A_177 : f32 to vector<256x2048xf32>
    %select_n3A_179 = arith.select %eq3A_176, %broadcast_in_dim3A_178, %select_n3A_164 : vector<256x2048xi1>, vector<256x2048xf32>
    %argmax3A_180 = tpu.reduce_index %select_n3A_179 {axis = 1 : i32, kind = #tpu.reduction_kind<arg_max>} : vector<256x2048xf32> -> vector<256xi32>
    %add3A_181 = vector.broadcast %mul3A_19 : i32 to vector<256xi32>
    %add3A_182 = arith.addi %argmax3A_180, %add3A_181 : vector<256xi32>
    %swap3A_183 = arith.constant 0 : index
    %swap3A_184 = arith.constant 11 : index
    %swap3A_185 = arith.constant 0 : index
    %swap3A_186 = vector.load %arg3[%swap3A_183, %swap3A_184, %swap3A_185] : memref<1x24x256xi32, #tpu.memory_space<vmem>>, vector<1x1x256xi32>
    %swap3A_187 = vector.shape_cast %swap3A_186 : vector<1x1x256xi32> to vector<256xi32>
    %swap3A_188 = vector.shape_cast %add3A_182 : vector<256xi32> to vector<1x1x256xi32>
    tpu.vector_store %arg3[%swap3A_183, %swap3A_184, %swap3A_185], %swap3A_188 {strides = array<i32>} : memref<1x24x256xi32, #tpu.memory_space<vmem>>, vector<1x1x256xi32>,
    %broadcast_in_dim3A_189 = vector.shape_cast %argmax3A_180 : vector<256xi32> to vector<256x1xi32>
    %eq3A_190 = vector.broadcast %broadcast_in_dim3A_189 : vector<256x1xi32> to vector<256x2048xi32>
    %eq3A_191 = arith.cmpi eq, %iota3A, %eq3A_190 : vector<256x2048xi32>
    %jit3A_192 = arith.constant -1.000000e+30 : f32
    %broadcast_in_dim3A_193 = vector.broadcast %jit3A_192 : f32 to vector<256x2048xf32>
    %select_n3A_194 = arith.select %eq3A_191, %broadcast_in_dim3A_193, %select_n3A_179 : vector<256x2048xi1>, vector<256x2048xf32>
    %argmax3A_195 = tpu.reduce_index %select_n3A_194 {axis = 1 : i32, kind = #tpu.reduction_kind<arg_max>} : vector<256x2048xf32> -> vector<256xi32>
    %add3A_196 = vector.broadcast %mul3A_19 : i32 to vector<256xi32>
    %add3A_197 = arith.addi %argmax3A_195, %add3A_196 : vector<256xi32>
    %swap3A_198 = arith.constant 0 : index
    %swap3A_199 = arith.constant 12 : index
    %swap3A_200 = arith.constant 0 : index
    %swap3A_201 = vector.load %arg3[%swap3A_198, %swap3A_199, %swap3A_200] : memref<1x24x256xi32, #tpu.memory_space<vmem>>, vector<1x1x256xi32>
    %swap3A_202 = vector.shape_cast %swap3A_201 : vector<1x1x256xi32> to vector<256xi32>
    %swap3A_203 = vector.shape_cast %add3A_197 : vector<256xi32> to vector<1x1x256xi32>
    tpu.vector_store %arg3[%swap3A_198, %swap3A_199, %swap3A_200], %swap3A_203 {strides = array<i32>} : memref<1x24x256xi32, #tpu.memory_space<vmem>>, vector<1x1x256xi32>,
    %broadcast_in_dim3A_204 = vector.shape_cast %argmax3A_195 : vector<256xi32> to vector<256x1xi32>
    %eq3A_205 = vector.broadcast %broadcast_in_dim3A_204 : vector<256x1xi32> to vector<256x2048xi32>
    %eq3A_206 = arith.cmpi eq, %iota3A, %eq3A_205 : vector<256x2048xi32>
    %jit3A_207 = arith.constant -1.000000e+30 : f32
    %broadcast_in_dim3A_208 = vector.broadcast %jit3A_207 : f32 to vector<256x2048xf32>
    %select_n3A_209 = arith.select %eq3A_206, %broadcast_in_dim3A_208, %select_n3A_194 : vector<256x2048xi1>, vector<256x2048xf32>
    %argmax3A_210 = tpu.reduce_index %select_n3A_209 {axis = 1 : i32, kind = #tpu.reduction_kind<arg_max>} : vector<256x2048xf32> -> vector<256xi32>
    %add3A_211 = vector.broadcast %mul3A_19 : i32 to vector<256xi32>
    %add3A_212 = arith.addi %argmax3A_210, %add3A_211 : vector<256xi32>
    %swap3A_213 = arith.constant 0 : index
    %swap3A_214 = arith.constant 13 : index
    %swap3A_215 = arith.constant 0 : index
    %swap3A_216 = vector.load %arg3[%swap3A_213, %swap3A_214, %swap3A_215] : memref<1x24x256xi32, #tpu.memory_space<vmem>>, vector<1x1x256xi32>
    %swap3A_217 = vector.shape_cast %swap3A_216 : vector<1x1x256xi32> to vector<256xi32>
    %swap3A_218 = vector.shape_cast %add3A_212 : vector<256xi32> to vector<1x1x256xi32>
    tpu.vector_store %arg3[%swap3A_213, %swap3A_214, %swap3A_215], %swap3A_218 {strides = array<i32>} : memref<1x24x256xi32, #tpu.memory_space<vmem>>, vector<1x1x256xi32>,
    %broadcast_in_dim3A_219 = vector.shape_cast %argmax3A_210 : vector<256xi32> to vector<256x1xi32>
    %eq3A_220 = vector.broadcast %broadcast_in_dim3A_219 : vector<256x1xi32> to vector<256x2048xi32>
    %eq3A_221 = arith.cmpi eq, %iota3A, %eq3A_220 : vector<256x2048xi32>
    %jit3A_222 = arith.constant -1.000000e+30 : f32
    %broadcast_in_dim3A_223 = vector.broadcast %jit3A_222 : f32 to vector<256x2048xf32>
    %select_n3A_224 = arith.select %eq3A_221, %broadcast_in_dim3A_223, %select_n3A_209 : vector<256x2048xi1>, vector<256x2048xf32>
    %argmax3A_225 = tpu.reduce_index %select_n3A_224 {axis = 1 : i32, kind = #tpu.reduction_kind<arg_max>} : vector<256x2048xf32> -> vector<256xi32>
    %add3A_226 = vector.broadcast %mul3A_19 : i32 to vector<256xi32>
    %add3A_227 = arith.addi %argmax3A_225, %add3A_226 : vector<256xi32>
    %swap3A_228 = arith.constant 0 : index
    %swap3A_229 = arith.constant 14 : index
    %swap3A_230 = arith.constant 0 : index
    %swap3A_231 = vector.load %arg3[%swap3A_228, %swap3A_229, %swap3A_230] : memref<1x24x256xi32, #tpu.memory_space<vmem>>, vector<1x1x256xi32>
    %swap3A_232 = vector.shape_cast %swap3A_231 : vector<1x1x256xi32> to vector<256xi32>
    %swap3A_233 = vector.shape_cast %add3A_227 : vector<256xi32> to vector<1x1x256xi32>
    tpu.vector_store %arg3[%swap3A_228, %swap3A_229, %swap3A_230], %swap3A_233 {strides = array<i32>} : memref<1x24x256xi32, #tpu.memory_space<vmem>>, vector<1x1x256xi32>,
    %broadcast_in_dim3A_234 = vector.shape_cast %argmax3A_225 : vector<256xi32> to vector<256x1xi32>
    %eq3A_235 = vector.broadcast %broadcast_in_dim3A_234 : vector<256x1xi32> to vector<256x2048xi32>
    %eq3A_236 = arith.cmpi eq, %iota3A, %eq3A_235 : vector<256x2048xi32>
    %jit3A_237 = arith.constant -1.000000e+30 : f32
    %broadcast_in_dim3A_238 = vector.broadcast %jit3A_237 : f32 to vector<256x2048xf32>
    %select_n3A_239 = arith.select %eq3A_236, %broadcast_in_dim3A_238, %select_n3A_224 : vector<256x2048xi1>, vector<256x2048xf32>
    %argmax3A_240 = tpu.reduce_index %select_n3A_239 {axis = 1 : i32, kind = #tpu.reduction_kind<arg_max>} : vector<256x2048xf32> -> vector<256xi32>
    %add3A_241 = vector.broadcast %mul3A_19 : i32 to vector<256xi32>
    %add3A_242 = arith.addi %argmax3A_240, %add3A_241 : vector<256xi32>
    %swap3A_243 = arith.constant 0 : index
    %swap3A_244 = arith.constant 15 : index
    %swap3A_245 = arith.constant 0 : index
    %swap3A_246 = vector.load %arg3[%swap3A_243, %swap3A_244, %swap3A_245] : memref<1x24x256xi32, #tpu.memory_space<vmem>>, vector<1x1x256xi32>
    %swap3A_247 = vector.shape_cast %swap3A_246 : vector<1x1x256xi32> to vector<256xi32>
    %swap3A_248 = vector.shape_cast %add3A_242 : vector<256xi32> to vector<1x1x256xi32>
    tpu.vector_store %arg3[%swap3A_243, %swap3A_244, %swap3A_245], %swap3A_248 {strides = array<i32>} : memref<1x24x256xi32, #tpu.memory_space<vmem>>, vector<1x1x256xi32>,
    %broadcast_in_dim3A_249 = vector.shape_cast %argmax3A_240 : vector<256xi32> to vector<256x1xi32>
    %eq3A_250 = vector.broadcast %broadcast_in_dim3A_249 : vector<256x1xi32> to vector<256x2048xi32>
    %eq3A_251 = arith.cmpi eq, %iota3A, %eq3A_250 : vector<256x2048xi32>
    %jit3A_252 = arith.constant -1.000000e+30 : f32
    %broadcast_in_dim3A_253 = vector.broadcast %jit3A_252 : f32 to vector<256x2048xf32>
    %select_n3A_254 = arith.select %eq3A_251, %broadcast_in_dim3A_253, %select_n3A_239 : vector<256x2048xi1>, vector<256x2048xf32>
    %argmax3A_255 = tpu.reduce_index %select_n3A_254 {axis = 1 : i32, kind = #tpu.reduction_kind<arg_max>} : vector<256x2048xf32> -> vector<256xi32>
    %add3A_256 = vector.broadcast %mul3A_19 : i32 to vector<256xi32>
    %add3A_257 = arith.addi %argmax3A_255, %add3A_256 : vector<256xi32>
    %swap3A_258 = arith.constant 0 : index
    %swap3A_259 = arith.constant 16 : index
    %swap3A_260 = arith.constant 0 : index
    %swap3A_261 = vector.load %arg3[%swap3A_258, %swap3A_259, %swap3A_260] : memref<1x24x256xi32, #tpu.memory_space<vmem>>, vector<1x1x256xi32>
    %swap3A_262 = vector.shape_cast %swap3A_261 : vector<1x1x256xi32> to vector<256xi32>
    %swap3A_263 = vector.shape_cast %add3A_257 : vector<256xi32> to vector<1x1x256xi32>
    tpu.vector_store %arg3[%swap3A_258, %swap3A_259, %swap3A_260], %swap3A_263 {strides = array<i32>} : memref<1x24x256xi32, #tpu.memory_space<vmem>>, vector<1x1x256xi32>,
    %broadcast_in_dim3A_264 = vector.shape_cast %argmax3A_255 : vector<256xi32> to vector<256x1xi32>
    %eq3A_265 = vector.broadcast %broadcast_in_dim3A_264 : vector<256x1xi32> to vector<256x2048xi32>
    %eq3A_266 = arith.cmpi eq, %iota3A, %eq3A_265 : vector<256x2048xi32>
    %jit3A_267 = arith.constant -1.000000e+30 : f32
    %broadcast_in_dim3A_268 = vector.broadcast %jit3A_267 : f32 to vector<256x2048xf32>
    %select_n3A_269 = arith.select %eq3A_266, %broadcast_in_dim3A_268, %select_n3A_254 : vector<256x2048xi1>, vector<256x2048xf32>
    %argmax3A_270 = tpu.reduce_index %select_n3A_269 {axis = 1 : i32, kind = #tpu.reduction_kind<arg_max>} : vector<256x2048xf32> -> vector<256xi32>
    %add3A_271 = vector.broadcast %mul3A_19 : i32 to vector<256xi32>
    %add3A_272 = arith.addi %argmax3A_270, %add3A_271 : vector<256xi32>
    %swap3A_273 = arith.constant 0 : index
    %swap3A_274 = arith.constant 17 : index
    %swap3A_275 = arith.constant 0 : index
    %swap3A_276 = vector.load %arg3[%swap3A_273, %swap3A_274, %swap3A_275] : memref<1x24x256xi32, #tpu.memory_space<vmem>>, vector<1x1x256xi32>
    %swap3A_277 = vector.shape_cast %swap3A_276 : vector<1x1x256xi32> to vector<256xi32>
    %swap3A_278 = vector.shape_cast %add3A_272 : vector<256xi32> to vector<1x1x256xi32>
    tpu.vector_store %arg3[%swap3A_273, %swap3A_274, %swap3A_275], %swap3A_278 {strides = array<i32>} : memref<1x24x256xi32, #tpu.memory_space<vmem>>, vector<1x1x256xi32>,
    %broadcast_in_dim3A_279 = vector.shape_cast %argmax3A_270 : vector<256xi32> to vector<256x1xi32>
    %eq3A_280 = vector.broadcast %broadcast_in_dim3A_279 : vector<256x1xi32> to vector<256x2048xi32>
    %eq3A_281 = arith.cmpi eq, %iota3A, %eq3A_280 : vector<256x2048xi32>
    %jit3A_282 = arith.constant -1.000000e+30 : f32
    %broadcast_in_dim3A_283 = vector.broadcast %jit3A_282 : f32 to vector<256x2048xf32>
    %select_n3A_284 = arith.select %eq3A_281, %broadcast_in_dim3A_283, %select_n3A_269 : vector<256x2048xi1>, vector<256x2048xf32>
    %argmax3A_285 = tpu.reduce_index %select_n3A_284 {axis = 1 : i32, kind = #tpu.reduction_kind<arg_max>} : vector<256x2048xf32> -> vector<256xi32>
    %add3A_286 = vector.broadcast %mul3A_19 : i32 to vector<256xi32>
    %add3A_287 = arith.addi %argmax3A_285, %add3A_286 : vector<256xi32>
    %swap3A_288 = arith.constant 0 : index
    %swap3A_289 = arith.constant 18 : index
    %swap3A_290 = arith.constant 0 : index
    %swap3A_291 = vector.load %arg3[%swap3A_288, %swap3A_289, %swap3A_290] : memref<1x24x256xi32, #tpu.memory_space<vmem>>, vector<1x1x256xi32>
    %swap3A_292 = vector.shape_cast %swap3A_291 : vector<1x1x256xi32> to vector<256xi32>
    %swap3A_293 = vector.shape_cast %add3A_287 : vector<256xi32> to vector<1x1x256xi32>
    tpu.vector_store %arg3[%swap3A_288, %swap3A_289, %swap3A_290], %swap3A_293 {strides = array<i32>} : memref<1x24x256xi32, #tpu.memory_space<vmem>>, vector<1x1x256xi32>,
    %broadcast_in_dim3A_294 = vector.shape_cast %argmax3A_285 : vector<256xi32> to vector<256x1xi32>
    %eq3A_295 = vector.broadcast %broadcast_in_dim3A_294 : vector<256x1xi32> to vector<256x2048xi32>
    %eq3A_296 = arith.cmpi eq, %iota3A, %eq3A_295 : vector<256x2048xi32>
    %jit3A_297 = arith.constant -1.000000e+30 : f32
    %broadcast_in_dim3A_298 = vector.broadcast %jit3A_297 : f32 to vector<256x2048xf32>
    %select_n3A_299 = arith.select %eq3A_296, %broadcast_in_dim3A_298, %select_n3A_284 : vector<256x2048xi1>, vector<256x2048xf32>
    %argmax3A_300 = tpu.reduce_index %select_n3A_299 {axis = 1 : i32, kind = #tpu.reduction_kind<arg_max>} : vector<256x2048xf32> -> vector<256xi32>
    %add3A_301 = vector.broadcast %mul3A_19 : i32 to vector<256xi32>
    %add3A_302 = arith.addi %argmax3A_300, %add3A_301 : vector<256xi32>
    %swap3A_303 = arith.constant 0 : index
    %swap3A_304 = arith.constant 19 : index
    %swap3A_305 = arith.constant 0 : index
    %swap3A_306 = vector.load %arg3[%swap3A_303, %swap3A_304, %swap3A_305] : memref<1x24x256xi32, #tpu.memory_space<vmem>>, vector<1x1x256xi32>
    %swap3A_307 = vector.shape_cast %swap3A_306 : vector<1x1x256xi32> to vector<256xi32>
    %swap3A_308 = vector.shape_cast %add3A_302 : vector<256xi32> to vector<1x1x256xi32>
    tpu.vector_store %arg3[%swap3A_303, %swap3A_304, %swap3A_305], %swap3A_308 {strides = array<i32>} : memref<1x24x256xi32, #tpu.memory_space<vmem>>, vector<1x1x256xi32>,
    %add3A_309 = vector.broadcast %mul3A_19 : i32 to vector<256xi32>
    %add3A_310 = arith.addi %argmax3A_300, %add3A_309 : vector<256xi32>
    %swap3A_311 = arith.constant 0 : index
    %swap3A_312 = arith.constant 20 : index
    %swap3A_313 = arith.constant 0 : index
    %swap3A_314 = vector.load %arg3[%swap3A_311, %swap3A_312, %swap3A_313] : memref<1x24x256xi32, #tpu.memory_space<vmem>>, vector<1x1x256xi32>
    %swap3A_315 = vector.shape_cast %swap3A_314 : vector<1x1x256xi32> to vector<256xi32>
    %swap3A_316 = vector.shape_cast %add3A_310 : vector<256xi32> to vector<1x1x256xi32>
    tpu.vector_store %arg3[%swap3A_311, %swap3A_312, %swap3A_313], %swap3A_316 {strides = array<i32>} : memref<1x24x256xi32, #tpu.memory_space<vmem>>, vector<1x1x256xi32>,
    %swap3A_317 = arith.constant 0 : index
    %swap3A_318 = arith.constant 21 : index
    %swap3A_319 = arith.constant 0 : index
    %swap3A_320 = vector.load %arg3[%swap3A_317, %swap3A_318, %swap3A_319] : memref<1x24x256xi32, #tpu.memory_space<vmem>>, vector<1x1x256xi32>
    %swap3A_321 = vector.shape_cast %swap3A_320 : vector<1x1x256xi32> to vector<256xi32>
    %swap3A_322 = vector.shape_cast %add3A_310 : vector<256xi32> to vector<1x1x256xi32>
    tpu.vector_store %arg3[%swap3A_317, %swap3A_318, %swap3A_319], %swap3A_322 {strides = array<i32>} : memref<1x24x256xi32, #tpu.memory_space<vmem>>, vector<1x1x256xi32>,
    %swap3A_323 = arith.constant 0 : index
    %swap3A_324 = arith.constant 22 : index
    %swap3A_325 = arith.constant 0 : index
    %swap3A_326 = vector.load %arg3[%swap3A_323, %swap3A_324, %swap3A_325] : memref<1x24x256xi32, #tpu.memory_space<vmem>>, vector<1x1x256xi32>
    %swap3A_327 = vector.shape_cast %swap3A_326 : vector<1x1x256xi32> to vector<256xi32>
    %swap3A_328 = vector.shape_cast %add3A_310 : vector<256xi32> to vector<1x1x256xi32>
    tpu.vector_store %arg3[%swap3A_323, %swap3A_324, %swap3A_325], %swap3A_328 {strides = array<i32>} : memref<1x24x256xi32, #tpu.memory_space<vmem>>, vector<1x1x256xi32>,
    %swap3A_329 = arith.constant 0 : index
    %swap3A_330 = arith.constant 23 : index
    %swap3A_331 = arith.constant 0 : index
    %swap3A_332 = vector.load %arg3[%swap3A_329, %swap3A_330, %swap3A_331] : memref<1x24x256xi32, #tpu.memory_space<vmem>>, vector<1x1x256xi32>
    %swap3A_333 = vector.shape_cast %swap3A_332 : vector<1x1x256xi32> to vector<256xi32>
    %swap3A_334 = vector.shape_cast %add3A_310 : vector<256xi32> to vector<1x1x256xi32>
    tpu.vector_store %arg3[%swap3A_329, %swap3A_330, %swap3A_331], %swap3A_334 {strides = array<i32>} : memref<1x24x256xi32, #tpu.memory_space<vmem>>, vector<1x1x256xi32>,
    return
  }
  func.func @transform_0(%arg0: i32, %arg1: i32) -> (i32, i32, i32) {
    %c0_i32 = arith.constant 0 : i32
    %c0_i32_0 = arith.constant 0 : i32
    %c0_i32_1 = arith.constant 0 : i32
    return %arg0, %c0_i32, %c0_i32_0 : i32, i32, i32
  }
  func.func @transform_1(%arg0: i32, %arg1: i32) -> (i32, i32, i32) {
    %c0_i32 = arith.constant 0 : i32
    %c0_i32_0 = arith.constant 0 : i32
    return %arg0, %c0_i32, %arg1 : i32, i32, i32
  }
}

module attributes {stable_mosaic.version = 14 : i64} {
  func.func @_stats1_body(%arg0: i32, %arg1: i32, %arg2: memref<1x20x256x128xf32, #tpu.memory_space<vmem>>, %arg3: memref<256x64xf32, #tpu.memory_space<vmem>>, %arg4: memref<8x64xf32, #tpu.memory_space<vmem>>, %arg5: memref<8x64xf32, #tpu.memory_space<vmem>>) attributes {dimension_semantics = [#tpu.dimension_semantics<arbitrary>, #tpu.dimension_semantics<arbitrary>], iteration_bounds = array<i64: 2, 8>, scalar_prefetch = 0 : i64, scratch_operands = 1 : i64, tpu.core_type = #tpu.core_type<tc>, window_params = [{transform_indices = @transform_0, window_bounds = array<i64: 1, 20, 256, 128>}, {transform_indices = @transform_1, window_bounds = array<i64: 256, 64>}, {pipeline_mode = #tpu.pipeline_mode<synchronous>, transform_indices = @transform_2, window_bounds = array<i64: 8, 64>}]} {
    %mul3A = arith.constant 8 : i32
    %mul3A_0 = arith.muli %arg0, %mul3A : i32
    %add3A = arith.addi %mul3A_0, %arg1 : i32
    %eq3A = arith.constant 0 : i32
    %eq3A_1 = arith.cmpi eq, %add3A, %eq3A : i32
    %convert_element_type3A = arith.extui %eq3A_1 : i1 to i32
    %cond3A = arith.constant 0 : i32
    %cond3A_2 = arith.cmpi ne, %convert_element_type3A, %cond3A : i32
    scf.if %cond3A_2 {
      %broadcast_in_dim3A_70 = arith.constant 0.000000e+00 : f32
      %broadcast_in_dim3A_71 = vector.broadcast %broadcast_in_dim3A_70 : f32 to vector<8x64xf32>
      %swap3A_72 = arith.constant 0 : index
      %swap3A_73 = arith.constant 0 : index
      %swap3A_74 = vector.load %arg5[%swap3A_72, %swap3A_73] : memref<8x64xf32, #tpu.memory_space<vmem>>, vector<8x64xf32>
      tpu.vector_store %arg5[%swap3A_72, %swap3A_73], %broadcast_in_dim3A_71 {strides = array<i32>} : memref<8x64xf32, #tpu.memory_space<vmem>>, vector<8x64xf32>,
    } else {
    }
    %get3A = arith.constant 0 : index
    %get3A_3 = arith.constant 0 : index
    %get3A_4 = arith.constant 0 : index
    %get3A_5 = arith.constant 0 : index
    %get3A_6 = vector.load %arg2[%get3A, %get3A_3, %get3A_4, %get3A_5] : memref<1x20x256x128xf32, #tpu.memory_space<vmem>>, vector<1x20x256x128xf32>
    %get3A_7 = vector.shape_cast %get3A_6 : vector<1x20x256x128xf32> to vector<20x256x128xf32>
    %get3A_8 = arith.constant 0 : index
    %get3A_9 = arith.constant 0 : index
    %get3A_10 = vector.load %arg3[%get3A_8, %get3A_9] : memref<256x64xf32, #tpu.memory_space<vmem>>, vector<256x64xf32>
    %slice3A = vector.extract_strided_slice %get3A_7 {offsets = [0, 0, 0], sizes = [20, 256, 64], strides = [1, 1, 1]} : vector<20x256x128xf32> to vector<20x256x64xf32>
    %reduce_sum3A = arith.constant dense<0.000000e+00> : vector<256x64xf32>
    %reduce_sum3A_11 = vector.multi_reduction <add>, %slice3A, %reduce_sum3A [0] : vector<20x256x64xf32> to vector<256x64xf32>
    %get3A_12 = arith.constant 0 : index
    %get3A_13 = arith.constant 0 : index
    %get3A_14 = vector.load %arg5[%get3A_12, %get3A_13] : memref<8x64xf32, #tpu.memory_space<vmem>>, vector<1x64xf32>
    %reduce_sum3A_15 = arith.constant dense<0.000000e+00> : vector<64xf32>
    %reduce_sum3A_16 = vector.multi_reduction <add>, %reduce_sum3A_11, %reduce_sum3A_15 [0] : vector<256x64xf32> to vector<64xf32>
    %broadcast_in_dim3A = vector.shape_cast %reduce_sum3A_16 : vector<64xf32> to vector<1x64xf32>
    %add3A_17 = arith.addf %get3A_14, %broadcast_in_dim3A : vector<1x64xf32>
    %swap3A = arith.constant 0 : index
    %swap3A_18 = arith.constant 0 : index
    %swap3A_19 = vector.load %arg5[%swap3A, %swap3A_18] : memref<8x64xf32, #tpu.memory_space<vmem>>, vector<1x64xf32>
    tpu.vector_store %arg5[%swap3A, %swap3A_18], %add3A_17 {strides = array<i32>} : memref<8x64xf32, #tpu.memory_space<vmem>>, vector<1x64xf32>,
    %get3A_20 = arith.constant 1 : index
    %get3A_21 = arith.constant 0 : index
    %get3A_22 = vector.load %arg5[%get3A_20, %get3A_21] : memref<8x64xf32, #tpu.memory_space<vmem>>, vector<1x64xf32>
    %slice3A_23 = vector.extract_strided_slice %get3A_7 {offsets = [0, 0, 64], sizes = [20, 256, 64], strides = [1, 1, 1]} : vector<20x256x128xf32> to vector<20x256x64xf32>
    %reduce_sum3A_24 = arith.constant dense<0.000000e+00> : vector<256x64xf32>
    %reduce_sum3A_25 = vector.multi_reduction <add>, %slice3A_23, %reduce_sum3A_24 [0] : vector<20x256x64xf32> to vector<256x64xf32>
    %reduce_sum3A_26 = arith.constant dense<0.000000e+00> : vector<64xf32>
    %reduce_sum3A_27 = vector.multi_reduction <add>, %reduce_sum3A_25, %reduce_sum3A_26 [0] : vector<256x64xf32> to vector<64xf32>
    %broadcast_in_dim3A_28 = vector.shape_cast %reduce_sum3A_27 : vector<64xf32> to vector<1x64xf32>
    %add3A_29 = arith.addf %get3A_22, %broadcast_in_dim3A_28 : vector<1x64xf32>
    %swap3A_30 = arith.constant 1 : index
    %swap3A_31 = arith.constant 0 : index
    %swap3A_32 = vector.load %arg5[%swap3A_30, %swap3A_31] : memref<8x64xf32, #tpu.memory_space<vmem>>, vector<1x64xf32>
    tpu.vector_store %arg5[%swap3A_30, %swap3A_31], %add3A_29 {strides = array<i32>} : memref<8x64xf32, #tpu.memory_space<vmem>>, vector<1x64xf32>,
    %get3A_33 = arith.constant 2 : index
    %get3A_34 = arith.constant 0 : index
    %get3A_35 = vector.load %arg5[%get3A_33, %get3A_34] : memref<8x64xf32, #tpu.memory_space<vmem>>, vector<1x64xf32>
    %mul3A_36 = arith.mulf %get3A_10, %reduce_sum3A_11 : vector<256x64xf32>
    %reduce_sum3A_37 = arith.constant dense<0.000000e+00> : vector<64xf32>
    %reduce_sum3A_38 = vector.multi_reduction <add>, %mul3A_36, %reduce_sum3A_37 [0] : vector<256x64xf32> to vector<64xf32>
    %broadcast_in_dim3A_39 = vector.shape_cast %reduce_sum3A_38 : vector<64xf32> to vector<1x64xf32>
    %add3A_40 = arith.addf %get3A_35, %broadcast_in_dim3A_39 : vector<1x64xf32>
    %swap3A_41 = arith.constant 2 : index
    %swap3A_42 = arith.constant 0 : index
    %swap3A_43 = vector.load %arg5[%swap3A_41, %swap3A_42] : memref<8x64xf32, #tpu.memory_space<vmem>>, vector<1x64xf32>
    tpu.vector_store %arg5[%swap3A_41, %swap3A_42], %add3A_40 {strides = array<i32>} : memref<8x64xf32, #tpu.memory_space<vmem>>, vector<1x64xf32>,
    %get3A_44 = arith.constant 3 : index
    %get3A_45 = arith.constant 0 : index
    %get3A_46 = vector.load %arg5[%get3A_44, %get3A_45] : memref<8x64xf32, #tpu.memory_space<vmem>>, vector<1x64xf32>
    %reduce_sum3A_47 = arith.constant dense<0.000000e+00> : vector<64xf32>
    %reduce_sum3A_48 = vector.multi_reduction <add>, %get3A_10, %reduce_sum3A_47 [0] : vector<256x64xf32> to vector<64xf32>
    %broadcast_in_dim3A_49 = vector.shape_cast %reduce_sum3A_48 : vector<64xf32> to vector<1x64xf32>
    %add3A_50 = arith.addf %get3A_46, %broadcast_in_dim3A_49 : vector<1x64xf32>
    %swap3A_51 = arith.constant 3 : index
    %swap3A_52 = arith.constant 0 : index
    %swap3A_53 = vector.load %arg5[%swap3A_51, %swap3A_52] : memref<8x64xf32, #tpu.memory_space<vmem>>, vector<1x64xf32>
    tpu.vector_store %arg5[%swap3A_51, %swap3A_52], %add3A_50 {strides = array<i32>} : memref<8x64xf32, #tpu.memory_space<vmem>>, vector<1x64xf32>,
    %get3A_54 = arith.constant 4 : index
    %get3A_55 = arith.constant 0 : index
    %get3A_56 = vector.load %arg5[%get3A_54, %get3A_55] : memref<8x64xf32, #tpu.memory_space<vmem>>, vector<1x64xf32>
    %mul3A_57 = arith.mulf %get3A_10, %get3A_10 : vector<256x64xf32>
    %reduce_sum3A_58 = arith.constant dense<0.000000e+00> : vector<64xf32>
    %reduce_sum3A_59 = vector.multi_reduction <add>, %mul3A_57, %reduce_sum3A_58 [0] : vector<256x64xf32> to vector<64xf32>
    %broadcast_in_dim3A_60 = vector.shape_cast %reduce_sum3A_59 : vector<64xf32> to vector<1x64xf32>
    %add3A_61 = arith.addf %get3A_56, %broadcast_in_dim3A_60 : vector<1x64xf32>
    %swap3A_62 = arith.constant 4 : index
    %swap3A_63 = arith.constant 0 : index
    %swap3A_64 = vector.load %arg5[%swap3A_62, %swap3A_63] : memref<8x64xf32, #tpu.memory_space<vmem>>, vector<1x64xf32>
    tpu.vector_store %arg5[%swap3A_62, %swap3A_63], %add3A_61 {strides = array<i32>} : memref<8x64xf32, #tpu.memory_space<vmem>>, vector<1x64xf32>,
    %eq3A_65 = arith.constant 15 : i32
    %eq3A_66 = arith.cmpi eq, %add3A, %eq3A_65 : i32
    %convert_element_type3A_67 = arith.extui %eq3A_66 : i1 to i32
    %cond3A_68 = arith.constant 0 : i32
    %cond3A_69 = arith.cmpi ne, %convert_element_type3A_67, %cond3A_68 : i32
    scf.if %cond3A_69 {
      %get3A_70 = arith.constant 0 : index
      %get3A_71 = arith.constant 0 : index
      %get3A_72 = vector.load %arg5[%get3A_70, %get3A_71] : memref<8x64xf32, #tpu.memory_space<vmem>>, vector<8x64xf32>
      %swap3A_73 = arith.constant 0 : index
      %swap3A_74 = arith.constant 0 : index
      %swap3A_75 = vector.load %arg4[%swap3A_73, %swap3A_74] : memref<8x64xf32, #tpu.memory_space<vmem>>, vector<8x64xf32>
      tpu.vector_store %arg4[%swap3A_73, %swap3A_74], %get3A_72 {strides = array<i32>} : memref<8x64xf32, #tpu.memory_space<vmem>>, vector<8x64xf32>,
    } else {
    }
    return
  }
  func.func @transform_0(%arg0: i32, %arg1: i32) -> (i32, i32, i32, i32) {
    %c0_i32 = arith.constant 0 : i32
    %c0_i32_0 = arith.constant 0 : i32
    %c0_i32_1 = arith.constant 0 : i32
    return %arg0, %c0_i32, %arg1, %c0_i32_0 : i32, i32, i32, i32
  }
  func.func @transform_1(%arg0: i32, %arg1: i32) -> (i32, i32) {
    %mul3A = arith.constant 8 : i32
    %mul3A_0 = arith.muli %arg0, %mul3A : i32
    %add3A = arith.addi %mul3A_0, %arg1 : i32
    %c0_i32 = arith.constant 0 : i32
    %c0_i32_1 = arith.constant 0 : i32
    return %add3A, %c0_i32 : i32, i32
  }
  func.func @transform_2(%arg0: i32, %arg1: i32) -> (i32, i32) {
    %c0_i32 = arith.constant 0 : i32
    %c0_i32_0 = arith.constant 0 : i32
    %c0_i32_1 = arith.constant 0 : i32
    return %c0_i32, %c0_i32_0 : i32, i32
  }
}

module attributes {stable_mosaic.version = 14 : i64} {
  func.func @_conv2_body(%arg0: i32, %arg1: i32, %arg2: memref<1x20x256x128xf32, #tpu.memory_space<vmem>>, %arg3: memref<256x64xf32, #tpu.memory_space<vmem>>, %arg4: memref<8x64xf32, #tpu.memory_space<vmem>>, %arg5: memref<128x64xf32, #tpu.memory_space<vmem>>, %arg6: memref<1x64xf32, #tpu.memory_space<vmem>>, %arg7: memref<1x64xf32, #tpu.memory_space<vmem>>, %arg8: memref<1x256x128xf32, #tpu.memory_space<vmem>>, %arg9: memref<1x256x128xf32, #tpu.memory_space<vmem>>, %arg10: memref<8x128xf32, #tpu.memory_space<vmem>>, %arg11: memref<8x128xf32, #tpu.memory_space<vmem>>) attributes {dimension_semantics = [#tpu.dimension_semantics<arbitrary>, #tpu.dimension_semantics<arbitrary>], iteration_bounds = array<i64: 2, 8>, scalar_prefetch = 0 : i64, scratch_operands = 1 : i64, tpu.core_type = #tpu.core_type<tc>, window_params = [{transform_indices = @transform_0, window_bounds = array<i64: 1, 20, 256, 128>}, {transform_indices = @transform_1, window_bounds = array<i64: 256, 64>}, {pipeline_mode = #tpu.pipeline_mode<synchronous>, transform_indices = @transform_2, window_bounds = array<i64: 8, 64>}, {pipeline_mode = #tpu.pipeline_mode<synchronous>, transform_indices = @transform_3, window_bounds = array<i64: 128, 64>}, {pipeline_mode = #tpu.pipeline_mode<synchronous>, transform_indices = @transform_4, window_bounds = array<i64: 1, 64>}, {pipeline_mode = #tpu.pipeline_mode<synchronous>, transform_indices = @transform_5, window_bounds = array<i64: 1, 64>}, {transform_indices = @transform_6, window_bounds = array<i64: 1, 256, 128>}, {transform_indices = @transform_7, window_bounds = array<i64: 1, 256, 128>}, {pipeline_mode = #tpu.pipeline_mode<synchronous>, transform_indices = @transform_8, window_bounds = array<i64: 8, 128>}]} {
    %mul3A = arith.constant 8 : i32
    %mul3A_0 = arith.muli %arg0, %mul3A : i32
    %add3A = arith.addi %mul3A_0, %arg1 : i32
    %eq3A = arith.constant 0 : i32
    %eq3A_1 = arith.cmpi eq, %add3A, %eq3A : i32
    %convert_element_type3A = arith.extui %eq3A_1 : i1 to i32
    %cond3A = arith.constant 0 : i32
    %cond3A_2 = arith.cmpi ne, %convert_element_type3A, %cond3A : i32
    scf.if %cond3A_2 {
      %broadcast_in_dim3A_104 = arith.constant 0.000000e+00 : f32
      %broadcast_in_dim3A_105 = vector.broadcast %broadcast_in_dim3A_104 : f32 to vector<8x128xf32>
      %swap3A_106 = arith.constant 0 : index
      %swap3A_107 = arith.constant 0 : index
      %swap3A_108 = vector.load %arg11[%swap3A_106, %swap3A_107] : memref<8x128xf32, #tpu.memory_space<vmem>>, vector<8x128xf32>
      tpu.vector_store %arg11[%swap3A_106, %swap3A_107], %broadcast_in_dim3A_105 {strides = array<i32>} : memref<8x128xf32, #tpu.memory_space<vmem>>, vector<8x128xf32>,
    } else {
    }
    %get3A = arith.constant 0 : index
    %get3A_3 = arith.constant 0 : index
    %get3A_4 = vector.load %arg4[%get3A, %get3A_3] : memref<8x64xf32, #tpu.memory_space<vmem>>, vector<8x64xf32>
    %slice3A = vector.extract_strided_slice %get3A_4 {offsets = [0, 0], sizes = [1, 64], strides = [1, 1]} : vector<8x64xf32> to vector<1x64xf32>
    %slice3A_5 = vector.extract_strided_slice %get3A_4 {offsets = [3, 0], sizes = [1, 64], strides = [1, 1]} : vector<8x64xf32> to vector<1x64xf32>
    %mul3A_6 = arith.constant 2.000000e+01 : f32
    %mul3A_7 = vector.broadcast %mul3A_6 : f32 to vector<1x64xf32>
    %mul3A_8 = arith.mulf %mul3A_7, %slice3A_5 : vector<1x64xf32>
    %add3A_9 = arith.addf %slice3A, %mul3A_8 : vector<1x64xf32>
    %div3A = arith.constant 3.276800e+05 : f32
    %div3A_10 = vector.broadcast %div3A : f32 to vector<1x64xf32>
    %div3A_11 = arith.divf %add3A_9, %div3A_10 : vector<1x64xf32>
    %slice3A_12 = vector.extract_strided_slice %get3A_4 {offsets = [1, 0], sizes = [1, 64], strides = [1, 1]} : vector<8x64xf32> to vector<1x64xf32>
    %slice3A_13 = vector.extract_strided_slice %get3A_4 {offsets = [2, 0], sizes = [1, 64], strides = [1, 1]} : vector<8x64xf32> to vector<1x64xf32>
    %mul3A_14 = arith.constant 2.000000e+00 : f32
    %mul3A_15 = vector.broadcast %mul3A_14 : f32 to vector<1x64xf32>
    %mul3A_16 = arith.mulf %mul3A_15, %slice3A_13 : vector<1x64xf32>
    %add3A_17 = arith.addf %slice3A_12, %mul3A_16 : vector<1x64xf32>
    %slice3A_18 = vector.extract_strided_slice %get3A_4 {offsets = [4, 0], sizes = [1, 64], strides = [1, 1]} : vector<8x64xf32> to vector<1x64xf32>
    %mul3A_19 = arith.constant 2.000000e+01 : f32
    %mul3A_20 = vector.broadcast %mul3A_19 : f32 to vector<1x64xf32>
    %mul3A_21 = arith.mulf %mul3A_20, %slice3A_18 : vector<1x64xf32>
    %add3A_22 = arith.addf %add3A_17, %mul3A_21 : vector<1x64xf32>
    %div3A_23 = arith.constant 3.276800e+05 : f32
    %div3A_24 = vector.broadcast %div3A_23 : f32 to vector<1x64xf32>
    %div3A_25 = arith.divf %add3A_22, %div3A_24 : vector<1x64xf32>
    %mul3A_26 = arith.mulf %div3A_11, %div3A_11 : vector<1x64xf32>
    %sub3A = arith.subf %div3A_25, %mul3A_26 : vector<1x64xf32>
    %get3A_27 = arith.constant 0 : index
    %get3A_28 = arith.constant 0 : index
    %get3A_29 = vector.load %arg6[%get3A_27, %get3A_28] : memref<1x64xf32, #tpu.memory_space<vmem>>, vector<1x64xf32>
    %add3A_30 = arith.constant 9.99999974E-6 : f32
    %add3A_31 = vector.broadcast %add3A_30 : f32 to vector<1x64xf32>
    %add3A_32 = arith.addf %sub3A, %add3A_31 : vector<1x64xf32>
    %rsqrt3A = math.rsqrt %add3A_32 : vector<1x64xf32>
    %mul3A_33 = arith.mulf %get3A_29, %rsqrt3A : vector<1x64xf32>
    %get3A_34 = arith.constant 0 : index
    %get3A_35 = arith.constant 0 : index
    %get3A_36 = vector.load %arg7[%get3A_34, %get3A_35] : memref<1x64xf32, #tpu.memory_space<vmem>>, vector<1x64xf32>
    %mul3A_37 = arith.mulf %div3A_11, %mul3A_33 : vector<1x64xf32>
    %sub3A_38 = arith.subf %get3A_36, %mul3A_37 : vector<1x64xf32>
    %get3A_39 = arith.constant 0 : index
    %get3A_40 = arith.constant 0 : index
    %get3A_41 = arith.constant 0 : index
    %get3A_42 = arith.constant 0 : index
    %get3A_43 = vector.load %arg2[%get3A_39, %get3A_40, %get3A_41, %get3A_42] : memref<1x20x256x128xf32, #tpu.memory_space<vmem>>, vector<1x20x256x64xf32>
    %get3A_44 = vector.shape_cast %get3A_43 : vector<1x20x256x64xf32> to vector<20x256x64xf32>
    %get3A_45 = arith.constant 0 : index
    %get3A_46 = arith.constant 0 : index
    %get3A_47 = vector.load %arg3[%get3A_45, %get3A_46] : memref<256x64xf32, #tpu.memory_space<vmem>>, vector<256x64xf32>
    %broadcast_in_dim3A = vector.shape_cast %mul3A_33 : vector<1x64xf32> to vector<1x1x64xf32>
    %broadcast_in_dim3A_48 = vector.shape_cast %get3A_47 : vector<256x64xf32> to vector<1x256x64xf32>
    %add3A_49 = vector.broadcast %broadcast_in_dim3A_48 : vector<1x256x64xf32> to vector<20x256x64xf32>
    %add3A_50 = arith.addf %get3A_44, %add3A_49 : vector<20x256x64xf32>
    %mul3A_51 = vector.broadcast %broadcast_in_dim3A : vector<1x1x64xf32> to vector<20x256x64xf32>
    %mul3A_52 = arith.mulf %mul3A_51, %add3A_50 : vector<20x256x64xf32>
    %broadcast_in_dim3A_53 = vector.shape_cast %sub3A_38 : vector<1x64xf32> to vector<1x1x64xf32>
    %add3A_54 = vector.broadcast %broadcast_in_dim3A_53 : vector<1x1x64xf32> to vector<20x256x64xf32>
    %add3A_55 = arith.addf %mul3A_52, %add3A_54 : vector<20x256x64xf32>
    %ge3A = arith.constant 0.000000e+00 : f32
    %ge3A_56 = vector.broadcast %ge3A : f32 to vector<20x256x64xf32>
    %ge3A_57 = arith.cmpf oge, %add3A_55, %ge3A_56 : vector<20x256x64xf32>
    %mul3A_58 = arith.constant 2.000000e-01 : f32
    %mul3A_59 = vector.broadcast %mul3A_58 : f32 to vector<20x256x64xf32>
    %mul3A_60 = arith.mulf %mul3A_59, %add3A_55 : vector<20x256x64xf32>
    %select_n3A = arith.select %ge3A_57, %add3A_55, %mul3A_60 : vector<20x256x64xi1>, vector<20x256x64xf32>
    %reshape3A = vector.shape_cast %select_n3A : vector<20x256x64xf32> to vector<5120x64xf32>
    %get3A_61 = arith.constant 0 : index
    %get3A_62 = arith.constant 0 : index
    %get3A_63 = vector.load %arg5[%get3A_61, %get3A_62] : memref<128x64xf32, #tpu.memory_space<vmem>>, vector<128x64xf32>
    %dot_general3A = arith.constant dense<0.000000e+00> : vector<5120x128xf32>
    %dot_general3A_64 = tpu.matmul %reshape3A, %get3A_63, %dot_general3A {dimension_numbers = #tpu.dot_dimension_numbers<[1], [1], [0], [0], [0, 0, 1, 0], [], []>, transpose_lhs_hint = false} : vector<5120x64xf32>, vector<128x64xf32>, vector<5120x128xf32> -> vector<5120x128xf32>
    %reshape3A_65 = vector.shape_cast %dot_general3A_64 : vector<5120x128xf32> to vector<20x256x128xf32>
    %reduce_max3A = arith.constant dense<0xFF800000> : vector<256x128xf32>
    %reduce_max3A_66 = vector.multi_reduction <maximumf>, %reshape3A_65, %reduce_max3A [0] : vector<20x256x128xf32> to vector<256x128xf32>
    %swap3A = arith.constant 0 : index
    %swap3A_67 = arith.constant 0 : index
    %swap3A_68 = arith.constant 0 : index
    %swap3A_69 = vector.load %arg8[%swap3A, %swap3A_67, %swap3A_68] : memref<1x256x128xf32, #tpu.memory_space<vmem>>, vector<1x256x128xf32>
    %swap3A_70 = vector.shape_cast %swap3A_69 : vector<1x256x128xf32> to vector<256x128xf32>
    %swap3A_71 = vector.shape_cast %reduce_max3A_66 : vector<256x128xf32> to vector<1x256x128xf32>
    tpu.vector_store %arg8[%swap3A, %swap3A_67, %swap3A_68], %swap3A_71 {strides = array<i32>} : memref<1x256x128xf32, #tpu.memory_space<vmem>>, vector<1x256x128xf32>,
    %reduce_min3A = arith.constant dense<0x7F800000> : vector<256x128xf32>
    %reduce_min3A_72 = vector.multi_reduction <minimumf>, %reshape3A_65, %reduce_min3A [0] : vector<20x256x128xf32> to vector<256x128xf32>
    %swap3A_73 = arith.constant 0 : index
    %swap3A_74 = arith.constant 0 : index
    %swap3A_75 = arith.constant 0 : index
    %swap3A_76 = vector.load %arg9[%swap3A_73, %swap3A_74, %swap3A_75] : memref<1x256x128xf32, #tpu.memory_space<vmem>>, vector<1x256x128xf32>
    %swap3A_77 = vector.shape_cast %swap3A_76 : vector<1x256x128xf32> to vector<256x128xf32>
    %swap3A_78 = vector.shape_cast %reduce_min3A_72 : vector<256x128xf32> to vector<1x256x128xf32>
    tpu.vector_store %arg9[%swap3A_73, %swap3A_74, %swap3A_75], %swap3A_78 {strides = array<i32>} : memref<1x256x128xf32, #tpu.memory_space<vmem>>, vector<1x256x128xf32>,
    %get3A_79 = arith.constant 0 : index
    %get3A_80 = arith.constant 0 : index
    %get3A_81 = vector.load %arg11[%get3A_79, %get3A_80] : memref<8x128xf32, #tpu.memory_space<vmem>>, vector<1x128xf32>
    %reduce_sum3A = arith.constant dense<0.000000e+00> : vector<128xf32>
    %reduce_sum3A_82 = vector.multi_reduction <add>, %dot_general3A_64, %reduce_sum3A [0] : vector<5120x128xf32> to vector<128xf32>
    %broadcast_in_dim3A_83 = vector.shape_cast %reduce_sum3A_82 : vector<128xf32> to vector<1x128xf32>
    %add3A_84 = arith.addf %get3A_81, %broadcast_in_dim3A_83 : vector<1x128xf32>
    %swap3A_85 = arith.constant 0 : index
    %swap3A_86 = arith.constant 0 : index
    %swap3A_87 = vector.load %arg11[%swap3A_85, %swap3A_86] : memref<8x128xf32, #tpu.memory_space<vmem>>, vector<1x128xf32>
    tpu.vector_store %arg11[%swap3A_85, %swap3A_86], %add3A_84 {strides = array<i32>} : memref<8x128xf32, #tpu.memory_space<vmem>>, vector<1x128xf32>,
    %get3A_88 = arith.constant 1 : index
    %get3A_89 = arith.constant 0 : index
    %get3A_90 = vector.load %arg11[%get3A_88, %get3A_89] : memref<8x128xf32, #tpu.memory_space<vmem>>, vector<1x128xf32>
    %mul3A_91 = arith.mulf %dot_general3A_64, %dot_general3A_64 : vector<5120x128xf32>
    %reduce_sum3A_92 = arith.constant dense<0.000000e+00> : vector<128xf32>
    %reduce_sum3A_93 = vector.multi_reduction <add>, %mul3A_91, %reduce_sum3A_92 [0] : vector<5120x128xf32> to vector<128xf32>
    %broadcast_in_dim3A_94 = vector.shape_cast %reduce_sum3A_93 : vector<128xf32> to vector<1x128xf32>
    %add3A_95 = arith.addf %get3A_90, %broadcast_in_dim3A_94 : vector<1x128xf32>
    %swap3A_96 = arith.constant 1 : index
    %swap3A_97 = arith.constant 0 : index
    %swap3A_98 = vector.load %arg11[%swap3A_96, %swap3A_97] : memref<8x128xf32, #tpu.memory_space<vmem>>, vector<1x128xf32>
    tpu.vector_store %arg11[%swap3A_96, %swap3A_97], %add3A_95 {strides = array<i32>} : memref<8x128xf32, #tpu.memory_space<vmem>>, vector<1x128xf32>,
    %eq3A_99 = arith.constant 15 : i32
    %eq3A_100 = arith.cmpi eq, %add3A, %eq3A_99 : i32
    %convert_element_type3A_101 = arith.extui %eq3A_100 : i1 to i32
    %cond3A_102 = arith.constant 0 : i32
    %cond3A_103 = arith.cmpi ne, %convert_element_type3A_101, %cond3A_102 : i32
    scf.if %cond3A_103 {
      %get3A_104 = arith.constant 0 : index
      %get3A_105 = arith.constant 0 : index
      %get3A_106 = vector.load %arg11[%get3A_104, %get3A_105] : memref<8x128xf32, #tpu.memory_space<vmem>>, vector<8x128xf32>
      %swap3A_107 = arith.constant 0 : index
      %swap3A_108 = arith.constant 0 : index
      %swap3A_109 = vector.load %arg10[%swap3A_107, %swap3A_108] : memref<8x128xf32, #tpu.memory_space<vmem>>, vector<8x128xf32>
      tpu.vector_store %arg10[%swap3A_107, %swap3A_108], %get3A_106 {strides = array<i32>} : memref<8x128xf32, #tpu.memory_space<vmem>>, vector<8x128xf32>,
    } else {
    }
    return
  }
  func.func @transform_0(%arg0: i32, %arg1: i32) -> (i32, i32, i32, i32) {
    %c0_i32 = arith.constant 0 : i32
    %c0_i32_0 = arith.constant 0 : i32
    %c0_i32_1 = arith.constant 0 : i32
    return %arg0, %c0_i32, %arg1, %c0_i32_0 : i32, i32, i32, i32
  }
  func.func @transform_1(%arg0: i32, %arg1: i32) -> (i32, i32) {
    %mul3A = arith.constant 8 : i32
    %mul3A_0 = arith.muli %arg0, %mul3A : i32
    %add3A = arith.addi %mul3A_0, %arg1 : i32
    %c0_i32 = arith.constant 0 : i32
    %c0_i32_1 = arith.constant 0 : i32
    return %add3A, %c0_i32 : i32, i32
  }
  func.func @transform_2(%arg0: i32, %arg1: i32) -> (i32, i32) {
    %c0_i32 = arith.constant 0 : i32
    %c0_i32_0 = arith.constant 0 : i32
    %c0_i32_1 = arith.constant 0 : i32
    return %c0_i32, %c0_i32_0 : i32, i32
  }
  func.func @transform_3(%arg0: i32, %arg1: i32) -> (i32, i32) {
    %c0_i32 = arith.constant 0 : i32
    %c0_i32_0 = arith.constant 0 : i32
    %c0_i32_1 = arith.constant 0 : i32
    return %c0_i32, %c0_i32_0 : i32, i32
  }
  func.func @transform_4(%arg0: i32, %arg1: i32) -> (i32, i32) {
    %c0_i32 = arith.constant 0 : i32
    %c0_i32_0 = arith.constant 0 : i32
    %c0_i32_1 = arith.constant 0 : i32
    return %c0_i32, %c0_i32_0 : i32, i32
  }
  func.func @transform_5(%arg0: i32, %arg1: i32) -> (i32, i32) {
    %c0_i32 = arith.constant 0 : i32
    %c0_i32_0 = arith.constant 0 : i32
    %c0_i32_1 = arith.constant 0 : i32
    return %c0_i32, %c0_i32_0 : i32, i32
  }
  func.func @transform_6(%arg0: i32, %arg1: i32) -> (i32, i32, i32) {
    %c0_i32 = arith.constant 0 : i32
    %c0_i32_0 = arith.constant 0 : i32
    return %arg0, %arg1, %c0_i32 : i32, i32, i32
  }
  func.func @transform_7(%arg0: i32, %arg1: i32) -> (i32, i32, i32) {
    %c0_i32 = arith.constant 0 : i32
    %c0_i32_0 = arith.constant 0 : i32
    return %arg0, %arg1, %c0_i32 : i32, i32, i32
  }
  func.func @transform_8(%arg0: i32, %arg1: i32) -> (i32, i32) {
    %c0_i32 = arith.constant 0 : i32
    %c0_i32_0 = arith.constant 0 : i32
    %c0_i32_1 = arith.constant 0 : i32
    return %c0_i32, %c0_i32_0 : i32, i32
  }
}

module attributes {stable_mosaic.version = 14 : i64} {
  func.func @_final_body(%arg0: i32, %arg1: i32, %arg2: memref<1x256x128xf32, #tpu.memory_space<vmem>>, %arg3: memref<1x256x128xf32, #tpu.memory_space<vmem>>, %arg4: memref<8x128xf32, #tpu.memory_space<vmem>>, %arg5: memref<1x128xf32, #tpu.memory_space<vmem>>, %arg6: memref<1x128xf32, #tpu.memory_space<vmem>>, %arg7: memref<1x256x128xf32, #tpu.memory_space<vmem>>) attributes {dimension_semantics = [#tpu.dimension_semantics<arbitrary>, #tpu.dimension_semantics<arbitrary>], iteration_bounds = array<i64: 2, 8>, scalar_prefetch = 0 : i64, scratch_operands = 0 : i64, tpu.core_type = #tpu.core_type<tc>, window_params = [{transform_indices = @transform_0, window_bounds = array<i64: 1, 256, 128>}, {transform_indices = @transform_1, window_bounds = array<i64: 1, 256, 128>}, {pipeline_mode = #tpu.pipeline_mode<synchronous>, transform_indices = @transform_2, window_bounds = array<i64: 8, 128>}, {pipeline_mode = #tpu.pipeline_mode<synchronous>, transform_indices = @transform_3, window_bounds = array<i64: 1, 128>}, {pipeline_mode = #tpu.pipeline_mode<synchronous>, transform_indices = @transform_4, window_bounds = array<i64: 1, 128>}, {transform_indices = @transform_5, window_bounds = array<i64: 1, 256, 128>}]} {
    %get3A = arith.constant 0 : index
    %get3A_0 = arith.constant 0 : index
    %get3A_1 = vector.load %arg4[%get3A, %get3A_0] : memref<8x128xf32, #tpu.memory_space<vmem>>, vector<8x128xf32>
    %slice3A = vector.extract_strided_slice %get3A_1 {offsets = [0, 0], sizes = [1, 128], strides = [1, 1]} : vector<8x128xf32> to vector<1x128xf32>
    %div3A = arith.constant 3.276800e+05 : f32
    %div3A_2 = vector.broadcast %div3A : f32 to vector<1x128xf32>
    %div3A_3 = arith.divf %slice3A, %div3A_2 : vector<1x128xf32>
    %slice3A_4 = vector.extract_strided_slice %get3A_1 {offsets = [1, 0], sizes = [1, 128], strides = [1, 1]} : vector<8x128xf32> to vector<1x128xf32>
    %div3A_5 = arith.constant 3.276800e+05 : f32
    %div3A_6 = vector.broadcast %div3A_5 : f32 to vector<1x128xf32>
    %div3A_7 = arith.divf %slice3A_4, %div3A_6 : vector<1x128xf32>
    %mul3A = arith.mulf %div3A_3, %div3A_3 : vector<1x128xf32>
    %sub3A = arith.subf %div3A_7, %mul3A : vector<1x128xf32>
    %get3A_8 = arith.constant 0 : index
    %get3A_9 = arith.constant 0 : index
    %get3A_10 = vector.load %arg5[%get3A_8, %get3A_9] : memref<1x128xf32, #tpu.memory_space<vmem>>, vector<1x128xf32>
    %add3A = arith.constant 9.99999974E-6 : f32
    %add3A_11 = vector.broadcast %add3A : f32 to vector<1x128xf32>
    %add3A_12 = arith.addf %sub3A, %add3A_11 : vector<1x128xf32>
    %rsqrt3A = math.rsqrt %add3A_12 : vector<1x128xf32>
    %mul3A_13 = arith.mulf %get3A_10, %rsqrt3A : vector<1x128xf32>
    %get3A_14 = arith.constant 0 : index
    %get3A_15 = arith.constant 0 : index
    %get3A_16 = vector.load %arg6[%get3A_14, %get3A_15] : memref<1x128xf32, #tpu.memory_space<vmem>>, vector<1x128xf32>
    %mul3A_17 = arith.mulf %div3A_3, %mul3A_13 : vector<1x128xf32>
    %sub3A_18 = arith.subf %get3A_16, %mul3A_17 : vector<1x128xf32>
    %ge3A = arith.constant 0.000000e+00 : f32
    %ge3A_19 = vector.broadcast %ge3A : f32 to vector<1x128xf32>
    %ge3A_20 = arith.cmpf oge, %mul3A_13, %ge3A_19 : vector<1x128xf32>
    %get3A_21 = arith.constant 0 : index
    %get3A_22 = arith.constant 0 : index
    %get3A_23 = arith.constant 0 : index
    %get3A_24 = vector.load %arg2[%get3A_21, %get3A_22, %get3A_23] : memref<1x256x128xf32, #tpu.memory_space<vmem>>, vector<1x256x128xf32>
    %get3A_25 = vector.shape_cast %get3A_24 : vector<1x256x128xf32> to vector<256x128xf32>
    %get3A_26 = arith.constant 0 : index
    %get3A_27 = arith.constant 0 : index
    %get3A_28 = arith.constant 0 : index
    %get3A_29 = vector.load %arg3[%get3A_26, %get3A_27, %get3A_28] : memref<1x256x128xf32, #tpu.memory_space<vmem>>, vector<1x256x128xf32>
    %get3A_30 = vector.shape_cast %get3A_29 : vector<1x256x128xf32> to vector<256x128xf32>
    %broadcast_in_dim3A = vector.shape_cast %ge3A_20 : vector<1x128xi1> to vector<1x128xi1>
    %broadcast_in_dim3A_31 = vector.broadcast %broadcast_in_dim3A : vector<1x128xi1> to vector<256x128xi1>
    %select_n3A = arith.select %broadcast_in_dim3A_31, %get3A_25, %get3A_30 : vector<256x128xi1>, vector<256x128xf32>
    %mul3A_32 = vector.broadcast %mul3A_13 : vector<1x128xf32> to vector<256x128xf32>
    %mul3A_33 = arith.mulf %mul3A_32, %select_n3A : vector<256x128xf32>
    %add3A_34 = vector.broadcast %sub3A_18 : vector<1x128xf32> to vector<256x128xf32>
    %add3A_35 = arith.addf %mul3A_33, %add3A_34 : vector<256x128xf32>
    %ge3A_36 = arith.constant 0.000000e+00 : f32
    %ge3A_37 = vector.broadcast %ge3A_36 : f32 to vector<256x128xf32>
    %ge3A_38 = arith.cmpf oge, %add3A_35, %ge3A_37 : vector<256x128xf32>
    %mul3A_39 = arith.constant 2.000000e-01 : f32
    %mul3A_40 = vector.broadcast %mul3A_39 : f32 to vector<256x128xf32>
    %mul3A_41 = arith.mulf %mul3A_40, %add3A_35 : vector<256x128xf32>
    %select_n3A_42 = arith.select %ge3A_38, %add3A_35, %mul3A_41 : vector<256x128xi1>, vector<256x128xf32>
    %swap3A = arith.constant 0 : index
    %swap3A_43 = arith.constant 0 : index
    %swap3A_44 = arith.constant 0 : index
    %swap3A_45 = vector.load %arg7[%swap3A, %swap3A_43, %swap3A_44] : memref<1x256x128xf32, #tpu.memory_space<vmem>>, vector<1x256x128xf32>
    %swap3A_46 = vector.shape_cast %swap3A_45 : vector<1x256x128xf32> to vector<256x128xf32>
    %swap3A_47 = vector.shape_cast %select_n3A_42 : vector<256x128xf32> to vector<1x256x128xf32>
    tpu.vector_store %arg7[%swap3A, %swap3A_43, %swap3A_44], %swap3A_47 {strides = array<i32>} : memref<1x256x128xf32, #tpu.memory_space<vmem>>, vector<1x256x128xf32>,
    return
  }
  func.func @transform_0(%arg0: i32, %arg1: i32) -> (i32, i32, i32) {
    %c0_i32 = arith.constant 0 : i32
    %c0_i32_0 = arith.constant 0 : i32
    return %arg0, %arg1, %c0_i32 : i32, i32, i32
  }
  func.func @transform_1(%arg0: i32, %arg1: i32) -> (i32, i32, i32) {
    %c0_i32 = arith.constant 0 : i32
    %c0_i32_0 = arith.constant 0 : i32
    return %arg0, %arg1, %c0_i32 : i32, i32, i32
  }
  func.func @transform_2(%arg0: i32, %arg1: i32) -> (i32, i32) {
    %c0_i32 = arith.constant 0 : i32
    %c0_i32_0 = arith.constant 0 : i32
    %c0_i32_1 = arith.constant 0 : i32
    return %c0_i32, %c0_i32_0 : i32, i32
  }
  func.func @transform_3(%arg0: i32, %arg1: i32) -> (i32, i32) {
    %c0_i32 = arith.constant 0 : i32
    %c0_i32_0 = arith.constant 0 : i32
    %c0_i32_1 = arith.constant 0 : i32
    return %c0_i32, %c0_i32_0 : i32, i32
  }
  func.func @transform_4(%arg0: i32, %arg1: i32) -> (i32, i32) {
    %c0_i32 = arith.constant 0 : i32
    %c0_i32_0 = arith.constant 0 : i32
    %c0_i32_1 = arith.constant 0 : i32
    return %c0_i32, %c0_i32_0 : i32, i32
  }
  func.func @transform_5(%arg0: i32, %arg1: i32) -> (i32, i32, i32) {
    %c0_i32 = arith.constant 0 : i32
    %c0_i32_0 = arith.constant 0 : i32
    return %arg0, %arg1, %c0_i32 : i32, i32, i32
  }
}

</mosaic_0001>

<sc_bundles>
// kernel: kernel.23.cloned.1.call-start
scs
__scs_entry_jumppad:
0x0: {  	(pc) =	sbr.rel $0x88, $3  }
0x1: {  	(tag) =	ssettag $0x0;
	lr =	simm.s32 $0x1  }
0x2: {  	[smem:$0x3F9A] =	sst lr;
	_ =	strace $0xD0000000  }
0x3: {  	_ = 	snop  }
0x4: {  	_ = 	snop  }
0x5: {  	_ = 	snop  }
0x6: {  	_ = 	snop  }
0x7: {  	_ = 	snop  }
__scs_overlays_trampoline_lowered:
0x8: {  	[smem:$0x3FA9] =	sst s0  }
0x9: {  	[smem:$0x3FAA] =	sst s1  }
0xa: {  	[smem:$0x3FAB] =	sst s2  }
0xb: {  	[smem:$0x3FAC] =	sst s3  }
0xc: {  	[smem:$0x3FAD] =	sst s4  }
0xd: {  	[smem:$0x3FAE] =	sst s5  }
0xe: {  	[smem:$0x3FAF] =	sst s6  }
0xf: {  	[smem:$0x3FB0] =	sst s7  }
0x10: {  	[smem:$0x3FB1] =	sst s8  }
0x11: {  	[smem:$0x3FB2] =	sst s9;
	s0 =	simm.s32 @!p0 $0x0  }
0x12: {  	s1 =	sld [smem:$0x3F98];
	s0 =	simm.s32 @p0 $0x1  }
0x13: {  	[smem:$0x3FB3] =	sst s0;
	s0 =	simm.s32 @!p1 $0x0  }
0x14: {  	s2 =	sld [smem:$0x3F97];
	s0 =	simm.s32 @p1 $0x1  }
0x15: {  	[smem:$0x3FB4] =	sst s0;
	s0 =	simm.s32 @!p2 $0x0  }
0x16: {  	s3 =	sld [smem:$0x3FDB];
	s0 =	simm.s32 @p2 $0x1  }
0x17: {  	s4 =	simm.s32 $0x1BF5;
	[smem:$0x3FB6] =	sst s0  }
0x18: {  	s0 =	sld [smem:$0x3F99];
	_ =	swait.ge [sflag:s4], $0x0  }
0x19: {  	s7 =	sld [smem:$0x3F9A]  }
0x1a: {  	s8 =	sadd.s32 $0xFFFFE003, lr  }
0x1b: {  	s9 =	sadd.s32 $0xFFFFFEF7, lr;
	s5 =	simm.s32 $0xFFFFFFFF;
	p2 =	slt.u32 s8, $0xFFFFF086  }
0x1c: {  	p1 =	slt.u32 s9, $0xF7A;
	s5 =	simm.s32 @!p2 $0x0  }
0x1d: {  	s5 =	simm.s32 @p1 $0x1;
	p0 =	seq.s32 s7, s2  }
0x1e: {  	s7 =	smul.u32 @!p0 $0xF7A, s2;
	p2 =	seq.s32 @!p0 s5, $0x0  }
0x1f: {  	s9 =	smul.u32 $0xF7A, s1;
	s8 =	simm.s32 @!p0 $0x1BF5;
	p2 =	por !p2, p0  }
0x20: {  	[sflag:s8] =	ssyncset.s32 @!p0 $0xFFFFF086;
	s6 =	sadd.s32 @!p0 s3, s7;
	s7 =	simm.s32 @!p0 $0x108  }
0x21: {  	s3 =	sadd.s32 s3, s9;
	s6 =	sadd.s32 @!p0 $0x88, s6;
	s7 =	simm.s32 @p2 $0x1082  }
0x22: {  	[simem:s7], [sflag:s8] =	dma.local @!p0 [hbm:s6], $0xF7A  }
0x23: {  	s9 =	sor.u32 $0xD0000000, s2;
	s6 =	simm.s32 $0x108;
	_ =	swait.ge @!p0 [sflag:s8], $0x0  }
0x24: {  	s3 =	sadd.s32 $0x88, s3;
	s6 =	simm.s32 @!p1 $0x1082;
	[sflag:s4] =	ssyncset.s32 $0xFFFFF086  }
0x25: {  	[simem:s6], [sflag:s4] =	dma.local [hbm:s3], $0xF7A  }
0x26: {  	[smem:$0x3F9A] =	sst s1;
	(tag) =	ssettag s2;
	_ =	strace s9  }
0x27: {  	s1 =	sld [smem:$0x3FAA]  }
0x28: {  	s2 =	sld [smem:$0x3FAB]  }
0x29: {  	s4 =	sld [smem:$0x3FAD]  }
0x2a: {  	p0 =	seq.s32 s5, $0x0;
	s5 =	sld [smem:$0x3FAE]  }
0x2b: {  	s6 =	sld [smem:$0x3FAF]  }
0x2c: {  	s7 =	sld [smem:$0x3FB0]  }
0x2d: {  	s3 =	simm.s32 $0x108;
	s8 =	sld [smem:$0x3FB1]  }
0x2e: {  	s3 =	simm.s32 @!p0 $0x1082;
	s9 =	sld [smem:$0x3FB2]  }
0x2f: {  	lr =	sadd.s32 s0, s3;
	s0 =	sld [smem:$0x3FA9]  }
0x30: {  	s3 =	sld [smem:$0x3FAC]  }
0x31: {  	[smem:$0x3FB5] =	sst s10  }
0x32: {  	s10 =	sld [smem:$0x3FB3];
	_ =	sdelay $0x3  }
0x33: {  	p0 =	seq.s32 s10, $0x1;
	s10 =	sld [smem:$0x3FB5];
	_ =	sdelay $0x3  }
0x34: {  	[smem:$0x3FB5] =	sst s10  }
0x35: {  	s10 =	sld [smem:$0x3FB4];
	_ =	sdelay $0x3  }
0x36: {  	p1 =	seq.s32 s10, $0x1;
	s10 =	sld [smem:$0x3FB5];
	_ =	sdelay $0x3  }
0x37: {  	[smem:$0x3FB5] =	sst s10  }
0x38: {  	s10 =	sld [smem:$0x3FB6]  }
0x39: {  	_ = 	snop;
	(pc) =	sbr.ind lr, $3  }
0x3a: {  	_ = 	snop  }
0x3b: {  	_ = 	snop  }
0x3c: {  	p2 =	seq.s32 s10, $0x1;
	s10 =	sld [smem:$0x3FB5]  }
0x3d: {  	_ =	shalt  }
0x3e: {  	_ =	shalt  }
0x3f: {  	_ =	shalt  }
0x40: {  	_ =	shalt  }
0x41: {  	_ =	shalt  }
0x42: {  	_ =	shalt  }
0x43: {  	_ =	shalt  }
0x44: {  	_ =	shalt  }
0x45: {  	_ =	shalt  }
0x46: {  	_ =	shalt  }
0x47: {  	_ =	shalt  }
0x48: {  	_ =	shalt  }
0x49: {  	_ =	shalt  }
0x4a: {  	_ =	shalt  }
0x4b: {  	_ =	shalt  }
0x4c: {  	_ =	shalt  }
0x4d: {  	_ =	shalt  }
0x4e: {  	_ =	shalt  }
0x4f: {  	_ =	shalt  }
0x50: {  	_ =	shalt  }
0x51: {  	_ =	shalt  }
0x52: {  	_ =	shalt  }
0x53: {  	_ =	shalt  }
0x54: {  	_ =	shalt  }
0x55: {  	_ =	shalt  }
0x56: {  	_ =	shalt  }
0x57: {  	_ =	shalt  }
0x58: {  	_ =	shalt  }
0x59: {  	_ =	shalt  }
0x5a: {  	_ =	shalt  }
0x5b: {  	_ =	shalt  }
0x5c: {  	_ =	shalt  }
0x5d: {  	_ =	shalt  }
0x5e: {  	_ =	shalt  }
0x5f: {  	_ =	shalt  }
0x60: {  	_ =	shalt  }
0x61: {  	_ =	shalt  }
0x62: {  	_ =	shalt  }
0x63: {  	_ =	shalt  }
0x64: {  	_ =	shalt  }
0x65: {  	_ =	shalt  }
0x66: {  	_ =	shalt  }
0x67: {  	_ =	shalt  }
0x68: {  	_ =	shalt  }
0x69: {  	_ =	shalt  }
0x6a: {  	_ =	shalt  }
0x6b: {  	_ =	shalt  }
0x6c: {  	_ =	shalt  }
0x6d: {  	_ =	shalt  }
0x6e: {  	_ =	shalt  }
0x6f: {  	_ =	shalt  }
0x70: {  	_ =	shalt  }
0x71: {  	_ =	shalt  }
0x72: {  	_ =	shalt  }
0x73: {  	_ =	shalt  }
0x74: {  	_ =	shalt  }
0x75: {  	_ =	shalt  }
0x76: {  	_ =	shalt  }
0x77: {  	_ =	shalt  }
0x78: {  	_ =	shalt  }
0x79: {  	_ =	shalt  }
0x7a: {  	_ =	shalt  }
0x7b: {  	_ =	shalt  }
0x7c: {  	_ =	shalt  }
0x7d: {  	_ =	shalt  }
0x7e: {  	_ =	shalt  }
0x7f: {  	_ =	shalt  }
0x80: {  	_ =	shalt  }
0x81: {  	_ =	shalt  }
0x82: {  	_ =	shalt  }
0x83: {  	_ =	shalt  }
0x84: {  	_ =	shalt  }
0x85: {  	_ =	shalt  }
0x86: {  	_ =	shalt  }
0x87: {  	_ =	shalt  }
.Lfunc_end0:
.L_simem_size_0:
called_computation_lowered:
.L_overlay_start_0:
0x88: {  	s2 =	sld [smem:$0x3FD9]  }
0x89: {  	s3 =	sld [smem:$0x3FFE];
	_ =	sdelay $0x1  }
0x8a: {  	s1 =	srdreg.scid  }
0x8b: {  	s0 =	sand.u32 $0x1, s1  }
0x8c: {  	s17 =	sshll.u32 s0, $0xA;
	s2 =	sadd.s32 s3, s2  }
0x8d: {  	s2 =	sadd.s32 s2, s17  }
0x8e: {  	[smem:$0x3FC1] =	sst s2  }
0x8f: {  	_ = 	snop  }
0x90: {  	s18 =	sld [smem:$0x3FD0];
	(tm) =	ssettm $0x1  }
0x91: {  	s19 =	sld [smem:$0x3FFB];
	_ =	sdelay $0x3  }
0x92: {  	_ =	strace s19  }
0x93: {  	s2 =	sld [smem:$0x3FFC];
	_ =	sdelay $0x3  }
0x94: {  	_ =	strace s2  }
0x95: {  	s2 =	sld [smem:$0x3FFD];
	_ =	sdelay $0x3  }
0x96: {  	_ =	strace s2  }
0x97: {  	_ =	strace $0x8FFFFFFF  }
0x98: {  	s20 =	sld [smem:$0x3FDB];
	_ =	sdelay $0x1  }
0x99: {  	s4 =	simm.s32 $_scs_section_size  }
0x9a: {  	s5 =	simm.s32 $_size__tile_overlayer_lowered;
	s6 =	simm.s32 $_tile_overlayer_lowered  }
0x9b: {  	s7 =	simm.s32 $0x1BFF;
	s21 =	sshll.u32 s6, $0x1;
	s4 =	sadd.s32 s4, s20  }
0x9c: {  	s22 =	simm.s32 $0x0;
	s5 =	sshll.u32 s5, $0x1;
	s6 =	sadd.s32 s21, s4  }
0x9d: {  	[timem:s22], [sflag:s7] =	dma.local [hbm:s6], s5  }
0x9e: {  	_ =	swait.ge [sflag:s7], s5  }
0x9f: {  	s5 =	ssub.s32 $0x0, s5;
	[sflag:s7] =	ssyncset.done $0x0  }
0xa0: {  	[sflag:s7] =	ssyncadd.s32 s5;
	_ =	sdelay $0x1  }
0xa1: {  	s23 =	simm.s32 $0x1B8B  }
0xa2: {  	_ =	swait.ge [sflag:s23], $0x1  }
0xa3: {  	[sflag:s23] =	ssyncset.done $0x0  }
0xa4: {  	[sflag:s23] =	ssyncadd.s32 $0xFFFFFFFF  }
0xa5: {  	s5 =	sld [smem:$0x0]  }
0xa6: {  	s6 =	sand.u32 $0xFFFFFFFE, s1  }
0xa7: {  	p0 =	sne.s32 s1, s6  }
0xa8: {  	s6 =	sshll.u32 @p0 s6, $0xE  }
0xa9: {  	s6 =	sadd.s32 @p0 $0x11B8D, s6;
	s7 =	sshll.u32 @p0 s5, $0x11  }
0xaa: {  	s6 =	sor.u32 @p0 s7, s6  }
0xab: {  	[sflag:s6] =	ssyncadd.remote.s32 @p0 $0x1;
	_ =	sdelay $0x1  }
0xac: {  	s6 =	simm.s32 @p0 $0x1B8D  }
0xad: {  	_ =	swait.eq @p0 [sflag:s6], $0x1  }
0xae: {  	[sflag:s6] =	ssyncadd.s32 @p0 $0xFFFFFFFF  }
0xaf: {  	s7 =	sshll.u32 @!p0 s1, $0xE  }
0xb0: {  	s7 =	sor.u32 @!p0 $0x4000, s7;
	s6 =	simm.s32 @!p0 $0x1B8D  }
0xb1: {  	s5 =	sshll.u32 @!p0 s5, $0x11;
	s7 =	sadd.s32 @!p0 $0x11B8D, s7;
	_ =	swait.eq @!p0 [sflag:s6], $0x1  }
0xb2: {  	s5 =	sor.u32 @!p0 s5, s7;
	[sflag:s6] =	ssyncadd.s32 @!p0 $0xFFFFFFFF  }
0xb3: {  	s25 =	simm.s32 $0x1B8E;
	s24 =	sld [smem:$0x3FFE];
	[sflag:s5] =	ssyncadd.remote.s32 @!p0 $0x1  }
0xb4: {  	s26 =	simm.s32 $execute0_lowered;
	[smem:$0x3FD2] =	sst s25  }
0xb5: {  	s6 =	sshll.u32 s26, $0x1;
	_ =	strace $0x80000049;
	[dreg:$0x1] =	wrdreg $0xFFFFFFFF  }
0xb6: {  	s28 =	simm.s32 $_size_execute0_lowered;
	s4 =	sadd.s32 s4, s6;
	[dreg:$0x0] =	wrdreg $0x0  }
0xb7: {  	s6 =	sshll.u32 s28, $0x1;
	[dreg:$0x2] =	wrdreg s4  }
0xb8: {  	[dreg:$0x3] =	wrdreg s6  }
0xb9: {  	[dreg:$0x4] =	wrdreg $0xC0  }
0xba: {  	_ =	task [dreg:s22], $0x5FFFF  }
0xbb: {  	[dreg:$0x1] =	wrdreg $0xFFFFFFFF  }
0xbc: {  	[dreg:$0x0] =	wrdreg $0x60  }
0xbd: {  	[dreg:$0x2] =	wrdreg s18  }
0xbe: {  	[dreg:$0x3] =	wrdreg s24  }
0xbf: {  	[dreg:$0x4] =	wrdreg $0x9  }
0xc0: {  	_ =	task.clear_ibuf [dreg:s22], $0x5FFFF;
	_ =	strace $0x90000049  }
0xc1: {  	s29 =	simm.s32 $0x9;
	_ =	strace $0x8000004B  }
0xc2: {  	_ =	swait.ge [sflag:s29], $0x1  }
0xc3: {  	[sflag:s29] =	ssyncadd.s32 $0xFFFFFFFF  }
0xc4: {  	_ =	strace $0x9000004B  }
0xc5: {  	_ =	sfence  }
0xc6: {  	s30 =	sld [smem:$0x0];
	_ =	sdelay $0x2  }
0xc7: {  	s31 =	sshll.u32 s1, $0xD;
	s1 =	sshrl.u32 s1, $0x2  }
0xc8: {  	s4 =	sand.u32 $0x4000, s31;
	s1 =	sadd.s32 s1, s30  }
0xc9: {  	s0 =	sor.u32 s4, s0;
	s1 =	sshll.u32 s1, $0x11  }
0xca: {  	s0 =	sor.u32 s1, s0  }
0xcb: {  	s0 =	sadd.s32 $0x8F2B, s0  }
0xcc: {  	[sflag:s0] =	ssyncadd.remote.s32 $0x1  }
0xcd: {  	_ =	sfence.sel $0xFFFF  }
0xce: {  	[dreg:$0x0] =	wrdreg $0xFFFFFFFF;
	(pc) =	sbr.abs _section_cstart, $3  }
0xcf: {  	[dreg:$0x1] =	wrdreg $0xFFFFFFFF  }
0xd0: {  	_ =	task.clear_ibuf [dreg:s22], $0x2FFFF;
	_ =	strace $0x9FFFFFFF  }
0xd1: {  	(tm) =	ssettm $0x7FFFFFFF  }
tec
execute0_lowered:
.L_overlay_start_1:
0x0: {  	(tag) =	ssettag $0x1  }
0x1: {  	s2 =	rddreg [dreg:$0x0];
	s1 =	srdreg.scid  }
0x2: {  	s0 =	stileid.u32;
	s4 =	rddreg [dreg:$0x1]  }
0x3: {  	s3 =	simm.s32 $0x0;
	s16 =	simm.s32 $0x1;
	s12 =	smul.u32 $0x280, s0  }
0x4: {  	s17 =	simm.s32 $0x2;
	s18 =	simm.s32 $0x0;
	s13 =	smul.u32 $0x28, s0  }
0x5: {  	s9 =	sand.u32 $0x1, s1;
	s5 =	sshll.u32 s0, $0x1;
	s28 =	smul.u32 $0x14000, s0  }
0x6: {  	s1 =	rddreg [dreg:$0x2];
	s10 =	sadd.s32 $0x18E200, s4;
	s14 =	smul.u32 $0x14, s9  }
0x7: {  	[smem:$0x7FF] =	sst s3;
	s11 =	sadd.s32 $0x190A00, s4;
	s15 =	smul.u32 $0x140, s9  }
0x8: {  	s5 =	sor.u32 s9, s5;
	s7 =	ssub.s32 $0x2, s9;
	s30 =	smul.u32 $0xA000, s9  }
0x9: {  	_ =	strace $0x8000004A;
	s6 =	smul.u32 $0xA00, s5;
	s26 =	sshrl.u32 s7, $0x1  }
0xa: {  	s24 =	sshll.u32 s9, $0x9;
	s25 =	smul.u32 $0xA000, s5;
	s7 =	ssub.s32 s7, s26  }
0xb: {  	s13 =	sadd.s32 s14, s13;
	s14 =	simm.s32 $0x100;
	s23 =	sand.u32 $0x1FC00, s6  }
0xc: {  	s8 =	sadd.s32 s11, s25;
	s6 =	smax.u32 s7, $0x1;
	s29 =	sshll.u32 s13, $0xB  }
0xd: {  	s13 =	simm.s32 $0x80;
	s4 =	sor.u32 s24, s23;
	s7 =	sadd.s32 $0x9000, s8  }
0xe: {  	s31 =	sadd.s32 s29, s11;
	s11 =	sadd.s32 s28, s11;
	s4 =	sshrl.u32 s4, $0x3  }
0xf: {  	s8 =	sadd.s32 $0x9800, s8;
	s11 =	sadd.s32 s30, s11;
	s4 =	sadd.s32 s10, s4  }
0x10: {  	s10 =	sadd.s32 s12, s10;
	s12 =	simm.s32 $0x3;
	s5 =	sadd.s32 $0x10, s4  }
0x11: {  	s9 =	sadd.s32 s15, s10;
	s10 =	sadd.s32 $0x800, s31;
	s15 =	simm.s32 $0x4100  }
.LBB2_1:
0x12: {  	[tilespmem:s3], [sflag:$0x3] =	stream.linear.gather [hbm4b:s4+s3], $0x80, $0x38;
	[tilespmem:$0x8100] =	vst v63  }
0x13: {  	_ =	swait.ge [sflag:s12], $0x80  }
0x14: {  	[sflag:s12] =	ssyncset.done $0x0  }
0x15: {  	[sflag:s12] =	ssyncadd.s32 $0xFFFFFF80  }
0x16: {  	[tilespmem:s14], [sflag:$0x1] =	stream.indirect.gather [hbm4b:s2+s13], $0x80, s3, s13, $0xb8;
	[tilespmem:$0x8100] =	vst v63  }
0x17: {  	_ = 	snop  }
0x18: {  	[tilespmem:s13], [sflag:$0x3] =	stream.linear.gather [hbm4b:s5+s3], $0x80, $0x38;
	[tilespmem:$0x8100] =	vst v63  }
0x19: {  	_ =	swait.ge [sflag:s12], $0x80  }
0x1a: {  	[sflag:s12] =	ssyncset.done $0x0  }
0x1b: {  	[sflag:s12] =	ssyncadd.s32 $0xFFFFFF80  }
0x1c: {  	[tilespmem:s15], [sflag:$0x2] =	stream.indirect.gather [hbm4b:s2+s13], $0x80, s13, s13, $0xb8;
	[tilespmem:$0x8100] =	vst v63  }
0x1d: {  	_ =	swait.ge [sflag:s16], $0x4000  }
0x1e: {  	[sflag:s16] =	ssyncset.done $0x0  }
0x1f: {  	[sflag:s16] =	ssyncadd.s32 $0xFFFFC000  }
0x20: {  	[hbm4b:s11+s3] =	stream.linear.scatter [tilespmem:s14], [sflag:$0x3], $0x4000, $0x38;
	[tilespmem:$0x8100] =	vst v63  }
0x21: {  	_ =	swait.ge [sflag:s12], $0x4000  }
0x22: {  	s19 =	sadd.s32 $0x0, s9;
	[sflag:s12] =	ssyncset.done $0x0  }
0x23: {  	s20 =	sadd.s32 $0x20, s19;
	[sflag:s12] =	ssyncadd.s32 $0xFFFFC000  }
0x24: {  	[tilespmem:s3], [sflag:$0x3] =	stream.linear.gather [hbm4b:s20+s3], $0x80, $0x38;
	[tilespmem:$0x8100] =	vst v63  }
0x25: {  	_ =	swait.ge [sflag:s12], $0x80  }
0x26: {  	[sflag:s12] =	ssyncset.done $0x0  }
0x27: {  	[sflag:s12] =	ssyncadd.s32 $0xFFFFFF80  }
0x28: {  	[tilespmem:s14], [sflag:$0x1] =	stream.indirect.gather [hbm4b:s2+s13], $0x80, s3, s13, $0xb8;
	[tilespmem:$0x8100] =	vst v63  }
0x29: {  	_ =	swait.ge [sflag:s17], $0x4000  }
0x2a: {  	[sflag:s17] =	ssyncset.done $0x0  }
0x2b: {  	[sflag:s17] =	ssyncadd.s32 $0xFFFFC000  }
0x2c: {  	[hbm4b:s10+s3] =	stream.linear.scatter [tilespmem:s15], [sflag:$0x3], $0x4000, $0x38;
	[tilespmem:$0x8100] =	vst v63  }
0x2d: {  	_ =	swait.ge [sflag:s12], $0x4000  }
0x2e: {  	[sflag:s12] =	ssyncset.done $0x0  }
0x2f: {  	s19 =	sadd.s32 $0x30, s19;
	[sflag:s12] =	ssyncadd.s32 $0xFFFFC000  }
0x30: {  	[tilespmem:s13], [sflag:$0x3] =	stream.linear.gather [hbm4b:s19+s3], $0x80, $0x38;
	[tilespmem:$0x8100] =	vst v63  }
0x31: {  	_ =	swait.ge [sflag:s12], $0x80  }
0x32: {  	s21 =	sadd.s32 $0x1000, s11;
	[sflag:s12] =	ssyncset.done $0x0  }
0x33: {  	s20 =	sadd.s32 $0x1000, s10;
	s19 =	simm.s32 $0x20;
	[sflag:s12] =	ssyncadd.s32 $0xFFFFFF80  }
.LBB2_2:
0x34: {  	[tilespmem:s15], [sflag:$0x2] =	stream.indirect.gather [hbm4b:s2+s13], $0x80, s13, s13, $0xb8;
	[tilespmem:$0x8100] =	vst v63  }
0x35: {  	s22 =	smov.u32 s19  }
0x36: {  	p0 =	sne.s32 s19, $0x100;
	s19 =	sadd.s32 $0x20, s19;
	_ =	swait.ge [sflag:s16], $0x4000  }
0x37: {  	[sflag:s16] =	ssyncset.done $0x0  }
0x38: {  	[sflag:s16] =	ssyncadd.s32 $0xFFFFC000  }
0x39: {  	[hbm4b:s21+s3] =	stream.linear.scatter [tilespmem:s14], [sflag:$0x3], $0x4000, $0x38;
	[tilespmem:$0x8100] =	vst v63  }
0x3a: {  	_ =	swait.ge [sflag:s12], $0x4000  }
0x3b: {  	s22 =	sadd.s32 s22, s9;
	[sflag:s12] =	ssyncset.done $0x0  }
0x3c: {  	s23 =	sadd.s32 $0x20, s22;
	[sflag:s12] =	ssyncadd.s32 $0xFFFFC000  }
0x3d: {  	[tilespmem:s3], [sflag:$0x3] =	stream.linear.gather [hbm4b:s23+s3], $0x80, $0x38;
	[tilespmem:$0x8100] =	vst v63  }
0x3e: {  	_ =	swait.ge [sflag:s12], $0x80  }
0x3f: {  	[sflag:s12] =	ssyncset.done $0x0  }
0x40: {  	[sflag:s12] =	ssyncadd.s32 $0xFFFFFF80  }
0x41: {  	[tilespmem:s14], [sflag:$0x1] =	stream.indirect.gather [hbm4b:s2+s13], $0x80, s3, s13, $0xb8;
	[tilespmem:$0x8100] =	vst v63  }
0x42: {  	_ =	swait.ge [sflag:s17], $0x4000  }
0x43: {  	[sflag:s17] =	ssyncset.done $0x0  }
0x44: {  	[sflag:s17] =	ssyncadd.s32 $0xFFFFC000  }
0x45: {  	[hbm4b:s20+s3] =	stream.linear.scatter [tilespmem:s15], [sflag:$0x3], $0x4000, $0x38;
	[tilespmem:$0x8100] =	vst v63  }
0x46: {  	_ =	swait.ge [sflag:s12], $0x4000  }
0x47: {  	[sflag:s12] =	ssyncset.done $0x0  }
.Ltmp0:
0x48: {  	s22 =	sadd.s32 $0x30, s22;
	[sflag:s12] =	ssyncadd.s32 $0xFFFFC000;
	(pc) =	sbr.rel @p0 .LBB2_2-.Ltmp0, $4  }
0x49: {  	[tilespmem:s13], [sflag:$0x3] =	stream.linear.gather [hbm4b:s22+s3], $0x80, $0x38;
	[tilespmem:$0x8100] =	vst v63  }
0x4a: {  	_ =	swait.ge [sflag:s12], $0x80  }
0x4b: {  	[sflag:s12] =	ssyncset.done $0x0  }
0x4c: {  	s21 =	sadd.s32 $0x1000, s21;
	s20 =	sadd.s32 $0x1000, s20;
	[sflag:s12] =	ssyncadd.s32 $0xFFFFFF80  }
0x4d: {  	[tilespmem:s15], [sflag:$0x2] =	stream.indirect.gather [hbm4b:s2+s13], $0x80, s13, s13, $0xb8;
	[tilespmem:$0x8100] =	vst v63  }
0x4e: {  	_ =	swait.ge [sflag:s16], $0x4000  }
0x4f: {  	[sflag:s16] =	ssyncset.done $0x0  }
0x50: {  	[sflag:s16] =	ssyncadd.s32 $0xFFFFC000  }
0x51: {  	[hbm4b:s7+s3] =	stream.linear.scatter [tilespmem:s14], [sflag:$0x3], $0x4000, $0x38;
	[tilespmem:$0x8100] =	vst v63  }
0x52: {  	_ =	swait.ge [sflag:s12], $0x4000  }
0x53: {  	[sflag:s12] =	ssyncset.done $0x0  }
0x54: {  	[sflag:s12] =	ssyncadd.s32 $0xFFFFC000  }
0x55: {  	s18 =	sadd.s32 $0x1, s18;
	_ =	swait.ge [sflag:s17], $0x4000  }
0x56: {  	p0 =	sne.s32 s18, s6;
	[sflag:s17] =	ssyncset.done $0x0  }
.Ltmp1:
0x57: {  	[sflag:s17] =	ssyncadd.s32 $0xFFFFC000;
	(pc) =	sbr.rel @p0 .LBB2_1-.Ltmp1, $4  }
0x58: {  	[hbm4b:s8+s3] =	stream.linear.scatter [tilespmem:s15], [sflag:$0x3], $0x4000, $0x38;
	[tilespmem:$0x8100] =	vst v63  }
0x59: {  	_ =	swait.ge [sflag:s12], $0x4000  }
0x5a: {  	[sflag:s12] =	ssyncset.done $0x0  }
0x5b: {  	[sflag:s12] =	ssyncadd.s32 $0xFFFFC000  }
0x5c: {  	_ =	sfence.sel $0x180000  }
0x5d: {  	[bflag:$0x0] =	sbarrier.arrive $0xFFFF  }
0x5e: {  	p0 =	sne.s32 s0, $0x0;
	_ =	strace $0x9000004A  }
0x5f: {  	s0 =	sadd.s32 @!p0 $0x100000, s1;
	[bflag:$0x2] =	sbarrier.arrive $0xFFFF  }
0x60: {  	[sflag:s0] =	ssyncadd.tile.s32 @!p0 $0x1;
	_ =	shalt  }
.Lfunc_end2:
_tile_overlayer_lowered:
.L_overlay_start_2:
0x61: {  	(tag) =	ssettag $0x2  }
0x62: {  	s0 =	rddreg [dreg:$0x0];
	s2 =	stileid.u32  }
0x63: {  	s1 =	rddreg [dreg:$0x1];
	p0 =	sne.s32 s2, $0x0  }
0x64: {  	s3 =	rddreg [dreg:$0x2];
	[bflag:$0x3] =	sbarrier.arrive $0xFFFF;
	s2 =	simm.s32 @!p0 $0x1C03  }
0x65: {  	[timem:s3], [sflag:s2] =	dma.local @!p0 [hbm:s0], s1  }
0x66: {  	s0 =	simm.s32 @!p0 $0x3  }
0x67: {  	_ =	swait.ge @!p0 [sflag:s0], s1  }
0x68: {  	s1 =	ssub.s32 @!p0 $0x0, s1;
	[sflag:s0] =	ssyncset.done @!p0 $0x0  }
0x69: {  	[sflag:s0] =	ssyncadd.s32 @!p0 s1  }
0x6a: {  	[bflag:$0x3] =	sbarrier.arrive $0xFFFF  }
0x6b: {  	_ =	shalt  }

// kernel: kernel.26.cloned.1.call-start
scs
__scs_entry_jumppad:
0x0: {  	(pc) =	sbr.rel $0x88, $3  }
0x1: {  	(tag) =	ssettag $0x0;
	lr =	simm.s32 $0x1  }
0x2: {  	[smem:$0x3F9A] =	sst lr;
	_ =	strace $0xD0000000  }
0x3: {  	_ = 	snop  }
0x4: {  	_ = 	snop  }
0x5: {  	_ = 	snop  }
0x6: {  	_ = 	snop  }
0x7: {  	_ = 	snop  }
__scs_overlays_trampoline_lowered:
0x8: {  	[smem:$0x3FA9] =	sst s0  }
0x9: {  	[smem:$0x3FAA] =	sst s1  }
0xa: {  	[smem:$0x3FAB] =	sst s2  }
0xb: {  	[smem:$0x3FAC] =	sst s3  }
0xc: {  	[smem:$0x3FAD] =	sst s4  }
0xd: {  	[smem:$0x3FAE] =	sst s5  }
0xe: {  	[smem:$0x3FAF] =	sst s6  }
0xf: {  	[smem:$0x3FB0] =	sst s7  }
0x10: {  	[smem:$0x3FB1] =	sst s8  }
0x11: {  	[smem:$0x3FB2] =	sst s9;
	s0 =	simm.s32 @!p0 $0x0  }
0x12: {  	s1 =	sld [smem:$0x3F98];
	s0 =	simm.s32 @p0 $0x1  }
0x13: {  	[smem:$0x3FB3] =	sst s0;
	s0 =	simm.s32 @!p1 $0x0  }
0x14: {  	s2 =	sld [smem:$0x3F97];
	s0 =	simm.s32 @p1 $0x1  }
0x15: {  	[smem:$0x3FB4] =	sst s0;
	s0 =	simm.s32 @!p2 $0x0  }
0x16: {  	s3 =	sld [smem:$0x3FDB];
	s0 =	simm.s32 @p2 $0x1  }
0x17: {  	s4 =	simm.s32 $0x1BF5;
	[smem:$0x3FB6] =	sst s0  }
0x18: {  	s0 =	sld [smem:$0x3F99];
	_ =	swait.ge [sflag:s4], $0x0  }
0x19: {  	s7 =	sld [smem:$0x3F9A]  }
0x1a: {  	s8 =	sadd.s32 $0xFFFFE003, lr  }
0x1b: {  	s9 =	sadd.s32 $0xFFFFFEF7, lr;
	s5 =	simm.s32 $0xFFFFFFFF;
	p2 =	slt.u32 s8, $0xFFFFF086  }
0x1c: {  	p1 =	slt.u32 s9, $0xF7A;
	s5 =	simm.s32 @!p2 $0x0  }
0x1d: {  	s5 =	simm.s32 @p1 $0x1;
	p0 =	seq.s32 s7, s2  }
0x1e: {  	s7 =	smul.u32 @!p0 $0xF7A, s2;
	p2 =	seq.s32 @!p0 s5, $0x0  }
0x1f: {  	s9 =	smul.u32 $0xF7A, s1;
	s8 =	simm.s32 @!p0 $0x1BF5;
	p2 =	por !p2, p0  }
0x20: {  	[sflag:s8] =	ssyncset.s32 @!p0 $0xFFFFF086;
	s6 =	sadd.s32 @!p0 s3, s7;
	s7 =	simm.s32 @!p0 $0x108  }
0x21: {  	s3 =	sadd.s32 s3, s9;
	s6 =	sadd.s32 @!p0 $0x88, s6;
	s7 =	simm.s32 @p2 $0x1082  }
0x22: {  	[simem:s7], [sflag:s8] =	dma.local @!p0 [hbm:s6], $0xF7A  }
0x23: {  	s9 =	sor.u32 $0xD0000000, s2;
	s6 =	simm.s32 $0x108;
	_ =	swait.ge @!p0 [sflag:s8], $0x0  }
0x24: {  	s3 =	sadd.s32 $0x88, s3;
	s6 =	simm.s32 @!p1 $0x1082;
	[sflag:s4] =	ssyncset.s32 $0xFFFFF086  }
0x25: {  	[simem:s6], [sflag:s4] =	dma.local [hbm:s3], $0xF7A  }
0x26: {  	[smem:$0x3F9A] =	sst s1;
	(tag) =	ssettag s2;
	_ =	strace s9  }
0x27: {  	s1 =	sld [smem:$0x3FAA]  }
0x28: {  	s2 =	sld [smem:$0x3FAB]  }
0x29: {  	s4 =	sld [smem:$0x3FAD]  }
0x2a: {  	p0 =	seq.s32 s5, $0x0;
	s5 =	sld [smem:$0x3FAE]  }
0x2b: {  	s6 =	sld [smem:$0x3FAF]  }
0x2c: {  	s7 =	sld [smem:$0x3FB0]  }
0x2d: {  	s3 =	simm.s32 $0x108;
	s8 =	sld [smem:$0x3FB1]  }
0x2e: {  	s3 =	simm.s32 @!p0 $0x1082;
	s9 =	sld [smem:$0x3FB2]  }
0x2f: {  	lr =	sadd.s32 s0, s3;
	s0 =	sld [smem:$0x3FA9]  }
0x30: {  	s3 =	sld [smem:$0x3FAC]  }
0x31: {  	[smem:$0x3FB5] =	sst s10  }
0x32: {  	s10 =	sld [smem:$0x3FB3];
	_ =	sdelay $0x3  }
0x33: {  	p0 =	seq.s32 s10, $0x1;
	s10 =	sld [smem:$0x3FB5];
	_ =	sdelay $0x3  }
0x34: {  	[smem:$0x3FB5] =	sst s10  }
0x35: {  	s10 =	sld [smem:$0x3FB4];
	_ =	sdelay $0x3  }
0x36: {  	p1 =	seq.s32 s10, $0x1;
	s10 =	sld [smem:$0x3FB5];
	_ =	sdelay $0x3  }
0x37: {  	[smem:$0x3FB5] =	sst s10  }
0x38: {  	s10 =	sld [smem:$0x3FB6]  }
0x39: {  	_ = 	snop;
	(pc) =	sbr.ind lr, $3  }
0x3a: {  	_ = 	snop  }
0x3b: {  	_ = 	snop  }
0x3c: {  	p2 =	seq.s32 s10, $0x1;
	s10 =	sld [smem:$0x3FB5]  }
0x3d: {  	_ =	shalt  }
0x3e: {  	_ =	shalt  }
0x3f: {  	_ =	shalt  }
0x40: {  	_ =	shalt  }
0x41: {  	_ =	shalt  }
0x42: {  	_ =	shalt  }
0x43: {  	_ =	shalt  }
0x44: {  	_ =	shalt  }
0x45: {  	_ =	shalt  }
0x46: {  	_ =	shalt  }
0x47: {  	_ =	shalt  }
0x48: {  	_ =	shalt  }
0x49: {  	_ =	shalt  }
0x4a: {  	_ =	shalt  }
0x4b: {  	_ =	shalt  }
0x4c: {  	_ =	shalt  }
0x4d: {  	_ =	shalt  }
0x4e: {  	_ =	shalt  }
0x4f: {  	_ =	shalt  }
0x50: {  	_ =	shalt  }
0x51: {  	_ =	shalt  }
0x52: {  	_ =	shalt  }
0x53: {  	_ =	shalt  }
0x54: {  	_ =	shalt  }
0x55: {  	_ =	shalt  }
0x56: {  	_ =	shalt  }
0x57: {  	_ =	shalt  }
0x58: {  	_ =	shalt  }
0x59: {  	_ =	shalt  }
0x5a: {  	_ =	shalt  }
0x5b: {  	_ =	shalt  }
0x5c: {  	_ =	shalt  }
0x5d: {  	_ =	shalt  }
0x5e: {  	_ =	shalt  }
0x5f: {  	_ =	shalt  }
0x60: {  	_ =	shalt  }
0x61: {  	_ =	shalt  }
0x62: {  	_ =	shalt  }
0x63: {  	_ =	shalt  }
0x64: {  	_ =	shalt  }
0x65: {  	_ =	shalt  }
0x66: {  	_ =	shalt  }
0x67: {  	_ =	shalt  }
0x68: {  	_ =	shalt  }
0x69: {  	_ =	shalt  }
0x6a: {  	_ =	shalt  }
0x6b: {  	_ =	shalt  }
0x6c: {  	_ =	shalt  }
0x6d: {  	_ =	shalt  }
0x6e: {  	_ =	shalt  }
0x6f: {  	_ =	shalt  }
0x70: {  	_ =	shalt  }
0x71: {  	_ =	shalt  }
0x72: {  	_ =	shalt  }
0x73: {  	_ =	shalt  }
0x74: {  	_ =	shalt  }
0x75: {  	_ =	shalt  }
0x76: {  	_ =	shalt  }
0x77: {  	_ =	shalt  }
0x78: {  	_ =	shalt  }
0x79: {  	_ =	shalt  }
0x7a: {  	_ =	shalt  }
0x7b: {  	_ =	shalt  }
0x7c: {  	_ =	shalt  }
0x7d: {  	_ =	shalt  }
0x7e: {  	_ =	shalt  }
0x7f: {  	_ =	shalt  }
0x80: {  	_ =	shalt  }
0x81: {  	_ =	shalt  }
0x82: {  	_ =	shalt  }
0x83: {  	_ =	shalt  }
0x84: {  	_ =	shalt  }
0x85: {  	_ =	shalt  }
0x86: {  	_ =	shalt  }
0x87: {  	_ =	shalt  }
.Lfunc_end0:
.L_simem_size_0:
called_computation.1_lowered:
.L_overlay_start_0:
0x88: {  	s2 =	sld [smem:$0x3FD9]  }
0x89: {  	s3 =	sld [smem:$0x3FFE];
	_ =	sdelay $0x1  }
0x8a: {  	s1 =	srdreg.scid  }
0x8b: {  	s0 =	sand.u32 $0x1, s1  }
0x8c: {  	s17 =	sshll.u32 s0, $0xA;
	s2 =	sadd.s32 s3, s2  }
0x8d: {  	s2 =	sadd.s32 s2, s17  }
0x8e: {  	[smem:$0x3FC1] =	sst s2  }
0x8f: {  	_ = 	snop  }
0x90: {  	s2 =	sld [smem:$0x3FD0];
	(tm) =	ssettm $0x1  }
0x91: {  	s18 =	sld [smem:$0x3FFB];
	_ =	sdelay $0x3  }
0x92: {  	_ =	strace s18  }
0x93: {  	s3 =	sld [smem:$0x3FFC];
	_ =	sdelay $0x3  }
0x94: {  	_ =	strace s3  }
0x95: {  	s3 =	sld [smem:$0x3FFD];
	_ =	sdelay $0x3  }
0x96: {  	_ =	strace s3  }
0x97: {  	_ =	strace $0x8FFFFFFF  }
0x98: {  	s19 =	sld [smem:$0x3FDB];
	_ =	sdelay $0x1  }
0x99: {  	s4 =	simm.s32 $_scs_section_size  }
0x9a: {  	s5 =	simm.s32 $_size__tile_overlayer_lowered;
	s6 =	simm.s32 $_tile_overlayer_lowered  }
0x9b: {  	s22 =	simm.s32 $0x1BFF;
	s21 =	sshll.u32 s6, $0x1;
	s3 =	sadd.s32 s4, s19  }
0x9c: {  	s7 =	simm.s32 $0x0;
	s20 =	sshll.u32 s5, $0x1;
	s5 =	sadd.s32 s21, s3  }
0x9d: {  	[timem:s7], [sflag:s22] =	dma.local [hbm:s5], s20  }
0x9e: {  	_ =	swait.ge [sflag:s22], s20  }
0x9f: {  	s4 =	ssub.s32 $0x0, s20;
	[sflag:s22] =	ssyncset.done $0x0  }
0xa0: {  	[sflag:s22] =	ssyncadd.s32 s4;
	_ =	sdelay $0x1  }
0xa1: {  	s23 =	simm.s32 $0x1B8B  }
0xa2: {  	_ =	swait.ge [sflag:s23], $0x1  }
0xa3: {  	[sflag:s23] =	ssyncset.done $0x0  }
0xa4: {  	s25 =	simm.s32 $0x1B8E;
	s24 =	sld [smem:$0x3FFE];
	[sflag:s23] =	ssyncadd.s32 $0xFFFFFFFF  }
0xa5: {  	s26 =	simm.s32 $execute0_lowered;
	[smem:$0x3FD2] =	sst s25  }
0xa6: {  	s5 =	sshll.u32 s26, $0x1;
	_ =	strace $0x80000046;
	[dreg:$0x1] =	wrdreg $0xFFFFFFFF  }
0xa7: {  	s28 =	simm.s32 $_size_execute0_lowered;
	s3 =	sadd.s32 s3, s5;
	[dreg:$0x0] =	wrdreg $0x0  }
0xa8: {  	s5 =	sshll.u32 s28, $0x1;
	[dreg:$0x2] =	wrdreg s3  }
0xa9: {  	[dreg:$0x3] =	wrdreg s5  }
0xaa: {  	[dreg:$0x4] =	wrdreg $0xC0  }
0xab: {  	_ =	task [dreg:s7], $0x5FFFF  }
0xac: {  	[dreg:$0x1] =	wrdreg $0xFFFFFFFF  }
0xad: {  	[dreg:$0x0] =	wrdreg $0x60  }
0xae: {  	[dreg:$0x2] =	wrdreg s2  }
0xaf: {  	[dreg:$0x3] =	wrdreg s24  }
0xb0: {  	[dreg:$0x4] =	wrdreg $0xA  }
0xb1: {  	_ =	task.clear_ibuf [dreg:s7], $0x5FFFF;
	_ =	strace $0x90000046  }
0xb2: {  	s29 =	simm.s32 $0xA;
	_ =	strace $0x80000048  }
0xb3: {  	_ =	swait.ge [sflag:s29], $0x1  }
0xb4: {  	[sflag:s29] =	ssyncadd.s32 $0xFFFFFFFF  }
0xb5: {  	_ =	strace $0x90000048  }
0xb6: {  	_ =	sfence  }
0xb7: {  	s30 =	sld [smem:$0x0];
	_ =	sdelay $0x2  }
0xb8: {  	s31 =	sshll.u32 s1, $0xD;
	s1 =	sshrl.u32 s1, $0x2  }
0xb9: {  	s3 =	sand.u32 $0x4000, s31;
	s1 =	sadd.s32 s1, s30  }
0xba: {  	s0 =	sor.u32 s3, s0;
	s1 =	sshll.u32 s1, $0x11  }
0xbb: {  	s0 =	sor.u32 s1, s0  }
0xbc: {  	s0 =	sadd.s32 $0x8F2B, s0  }
0xbd: {  	[sflag:s0] =	ssyncadd.remote.s32 $0x1  }
0xbe: {  	_ =	sfence.sel $0xFFFF  }
0xbf: {  	[dreg:$0x0] =	wrdreg $0xFFFFFFFF;
	(pc) =	sbr.abs _section_cstart, $3  }
0xc0: {  	[dreg:$0x1] =	wrdreg $0xFFFFFFFF  }
0xc1: {  	_ =	task.clear_ibuf [dreg:s7], $0x2FFFF;
	_ =	strace $0x9FFFFFFF  }
0xc2: {  	(tm) =	ssettm $0x7FFFFFFF  }
0xc3: {  	_ =	shalt  }
tec
execute0_lowered:
.L_overlay_start_1:
0x0: {  	(tag) =	ssettag $0x1  }
0x1: {  	s2 =	rddreg [dreg:$0x0];
	s1 =	srdreg.scid  }
0x2: {  	s0 =	stileid.u32;
	s4 =	rddreg [dreg:$0x1]  }
0x3: {  	s3 =	simm.s32 $0x0;
	s16 =	simm.s32 $0x1;
	s12 =	smul.u32 $0x280, s0  }
0x4: {  	s17 =	simm.s32 $0x2;
	s18 =	simm.s32 $0x0;
	s13 =	smul.u32 $0x28, s0  }
0x5: {  	s9 =	sand.u32 $0x1, s1;
	s1 =	rddreg [dreg:$0x2];
	s28 =	smul.u32 $0x14000, s0  }
0x6: {  	s5 =	sshll.u32 s0, $0x1;
	[smem:$0x7FF] =	sst s3;
	s14 =	smul.u32 $0x14, s9  }
0x7: {  	s10 =	sadd.s32 $0x4BA00, s4;
	s11 =	sadd.s32 $0x4E200, s4;
	s15 =	smul.u32 $0x140, s9  }
0x8: {  	s5 =	sor.u32 s9, s5;
	s7 =	ssub.s32 $0x2, s9;
	s30 =	smul.u32 $0xA000, s9  }
0x9: {  	_ =	strace $0x80000047;
	s6 =	smul.u32 $0xA00, s5;
	s26 =	sshrl.u32 s7, $0x1  }
0xa: {  	s24 =	sshll.u32 s9, $0x9;
	s25 =	smul.u32 $0xA000, s5;
	s7 =	ssub.s32 s7, s26  }
0xb: {  	s13 =	sadd.s32 s14, s13;
	s14 =	simm.s32 $0x100;
	s23 =	sand.u32 $0x1FC00, s6  }
0xc: {  	s8 =	sadd.s32 s11, s25;
	s6 =	smax.u32 s7, $0x1;
	s29 =	sshll.u32 s13, $0xB  }
0xd: {  	s13 =	simm.s32 $0x80;
	s4 =	sor.u32 s24, s23;
	s7 =	sadd.s32 $0x9000, s8  }
0xe: {  	s31 =	sadd.s32 s29, s11;
	s11 =	sadd.s32 s28, s11;
	s4 =	sshrl.u32 s4, $0x3  }
0xf: {  	s8 =	sadd.s32 $0x9800, s8;
	s11 =	sadd.s32 s30, s11;
	s4 =	sadd.s32 s10, s4  }
0x10: {  	s10 =	sadd.s32 s12, s10;
	s12 =	simm.s32 $0x3;
	s5 =	sadd.s32 $0x10, s4  }
0x11: {  	s9 =	sadd.s32 s15, s10;
	s10 =	sadd.s32 $0x800, s31;
	s15 =	simm.s32 $0x4100  }
.LBB2_1:
0x12: {  	[tilespmem:s3], [sflag:$0x3] =	stream.linear.gather [hbm4b:s4+s3], $0x80, $0x38;
	[tilespmem:$0x8100] =	vst v63  }
0x13: {  	_ =	swait.ge [sflag:s12], $0x80  }
0x14: {  	[sflag:s12] =	ssyncset.done $0x0  }
0x15: {  	[sflag:s12] =	ssyncadd.s32 $0xFFFFFF80  }
0x16: {  	[tilespmem:s14], [sflag:$0x1] =	stream.indirect.gather [hbm4b:s2+s13], $0x80, s3, s13, $0xb8;
	[tilespmem:$0x8100] =	vst v63  }
0x17: {  	_ = 	snop  }
0x18: {  	[tilespmem:s13], [sflag:$0x3] =	stream.linear.gather [hbm4b:s5+s3], $0x80, $0x38;
	[tilespmem:$0x8100] =	vst v63  }
0x19: {  	_ =	swait.ge [sflag:s12], $0x80  }
0x1a: {  	[sflag:s12] =	ssyncset.done $0x0  }
0x1b: {  	[sflag:s12] =	ssyncadd.s32 $0xFFFFFF80  }
0x1c: {  	[tilespmem:s15], [sflag:$0x2] =	stream.indirect.gather [hbm4b:s2+s13], $0x80, s13, s13, $0xb8;
	[tilespmem:$0x8100] =	vst v63  }
0x1d: {  	_ =	swait.ge [sflag:s16], $0x4000  }
0x1e: {  	[sflag:s16] =	ssyncset.done $0x0  }
0x1f: {  	[sflag:s16] =	ssyncadd.s32 $0xFFFFC000  }
0x20: {  	[hbm4b:s11+s3] =	stream.linear.scatter [tilespmem:s14], [sflag:$0x3], $0x4000, $0x38;
	[tilespmem:$0x8100] =	vst v63  }
0x21: {  	_ =	swait.ge [sflag:s12], $0x4000  }
0x22: {  	s19 =	sadd.s32 $0x0, s9;
	[sflag:s12] =	ssyncset.done $0x0  }
0x23: {  	s20 =	sadd.s32 $0x20, s19;
	[sflag:s12] =	ssyncadd.s32 $0xFFFFC000  }
0x24: {  	[tilespmem:s3], [sflag:$0x3] =	stream.linear.gather [hbm4b:s20+s3], $0x80, $0x38;
	[tilespmem:$0x8100] =	vst v63  }
0x25: {  	_ =	swait.ge [sflag:s12], $0x80  }
0x26: {  	[sflag:s12] =	ssyncset.done $0x0  }
0x27: {  	[sflag:s12] =	ssyncadd.s32 $0xFFFFFF80  }
0x28: {  	[tilespmem:s14], [sflag:$0x1] =	stream.indirect.gather [hbm4b:s2+s13], $0x80, s3, s13, $0xb8;
	[tilespmem:$0x8100] =	vst v63  }
0x29: {  	_ =	swait.ge [sflag:s17], $0x4000  }
0x2a: {  	[sflag:s17] =	ssyncset.done $0x0  }
0x2b: {  	[sflag:s17] =	ssyncadd.s32 $0xFFFFC000  }
0x2c: {  	[hbm4b:s10+s3] =	stream.linear.scatter [tilespmem:s15], [sflag:$0x3], $0x4000, $0x38;
	[tilespmem:$0x8100] =	vst v63  }
0x2d: {  	_ =	swait.ge [sflag:s12], $0x4000  }
0x2e: {  	[sflag:s12] =	ssyncset.done $0x0  }
0x2f: {  	s19 =	sadd.s32 $0x30, s19;
	[sflag:s12] =	ssyncadd.s32 $0xFFFFC000  }
0x30: {  	[tilespmem:s13], [sflag:$0x3] =	stream.linear.gather [hbm4b:s19+s3], $0x80, $0x38;
	[tilespmem:$0x8100] =	vst v63  }
0x31: {  	_ =	swait.ge [sflag:s12], $0x80  }
0x32: {  	s21 =	sadd.s32 $0x1000, s11;
	[sflag:s12] =	ssyncset.done $0x0  }
0x33: {  	s20 =	sadd.s32 $0x1000, s10;
	s19 =	simm.s32 $0x20;
	[sflag:s12] =	ssyncadd.s32 $0xFFFFFF80  }
.LBB2_2:
0x34: {  	[tilespmem:s15], [sflag:$0x2] =	stream.indirect.gather [hbm4b:s2+s13], $0x80, s13, s13, $0xb8;
	[tilespmem:$0x8100] =	vst v63  }
0x35: {  	s22 =	smov.u32 s19  }
0x36: {  	p0 =	sne.s32 s19, $0x100;
	s19 =	sadd.s32 $0x20, s19;
	_ =	swait.ge [sflag:s16], $0x4000  }
0x37: {  	[sflag:s16] =	ssyncset.done $0x0  }
0x38: {  	[sflag:s16] =	ssyncadd.s32 $0xFFFFC000  }
0x39: {  	[hbm4b:s21+s3] =	stream.linear.scatter [tilespmem:s14], [sflag:$0x3], $0x4000, $0x38;
	[tilespmem:$0x8100] =	vst v63  }
0x3a: {  	_ =	swait.ge [sflag:s12], $0x4000  }
0x3b: {  	s22 =	sadd.s32 s22, s9;
	[sflag:s12] =	ssyncset.done $0x0  }
0x3c: {  	s23 =	sadd.s32 $0x20, s22;
	[sflag:s12] =	ssyncadd.s32 $0xFFFFC000  }
0x3d: {  	[tilespmem:s3], [sflag:$0x3] =	stream.linear.gather [hbm4b:s23+s3], $0x80, $0x38;
	[tilespmem:$0x8100] =	vst v63  }
0x3e: {  	_ =	swait.ge [sflag:s12], $0x80  }
0x3f: {  	[sflag:s12] =	ssyncset.done $0x0  }
0x40: {  	[sflag:s12] =	ssyncadd.s32 $0xFFFFFF80  }
0x41: {  	[tilespmem:s14], [sflag:$0x1] =	stream.indirect.gather [hbm4b:s2+s13], $0x80, s3, s13, $0xb8;
	[tilespmem:$0x8100] =	vst v63  }
0x42: {  	_ =	swait.ge [sflag:s17], $0x4000  }
0x43: {  	[sflag:s17] =	ssyncset.done $0x0  }
0x44: {  	[sflag:s17] =	ssyncadd.s32 $0xFFFFC000  }
0x45: {  	[hbm4b:s20+s3] =	stream.linear.scatter [tilespmem:s15], [sflag:$0x3], $0x4000, $0x38;
	[tilespmem:$0x8100] =	vst v63  }
0x46: {  	_ =	swait.ge [sflag:s12], $0x4000  }
0x47: {  	[sflag:s12] =	ssyncset.done $0x0  }
.Ltmp0:
0x48: {  	s22 =	sadd.s32 $0x30, s22;
	[sflag:s12] =	ssyncadd.s32 $0xFFFFC000;
	(pc) =	sbr.rel @p0 .LBB2_2-.Ltmp0, $4  }
0x49: {  	[tilespmem:s13], [sflag:$0x3] =	stream.linear.gather [hbm4b:s22+s3], $0x80, $0x38;
	[tilespmem:$0x8100] =	vst v63  }
0x4a: {  	_ =	swait.ge [sflag:s12], $0x80  }
0x4b: {  	[sflag:s12] =	ssyncset.done $0x0  }
0x4c: {  	s21 =	sadd.s32 $0x1000, s21;
	s20 =	sadd.s32 $0x1000, s20;
	[sflag:s12] =	ssyncadd.s32 $0xFFFFFF80  }
0x4d: {  	[tilespmem:s15], [sflag:$0x2] =	stream.indirect.gather [hbm4b:s2+s13], $0x80, s13, s13, $0xb8;
	[tilespmem:$0x8100] =	vst v63  }
0x4e: {  	_ =	swait.ge [sflag:s16], $0x4000  }
0x4f: {  	[sflag:s16] =	ssyncset.done $0x0  }
0x50: {  	[sflag:s16] =	ssyncadd.s32 $0xFFFFC000  }
0x51: {  	[hbm4b:s7+s3] =	stream.linear.scatter [tilespmem:s14], [sflag:$0x3], $0x4000, $0x38;
	[tilespmem:$0x8100] =	vst v63  }
0x52: {  	_ =	swait.ge [sflag:s12], $0x4000  }
0x53: {  	[sflag:s12] =	ssyncset.done $0x0  }
0x54: {  	[sflag:s12] =	ssyncadd.s32 $0xFFFFC000  }
0x55: {  	s18 =	sadd.s32 $0x1, s18;
	_ =	swait.ge [sflag:s17], $0x4000  }
0x56: {  	p0 =	sne.s32 s18, s6;
	[sflag:s17] =	ssyncset.done $0x0  }
.Ltmp1:
0x57: {  	[sflag:s17] =	ssyncadd.s32 $0xFFFFC000;
	(pc) =	sbr.rel @p0 .LBB2_1-.Ltmp1, $4  }
0x58: {  	[hbm4b:s8+s3] =	stream.linear.scatter [tilespmem:s15], [sflag:$0x3], $0x4000, $0x38;
	[tilespmem:$0x8100] =	vst v63  }
0x59: {  	_ =	swait.ge [sflag:s12], $0x4000  }
0x5a: {  	[sflag:s12] =	ssyncset.done $0x0  }
0x5b: {  	[sflag:s12] =	ssyncadd.s32 $0xFFFFC000  }
0x5c: {  	_ =	sfence.sel $0x180000  }
0x5d: {  	[bflag:$0x0] =	sbarrier.arrive $0xFFFF  }
0x5e: {  	p0 =	sne.s32 s0, $0x0;
	_ =	strace $0x90000047  }
0x5f: {  	s0 =	sadd.s32 @!p0 $0x100000, s1;
	[bflag:$0x2] =	sbarrier.arrive $0xFFFF  }
0x60: {  	[sflag:s0] =	ssyncadd.tile.s32 @!p0 $0x1;
	_ =	shalt  }
.Lfunc_end2:
_tile_overlayer_lowered:
.L_overlay_start_2:
0x61: {  	(tag) =	ssettag $0x2  }
0x62: {  	s0 =	rddreg [dreg:$0x0];
	s2 =	stileid.u32  }
0x63: {  	s1 =	rddreg [dreg:$0x1];
	p0 =	sne.s32 s2, $0x0  }
0x64: {  	s3 =	rddreg [dreg:$0x2];
	[bflag:$0x3] =	sbarrier.arrive $0xFFFF;
	s2 =	simm.s32 @!p0 $0x1C03  }
0x65: {  	[timem:s3], [sflag:s2] =	dma.local @!p0 [hbm:s0], s1  }
0x66: {  	s0 =	simm.s32 @!p0 $0x3  }
0x67: {  	_ =	swait.ge @!p0 [sflag:s0], s1  }
0x68: {  	s1 =	ssub.s32 @!p0 $0x0, s1;
	[sflag:s0] =	ssyncset.done @!p0 $0x0  }
0x69: {  	[sflag:s0] =	ssyncadd.s32 @!p0 s1  }
0x6a: {  	[bflag:$0x3] =	sbarrier.arrive $0xFFFF  }
0x6b: {  	_ =	shalt  }

// kernel: kernel.29.cloned.1.call-start
scs
__scs_entry_jumppad:
0x0: {  	(pc) =	sbr.rel $0x88, $3  }
0x1: {  	(tag) =	ssettag $0x0;
	lr =	simm.s32 $0x1  }
0x2: {  	[smem:$0x3F9A] =	sst lr;
	_ =	strace $0xD0000000  }
0x3: {  	_ = 	snop  }
0x4: {  	_ = 	snop  }
0x5: {  	_ = 	snop  }
0x6: {  	_ = 	snop  }
0x7: {  	_ = 	snop  }
__scs_overlays_trampoline_lowered:
0x8: {  	[smem:$0x3FA9] =	sst s0  }
0x9: {  	[smem:$0x3FAA] =	sst s1  }
0xa: {  	[smem:$0x3FAB] =	sst s2  }
0xb: {  	[smem:$0x3FAC] =	sst s3  }
0xc: {  	[smem:$0x3FAD] =	sst s4  }
0xd: {  	[smem:$0x3FAE] =	sst s5  }
0xe: {  	[smem:$0x3FAF] =	sst s6  }
0xf: {  	[smem:$0x3FB0] =	sst s7  }
0x10: {  	[smem:$0x3FB1] =	sst s8  }
0x11: {  	[smem:$0x3FB2] =	sst s9;
	s0 =	simm.s32 @!p0 $0x0  }
0x12: {  	s1 =	sld [smem:$0x3F98];
	s0 =	simm.s32 @p0 $0x1  }
0x13: {  	[smem:$0x3FB3] =	sst s0;
	s0 =	simm.s32 @!p1 $0x0  }
0x14: {  	s2 =	sld [smem:$0x3F97];
	s0 =	simm.s32 @p1 $0x1  }
0x15: {  	[smem:$0x3FB4] =	sst s0;
	s0 =	simm.s32 @!p2 $0x0  }
0x16: {  	s3 =	sld [smem:$0x3FDB];
	s0 =	simm.s32 @p2 $0x1  }
0x17: {  	s4 =	simm.s32 $0x1BF5;
	[smem:$0x3FB6] =	sst s0  }
0x18: {  	s0 =	sld [smem:$0x3F99];
	_ =	swait.ge [sflag:s4], $0x0  }
0x19: {  	s7 =	sld [smem:$0x3F9A]  }
0x1a: {  	s8 =	sadd.s32 $0xFFFFE003, lr  }
0x1b: {  	s9 =	sadd.s32 $0xFFFFFEF7, lr;
	s5 =	simm.s32 $0xFFFFFFFF;
	p2 =	slt.u32 s8, $0xFFFFF086  }
0x1c: {  	p1 =	slt.u32 s9, $0xF7A;
	s5 =	simm.s32 @!p2 $0x0  }
0x1d: {  	s5 =	simm.s32 @p1 $0x1;
	p0 =	seq.s32 s7, s2  }
0x1e: {  	s7 =	smul.u32 @!p0 $0xF7A, s2;
	p2 =	seq.s32 @!p0 s5, $0x0  }
0x1f: {  	s9 =	smul.u32 $0xF7A, s1;
	s8 =	simm.s32 @!p0 $0x1BF5;
	p2 =	por !p2, p0  }
0x20: {  	[sflag:s8] =	ssyncset.s32 @!p0 $0xFFFFF086;
	s6 =	sadd.s32 @!p0 s3, s7;
	s7 =	simm.s32 @!p0 $0x108  }
0x21: {  	s3 =	sadd.s32 s3, s9;
	s6 =	sadd.s32 @!p0 $0x88, s6;
	s7 =	simm.s32 @p2 $0x1082  }
0x22: {  	[simem:s7], [sflag:s8] =	dma.local @!p0 [hbm:s6], $0xF7A  }
0x23: {  	s9 =	sor.u32 $0xD0000000, s2;
	s6 =	simm.s32 $0x108;
	_ =	swait.ge @!p0 [sflag:s8], $0x0  }
0x24: {  	s3 =	sadd.s32 $0x88, s3;
	s6 =	simm.s32 @!p1 $0x1082;
	[sflag:s4] =	ssyncset.s32 $0xFFFFF086  }
0x25: {  	[simem:s6], [sflag:s4] =	dma.local [hbm:s3], $0xF7A  }
0x26: {  	[smem:$0x3F9A] =	sst s1;
	(tag) =	ssettag s2;
	_ =	strace s9  }
0x27: {  	s1 =	sld [smem:$0x3FAA]  }
0x28: {  	s2 =	sld [smem:$0x3FAB]  }
0x29: {  	s4 =	sld [smem:$0x3FAD]  }
0x2a: {  	p0 =	seq.s32 s5, $0x0;
	s5 =	sld [smem:$0x3FAE]  }
0x2b: {  	s6 =	sld [smem:$0x3FAF]  }
0x2c: {  	s7 =	sld [smem:$0x3FB0]  }
0x2d: {  	s3 =	simm.s32 $0x108;
	s8 =	sld [smem:$0x3FB1]  }
0x2e: {  	s3 =	simm.s32 @!p0 $0x1082;
	s9 =	sld [smem:$0x3FB2]  }
0x2f: {  	lr =	sadd.s32 s0, s3;
	s0 =	sld [smem:$0x3FA9]  }
0x30: {  	s3 =	sld [smem:$0x3FAC]  }
0x31: {  	[smem:$0x3FB5] =	sst s10  }
0x32: {  	s10 =	sld [smem:$0x3FB3];
	_ =	sdelay $0x3  }
0x33: {  	p0 =	seq.s32 s10, $0x1;
	s10 =	sld [smem:$0x3FB5];
	_ =	sdelay $0x3  }
0x34: {  	[smem:$0x3FB5] =	sst s10  }
0x35: {  	s10 =	sld [smem:$0x3FB4];
	_ =	sdelay $0x3  }
0x36: {  	p1 =	seq.s32 s10, $0x1;
	s10 =	sld [smem:$0x3FB5];
	_ =	sdelay $0x3  }
0x37: {  	[smem:$0x3FB5] =	sst s10  }
0x38: {  	s10 =	sld [smem:$0x3FB6]  }
0x39: {  	_ = 	snop;
	(pc) =	sbr.ind lr, $3  }
0x3a: {  	_ = 	snop  }
0x3b: {  	_ = 	snop  }
0x3c: {  	p2 =	seq.s32 s10, $0x1;
	s10 =	sld [smem:$0x3FB5]  }
0x3d: {  	_ =	shalt  }
0x3e: {  	_ =	shalt  }
0x3f: {  	_ =	shalt  }
0x40: {  	_ =	shalt  }
0x41: {  	_ =	shalt  }
0x42: {  	_ =	shalt  }
0x43: {  	_ =	shalt  }
0x44: {  	_ =	shalt  }
0x45: {  	_ =	shalt  }
0x46: {  	_ =	shalt  }
0x47: {  	_ =	shalt  }
0x48: {  	_ =	shalt  }
0x49: {  	_ =	shalt  }
0x4a: {  	_ =	shalt  }
0x4b: {  	_ =	shalt  }
0x4c: {  	_ =	shalt  }
0x4d: {  	_ =	shalt  }
0x4e: {  	_ =	shalt  }
0x4f: {  	_ =	shalt  }
0x50: {  	_ =	shalt  }
0x51: {  	_ =	shalt  }
0x52: {  	_ =	shalt  }
0x53: {  	_ =	shalt  }
0x54: {  	_ =	shalt  }
0x55: {  	_ =	shalt  }
0x56: {  	_ =	shalt  }
0x57: {  	_ =	shalt  }
0x58: {  	_ =	shalt  }
0x59: {  	_ =	shalt  }
0x5a: {  	_ =	shalt  }
0x5b: {  	_ =	shalt  }
0x5c: {  	_ =	shalt  }
0x5d: {  	_ =	shalt  }
0x5e: {  	_ =	shalt  }
0x5f: {  	_ =	shalt  }
0x60: {  	_ =	shalt  }
0x61: {  	_ =	shalt  }
0x62: {  	_ =	shalt  }
0x63: {  	_ =	shalt  }
0x64: {  	_ =	shalt  }
0x65: {  	_ =	shalt  }
0x66: {  	_ =	shalt  }
0x67: {  	_ =	shalt  }
0x68: {  	_ =	shalt  }
0x69: {  	_ =	shalt  }
0x6a: {  	_ =	shalt  }
0x6b: {  	_ =	shalt  }
0x6c: {  	_ =	shalt  }
0x6d: {  	_ =	shalt  }
0x6e: {  	_ =	shalt  }
0x6f: {  	_ =	shalt  }
0x70: {  	_ =	shalt  }
0x71: {  	_ =	shalt  }
0x72: {  	_ =	shalt  }
0x73: {  	_ =	shalt  }
0x74: {  	_ =	shalt  }
0x75: {  	_ =	shalt  }
0x76: {  	_ =	shalt  }
0x77: {  	_ =	shalt  }
0x78: {  	_ =	shalt  }
0x79: {  	_ =	shalt  }
0x7a: {  	_ =	shalt  }
0x7b: {  	_ =	shalt  }
0x7c: {  	_ =	shalt  }
0x7d: {  	_ =	shalt  }
0x7e: {  	_ =	shalt  }
0x7f: {  	_ =	shalt  }
0x80: {  	_ =	shalt  }
0x81: {  	_ =	shalt  }
0x82: {  	_ =	shalt  }
0x83: {  	_ =	shalt  }
0x84: {  	_ =	shalt  }
0x85: {  	_ =	shalt  }
0x86: {  	_ =	shalt  }
0x87: {  	_ =	shalt  }
.Lfunc_end0:
.L_simem_size_0:
called_computation.2_lowered:
.L_overlay_start_0:
0x88: {  	s2 =	sld [smem:$0x3FD9]  }
0x89: {  	s3 =	sld [smem:$0x3FFE];
	_ =	sdelay $0x1  }
0x8a: {  	s1 =	srdreg.scid  }
0x8b: {  	s0 =	sand.u32 $0x1, s1  }
0x8c: {  	s17 =	sshll.u32 s0, $0xA;
	s2 =	sadd.s32 s3, s2  }
0x8d: {  	s2 =	sadd.s32 s2, s17  }
0x8e: {  	[smem:$0x3FC1] =	sst s2  }
0x8f: {  	_ = 	snop  }
0x90: {  	s18 =	sld [smem:$0x3FD0];
	(tm) =	ssettm $0x1  }
0x91: {  	s19 =	sld [smem:$0x3FFB];
	_ =	sdelay $0x3  }
0x92: {  	_ =	strace s19  }
0x93: {  	s2 =	sld [smem:$0x3FFC];
	_ =	sdelay $0x3  }
0x94: {  	_ =	strace s2  }
0x95: {  	s2 =	sld [smem:$0x3FFD];
	_ =	sdelay $0x3  }
0x96: {  	_ =	strace s2  }
0x97: {  	_ =	strace $0x8FFFFFFF  }
0x98: {  	s20 =	sld [smem:$0x3FDB];
	_ =	sdelay $0x1  }
0x99: {  	s4 =	simm.s32 $_scs_section_size  }
0x9a: {  	s5 =	simm.s32 $_size__tile_overlayer_lowered;
	s6 =	simm.s32 $_tile_overlayer_lowered  }
0x9b: {  	s7 =	simm.s32 $0x1BFF;
	s21 =	sshll.u32 s6, $0x1;
	s4 =	sadd.s32 s4, s20  }
0x9c: {  	s22 =	simm.s32 $0x0;
	s5 =	sshll.u32 s5, $0x1;
	s6 =	sadd.s32 s21, s4  }
0x9d: {  	[timem:s22], [sflag:s7] =	dma.local [hbm:s6], s5  }
0x9e: {  	_ =	swait.ge [sflag:s7], s5  }
0x9f: {  	s5 =	ssub.s32 $0x0, s5;
	[sflag:s7] =	ssyncset.done $0x0  }
0xa0: {  	[sflag:s7] =	ssyncadd.s32 s5;
	_ =	sdelay $0x1  }
0xa1: {  	s23 =	simm.s32 $0x1B8B  }
0xa2: {  	_ =	swait.ge [sflag:s23], $0x1  }
0xa3: {  	[sflag:s23] =	ssyncset.done $0x0  }
0xa4: {  	[sflag:s23] =	ssyncadd.s32 $0xFFFFFFFF  }
0xa5: {  	s5 =	sld [smem:$0x0]  }
0xa6: {  	s6 =	sand.u32 $0xFFFFFFFE, s1  }
0xa7: {  	p0 =	sne.s32 s1, s6  }
0xa8: {  	s6 =	sshll.u32 @p0 s6, $0xE  }
0xa9: {  	s6 =	sadd.s32 @p0 $0x11B8D, s6;
	s7 =	sshll.u32 @p0 s5, $0x11  }
0xaa: {  	s6 =	sor.u32 @p0 s7, s6  }
0xab: {  	[sflag:s6] =	ssyncadd.remote.s32 @p0 $0x1;
	_ =	sdelay $0x1  }
0xac: {  	s6 =	simm.s32 @p0 $0x1B8D  }
0xad: {  	_ =	swait.eq @p0 [sflag:s6], $0x1  }
0xae: {  	[sflag:s6] =	ssyncadd.s32 @p0 $0xFFFFFFFF  }
0xaf: {  	s7 =	sshll.u32 @!p0 s1, $0xE  }
0xb0: {  	s7 =	sor.u32 @!p0 $0x4000, s7;
	s6 =	simm.s32 @!p0 $0x1B8D  }
0xb1: {  	s5 =	sshll.u32 @!p0 s5, $0x11;
	s7 =	sadd.s32 @!p0 $0x11B8D, s7;
	_ =	swait.eq @!p0 [sflag:s6], $0x1  }
0xb2: {  	s5 =	sor.u32 @!p0 s5, s7;
	[sflag:s6] =	ssyncadd.s32 @!p0 $0xFFFFFFFF  }
0xb3: {  	s25 =	simm.s32 $0x1B8E;
	s24 =	sld [smem:$0x3FFE];
	[sflag:s5] =	ssyncadd.remote.s32 @!p0 $0x1  }
0xb4: {  	s26 =	simm.s32 $execute0_lowered;
	[smem:$0x3FD2] =	sst s25  }
0xb5: {  	s6 =	sshll.u32 s26, $0x1;
	_ =	strace $0x8000004C;
	[dreg:$0x1] =	wrdreg $0xFFFFFFFF  }
0xb6: {  	s28 =	simm.s32 $_size_execute0_lowered;
	s4 =	sadd.s32 s4, s6;
	[dreg:$0x0] =	wrdreg $0x0  }
0xb7: {  	s6 =	sshll.u32 s28, $0x1;
	[dreg:$0x2] =	wrdreg s4  }
0xb8: {  	[dreg:$0x3] =	wrdreg s6  }
0xb9: {  	[dreg:$0x4] =	wrdreg $0xC0  }
0xba: {  	_ =	task [dreg:s22], $0x5FFFF  }
0xbb: {  	[dreg:$0x1] =	wrdreg $0xFFFFFFFF  }
0xbc: {  	[dreg:$0x0] =	wrdreg $0x60  }
0xbd: {  	[dreg:$0x2] =	wrdreg s18  }
0xbe: {  	[dreg:$0x3] =	wrdreg s24  }
0xbf: {  	[dreg:$0x4] =	wrdreg $0xB  }
0xc0: {  	_ =	task.clear_ibuf [dreg:s22], $0x5FFFF;
	_ =	strace $0x9000004C  }
0xc1: {  	s29 =	simm.s32 $0xB;
	_ =	strace $0x8000004E  }
0xc2: {  	_ =	swait.ge [sflag:s29], $0x1  }
0xc3: {  	[sflag:s29] =	ssyncadd.s32 $0xFFFFFFFF  }
0xc4: {  	_ =	strace $0x9000004E  }
0xc5: {  	_ =	sfence  }
0xc6: {  	s30 =	sld [smem:$0x0];
	_ =	sdelay $0x2  }
0xc7: {  	s31 =	sshll.u32 s1, $0xD;
	s1 =	sshrl.u32 s1, $0x2  }
0xc8: {  	s4 =	sand.u32 $0x4000, s31;
	s1 =	sadd.s32 s1, s30  }
0xc9: {  	s0 =	sor.u32 s4, s0;
	s1 =	sshll.u32 s1, $0x11  }
0xca: {  	s0 =	sor.u32 s1, s0  }
0xcb: {  	s0 =	sadd.s32 $0x8F2B, s0  }
0xcc: {  	[sflag:s0] =	ssyncadd.remote.s32 $0x1  }
0xcd: {  	_ =	sfence.sel $0xFFFF  }
0xce: {  	[dreg:$0x0] =	wrdreg $0xFFFFFFFF;
	(pc) =	sbr.abs _section_cstart, $3  }
0xcf: {  	[dreg:$0x1] =	wrdreg $0xFFFFFFFF  }
0xd0: {  	_ =	task.clear_ibuf [dreg:s22], $0x2FFFF;
	_ =	strace $0x9FFFFFFF  }
0xd1: {  	(tm) =	ssettm $0x7FFFFFFF  }
tec
execute0_lowered:
.L_overlay_start_1:
0x0: {  	(tag) =	ssettag $0x1  }
0x1: {  	s2 =	rddreg [dreg:$0x0];
	s1 =	srdreg.scid  }
0x2: {  	s0 =	stileid.u32;
	s4 =	rddreg [dreg:$0x1]  }
0x3: {  	s3 =	simm.s32 $0x0;
	s16 =	simm.s32 $0x1;
	s12 =	smul.u32 $0x280, s0  }
0x4: {  	s17 =	simm.s32 $0x2;
	s18 =	simm.s32 $0x0;
	s13 =	smul.u32 $0x28, s0  }
0x5: {  	s9 =	sand.u32 $0x1, s1;
	s5 =	sshll.u32 s0, $0x1;
	s28 =	smul.u32 $0x14000, s0  }
0x6: {  	s1 =	rddreg [dreg:$0x2];
	s10 =	sadd.s32 $0x2D0A00, s4;
	s14 =	smul.u32 $0x14, s9  }
0x7: {  	[smem:$0x7FF] =	sst s3;
	s11 =	sadd.s32 $0x2D3200, s4;
	s15 =	smul.u32 $0x140, s9  }
0x8: {  	s5 =	sor.u32 s9, s5;
	s7 =	ssub.s32 $0x2, s9;
	s30 =	smul.u32 $0xA000, s9  }
0x9: {  	_ =	strace $0x8000004D;
	s6 =	smul.u32 $0xA00, s5;
	s26 =	sshrl.u32 s7, $0x1  }
0xa: {  	s24 =	sshll.u32 s9, $0x9;
	s25 =	smul.u32 $0xA000, s5;
	s7 =	ssub.s32 s7, s26  }
0xb: {  	s13 =	sadd.s32 s14, s13;
	s14 =	simm.s32 $0x100;
	s23 =	sand.u32 $0x1FC00, s6  }
0xc: {  	s8 =	sadd.s32 s11, s25;
	s6 =	smax.u32 s7, $0x1;
	s29 =	sshll.u32 s13, $0xB  }
0xd: {  	s13 =	simm.s32 $0x80;
	s4 =	sor.u32 s24, s23;
	s7 =	sadd.s32 $0x9000, s8  }
0xe: {  	s31 =	sadd.s32 s29, s11;
	s11 =	sadd.s32 s28, s11;
	s4 =	sshrl.u32 s4, $0x3  }
0xf: {  	s8 =	sadd.s32 $0x9800, s8;
	s11 =	sadd.s32 s30, s11;
	s4 =	sadd.s32 s10, s4  }
0x10: {  	s10 =	sadd.s32 s12, s10;
	s12 =	simm.s32 $0x3;
	s5 =	sadd.s32 $0x10, s4  }
0x11: {  	s9 =	sadd.s32 s15, s10;
	s10 =	sadd.s32 $0x800, s31;
	s15 =	simm.s32 $0x4100  }
.LBB2_1:
0x12: {  	[tilespmem:s3], [sflag:$0x3] =	stream.linear.gather [hbm4b:s4+s3], $0x80, $0x38;
	[tilespmem:$0x8100] =	vst v63  }
0x13: {  	_ =	swait.ge [sflag:s12], $0x80  }
0x14: {  	[sflag:s12] =	ssyncset.done $0x0  }
0x15: {  	[sflag:s12] =	ssyncadd.s32 $0xFFFFFF80  }
0x16: {  	[tilespmem:s14], [sflag:$0x1] =	stream.indirect.gather [hbm4b:s2+s13], $0x80, s3, s13, $0xb8;
	[tilespmem:$0x8100] =	vst v63  }
0x17: {  	_ = 	snop  }
0x18: {  	[tilespmem:s13], [sflag:$0x3] =	stream.linear.gather [hbm4b:s5+s3], $0x80, $0x38;
	[tilespmem:$0x8100] =	vst v63  }
0x19: {  	_ =	swait.ge [sflag:s12], $0x80  }
0x1a: {  	[sflag:s12] =	ssyncset.done $0x0  }
0x1b: {  	[sflag:s12] =	ssyncadd.s32 $0xFFFFFF80  }
0x1c: {  	[tilespmem:s15], [sflag:$0x2] =	stream.indirect.gather [hbm4b:s2+s13], $0x80, s13, s13, $0xb8;
	[tilespmem:$0x8100] =	vst v63  }
0x1d: {  	_ =	swait.ge [sflag:s16], $0x4000  }
0x1e: {  	[sflag:s16] =	ssyncset.done $0x0  }
0x1f: {  	[sflag:s16] =	ssyncadd.s32 $0xFFFFC000  }
0x20: {  	[hbm4b:s11+s3] =	stream.linear.scatter [tilespmem:s14], [sflag:$0x3], $0x4000, $0x38;
	[tilespmem:$0x8100] =	vst v63  }
0x21: {  	_ =	swait.ge [sflag:s12], $0x4000  }
0x22: {  	s19 =	sadd.s32 $0x0, s9;
	[sflag:s12] =	ssyncset.done $0x0  }
0x23: {  	s20 =	sadd.s32 $0x20, s19;
	[sflag:s12] =	ssyncadd.s32 $0xFFFFC000  }
0x24: {  	[tilespmem:s3], [sflag:$0x3] =	stream.linear.gather [hbm4b:s20+s3], $0x80, $0x38;
	[tilespmem:$0x8100] =	vst v63  }
0x25: {  	_ =	swait.ge [sflag:s12], $0x80  }
0x26: {  	[sflag:s12] =	ssyncset.done $0x0  }
0x27: {  	[sflag:s12] =	ssyncadd.s32 $0xFFFFFF80  }
0x28: {  	[tilespmem:s14], [sflag:$0x1] =	stream.indirect.gather [hbm4b:s2+s13], $0x80, s3, s13, $0xb8;
	[tilespmem:$0x8100] =	vst v63  }
0x29: {  	_ =	swait.ge [sflag:s17], $0x4000  }
0x2a: {  	[sflag:s17] =	ssyncset.done $0x0  }
0x2b: {  	[sflag:s17] =	ssyncadd.s32 $0xFFFFC000  }
0x2c: {  	[hbm4b:s10+s3] =	stream.linear.scatter [tilespmem:s15], [sflag:$0x3], $0x4000, $0x38;
	[tilespmem:$0x8100] =	vst v63  }
0x2d: {  	_ =	swait.ge [sflag:s12], $0x4000  }
0x2e: {  	[sflag:s12] =	ssyncset.done $0x0  }
0x2f: {  	s19 =	sadd.s32 $0x30, s19;
	[sflag:s12] =	ssyncadd.s32 $0xFFFFC000  }
0x30: {  	[tilespmem:s13], [sflag:$0x3] =	stream.linear.gather [hbm4b:s19+s3], $0x80, $0x38;
	[tilespmem:$0x8100] =	vst v63  }
0x31: {  	_ =	swait.ge [sflag:s12], $0x80  }
0x32: {  	s21 =	sadd.s32 $0x1000, s11;
	[sflag:s12] =	ssyncset.done $0x0  }
0x33: {  	s20 =	sadd.s32 $0x1000, s10;
	s19 =	simm.s32 $0x20;
	[sflag:s12] =	ssyncadd.s32 $0xFFFFFF80  }
.LBB2_2:
0x34: {  	[tilespmem:s15], [sflag:$0x2] =	stream.indirect.gather [hbm4b:s2+s13], $0x80, s13, s13, $0xb8;
	[tilespmem:$0x8100] =	vst v63  }
0x35: {  	s22 =	smov.u32 s19  }
0x36: {  	p0 =	sne.s32 s19, $0x100;
	s19 =	sadd.s32 $0x20, s19;
	_ =	swait.ge [sflag:s16], $0x4000  }
0x37: {  	[sflag:s16] =	ssyncset.done $0x0  }
0x38: {  	[sflag:s16] =	ssyncadd.s32 $0xFFFFC000  }
0x39: {  	[hbm4b:s21+s3] =	stream.linear.scatter [tilespmem:s14], [sflag:$0x3], $0x4000, $0x38;
	[tilespmem:$0x8100] =	vst v63  }
0x3a: {  	_ =	swait.ge [sflag:s12], $0x4000  }
0x3b: {  	s22 =	sadd.s32 s22, s9;
	[sflag:s12] =	ssyncset.done $0x0  }
0x3c: {  	s23 =	sadd.s32 $0x20, s22;
	[sflag:s12] =	ssyncadd.s32 $0xFFFFC000  }
0x3d: {  	[tilespmem:s3], [sflag:$0x3] =	stream.linear.gather [hbm4b:s23+s3], $0x80, $0x38;
	[tilespmem:$0x8100] =	vst v63  }
0x3e: {  	_ =	swait.ge [sflag:s12], $0x80  }
0x3f: {  	[sflag:s12] =	ssyncset.done $0x0  }
0x40: {  	[sflag:s12] =	ssyncadd.s32 $0xFFFFFF80  }
0x41: {  	[tilespmem:s14], [sflag:$0x1] =	stream.indirect.gather [hbm4b:s2+s13], $0x80, s3, s13, $0xb8;
	[tilespmem:$0x8100] =	vst v63  }
0x42: {  	_ =	swait.ge [sflag:s17], $0x4000  }
0x43: {  	[sflag:s17] =	ssyncset.done $0x0  }
0x44: {  	[sflag:s17] =	ssyncadd.s32 $0xFFFFC000  }
0x45: {  	[hbm4b:s20+s3] =	stream.linear.scatter [tilespmem:s15], [sflag:$0x3], $0x4000, $0x38;
	[tilespmem:$0x8100] =	vst v63  }
0x46: {  	_ =	swait.ge [sflag:s12], $0x4000  }
0x47: {  	[sflag:s12] =	ssyncset.done $0x0  }
.Ltmp0:
0x48: {  	s22 =	sadd.s32 $0x30, s22;
	[sflag:s12] =	ssyncadd.s32 $0xFFFFC000;
	(pc) =	sbr.rel @p0 .LBB2_2-.Ltmp0, $4  }
0x49: {  	[tilespmem:s13], [sflag:$0x3] =	stream.linear.gather [hbm4b:s22+s3], $0x80, $0x38;
	[tilespmem:$0x8100] =	vst v63  }
0x4a: {  	_ =	swait.ge [sflag:s12], $0x80  }
0x4b: {  	[sflag:s12] =	ssyncset.done $0x0  }
0x4c: {  	s21 =	sadd.s32 $0x1000, s21;
	s20 =	sadd.s32 $0x1000, s20;
	[sflag:s12] =	ssyncadd.s32 $0xFFFFFF80  }
0x4d: {  	[tilespmem:s15], [sflag:$0x2] =	stream.indirect.gather [hbm4b:s2+s13], $0x80, s13, s13, $0xb8;
	[tilespmem:$0x8100] =	vst v63  }
0x4e: {  	_ =	swait.ge [sflag:s16], $0x4000  }
0x4f: {  	[sflag:s16] =	ssyncset.done $0x0  }
0x50: {  	[sflag:s16] =	ssyncadd.s32 $0xFFFFC000  }
0x51: {  	[hbm4b:s7+s3] =	stream.linear.scatter [tilespmem:s14], [sflag:$0x3], $0x4000, $0x38;
	[tilespmem:$0x8100] =	vst v63  }
0x52: {  	_ =	swait.ge [sflag:s12], $0x4000  }
0x53: {  	[sflag:s12] =	ssyncset.done $0x0  }
0x54: {  	[sflag:s12] =	ssyncadd.s32 $0xFFFFC000  }
0x55: {  	s18 =	sadd.s32 $0x1, s18;
	_ =	swait.ge [sflag:s17], $0x4000  }
0x56: {  	p0 =	sne.s32 s18, s6;
	[sflag:s17] =	ssyncset.done $0x0  }
.Ltmp1:
0x57: {  	[sflag:s17] =	ssyncadd.s32 $0xFFFFC000;
	(pc) =	sbr.rel @p0 .LBB2_1-.Ltmp1, $4  }
0x58: {  	[hbm4b:s8+s3] =	stream.linear.scatter [tilespmem:s15], [sflag:$0x3], $0x4000, $0x38;
	[tilespmem:$0x8100] =	vst v63  }
0x59: {  	_ =	swait.ge [sflag:s12], $0x4000  }
0x5a: {  	[sflag:s12] =	ssyncset.done $0x0  }
0x5b: {  	[sflag:s12] =	ssyncadd.s32 $0xFFFFC000  }
0x5c: {  	_ =	sfence.sel $0x180000  }
0x5d: {  	[bflag:$0x0] =	sbarrier.arrive $0xFFFF  }
0x5e: {  	p0 =	sne.s32 s0, $0x0;
	_ =	strace $0x9000004D  }
0x5f: {  	s0 =	sadd.s32 @!p0 $0x100000, s1;
	[bflag:$0x2] =	sbarrier.arrive $0xFFFF  }
0x60: {  	[sflag:s0] =	ssyncadd.tile.s32 @!p0 $0x1;
	_ =	shalt  }
.Lfunc_end2:
_tile_overlayer_lowered:
.L_overlay_start_2:
0x61: {  	(tag) =	ssettag $0x2  }
0x62: {  	s0 =	rddreg [dreg:$0x0];
	s2 =	stileid.u32  }
0x63: {  	s1 =	rddreg [dreg:$0x1];
	p0 =	sne.s32 s2, $0x0  }
0x64: {  	s3 =	rddreg [dreg:$0x2];
	[bflag:$0x3] =	sbarrier.arrive $0xFFFF;
	s2 =	simm.s32 @!p0 $0x1C03  }
0x65: {  	[timem:s3], [sflag:s2] =	dma.local @!p0 [hbm:s0], s1  }
0x66: {  	s0 =	simm.s32 @!p0 $0x3  }
0x67: {  	_ =	swait.ge @!p0 [sflag:s0], s1  }
0x68: {  	s1 =	ssub.s32 @!p0 $0x0, s1;
	[sflag:s0] =	ssyncset.done @!p0 $0x0  }
0x69: {  	[sflag:s0] =	ssyncadd.s32 @!p0 s1  }
0x6a: {  	[bflag:$0x3] =	sbarrier.arrive $0xFFFF  }
0x6b: {  	_ =	shalt  }

// kernel: kernel.32.cloned.1.call-start
scs
__scs_entry_jumppad:
0x0: {  	(pc) =	sbr.rel $0x88, $3  }
0x1: {  	(tag) =	ssettag $0x0;
	lr =	simm.s32 $0x1  }
0x2: {  	[smem:$0x3F9A] =	sst lr;
	_ =	strace $0xD0000000  }
0x3: {  	_ = 	snop  }
0x4: {  	_ = 	snop  }
0x5: {  	_ = 	snop  }
0x6: {  	_ = 	snop  }
0x7: {  	_ = 	snop  }
__scs_overlays_trampoline_lowered:
0x8: {  	[smem:$0x3FA9] =	sst s0  }
0x9: {  	[smem:$0x3FAA] =	sst s1  }
0xa: {  	[smem:$0x3FAB] =	sst s2  }
0xb: {  	[smem:$0x3FAC] =	sst s3  }
0xc: {  	[smem:$0x3FAD] =	sst s4  }
0xd: {  	[smem:$0x3FAE] =	sst s5  }
0xe: {  	[smem:$0x3FAF] =	sst s6  }
0xf: {  	[smem:$0x3FB0] =	sst s7  }
0x10: {  	[smem:$0x3FB1] =	sst s8  }
0x11: {  	[smem:$0x3FB2] =	sst s9;
	s0 =	simm.s32 @!p0 $0x0  }
0x12: {  	s1 =	sld [smem:$0x3F98];
	s0 =	simm.s32 @p0 $0x1  }
0x13: {  	[smem:$0x3FB3] =	sst s0;
	s0 =	simm.s32 @!p1 $0x0  }
0x14: {  	s2 =	sld [smem:$0x3F97];
	s0 =	simm.s32 @p1 $0x1  }
0x15: {  	[smem:$0x3FB4] =	sst s0;
	s0 =	simm.s32 @!p2 $0x0  }
0x16: {  	s3 =	sld [smem:$0x3FDB];
	s0 =	simm.s32 @p2 $0x1  }
0x17: {  	s4 =	simm.s32 $0x1BF5;
	[smem:$0x3FB6] =	sst s0  }
0x18: {  	s0 =	sld [smem:$0x3F99];
	_ =	swait.ge [sflag:s4], $0x0  }
0x19: {  	s7 =	sld [smem:$0x3F9A]  }
0x1a: {  	s8 =	sadd.s32 $0xFFFFE003, lr  }
0x1b: {  	s9 =	sadd.s32 $0xFFFFFEF7, lr;
	s5 =	simm.s32 $0xFFFFFFFF;
	p2 =	slt.u32 s8, $0xFFFFF086  }
0x1c: {  	p1 =	slt.u32 s9, $0xF7A;
	s5 =	simm.s32 @!p2 $0x0  }
0x1d: {  	s5 =	simm.s32 @p1 $0x1;
	p0 =	seq.s32 s7, s2  }
0x1e: {  	s7 =	smul.u32 @!p0 $0xF7A, s2;
	p2 =	seq.s32 @!p0 s5, $0x0  }
0x1f: {  	s9 =	smul.u32 $0xF7A, s1;
	s8 =	simm.s32 @!p0 $0x1BF5;
	p2 =	por !p2, p0  }
0x20: {  	[sflag:s8] =	ssyncset.s32 @!p0 $0xFFFFF086;
	s6 =	sadd.s32 @!p0 s3, s7;
	s7 =	simm.s32 @!p0 $0x108  }
0x21: {  	s3 =	sadd.s32 s3, s9;
	s6 =	sadd.s32 @!p0 $0x88, s6;
	s7 =	simm.s32 @p2 $0x1082  }
0x22: {  	[simem:s7], [sflag:s8] =	dma.local @!p0 [hbm:s6], $0xF7A  }
0x23: {  	s9 =	sor.u32 $0xD0000000, s2;
	s6 =	simm.s32 $0x108;
	_ =	swait.ge @!p0 [sflag:s8], $0x0  }
0x24: {  	s3 =	sadd.s32 $0x88, s3;
	s6 =	simm.s32 @!p1 $0x1082;
	[sflag:s4] =	ssyncset.s32 $0xFFFFF086  }
0x25: {  	[simem:s6], [sflag:s4] =	dma.local [hbm:s3], $0xF7A  }
0x26: {  	[smem:$0x3F9A] =	sst s1;
	(tag) =	ssettag s2;
	_ =	strace s9  }
0x27: {  	s1 =	sld [smem:$0x3FAA]  }
0x28: {  	s2 =	sld [smem:$0x3FAB]  }
0x29: {  	s4 =	sld [smem:$0x3FAD]  }
0x2a: {  	p0 =	seq.s32 s5, $0x0;
	s5 =	sld [smem:$0x3FAE]  }
0x2b: {  	s6 =	sld [smem:$0x3FAF]  }
0x2c: {  	s7 =	sld [smem:$0x3FB0]  }
0x2d: {  	s3 =	simm.s32 $0x108;
	s8 =	sld [smem:$0x3FB1]  }
0x2e: {  	s3 =	simm.s32 @!p0 $0x1082;
	s9 =	sld [smem:$0x3FB2]  }
0x2f: {  	lr =	sadd.s32 s0, s3;
	s0 =	sld [smem:$0x3FA9]  }
0x30: {  	s3 =	sld [smem:$0x3FAC]  }
0x31: {  	[smem:$0x3FB5] =	sst s10  }
0x32: {  	s10 =	sld [smem:$0x3FB3];
	_ =	sdelay $0x3  }
0x33: {  	p0 =	seq.s32 s10, $0x1;
	s10 =	sld [smem:$0x3FB5];
	_ =	sdelay $0x3  }
0x34: {  	[smem:$0x3FB5] =	sst s10  }
0x35: {  	s10 =	sld [smem:$0x3FB4];
	_ =	sdelay $0x3  }
0x36: {  	p1 =	seq.s32 s10, $0x1;
	s10 =	sld [smem:$0x3FB5];
	_ =	sdelay $0x3  }
0x37: {  	[smem:$0x3FB5] =	sst s10  }
0x38: {  	s10 =	sld [smem:$0x3FB6]  }
0x39: {  	_ = 	snop;
	(pc) =	sbr.ind lr, $3  }
0x3a: {  	_ = 	snop  }
0x3b: {  	_ = 	snop  }
0x3c: {  	p2 =	seq.s32 s10, $0x1;
	s10 =	sld [smem:$0x3FB5]  }
0x3d: {  	_ =	shalt  }
0x3e: {  	_ =	shalt  }
0x3f: {  	_ =	shalt  }
0x40: {  	_ =	shalt  }
0x41: {  	_ =	shalt  }
0x42: {  	_ =	shalt  }
0x43: {  	_ =	shalt  }
0x44: {  	_ =	shalt  }
0x45: {  	_ =	shalt  }
0x46: {  	_ =	shalt  }
0x47: {  	_ =	shalt  }
0x48: {  	_ =	shalt  }
0x49: {  	_ =	shalt  }
0x4a: {  	_ =	shalt  }
0x4b: {  	_ =	shalt  }
0x4c: {  	_ =	shalt  }
0x4d: {  	_ =	shalt  }
0x4e: {  	_ =	shalt  }
0x4f: {  	_ =	shalt  }
0x50: {  	_ =	shalt  }
0x51: {  	_ =	shalt  }
0x52: {  	_ =	shalt  }
0x53: {  	_ =	shalt  }
0x54: {  	_ =	shalt  }
0x55: {  	_ =	shalt  }
0x56: {  	_ =	shalt  }
0x57: {  	_ =	shalt  }
0x58: {  	_ =	shalt  }
0x59: {  	_ =	shalt  }
0x5a: {  	_ =	shalt  }
0x5b: {  	_ =	shalt  }
0x5c: {  	_ =	shalt  }
0x5d: {  	_ =	shalt  }
0x5e: {  	_ =	shalt  }
0x5f: {  	_ =	shalt  }
0x60: {  	_ =	shalt  }
0x61: {  	_ =	shalt  }
0x62: {  	_ =	shalt  }
0x63: {  	_ =	shalt  }
0x64: {  	_ =	shalt  }
0x65: {  	_ =	shalt  }
0x66: {  	_ =	shalt  }
0x67: {  	_ =	shalt  }
0x68: {  	_ =	shalt  }
0x69: {  	_ =	shalt  }
0x6a: {  	_ =	shalt  }
0x6b: {  	_ =	shalt  }
0x6c: {  	_ =	shalt  }
0x6d: {  	_ =	shalt  }
0x6e: {  	_ =	shalt  }
0x6f: {  	_ =	shalt  }
0x70: {  	_ =	shalt  }
0x71: {  	_ =	shalt  }
0x72: {  	_ =	shalt  }
0x73: {  	_ =	shalt  }
0x74: {  	_ =	shalt  }
0x75: {  	_ =	shalt  }
0x76: {  	_ =	shalt  }
0x77: {  	_ =	shalt  }
0x78: {  	_ =	shalt  }
0x79: {  	_ =	shalt  }
0x7a: {  	_ =	shalt  }
0x7b: {  	_ =	shalt  }
0x7c: {  	_ =	shalt  }
0x7d: {  	_ =	shalt  }
0x7e: {  	_ =	shalt  }
0x7f: {  	_ =	shalt  }
0x80: {  	_ =	shalt  }
0x81: {  	_ =	shalt  }
0x82: {  	_ =	shalt  }
0x83: {  	_ =	shalt  }
0x84: {  	_ =	shalt  }
0x85: {  	_ =	shalt  }
0x86: {  	_ =	shalt  }
0x87: {  	_ =	shalt  }
.Lfunc_end0:
.L_simem_size_0:
called_computation.3_lowered:
.L_overlay_start_0:
0x88: {  	s2 =	sld [smem:$0x3FD9]  }
0x89: {  	s3 =	sld [smem:$0x3FFE];
	_ =	sdelay $0x1  }
0x8a: {  	s1 =	srdreg.scid  }
0x8b: {  	s0 =	sand.u32 $0x1, s1  }
0x8c: {  	s17 =	sshll.u32 s0, $0xA;
	s2 =	sadd.s32 s3, s2  }
0x8d: {  	s2 =	sadd.s32 s2, s17  }
0x8e: {  	[smem:$0x3FC1] =	sst s2  }
0x8f: {  	_ = 	snop  }
0x90: {  	s18 =	sld [smem:$0x3FD0];
	(tm) =	ssettm $0x1  }
0x91: {  	s19 =	sld [smem:$0x3FFB];
	_ =	sdelay $0x3  }
0x92: {  	_ =	strace s19  }
0x93: {  	s2 =	sld [smem:$0x3FFC];
	_ =	sdelay $0x3  }
0x94: {  	_ =	strace s2  }
0x95: {  	s2 =	sld [smem:$0x3FFD];
	_ =	sdelay $0x3  }
0x96: {  	_ =	strace s2  }
0x97: {  	_ =	strace $0x8FFFFFFF  }
0x98: {  	s20 =	sld [smem:$0x3FDB];
	_ =	sdelay $0x1  }
0x99: {  	s4 =	simm.s32 $_scs_section_size  }
0x9a: {  	s5 =	simm.s32 $_size__tile_overlayer_lowered;
	s6 =	simm.s32 $_tile_overlayer_lowered  }
0x9b: {  	s7 =	simm.s32 $0x1BFF;
	s21 =	sshll.u32 s6, $0x1;
	s4 =	sadd.s32 s4, s20  }
0x9c: {  	s22 =	simm.s32 $0x0;
	s5 =	sshll.u32 s5, $0x1;
	s6 =	sadd.s32 s21, s4  }
0x9d: {  	[timem:s22], [sflag:s7] =	dma.local [hbm:s6], s5  }
0x9e: {  	_ =	swait.ge [sflag:s7], s5  }
0x9f: {  	s5 =	ssub.s32 $0x0, s5;
	[sflag:s7] =	ssyncset.done $0x0  }
0xa0: {  	[sflag:s7] =	ssyncadd.s32 s5;
	_ =	sdelay $0x1  }
0xa1: {  	s23 =	simm.s32 $0x1B8B  }
0xa2: {  	_ =	swait.ge [sflag:s23], $0x1  }
0xa3: {  	[sflag:s23] =	ssyncset.done $0x0  }
0xa4: {  	[sflag:s23] =	ssyncadd.s32 $0xFFFFFFFF  }
0xa5: {  	s5 =	sld [smem:$0x0]  }
0xa6: {  	s6 =	sand.u32 $0xFFFFFFFE, s1  }
0xa7: {  	p0 =	sne.s32 s1, s6  }
0xa8: {  	s6 =	sshll.u32 @p0 s6, $0xE  }
0xa9: {  	s6 =	sadd.s32 @p0 $0x11B8D, s6;
	s7 =	sshll.u32 @p0 s5, $0x11  }
0xaa: {  	s6 =	sor.u32 @p0 s7, s6  }
0xab: {  	[sflag:s6] =	ssyncadd.remote.s32 @p0 $0x1;
	_ =	sdelay $0x1  }
0xac: {  	s6 =	simm.s32 @p0 $0x1B8D  }
0xad: {  	_ =	swait.eq @p0 [sflag:s6], $0x1  }
0xae: {  	[sflag:s6] =	ssyncadd.s32 @p0 $0xFFFFFFFF  }
0xaf: {  	s7 =	sshll.u32 @!p0 s1, $0xE  }
0xb0: {  	s7 =	sor.u32 @!p0 $0x4000, s7;
	s6 =	simm.s32 @!p0 $0x1B8D  }
0xb1: {  	s5 =	sshll.u32 @!p0 s5, $0x11;
	s7 =	sadd.s32 @!p0 $0x11B8D, s7;
	_ =	swait.eq @!p0 [sflag:s6], $0x1  }
0xb2: {  	s5 =	sor.u32 @!p0 s5, s7;
	[sflag:s6] =	ssyncadd.s32 @!p0 $0xFFFFFFFF  }
0xb3: {  	s25 =	simm.s32 $0x1B8E;
	s24 =	sld [smem:$0x3FFE];
	[sflag:s5] =	ssyncadd.remote.s32 @!p0 $0x1  }
0xb4: {  	s26 =	simm.s32 $execute0_lowered;
	[smem:$0x3FD2] =	sst s25  }
0xb5: {  	s6 =	sshll.u32 s26, $0x1;
	_ =	strace $0x8000004F;
	[dreg:$0x1] =	wrdreg $0xFFFFFFFF  }
0xb6: {  	s28 =	simm.s32 $_size_execute0_lowered;
	s4 =	sadd.s32 s4, s6;
	[dreg:$0x0] =	wrdreg $0x0  }
0xb7: {  	s6 =	sshll.u32 s28, $0x1;
	[dreg:$0x2] =	wrdreg s4  }
0xb8: {  	[dreg:$0x3] =	wrdreg s6  }
0xb9: {  	[dreg:$0x4] =	wrdreg $0xC0  }
0xba: {  	_ =	task [dreg:s22], $0x5FFFF  }
0xbb: {  	[dreg:$0x1] =	wrdreg $0xFFFFFFFF  }
0xbc: {  	[dreg:$0x0] =	wrdreg $0x60  }
0xbd: {  	[dreg:$0x2] =	wrdreg s18  }
0xbe: {  	[dreg:$0x3] =	wrdreg s24  }
0xbf: {  	[dreg:$0x4] =	wrdreg $0xC  }
0xc0: {  	_ =	task.clear_ibuf [dreg:s22], $0x5FFFF;
	_ =	strace $0x9000004F  }
0xc1: {  	s29 =	simm.s32 $0xC;
	_ =	strace $0x80000051  }
0xc2: {  	_ =	swait.ge [sflag:s29], $0x1  }
0xc3: {  	[sflag:s29] =	ssyncadd.s32 $0xFFFFFFFF  }
0xc4: {  	_ =	strace $0x90000051  }
0xc5: {  	_ =	sfence  }
0xc6: {  	s30 =	sld [smem:$0x0];
	_ =	sdelay $0x2  }
0xc7: {  	s31 =	sshll.u32 s1, $0xD;
	s1 =	sshrl.u32 s1, $0x2  }
0xc8: {  	s4 =	sand.u32 $0x4000, s31;
	s1 =	sadd.s32 s1, s30  }
0xc9: {  	s0 =	sor.u32 s4, s0;
	s1 =	sshll.u32 s1, $0x11  }
0xca: {  	s0 =	sor.u32 s1, s0  }
0xcb: {  	s0 =	sadd.s32 $0x8F2B, s0  }
0xcc: {  	[sflag:s0] =	ssyncadd.remote.s32 $0x1  }
0xcd: {  	_ =	sfence.sel $0xFFFF  }
0xce: {  	[dreg:$0x0] =	wrdreg $0xFFFFFFFF;
	(pc) =	sbr.abs _section_cstart, $3  }
0xcf: {  	[dreg:$0x1] =	wrdreg $0xFFFFFFFF  }
0xd0: {  	_ =	task.clear_ibuf [dreg:s22], $0x2FFFF;
	_ =	strace $0x9FFFFFFF  }
0xd1: {  	(tm) =	ssettm $0x7FFFFFFF  }
tec
execute0_lowered:
.L_overlay_start_1:
0x0: {  	(tag) =	ssettag $0x1  }
0x1: {  	s2 =	rddreg [dreg:$0x0];
	s1 =	srdreg.scid  }
0x2: {  	s0 =	stileid.u32;
	s4 =	rddreg [dreg:$0x1]  }
0x3: {  	s3 =	simm.s32 $0x0;
	s16 =	simm.s32 $0x1;
	s12 =	smul.u32 $0x280, s0  }
0x4: {  	s17 =	simm.s32 $0x2;
	s18 =	simm.s32 $0x0;
	s13 =	smul.u32 $0x28, s0  }
0x5: {  	s9 =	sand.u32 $0x1, s1;
	s1 =	rddreg [dreg:$0x2];
	s28 =	smul.u32 $0x14000, s0  }
0x6: {  	s5 =	sshll.u32 s0, $0x1;
	[smem:$0x7FF] =	sst s3;
	s14 =	smul.u32 $0x14, s9  }
0x7: {  	s10 =	sadd.s32 $0x3A00, s4;
	s11 =	sadd.s32 $0x413200, s4;
	s15 =	smul.u32 $0x140, s9  }
0x8: {  	s5 =	sor.u32 s9, s5;
	s7 =	ssub.s32 $0x2, s9;
	s30 =	smul.u32 $0xA000, s9  }
0x9: {  	_ =	strace $0x80000050;
	s6 =	smul.u32 $0xA00, s5;
	s26 =	sshrl.u32 s7, $0x1  }
0xa: {  	s24 =	sshll.u32 s9, $0x9;
	s25 =	smul.u32 $0xA000, s5;
	s7 =	ssub.s32 s7, s26  }
0xb: {  	s13 =	sadd.s32 s14, s13;
	s14 =	simm.s32 $0x100;
	s23 =	sand.u32 $0x1FC00, s6  }
0xc: {  	s8 =	sadd.s32 s11, s25;
	s6 =	smax.u32 s7, $0x1;
	s29 =	sshll.u32 s13, $0xB  }
0xd: {  	s13 =	simm.s32 $0x80;
	s4 =	sor.u32 s24, s23;
	s7 =	sadd.s32 $0x9000, s8  }
0xe: {  	s31 =	sadd.s32 s29, s11;
	s11 =	sadd.s32 s28, s11;
	s4 =	sshrl.u32 s4, $0x3  }
0xf: {  	s8 =	sadd.s32 $0x9800, s8;
	s11 =	sadd.s32 s30, s11;
	s4 =	sadd.s32 s10, s4  }
0x10: {  	s10 =	sadd.s32 s12, s10;
	s12 =	simm.s32 $0x3;
	s5 =	sadd.s32 $0x10, s4  }
0x11: {  	s9 =	sadd.s32 s15, s10;
	s10 =	sadd.s32 $0x800, s31;
	s15 =	simm.s32 $0x4100  }
.LBB2_1:
0x12: {  	[tilespmem:s3], [sflag:$0x3] =	stream.linear.gather [hbm4b:s4+s3], $0x80, $0x38;
	[tilespmem:$0x8100] =	vst v63  }
0x13: {  	_ =	swait.ge [sflag:s12], $0x80  }
0x14: {  	[sflag:s12] =	ssyncset.done $0x0  }
0x15: {  	[sflag:s12] =	ssyncadd.s32 $0xFFFFFF80  }
0x16: {  	[tilespmem:s14], [sflag:$0x1] =	stream.indirect.gather [hbm4b:s2+s13], $0x80, s3, s13, $0xb8;
	[tilespmem:$0x8100] =	vst v63  }
0x17: {  	_ = 	snop  }
0x18: {  	[tilespmem:s13], [sflag:$0x3] =	stream.linear.gather [hbm4b:s5+s3], $0x80, $0x38;
	[tilespmem:$0x8100] =	vst v63  }
0x19: {  	_ =	swait.ge [sflag:s12], $0x80  }
0x1a: {  	[sflag:s12] =	ssyncset.done $0x0  }
0x1b: {  	[sflag:s12] =	ssyncadd.s32 $0xFFFFFF80  }
0x1c: {  	[tilespmem:s15], [sflag:$0x2] =	stream.indirect.gather [hbm4b:s2+s13], $0x80, s13, s13, $0xb8;
	[tilespmem:$0x8100] =	vst v63  }
0x1d: {  	_ =	swait.ge [sflag:s16], $0x4000  }
0x1e: {  	[sflag:s16] =	ssyncset.done $0x0  }
0x1f: {  	[sflag:s16] =	ssyncadd.s32 $0xFFFFC000  }
0x20: {  	[hbm4b:s11+s3] =	stream.linear.scatter [tilespmem:s14], [sflag:$0x3], $0x4000, $0x38;
	[tilespmem:$0x8100] =	vst v63  }
0x21: {  	_ =	swait.ge [sflag:s12], $0x4000  }
0x22: {  	s19 =	sadd.s32 $0x0, s9;
	[sflag:s12] =	ssyncset.done $0x0  }
0x23: {  	s20 =	sadd.s32 $0x20, s19;
	[sflag:s12] =	ssyncadd.s32 $0xFFFFC000  }
0x24: {  	[tilespmem:s3], [sflag:$0x3] =	stream.linear.gather [hbm4b:s20+s3], $0x80, $0x38;
	[tilespmem:$0x8100] =	vst v63  }
0x25: {  	_ =	swait.ge [sflag:s12], $0x80  }
0x26: {  	[sflag:s12] =	ssyncset.done $0x0  }
0x27: {  	[sflag:s12] =	ssyncadd.s32 $0xFFFFFF80  }
0x28: {  	[tilespmem:s14], [sflag:$0x1] =	stream.indirect.gather [hbm4b:s2+s13], $0x80, s3, s13, $0xb8;
	[tilespmem:$0x8100] =	vst v63  }
0x29: {  	_ =	swait.ge [sflag:s17], $0x4000  }
0x2a: {  	[sflag:s17] =	ssyncset.done $0x0  }
0x2b: {  	[sflag:s17] =	ssyncadd.s32 $0xFFFFC000  }
0x2c: {  	[hbm4b:s10+s3] =	stream.linear.scatter [tilespmem:s15], [sflag:$0x3], $0x4000, $0x38;
	[tilespmem:$0x8100] =	vst v63  }
0x2d: {  	_ =	swait.ge [sflag:s12], $0x4000  }
0x2e: {  	[sflag:s12] =	ssyncset.done $0x0  }
0x2f: {  	s19 =	sadd.s32 $0x30, s19;
	[sflag:s12] =	ssyncadd.s32 $0xFFFFC000  }
0x30: {  	[tilespmem:s13], [sflag:$0x3] =	stream.linear.gather [hbm4b:s19+s3], $0x80, $0x38;
	[tilespmem:$0x8100] =	vst v63  }
0x31: {  	_ =	swait.ge [sflag:s12], $0x80  }
0x32: {  	s21 =	sadd.s32 $0x1000, s11;
	[sflag:s12] =	ssyncset.done $0x0  }
0x33: {  	s20 =	sadd.s32 $0x1000, s10;
	s19 =	simm.s32 $0x20;
	[sflag:s12] =	ssyncadd.s32 $0xFFFFFF80  }
.LBB2_2:
0x34: {  	[tilespmem:s15], [sflag:$0x2] =	stream.indirect.gather [hbm4b:s2+s13], $0x80, s13, s13, $0xb8;
	[tilespmem:$0x8100] =	vst v63  }
0x35: {  	s22 =	smov.u32 s19  }
0x36: {  	p0 =	sne.s32 s19, $0x100;
	s19 =	sadd.s32 $0x20, s19;
	_ =	swait.ge [sflag:s16], $0x4000  }
0x37: {  	[sflag:s16] =	ssyncset.done $0x0  }
0x38: {  	[sflag:s16] =	ssyncadd.s32 $0xFFFFC000  }
0x39: {  	[hbm4b:s21+s3] =	stream.linear.scatter [tilespmem:s14], [sflag:$0x3], $0x4000, $0x38;
	[tilespmem:$0x8100] =	vst v63  }
0x3a: {  	_ =	swait.ge [sflag:s12], $0x4000  }
0x3b: {  	s22 =	sadd.s32 s22, s9;
	[sflag:s12] =	ssyncset.done $0x0  }
0x3c: {  	s23 =	sadd.s32 $0x20, s22;
	[sflag:s12] =	ssyncadd.s32 $0xFFFFC000  }
0x3d: {  	[tilespmem:s3], [sflag:$0x3] =	stream.linear.gather [hbm4b:s23+s3], $0x80, $0x38;
	[tilespmem:$0x8100] =	vst v63  }
0x3e: {  	_ =	swait.ge [sflag:s12], $0x80  }
0x3f: {  	[sflag:s12] =	ssyncset.done $0x0  }
0x40: {  	[sflag:s12] =	ssyncadd.s32 $0xFFFFFF80  }
0x41: {  	[tilespmem:s14], [sflag:$0x1] =	stream.indirect.gather [hbm4b:s2+s13], $0x80, s3, s13, $0xb8;
	[tilespmem:$0x8100] =	vst v63  }
0x42: {  	_ =	swait.ge [sflag:s17], $0x4000  }
0x43: {  	[sflag:s17] =	ssyncset.done $0x0  }
0x44: {  	[sflag:s17] =	ssyncadd.s32 $0xFFFFC000  }
0x45: {  	[hbm4b:s20+s3] =	stream.linear.scatter [tilespmem:s15], [sflag:$0x3], $0x4000, $0x38;
	[tilespmem:$0x8100] =	vst v63  }
0x46: {  	_ =	swait.ge [sflag:s12], $0x4000  }
0x47: {  	[sflag:s12] =	ssyncset.done $0x0  }
.Ltmp0:
0x48: {  	s22 =	sadd.s32 $0x30, s22;
	[sflag:s12] =	ssyncadd.s32 $0xFFFFC000;
	(pc) =	sbr.rel @p0 .LBB2_2-.Ltmp0, $4  }
0x49: {  	[tilespmem:s13], [sflag:$0x3] =	stream.linear.gather [hbm4b:s22+s3], $0x80, $0x38;
	[tilespmem:$0x8100] =	vst v63  }
0x4a: {  	_ =	swait.ge [sflag:s12], $0x80  }
0x4b: {  	[sflag:s12] =	ssyncset.done $0x0  }
0x4c: {  	s21 =	sadd.s32 $0x1000, s21;
	s20 =	sadd.s32 $0x1000, s20;
	[sflag:s12] =	ssyncadd.s32 $0xFFFFFF80  }
0x4d: {  	[tilespmem:s15], [sflag:$0x2] =	stream.indirect.gather [hbm4b:s2+s13], $0x80, s13, s13, $0xb8;
	[tilespmem:$0x8100] =	vst v63  }
0x4e: {  	_ =	swait.ge [sflag:s16], $0x4000  }
0x4f: {  	[sflag:s16] =	ssyncset.done $0x0  }
0x50: {  	[sflag:s16] =	ssyncadd.s32 $0xFFFFC000  }
0x51: {  	[hbm4b:s7+s3] =	stream.linear.scatter [tilespmem:s14], [sflag:$0x3], $0x4000, $0x38;
	[tilespmem:$0x8100] =	vst v63  }
0x52: {  	_ =	swait.ge [sflag:s12], $0x4000  }
0x53: {  	[sflag:s12] =	ssyncset.done $0x0  }
0x54: {  	[sflag:s12] =	ssyncadd.s32 $0xFFFFC000  }
0x55: {  	s18 =	sadd.s32 $0x1, s18;
	_ =	swait.ge [sflag:s17], $0x4000  }
0x56: {  	p0 =	sne.s32 s18, s6;
	[sflag:s17] =	ssyncset.done $0x0  }
.Ltmp1:
0x57: {  	[sflag:s17] =	ssyncadd.s32 $0xFFFFC000;
	(pc) =	sbr.rel @p0 .LBB2_1-.Ltmp1, $4  }
0x58: {  	[hbm4b:s8+s3] =	stream.linear.scatter [tilespmem:s15], [sflag:$0x3], $0x4000, $0x38;
	[tilespmem:$0x8100] =	vst v63  }
0x59: {  	_ =	swait.ge [sflag:s12], $0x4000  }
0x5a: {  	[sflag:s12] =	ssyncset.done $0x0  }
0x5b: {  	[sflag:s12] =	ssyncadd.s32 $0xFFFFC000  }
0x5c: {  	_ =	sfence.sel $0x180000  }
0x5d: {  	[bflag:$0x0] =	sbarrier.arrive $0xFFFF  }
0x5e: {  	p0 =	sne.s32 s0, $0x0;
	_ =	strace $0x90000050  }
0x5f: {  	s0 =	sadd.s32 @!p0 $0x100000, s1;
	[bflag:$0x2] =	sbarrier.arrive $0xFFFF  }
0x60: {  	[sflag:s0] =	ssyncadd.tile.s32 @!p0 $0x1;
	_ =	shalt  }
.Lfunc_end2:
_tile_overlayer_lowered:
.L_overlay_start_2:
0x61: {  	(tag) =	ssettag $0x2  }
0x62: {  	s0 =	rddreg [dreg:$0x0];
	s2 =	stileid.u32  }
0x63: {  	s1 =	rddreg [dreg:$0x1];
	p0 =	sne.s32 s2, $0x0  }
0x64: {  	s3 =	rddreg [dreg:$0x2];
	[bflag:$0x3] =	sbarrier.arrive $0xFFFF;
	s2 =	simm.s32 @!p0 $0x1C03  }
0x65: {  	[timem:s3], [sflag:s2] =	dma.local @!p0 [hbm:s0], s1  }
0x66: {  	s0 =	simm.s32 @!p0 $0x3  }
0x67: {  	_ =	swait.ge @!p0 [sflag:s0], s1  }
0x68: {  	s1 =	ssub.s32 @!p0 $0x0, s1;
	[sflag:s0] =	ssyncset.done @!p0 $0x0  }
0x69: {  	[sflag:s0] =	ssyncadd.s32 @!p0 s1  }
0x6a: {  	[bflag:$0x3] =	sbarrier.arrive $0xFFFF  }
0x6b: {  	_ =	shalt  }

</sc_bundles>
